<compile_context>
chip_gen: v7x
topology: tpu7x:2x2x1
jax: 0.10.2.dev20260603
libtpu: 0.0.44.dev20260713+nightly
codegen_flags: <defaults>
</compile_context>

<pallas_src>
import functools

import jax
import jax.numpy as jnp
from jax import lax
from jax.experimental import pallas as pl
from jax.experimental.pallas import tpu as pltpu
from jax.experimental.pallas import tpu_sc as plsc

N = 10000
D = 128
E = 320000

BE = 2000

def _prep_body(x_ref, rw_ref, sw2_ref, rf_ref, pa_ref):
    x = x_ref[...]
    z = lax.dot_general(x, rw_ref[...], (((1,), (1,)), ((), ())),
                        preferred_element_type=jnp.float32)
    sc2 = lax.dot_general(x, sw2_ref[...], (((1,), (1,)), ((), ())),
                          preferred_element_type=jnp.float32)
    rf_ref[...] = z * jax.nn.sigmoid(sc2[:, 1:2])
    pa_ref[...] = jax.nn.sigmoid(sc2[:, 0:1])


def _edge_prep(review_feat, review_w, prob_score_w, review_score_w):
    sw2 = jnp.concatenate([prob_score_w, review_score_w], axis=0)
    grid = (E // BE,)
    return pl.pallas_call(
        _prep_body,
        grid=grid,
        in_specs=[
            pl.BlockSpec((BE, D), lambda i: (i, 0)),
            pl.BlockSpec((D, D), lambda i: (0, 0)),
            pl.BlockSpec((2, D), lambda i: (0, 0)),
        ],
        out_specs=[
            pl.BlockSpec((BE, D), lambda i: (i, 0)),
            pl.BlockSpec((BE, 1), lambda i: (i, 0)),
        ],
        out_shape=[
            jax.ShapeDtypeStruct((E, D), jnp.float32),
            jax.ShapeDtypeStruct((E, 1), jnp.float32),
        ],
    )(review_feat, review_w, sw2)


GSZ = 2000
NG = E // GSZ
NTILES = 32
GPT = NG // NTILES

_sc_mesh = plsc.VectorSubcoreMesh(core_axis_name="c", subcore_axis_name="s")


@functools.partial(
    pl.kernel,
    out_type=[jax.ShapeDtypeStruct((NG, 1, GSZ), jnp.float32),
              jax.ShapeDtypeStruct((NG, 1, GSZ), jnp.float32)],
    mesh=_sc_mesh,
    compiler_params=pltpu.CompilerParams(needs_layout_passes=False),
    scratch_types=[
        pltpu.VMEM((N,), jnp.float32),
        pltpu.VMEM((1, GSZ), jnp.int32),
        pltpu.VMEM((1, GSZ), jnp.float32),
        pltpu.VMEM((1, GSZ), jnp.float32),
        pltpu.VMEM((1, GSZ), jnp.float32),
    ],
)
def _sc_scalars(src_hbm, pa_hbm, cj_hbm, s1_hbm, s2_hbm,
                cj_v, src_v, pa_v, s1_v, s2_v):
    c = lax.axis_index("c")
    s = lax.axis_index("s")
    wid = s * 2 + c
    pltpu.sync_copy(cj_hbm, cj_v)

    def _group(gi, carry):
        g = wid * GPT + gi
        pltpu.sync_copy(src_hbm.at[g], src_v)
        pltpu.sync_copy(pa_hbm.at[g], pa_v)
        for i2 in range(GSZ // 16):
            sl = pl.ds(i2 * 16, 16)
            cj16 = plsc.load_gather(cj_v, [src_v[0, sl]])
            s1_v[0, sl] = pa_v[0, sl] * cj16
            s2_v[0, sl] = cj16
        pltpu.sync_copy(s1_v, s1_hbm.at[g])
        pltpu.sync_copy(s2_v, s2_hbm.at[g])
        return carry
    lax.fori_loop(0, GPT, _group, 0)


CH = 80
SUP = GSZ // CH
ZCH = 80
NZ = N // ZCH
ZBASE = NZ // 16
ZEXTRA = NZ - ZBASE * 16


@functools.partial(
    pl.kernel,
    out_type=jax.ShapeDtypeStruct((2, N, D), jnp.float32),
    mesh=_sc_mesh,
    compiler_params=pltpu.CompilerParams(needs_layout_passes=False),
    scratch_types=[
        pltpu.VMEM((1, GSZ), jnp.int32),
        pltpu.VMEM((1, GSZ), jnp.int32),
        pltpu.VMEM((1, GSZ), jnp.float32),
        pltpu.VMEM((1, GSZ), jnp.float32),
        pltpu.VMEM((CH,), jnp.int32),
        pltpu.VMEM((CH,), jnp.int32),
        pltpu.VMEM((CH,), jnp.int32),
        pltpu.VMEM((CH,), jnp.int32),
        pltpu.VMEM((CH, D), jnp.float32),
        pltpu.VMEM((CH, D), jnp.float32),
        pltpu.VMEM((CH, D), jnp.float32),
        pltpu.VMEM((CH, D), jnp.float32),
        pltpu.VMEM_SHARED((N, D), jnp.float32),
        pltpu.SemaphoreType.DMA,
        pltpu.SemaphoreType.DMA,
        pltpu.SemaphoreType.DMA,
        pltpu.SemaphoreType.DMA,
    ],
)
def _sc_main(src_hbm, dst_hbm, s1_hbm, s2_hbm, rf_hbm, w_hbm, out_hbm,
             src_v, dst_v, s1_v, s2_v, gia, gib, sia, sib,
             ta, tb, rfa, rfb, acc, semia, semib, semsa, semsb):
    c = lax.axis_index("c")
    s = lax.axis_index("s")
    wid = s * 2 + c
    z16 = jnp.zeros((16,), jnp.int32)

    def _zrow(r, carry):
        for j in range(8):
            ta[r, pl.ds(j * 16, 16)] = jnp.zeros((16,), jnp.float32)
        return carry
    lax.fori_loop(0, ZCH, _zrow, 0)
    nz = ZBASE + jnp.where(s < ZEXTRA, 1, 0)

    def _zero_chunk(k, carry):
        blk = k * 16 + s
        pltpu.async_copy(ta.at[pl.ds(0, ZCH)], acc.at[pl.ds(blk * ZCH, ZCH)],
                         semia)
        return carry
    lax.fori_loop(0, nz, _zero_chunk, 0)

    def _zero_drain(k, carry):
        blk = k * 16 + s
        pltpu.make_async_copy(ta.at[pl.ds(0, ZCH)],
                              acc.at[pl.ds(blk * ZCH, ZCH)], semia).wait()
        return carry
    lax.fori_loop(0, nz, _zero_drain, 0)
    plsc.subcore_barrier()

    def issue(k, base_e, gi_ref, t_ref, rf_ref, semi):
        for gg in range(CH // 16):
            sl = pl.ds(gg * 16, 16)
            gi_ref[sl] = src_v[0, pl.ds(k * CH + gg * 16, 16)]
        pltpu.async_copy(rf_hbm.at[pl.ds(base_e + k * CH, CH)], rf_ref, semi)
        pltpu.async_copy(w_hbm.at[gi_ref], t_ref, semi)

    def drain_in(gi_ref, t_ref, rf_ref, semi):
        pltpu.make_async_copy(rf_hbm.at[pl.ds(0, CH)], rf_ref, semi).wait()
        pltpu.make_async_copy(w_hbm.at[gi_ref], t_ref, semi).wait()

    def compute(k, si_ref, t_ref, rf_ref):
        for gg in range(CH // 16):
            sl = pl.ds(gg * 16, 16)
            si_ref[sl] = dst_v[0, pl.ds(k * CH + gg * 16, 16)]

        def _edge(e, carry2):
            idx = jnp.full((16,), k * CH + e, jnp.int32)
            s1 = plsc.load_gather(s1_v, [z16, idx])
            s2 = plsc.load_gather(s2_v, [z16, idx])
            for j in range(8):
                sj = pl.ds(j * 16, 16)
                t_ref[e, sj] = t_ref[e, sj] * s1 + rf_ref[e, sj] * s2
            return carry2
        lax.fori_loop(0, CH, _edge, 0)

    def issue_scatter(si_ref, t_ref, sems):
        pltpu.async_copy(t_ref, acc.at[si_ref], sems, add=True)

    def drain_scatter(si_ref, t_ref, sems):
        pltpu.make_async_copy(t_ref, acc.at[si_ref], sems).wait()

    def _super(sp, carry):
        g = wid * GPT + sp
        base_e = g * GSZ
        pltpu.async_copy(src_hbm.at[g], src_v, semia)
        pltpu.async_copy(dst_hbm.at[g], dst_v, semia)
        pltpu.async_copy(s1_hbm.at[g], s1_v, semia)
        pltpu.async_copy(s2_hbm.at[g], s2_v, semia)
        pltpu.make_async_copy(src_hbm.at[g], src_v, semia).wait()
        pltpu.make_async_copy(dst_hbm.at[g], dst_v, semia).wait()
        pltpu.make_async_copy(s1_hbm.at[g], s1_v, semia).wait()
        pltpu.make_async_copy(s2_hbm.at[g], s2_v, semia).wait()

        issue(0, base_e, gia, ta, rfa, semia)
        issue(1, base_e, gib, tb, rfb, semib)

        def _pair(j, carry2):
            a = 2 * j
            drain_in(gia, ta, rfa, semia)
            compute(a, sia, ta, rfa)
            issue_scatter(sia, ta, semsa)
            drain_in(gib, tb, rfb, semib)
            compute(a + 1, sib, tb, rfb)
            issue_scatter(sib, tb, semsb)
            drain_scatter(sia, ta, semsa)
            issue(a + 2, base_e, gia, ta, rfa, semia)
            drain_scatter(sib, tb, semsb)

            @pl.when(a + 3 < SUP)
            def _():
                issue(a + 3, base_e, gib, tb, rfb, semib)
            return carry2
        lax.fori_loop(0, (SUP - 1) // 2, _pair, 0)

        drain_in(gia, ta, rfa, semia)
        compute(SUP - 1, sia, ta, rfa)
        issue_scatter(sia, ta, semsa)
        drain_scatter(sia, ta, semsa)
        return carry
    lax.fori_loop(0, GPT, _super, 0)

    plsc.subcore_barrier()

    def _out_chunk(k, carry):
        blk = k * 16 + s
        pltpu.async_copy(acc.at[pl.ds(blk * ZCH, ZCH)],
                         out_hbm.at[c, pl.ds(blk * ZCH, ZCH)], semia)
        return carry
    lax.fori_loop(0, nz, _out_chunk, 0)

    def _out_drain(k, carry):
        blk = k * 16 + s
        pltpu.make_async_copy(acc.at[pl.ds(blk * ZCH, ZCH)],
                              out_hbm.at[c, pl.ds(blk * ZCH, ZCH)],
                              semia).wait()
        return carry
    lax.fori_loop(0, nz, _out_drain, 0)


BN = 1000

def _combine_body(p_ref, ci_ref, o_ref):
    p = p_ref[...]
    o_ref[...] = (p[0] + p[1]) * ci_ref[...]


def _combine(partials, ci):
    grid = (N // BN,)
    return pl.pallas_call(
        _combine_body,
        grid=grid,
        in_specs=[
            pl.BlockSpec((2, BN, D), lambda i: (0, i, 0)),
            pl.BlockSpec((BN, 1), lambda i: (i, 0)),
        ],
        out_specs=pl.BlockSpec((BN, D), lambda i: (i, 0)),
        out_shape=jax.ShapeDtypeStruct((N, D), jnp.float32),
    )(partials, ci)


def kernel(edge_index, review_feat, cj, ci, weight, prob_score_w,
           review_score_w, review_w):
    src = edge_index[0].astype(jnp.int32).reshape(NG, 1, GSZ)
    dst = edge_index[1].astype(jnp.int32).reshape(NG, 1, GSZ)
    rf, pa = _edge_prep(review_feat, review_w, prob_score_w, review_score_w)
    s1, s2 = _sc_scalars(src, pa.reshape(NG, 1, GSZ), cj.reshape(N))
    partials = _sc_main(src, dst, s1, s2, rf, weight)
    return _combine(partials, ci)

# --- scband reference (transcript-rebuilt; emitter-appended) ---
"""Pipeline reference for scband-gcmcgraph-conv-14456859918894 (READ-ONLY COPY).

The authoritative reference and input builder live on the scoring server;
editing this copy changes nothing except your own understanding.
"""

import jax, jax.numpy as jnp
import numpy as np

N_NODES = 10000
IN_FEATS = 10000
OUT_FEATS = 128
N_EDGES = 320000

def _xavier(key, shape):
    fan_in, fan_out = shape[1], shape[0]
    limit = float(np.sqrt(6.0 / (fan_in + fan_out)))
    return jax.random.uniform(key, shape, dtype=jnp.float32, minval=-limit, maxval=limit)

def setup_inputs(seed: int = 0):
    key = jax.random.key(seed)
    ks = jax.random.split(key, 8)
    edge_index = jax.random.randint(ks[0], (2, N_EDGES), 0, N_NODES, dtype=jnp.int64)
    review_feat = jax.random.normal(ks[1], (N_EDGES, OUT_FEATS), dtype=jnp.float32)
    cj = jax.random.uniform(ks[2], (N_NODES, 1), dtype=jnp.float32)
    ci = jax.random.uniform(ks[3], (N_NODES, 1), dtype=jnp.float32)
    # learned parameters (xavier_uniform like reset_parameters)
    weight = _xavier(ks[4], (IN_FEATS, OUT_FEATS))          # acts as src-node feature table
    prob_score_w = _xavier(ks[5], (1, OUT_FEATS))           # nn.Linear(out, 1, bias=False).weight
    review_score_w = _xavier(ks[6], (1, OUT_FEATS))
    review_w = _xavier(ks[7], (OUT_FEATS, OUT_FEATS))       # nn.Linear(out, out, bias=False).weight
    return {
        'edge_index': edge_index,
        'review_feat': review_feat,
        'cj': cj,
        'ci': ci,
        'weight': weight,
        'prob_score_w': prob_score_w,
        'review_score_w': review_score_w,
        'review_w': review_w,
    }

def reference(edge_index, review_feat, cj, ci, weight, prob_score_w, review_score_w, review_w):
    src = edge_index[0]
    dst = edge_index[1]
    # graph.srcdata['h'] = self.weight ; gather to edges
    h_src = jnp.take(weight, src, axis=0)                         # [E, out]
    # edata['pa'] = sigmoid(prob_score(review_feat))
    pa = jax.nn.sigmoid(review_feat @ prob_score_w.T)             # [E, 1]
    # edata['rf'] = review_w(review_feat) * sigmoid(review_score(review_feat))
    rf = (review_feat @ review_w.T) * jax.nn.sigmoid(review_feat @ review_score_w.T)  # [E, out]
    cj_e = jnp.take(cj, src, axis=0)                              # [E, 1]
    # message: m = (src.h * pa + rf) * dropout(src.cj) ; dropout_rate=0 -> identity
    m = (h_src * pa + rf) * cj_e                                  # [E, out]
    # fn.sum over incoming edges per dst node
    h = jax.ops.segment_sum(m, dst, num_segments=N_NODES)        # [N, out]
    # rst = dst.h * dst.ci
    return h * ci

if __name__ == "__main__":
    import jax
    _d = setup_inputs()
    print(jax.jit(kernel)(*tuple(_d.values())))

</pallas_src>

<mosaic_0001>
#map = affine_map<(d0, d1) -> (0, 0, 0)>
#map1 = affine_map<(d0, d1) -> (0, 0)>
module attributes {stable_mosaic.version = 14 : i64} {
  func.func @_sc_main(%arg0: i32, %arg1: i32, %arg2: memref<160x1x2000xi32, #tpu.memory_space<hbm>>, %arg3: memref<160x1x2000xi32, #tpu.memory_space<hbm>>, %arg4: memref<160x1x2000xf32, #tpu.memory_space<hbm>>, %arg5: memref<160x1x2000xf32, #tpu.memory_space<hbm>>, %arg6: memref<320000x128xf32, #tpu.memory_space<hbm>>, %arg7: memref<10000x128xf32, #tpu.memory_space<hbm>>, %arg8: memref<2x10000x128xf32, #tpu.memory_space<hbm>>, %arg9: memref<1x2000xi32, #tpu.memory_space<vmem>>, %arg10: memref<1x2000xi32, #tpu.memory_space<vmem>>, %arg11: memref<1x2000xf32, #tpu.memory_space<vmem>>, %arg12: memref<1x2000xf32, #tpu.memory_space<vmem>>, %arg13: memref<80xi32, #tpu.memory_space<vmem>>, %arg14: memref<80xi32, #tpu.memory_space<vmem>>, %arg15: memref<80xi32, #tpu.memory_space<vmem>>, %arg16: memref<80xi32, #tpu.memory_space<vmem>>, %arg17: memref<80x128xf32, #tpu.memory_space<vmem>>, %arg18: memref<80x128xf32, #tpu.memory_space<vmem>>, %arg19: memref<80x128xf32, #tpu.memory_space<vmem>>, %arg20: memref<80x128xf32, #tpu.memory_space<vmem>>, %arg21: memref<10000x128xf32, #tpu.memory_space<vmem_shared>>, %arg22: memref<!tpu.dma_semaphore, #tpu.memory_space<semaphore_mem>>, %arg23: memref<!tpu.dma_semaphore, #tpu.memory_space<semaphore_mem>>, %arg24: memref<!tpu.dma_semaphore, #tpu.memory_space<semaphore_mem>>, %arg25: memref<!tpu.dma_semaphore, #tpu.memory_space<semaphore_mem>>) attributes {dimension_semantics = [#tpu.dimension_semantics<core_parallel>, #tpu.dimension_semantics<subcore_parallel>], iteration_bounds = array<i64: 2, 16>, scalar_prefetch = 0 : i64, scratch_operands = 17 : i64, tpu.core_type = #tpu.core_type<sc_vector_subcore>, window_params = [{transform_indices = #map}, {transform_indices = #map}, {transform_indices = #map}, {transform_indices = #map}, {transform_indices = #map1}, {transform_indices = #map1}, {transform_indices = #map}]} {
    %mul3A = arith.constant 2 : i32
    %mul3A_0 = arith.muli %arg1, %mul3A : i32
    %add3A = arith.addi %mul3A_0, %arg0 : i32
    %broadcast_in_dim3A = arith.constant 0 : i32
    %broadcast_in_dim3A_1 = vector.broadcast %broadcast_in_dim3A : i32 to vector<16xi32>
    %scan3A = arith.constant 0 : i32
    %scan3A_2 = arith.constant 0 : i32
    %scan3A_3 = arith.constant 80 : i32
    %scan3A_4 = arith.addi %scan3A_2, %scan3A_3 : i32
    %scan3A_5 = arith.constant 1 : i32
    scf.for %scan3A_57 = %scan3A_2 to %scan3A_4 step %scan3A_5  : i32 {
      %broadcast_in_dim3A_58 = arith.constant 0.000000e+00 : f32
      %broadcast_in_dim3A_59 = vector.broadcast %broadcast_in_dim3A_58 : f32 to vector<16xf32>
      %swap3A = arith.index_cast %scan3A_57 : i32 to index
      %swap3A_60 = arith.constant 0 : index
      %swap3A_61 = tpu.vector_load %arg17[%swap3A, %swap3A_60] {strides = array<i32>} : memref<80x128xf32, #tpu.memory_space<vmem>>, vector<16xf32>,
      tpu.vector_store %arg17[%swap3A, %swap3A_60], %broadcast_in_dim3A_59 {strides = array<i32>} : memref<80x128xf32, #tpu.memory_space<vmem>>, vector<16xf32>,
      %broadcast_in_dim3A_62 = arith.constant 0.000000e+00 : f32
      %broadcast_in_dim3A_63 = vector.broadcast %broadcast_in_dim3A_62 : f32 to vector<16xf32>
      %swap3A_64 = arith.index_cast %scan3A_57 : i32 to index
      %swap3A_65 = arith.constant 16 : index
      %swap3A_66 = tpu.vector_load %arg17[%swap3A_64, %swap3A_65] {strides = array<i32>} : memref<80x128xf32, #tpu.memory_space<vmem>>, vector<16xf32>,
      tpu.vector_store %arg17[%swap3A_64, %swap3A_65], %broadcast_in_dim3A_63 {strides = array<i32>} : memref<80x128xf32, #tpu.memory_space<vmem>>, vector<16xf32>,
      %broadcast_in_dim3A_67 = arith.constant 0.000000e+00 : f32
      %broadcast_in_dim3A_68 = vector.broadcast %broadcast_in_dim3A_67 : f32 to vector<16xf32>
      %swap3A_69 = arith.index_cast %scan3A_57 : i32 to index
      %swap3A_70 = arith.constant 32 : index
      %swap3A_71 = tpu.vector_load %arg17[%swap3A_69, %swap3A_70] {strides = array<i32>} : memref<80x128xf32, #tpu.memory_space<vmem>>, vector<16xf32>,
      tpu.vector_store %arg17[%swap3A_69, %swap3A_70], %broadcast_in_dim3A_68 {strides = array<i32>} : memref<80x128xf32, #tpu.memory_space<vmem>>, vector<16xf32>,
      %broadcast_in_dim3A_72 = arith.constant 0.000000e+00 : f32
      %broadcast_in_dim3A_73 = vector.broadcast %broadcast_in_dim3A_72 : f32 to vector<16xf32>
      %swap3A_74 = arith.index_cast %scan3A_57 : i32 to index
      %swap3A_75 = arith.constant 48 : index
      %swap3A_76 = tpu.vector_load %arg17[%swap3A_74, %swap3A_75] {strides = array<i32>} : memref<80x128xf32, #tpu.memory_space<vmem>>, vector<16xf32>,
      tpu.vector_store %arg17[%swap3A_74, %swap3A_75], %broadcast_in_dim3A_73 {strides = array<i32>} : memref<80x128xf32, #tpu.memory_space<vmem>>, vector<16xf32>,
      %broadcast_in_dim3A_77 = arith.constant 0.000000e+00 : f32
      %broadcast_in_dim3A_78 = vector.broadcast %broadcast_in_dim3A_77 : f32 to vector<16xf32>
      %swap3A_79 = arith.index_cast %scan3A_57 : i32 to index
      %swap3A_80 = arith.constant 64 : index
      %swap3A_81 = tpu.vector_load %arg17[%swap3A_79, %swap3A_80] {strides = array<i32>} : memref<80x128xf32, #tpu.memory_space<vmem>>, vector<16xf32>,
      tpu.vector_store %arg17[%swap3A_79, %swap3A_80], %broadcast_in_dim3A_78 {strides = array<i32>} : memref<80x128xf32, #tpu.memory_space<vmem>>, vector<16xf32>,
      %broadcast_in_dim3A_82 = arith.constant 0.000000e+00 : f32
      %broadcast_in_dim3A_83 = vector.broadcast %broadcast_in_dim3A_82 : f32 to vector<16xf32>
      %swap3A_84 = arith.index_cast %scan3A_57 : i32 to index
      %swap3A_85 = arith.constant 80 : index
      %swap3A_86 = tpu.vector_load %arg17[%swap3A_84, %swap3A_85] {strides = array<i32>} : memref<80x128xf32, #tpu.memory_space<vmem>>, vector<16xf32>,
      tpu.vector_store %arg17[%swap3A_84, %swap3A_85], %broadcast_in_dim3A_83 {strides = array<i32>} : memref<80x128xf32, #tpu.memory_space<vmem>>, vector<16xf32>,
      %broadcast_in_dim3A_87 = arith.constant 0.000000e+00 : f32
      %broadcast_in_dim3A_88 = vector.broadcast %broadcast_in_dim3A_87 : f32 to vector<16xf32>
      %swap3A_89 = arith.index_cast %scan3A_57 : i32 to index
      %swap3A_90 = arith.constant 96 : index
      %swap3A_91 = tpu.vector_load %arg17[%swap3A_89, %swap3A_90] {strides = array<i32>} : memref<80x128xf32, #tpu.memory_space<vmem>>, vector<16xf32>,
      tpu.vector_store %arg17[%swap3A_89, %swap3A_90], %broadcast_in_dim3A_88 {strides = array<i32>} : memref<80x128xf32, #tpu.memory_space<vmem>>, vector<16xf32>,
      %broadcast_in_dim3A_92 = arith.constant 0.000000e+00 : f32
      %broadcast_in_dim3A_93 = vector.broadcast %broadcast_in_dim3A_92 : f32 to vector<16xf32>
      %swap3A_94 = arith.index_cast %scan3A_57 : i32 to index
      %swap3A_95 = arith.constant 112 : index
      %swap3A_96 = tpu.vector_load %arg17[%swap3A_94, %swap3A_95] {strides = array<i32>} : memref<80x128xf32, #tpu.memory_space<vmem>>, vector<16xf32>,
      tpu.vector_store %arg17[%swap3A_94, %swap3A_95], %broadcast_in_dim3A_93 {strides = array<i32>} : memref<80x128xf32, #tpu.memory_space<vmem>>, vector<16xf32>,
    }
    %scan3A_6 = arith.constant 80 : i32
    %lt3A = arith.constant 13 : i32
    %lt3A_7 = arith.cmpi slt, %arg1, %lt3A : i32
    %jit3A = arith.constant 1 : i32
    %jit3A_8 = arith.constant 0 : i32
    %select_n3A = arith.select %lt3A_7, %jit3A, %jit3A_8 : i32
    %add3A_9 = arith.constant 7 : i32
    %add3A_10 = arith.addi %add3A_9, %select_n3A : i32
    %while3A = arith.constant 0 : i32
    %while3A_11 = arith.constant 0 : i32
    %while3A_12 = arith.subi %add3A_10, %while3A_11 : i32
    %while3A_13 = arith.addi %while3A_11, %while3A_12 : i32
    %while3A_14 = arith.constant 1 : i32
    %while3A_15 = arith.divsi %while3A_12, %while3A_14 : i32
    %while3A_16 = arith.muli %while3A_15, %while3A_14 : i32
    %while3A_17 = arith.addi %while3A_11, %while3A_16 : i32
    %while3A_18 = arith.constant 1 : i32
    scf.for %while3A_57 = %while3A_11 to %while3A_17 step %while3A_18  : i32 {
      %mul3A_58 = arith.constant 16 : i32
      %mul3A_59 = arith.muli %while3A_57, %mul3A_58 : i32
      %add3A_60 = arith.addi %mul3A_59, %arg1 : i32
      %mul3A_61 = arith.constant 80 : i32
      %mul3A_62 = arith.muli %add3A_60, %mul3A_61 : i32
      %dma_start3A = arith.constant 0 : i32
      %dma_start3A_63 = arith.constant 0 : i32
      %dma_start3A_64 = tpu.memref_slice %arg17[%dma_start3A, %dma_start3A_63] : memref<80x128xf32, #tpu.memory_space<vmem>> -> memref<80x128xf32, #tpu.memory_space<vmem>>
      %dma_start3A_65 = arith.constant 0 : i32
      %dma_start3A_66 = tpu.memref_slice %arg21[%mul3A_62, %dma_start3A_65] : memref<10000x128xf32, #tpu.memory_space<vmem_shared>> -> memref<80x128xf32, #tpu.memory_space<vmem_shared>>
      %dma_start3A_67 = arith.constant 0 : i32
      %dma_start3A_68 = tpu.memref_slice %arg21[%mul3A_62, %dma_start3A_67] : memref<10000x128xf32, #tpu.memory_space<vmem_shared>> -> memref<80x128xf32, #tpu.memory_space<vmem_shared>>
      %dma_start3A_69 = arith.constant 0 : i32
      %dma_start3A_70 = arith.constant 0 : i32
      %dma_start3A_71 = tpu.memref_slice %arg17[%dma_start3A_69, %dma_start3A_70] : memref<80x128xf32, #tpu.memory_space<vmem>> -> memref<80x128xf32, #tpu.memory_space<vmem>>
      tpu.enqueue_dma source(%dma_start3A_71 : memref<80x128xf32, #tpu.memory_space<vmem>>) target(%dma_start3A_68 : memref<80x128xf32, #tpu.memory_space<vmem_shared>>) target_semaphore(%arg22 : memref<!tpu.dma_semaphore, #tpu.memory_space<semaphore_mem>>)
    }
    %while3A_19 = arith.constant 1 : i32
    scf.for %while3A_57 = %while3A_17 to %while3A_13 step %while3A_19  : i32 {
      %mul3A_58 = arith.constant 16 : i32
      %mul3A_59 = arith.muli %while3A_57, %mul3A_58 : i32
      %add3A_60 = arith.addi %mul3A_59, %arg1 : i32
      %mul3A_61 = arith.constant 80 : i32
      %mul3A_62 = arith.muli %add3A_60, %mul3A_61 : i32
      %dma_start3A = arith.constant 0 : i32
      %dma_start3A_63 = arith.constant 0 : i32
      %dma_start3A_64 = tpu.memref_slice %arg17[%dma_start3A, %dma_start3A_63] : memref<80x128xf32, #tpu.memory_space<vmem>> -> memref<80x128xf32, #tpu.memory_space<vmem>>
      %dma_start3A_65 = arith.constant 0 : i32
      %dma_start3A_66 = tpu.memref_slice %arg21[%mul3A_62, %dma_start3A_65] : memref<10000x128xf32, #tpu.memory_space<vmem_shared>> -> memref<80x128xf32, #tpu.memory_space<vmem_shared>>
      %dma_start3A_67 = arith.constant 0 : i32
      %dma_start3A_68 = tpu.memref_slice %arg21[%mul3A_62, %dma_start3A_67] : memref<10000x128xf32, #tpu.memory_space<vmem_shared>> -> memref<80x128xf32, #tpu.memory_space<vmem_shared>>
      %dma_start3A_69 = arith.constant 0 : i32
      %dma_start3A_70 = arith.constant 0 : i32
      %dma_start3A_71 = tpu.memref_slice %arg17[%dma_start3A_69, %dma_start3A_70] : memref<80x128xf32, #tpu.memory_space<vmem>> -> memref<80x128xf32, #tpu.memory_space<vmem>>
      tpu.enqueue_dma source(%dma_start3A_71 : memref<80x128xf32, #tpu.memory_space<vmem>>) target(%dma_start3A_68 : memref<80x128xf32, #tpu.memory_space<vmem_shared>>) target_semaphore(%arg22 : memref<!tpu.dma_semaphore, #tpu.memory_space<semaphore_mem>>)
    }
    %while3A_20 = arith.constant 0 : i32
    %while3A_21 = arith.constant 0 : i32
    %while3A_22 = arith.subi %add3A_10, %while3A_21 : i32
    %while3A_23 = arith.addi %while3A_21, %while3A_22 : i32
    %while3A_24 = arith.constant 1 : i32
    %while3A_25 = arith.divsi %while3A_22, %while3A_24 : i32
    %while3A_26 = arith.muli %while3A_25, %while3A_24 : i32
    %while3A_27 = arith.addi %while3A_21, %while3A_26 : i32
    %while3A_28 = arith.constant 1 : i32
    scf.for %while3A_57 = %while3A_21 to %while3A_27 step %while3A_28  : i32 {
      %mul3A_58 = arith.constant 16 : i32
      %mul3A_59 = arith.muli %while3A_57, %mul3A_58 : i32
      %add3A_60 = arith.addi %mul3A_59, %arg1 : i32
      %mul3A_61 = arith.constant 80 : i32
      %mul3A_62 = arith.muli %add3A_60, %mul3A_61 : i32
      %dma_wait3A = arith.constant 0 : i32
      %dma_wait3A_63 = arith.constant 0 : i32
      %dma_wait3A_64 = tpu.memref_slice %arg17[%dma_wait3A, %dma_wait3A_63] : memref<80x128xf32, #tpu.memory_space<vmem>> -> memref<80x128xf32, #tpu.memory_space<vmem>>
      %dma_wait3A_65 = arith.constant 0 : i32
      %dma_wait3A_66 = tpu.memref_slice %arg21[%mul3A_62, %dma_wait3A_65] : memref<10000x128xf32, #tpu.memory_space<vmem_shared>> -> memref<80x128xf32, #tpu.memory_space<vmem_shared>>
      %dma_wait3A_67 = arith.constant 0 : i32
      %dma_wait3A_68 = tpu.memref_slice %arg21[%mul3A_62, %dma_wait3A_67] : memref<10000x128xf32, #tpu.memory_space<vmem_shared>> -> memref<80x128xf32, #tpu.memory_space<vmem_shared>>
      %dma_wait3A_69 = arith.constant 0 : i32
      %dma_wait3A_70 = arith.constant 0 : i32
      %dma_wait3A_71 = tpu.memref_slice %arg17[%dma_wait3A_69, %dma_wait3A_70] : memref<80x128xf32, #tpu.memory_space<vmem>> -> memref<80x128xf32, #tpu.memory_space<vmem>>
      tpu.wait_dma2 semaphore(%arg22 : memref<!tpu.dma_semaphore, #tpu.memory_space<semaphore_mem>>) src(%dma_wait3A_71 : memref<80x128xf32, #tpu.memory_space<vmem>>) dst(%dma_wait3A_68 : memref<80x128xf32, #tpu.memory_space<vmem_shared>>)
    }
    %while3A_29 = arith.constant 1 : i32
    scf.for %while3A_57 = %while3A_27 to %while3A_23 step %while3A_29  : i32 {
      %mul3A_58 = arith.constant 16 : i32
      %mul3A_59 = arith.muli %while3A_57, %mul3A_58 : i32
      %add3A_60 = arith.addi %mul3A_59, %arg1 : i32
      %mul3A_61 = arith.constant 80 : i32
      %mul3A_62 = arith.muli %add3A_60, %mul3A_61 : i32
      %dma_wait3A = arith.constant 0 : i32
      %dma_wait3A_63 = arith.constant 0 : i32
      %dma_wait3A_64 = tpu.memref_slice %arg17[%dma_wait3A, %dma_wait3A_63] : memref<80x128xf32, #tpu.memory_space<vmem>> -> memref<80x128xf32, #tpu.memory_space<vmem>>
      %dma_wait3A_65 = arith.constant 0 : i32
      %dma_wait3A_66 = tpu.memref_slice %arg21[%mul3A_62, %dma_wait3A_65] : memref<10000x128xf32, #tpu.memory_space<vmem_shared>> -> memref<80x128xf32, #tpu.memory_space<vmem_shared>>
      %dma_wait3A_67 = arith.constant 0 : i32
      %dma_wait3A_68 = tpu.memref_slice %arg21[%mul3A_62, %dma_wait3A_67] : memref<10000x128xf32, #tpu.memory_space<vmem_shared>> -> memref<80x128xf32, #tpu.memory_space<vmem_shared>>
      %dma_wait3A_69 = arith.constant 0 : i32
      %dma_wait3A_70 = arith.constant 0 : i32
      %dma_wait3A_71 = tpu.memref_slice %arg17[%dma_wait3A_69, %dma_wait3A_70] : memref<80x128xf32, #tpu.memory_space<vmem>> -> memref<80x128xf32, #tpu.memory_space<vmem>>
      tpu.wait_dma2 semaphore(%arg22 : memref<!tpu.dma_semaphore, #tpu.memory_space<semaphore_mem>>) src(%dma_wait3A_71 : memref<80x128xf32, #tpu.memory_space<vmem>>) dst(%dma_wait3A_68 : memref<80x128xf32, #tpu.memory_space<vmem_shared>>)
    }
    %barrier3A = arith.constant 0 : index
    tpu.barrier barrier_id(%barrier3A)
    %scan3A_30 = arith.constant 0 : i32
    %scan3A_31 = arith.constant 0 : i32
    %scan3A_32 = arith.constant 5 : i32
    %scan3A_33 = arith.addi %scan3A_31, %scan3A_32 : i32
    %scan3A_34 = arith.constant 1 : i32
    scf.for %scan3A_57 = %scan3A_31 to %scan3A_33 step %scan3A_34  : i32 {
      %mul3A_58 = arith.constant 5 : i32
      %mul3A_59 = arith.muli %add3A, %mul3A_58 : i32
      %add3A_60 = arith.addi %mul3A_59, %scan3A_57 : i32
      %mul3A_61 = arith.constant 2000 : i32
      %mul3A_62 = arith.muli %add3A_60, %mul3A_61 : i32
      %dma_start3A = arith.constant 0 : i32
      %dma_start3A_63 = arith.constant 0 : i32
      %dma_start3A_64 = tpu.memref_slice %arg2[%add3A_60, %dma_start3A, %dma_start3A_63] : memref<160x1x2000xi32, #tpu.memory_space<hbm>> -> memref<1x1x2000xi32, #tpu.memory_space<hbm>>
      %dma_start3A_65 = tpu.memref_squeeze %dma_start3A_64 : memref<1x1x2000xi32, #tpu.memory_space<hbm>> -> memref<1x2000xi32, #tpu.memory_space<hbm>>
      %dma_start3A_66 = arith.constant 0 : i32
      %dma_start3A_67 = arith.constant 0 : i32
      %dma_start3A_68 = tpu.memref_slice %arg2[%add3A_60, %dma_start3A_66, %dma_start3A_67] : memref<160x1x2000xi32, #tpu.memory_space<hbm>> -> memref<1x1x2000xi32, #tpu.memory_space<hbm>>
      %dma_start3A_69 = tpu.memref_squeeze %dma_start3A_68 : memref<1x1x2000xi32, #tpu.memory_space<hbm>> -> memref<1x2000xi32, #tpu.memory_space<hbm>>
      tpu.enqueue_dma source(%dma_start3A_69 : memref<1x2000xi32, #tpu.memory_space<hbm>>) target(%arg9 : memref<1x2000xi32, #tpu.memory_space<vmem>>) target_semaphore(%arg22 : memref<!tpu.dma_semaphore, #tpu.memory_space<semaphore_mem>>)
      %dma_start3A_70 = arith.constant 0 : i32
      %dma_start3A_71 = arith.constant 0 : i32
      %dma_start3A_72 = tpu.memref_slice %arg3[%add3A_60, %dma_start3A_70, %dma_start3A_71] : memref<160x1x2000xi32, #tpu.memory_space<hbm>> -> memref<1x1x2000xi32, #tpu.memory_space<hbm>>
      %dma_start3A_73 = tpu.memref_squeeze %dma_start3A_72 : memref<1x1x2000xi32, #tpu.memory_space<hbm>> -> memref<1x2000xi32, #tpu.memory_space<hbm>>
      %dma_start3A_74 = arith.constant 0 : i32
      %dma_start3A_75 = arith.constant 0 : i32
      %dma_start3A_76 = tpu.memref_slice %arg3[%add3A_60, %dma_start3A_74, %dma_start3A_75] : memref<160x1x2000xi32, #tpu.memory_space<hbm>> -> memref<1x1x2000xi32, #tpu.memory_space<hbm>>
      %dma_start3A_77 = tpu.memref_squeeze %dma_start3A_76 : memref<1x1x2000xi32, #tpu.memory_space<hbm>> -> memref<1x2000xi32, #tpu.memory_space<hbm>>
      tpu.enqueue_dma source(%dma_start3A_77 : memref<1x2000xi32, #tpu.memory_space<hbm>>) target(%arg10 : memref<1x2000xi32, #tpu.memory_space<vmem>>) target_semaphore(%arg22 : memref<!tpu.dma_semaphore, #tpu.memory_space<semaphore_mem>>)
      %dma_start3A_78 = arith.constant 0 : i32
      %dma_start3A_79 = arith.constant 0 : i32
      %dma_start3A_80 = tpu.memref_slice %arg4[%add3A_60, %dma_start3A_78, %dma_start3A_79] : memref<160x1x2000xf32, #tpu.memory_space<hbm>> -> memref<1x1x2000xf32, #tpu.memory_space<hbm>>
      %dma_start3A_81 = tpu.memref_squeeze %dma_start3A_80 : memref<1x1x2000xf32, #tpu.memory_space<hbm>> -> memref<1x2000xf32, #tpu.memory_space<hbm>>
      %dma_start3A_82 = arith.constant 0 : i32
      %dma_start3A_83 = arith.constant 0 : i32
      %dma_start3A_84 = tpu.memref_slice %arg4[%add3A_60, %dma_start3A_82, %dma_start3A_83] : memref<160x1x2000xf32, #tpu.memory_space<hbm>> -> memref<1x1x2000xf32, #tpu.memory_space<hbm>>
      %dma_start3A_85 = tpu.memref_squeeze %dma_start3A_84 : memref<1x1x2000xf32, #tpu.memory_space<hbm>> -> memref<1x2000xf32, #tpu.memory_space<hbm>>
      tpu.enqueue_dma source(%dma_start3A_85 : memref<1x2000xf32, #tpu.memory_space<hbm>>) target(%arg11 : memref<1x2000xf32, #tpu.memory_space<vmem>>) target_semaphore(%arg22 : memref<!tpu.dma_semaphore, #tpu.memory_space<semaphore_mem>>)
      %dma_start3A_86 = arith.constant 0 : i32
      %dma_start3A_87 = arith.constant 0 : i32
      %dma_start3A_88 = tpu.memref_slice %arg5[%add3A_60, %dma_start3A_86, %dma_start3A_87] : memref<160x1x2000xf32, #tpu.memory_space<hbm>> -> memref<1x1x2000xf32, #tpu.memory_space<hbm>>
      %dma_start3A_89 = tpu.memref_squeeze %dma_start3A_88 : memref<1x1x2000xf32, #tpu.memory_space<hbm>> -> memref<1x2000xf32, #tpu.memory_space<hbm>>
      %dma_start3A_90 = arith.constant 0 : i32
      %dma_start3A_91 = arith.constant 0 : i32
      %dma_start3A_92 = tpu.memref_slice %arg5[%add3A_60, %dma_start3A_90, %dma_start3A_91] : memref<160x1x2000xf32, #tpu.memory_space<hbm>> -> memref<1x1x2000xf32, #tpu.memory_space<hbm>>
      %dma_start3A_93 = tpu.memref_squeeze %dma_start3A_92 : memref<1x1x2000xf32, #tpu.memory_space<hbm>> -> memref<1x2000xf32, #tpu.memory_space<hbm>>
      tpu.enqueue_dma source(%dma_start3A_93 : memref<1x2000xf32, #tpu.memory_space<hbm>>) target(%arg12 : memref<1x2000xf32, #tpu.memory_space<vmem>>) target_semaphore(%arg22 : memref<!tpu.dma_semaphore, #tpu.memory_space<semaphore_mem>>)
      %dma_wait3A = arith.constant 0 : i32
      %dma_wait3A_94 = arith.constant 0 : i32
      %dma_wait3A_95 = tpu.memref_slice %arg2[%add3A_60, %dma_wait3A, %dma_wait3A_94] : memref<160x1x2000xi32, #tpu.memory_space<hbm>> -> memref<1x1x2000xi32, #tpu.memory_space<hbm>>
      %dma_wait3A_96 = tpu.memref_squeeze %dma_wait3A_95 : memref<1x1x2000xi32, #tpu.memory_space<hbm>> -> memref<1x2000xi32, #tpu.memory_space<hbm>>
      %dma_wait3A_97 = arith.constant 0 : i32
      %dma_wait3A_98 = arith.constant 0 : i32
      %dma_wait3A_99 = tpu.memref_slice %arg2[%add3A_60, %dma_wait3A_97, %dma_wait3A_98] : memref<160x1x2000xi32, #tpu.memory_space<hbm>> -> memref<1x1x2000xi32, #tpu.memory_space<hbm>>
      %dma_wait3A_100 = tpu.memref_squeeze %dma_wait3A_99 : memref<1x1x2000xi32, #tpu.memory_space<hbm>> -> memref<1x2000xi32, #tpu.memory_space<hbm>>
      tpu.wait_dma2 semaphore(%arg22 : memref<!tpu.dma_semaphore, #tpu.memory_space<semaphore_mem>>) src(%dma_wait3A_100 : memref<1x2000xi32, #tpu.memory_space<hbm>>) dst(%arg9 : memref<1x2000xi32, #tpu.memory_space<vmem>>)
      %dma_wait3A_101 = arith.constant 0 : i32
      %dma_wait3A_102 = arith.constant 0 : i32
      %dma_wait3A_103 = tpu.memref_slice %arg3[%add3A_60, %dma_wait3A_101, %dma_wait3A_102] : memref<160x1x2000xi32, #tpu.memory_space<hbm>> -> memref<1x1x2000xi32, #tpu.memory_space<hbm>>
      %dma_wait3A_104 = tpu.memref_squeeze %dma_wait3A_103 : memref<1x1x2000xi32, #tpu.memory_space<hbm>> -> memref<1x2000xi32, #tpu.memory_space<hbm>>
      %dma_wait3A_105 = arith.constant 0 : i32
      %dma_wait3A_106 = arith.constant 0 : i32
      %dma_wait3A_107 = tpu.memref_slice %arg3[%add3A_60, %dma_wait3A_105, %dma_wait3A_106] : memref<160x1x2000xi32, #tpu.memory_space<hbm>> -> memref<1x1x2000xi32, #tpu.memory_space<hbm>>
      %dma_wait3A_108 = tpu.memref_squeeze %dma_wait3A_107 : memref<1x1x2000xi32, #tpu.memory_space<hbm>> -> memref<1x2000xi32, #tpu.memory_space<hbm>>
      tpu.wait_dma2 semaphore(%arg22 : memref<!tpu.dma_semaphore, #tpu.memory_space<semaphore_mem>>) src(%dma_wait3A_108 : memref<1x2000xi32, #tpu.memory_space<hbm>>) dst(%arg10 : memref<1x2000xi32, #tpu.memory_space<vmem>>)
      %dma_wait3A_109 = arith.constant 0 : i32
      %dma_wait3A_110 = arith.constant 0 : i32
      %dma_wait3A_111 = tpu.memref_slice %arg4[%add3A_60, %dma_wait3A_109, %dma_wait3A_110] : memref<160x1x2000xf32, #tpu.memory_space<hbm>> -> memref<1x1x2000xf32, #tpu.memory_space<hbm>>
      %dma_wait3A_112 = tpu.memref_squeeze %dma_wait3A_111 : memref<1x1x2000xf32, #tpu.memory_space<hbm>> -> memref<1x2000xf32, #tpu.memory_space<hbm>>
      %dma_wait3A_113 = arith.constant 0 : i32
      %dma_wait3A_114 = arith.constant 0 : i32
      %dma_wait3A_115 = tpu.memref_slice %arg4[%add3A_60, %dma_wait3A_113, %dma_wait3A_114] : memref<160x1x2000xf32, #tpu.memory_space<hbm>> -> memref<1x1x2000xf32, #tpu.memory_space<hbm>>
      %dma_wait3A_116 = tpu.memref_squeeze %dma_wait3A_115 : memref<1x1x2000xf32, #tpu.memory_space<hbm>> -> memref<1x2000xf32, #tpu.memory_space<hbm>>
      tpu.wait_dma2 semaphore(%arg22 : memref<!tpu.dma_semaphore, #tpu.memory_space<semaphore_mem>>) src(%dma_wait3A_116 : memref<1x2000xf32, #tpu.memory_space<hbm>>) dst(%arg11 : memref<1x2000xf32, #tpu.memory_space<vmem>>)
      %dma_wait3A_117 = arith.constant 0 : i32
      %dma_wait3A_118 = arith.constant 0 : i32
      %dma_wait3A_119 = tpu.memref_slice %arg5[%add3A_60, %dma_wait3A_117, %dma_wait3A_118] : memref<160x1x2000xf32, #tpu.memory_space<hbm>> -> memref<1x1x2000xf32, #tpu.memory_space<hbm>>
      %dma_wait3A_120 = tpu.memref_squeeze %dma_wait3A_119 : memref<1x1x2000xf32, #tpu.memory_space<hbm>> -> memref<1x2000xf32, #tpu.memory_space<hbm>>
      %dma_wait3A_121 = arith.constant 0 : i32
      %dma_wait3A_122 = arith.constant 0 : i32
      %dma_wait3A_123 = tpu.memref_slice %arg5[%add3A_60, %dma_wait3A_121, %dma_wait3A_122] : memref<160x1x2000xf32, #tpu.memory_space<hbm>> -> memref<1x1x2000xf32, #tpu.memory_space<hbm>>
      %dma_wait3A_124 = tpu.memref_squeeze %dma_wait3A_123 : memref<1x1x2000xf32, #tpu.memory_space<hbm>> -> memref<1x2000xf32, #tpu.memory_space<hbm>>
      tpu.wait_dma2 semaphore(%arg22 : memref<!tpu.dma_semaphore, #tpu.memory_space<semaphore_mem>>) src(%dma_wait3A_124 : memref<1x2000xf32, #tpu.memory_space<hbm>>) dst(%arg12 : memref<1x2000xf32, #tpu.memory_space<vmem>>)
      %get3A = arith.constant 0 : i32
      %get3A_125 = arith.index_cast %get3A : i32 to index
      %get3A_126 = arith.constant 0 : index
      %get3A_127 = tpu.vector_load %arg9[%get3A_125, %get3A_126] {strides = array<i32>} : memref<1x2000xi32, #tpu.memory_space<vmem>>, vector<16xi32>,
      %swap3A = arith.constant 0 : index
      %swap3A_128 = tpu.vector_load %arg13[%swap3A] {strides = array<i32>} : memref<80xi32, #tpu.memory_space<vmem>>, vector<16xi32>,
      tpu.vector_store %arg13[%swap3A], %get3A_127 {strides = array<i32>} : memref<80xi32, #tpu.memory_space<vmem>>, vector<16xi32>,
      %get3A_129 = arith.constant 0 : i32
      %get3A_130 = arith.index_cast %get3A_129 : i32 to index
      %get3A_131 = arith.constant 16 : index
      %get3A_132 = tpu.vector_load %arg9[%get3A_130, %get3A_131] {strides = array<i32>} : memref<1x2000xi32, #tpu.memory_space<vmem>>, vector<16xi32>,
      %swap3A_133 = arith.constant 16 : index
      %swap3A_134 = tpu.vector_load %arg13[%swap3A_133] {strides = array<i32>} : memref<80xi32, #tpu.memory_space<vmem>>, vector<16xi32>,
      tpu.vector_store %arg13[%swap3A_133], %get3A_132 {strides = array<i32>} : memref<80xi32, #tpu.memory_space<vmem>>, vector<16xi32>,
      %get3A_135 = arith.constant 0 : i32
      %get3A_136 = arith.index_cast %get3A_135 : i32 to index
      %get3A_137 = arith.constant 32 : index
      %get3A_138 = tpu.vector_load %arg9[%get3A_136, %get3A_137] {strides = array<i32>} : memref<1x2000xi32, #tpu.memory_space<vmem>>, vector<16xi32>,
      %swap3A_139 = arith.constant 32 : index
      %swap3A_140 = tpu.vector_load %arg13[%swap3A_139] {strides = array<i32>} : memref<80xi32, #tpu.memory_space<vmem>>, vector<16xi32>,
      tpu.vector_store %arg13[%swap3A_139], %get3A_138 {strides = array<i32>} : memref<80xi32, #tpu.memory_space<vmem>>, vector<16xi32>,
      %get3A_141 = arith.constant 0 : i32
      %get3A_142 = arith.index_cast %get3A_141 : i32 to index
      %get3A_143 = arith.constant 48 : index
      %get3A_144 = tpu.vector_load %arg9[%get3A_142, %get3A_143] {strides = array<i32>} : memref<1x2000xi32, #tpu.memory_space<vmem>>, vector<16xi32>,
      %swap3A_145 = arith.constant 48 : index
      %swap3A_146 = tpu.vector_load %arg13[%swap3A_145] {strides = array<i32>} : memref<80xi32, #tpu.memory_space<vmem>>, vector<16xi32>,
      tpu.vector_store %arg13[%swap3A_145], %get3A_144 {strides = array<i32>} : memref<80xi32, #tpu.memory_space<vmem>>, vector<16xi32>,
      %get3A_147 = arith.constant 0 : i32
      %get3A_148 = arith.index_cast %get3A_147 : i32 to index
      %get3A_149 = arith.constant 64 : index
      %get3A_150 = tpu.vector_load %arg9[%get3A_148, %get3A_149] {strides = array<i32>} : memref<1x2000xi32, #tpu.memory_space<vmem>>, vector<16xi32>,
      %swap3A_151 = arith.constant 64 : index
      %swap3A_152 = tpu.vector_load %arg13[%swap3A_151] {strides = array<i32>} : memref<80xi32, #tpu.memory_space<vmem>>, vector<16xi32>,
      tpu.vector_store %arg13[%swap3A_151], %get3A_150 {strides = array<i32>} : memref<80xi32, #tpu.memory_space<vmem>>, vector<16xi32>,
      %add3A_153 = arith.constant 0 : i32
      %add3A_154 = arith.addi %mul3A_62, %add3A_153 : i32
      %dma_start3A_155 = arith.constant 0 : i32
      %dma_start3A_156 = tpu.memref_slice %arg6[%add3A_154, %dma_start3A_155] : memref<320000x128xf32, #tpu.memory_space<hbm>> -> memref<80x128xf32, #tpu.memory_space<hbm>>
      %dma_start3A_157 = arith.constant 0 : i32
      %dma_start3A_158 = tpu.memref_slice %arg6[%add3A_154, %dma_start3A_157] : memref<320000x128xf32, #tpu.memory_space<hbm>> -> memref<80x128xf32, #tpu.memory_space<hbm>>
      tpu.enqueue_dma source(%dma_start3A_158 : memref<80x128xf32, #tpu.memory_space<hbm>>) target(%arg19 : memref<80x128xf32, #tpu.memory_space<vmem>>) target_semaphore(%arg22 : memref<!tpu.dma_semaphore, #tpu.memory_space<semaphore_mem>>)
      %dma_start3A_159 = arith.constant 0 : i32
      %dma_start3A_160 = arith.constant 0 : i32
      %dma_start3A_161 = tpu.memref_slice %arg7[%dma_start3A_159, %dma_start3A_160] : memref<10000x128xf32, #tpu.memory_space<hbm>> -> memref<10000x128xf32, #tpu.memory_space<hbm>>
      tpu.enqueue_indirect_dma source(%dma_start3A_161 : memref<10000x128xf32, #tpu.memory_space<hbm>>) target(%arg17 : memref<80x128xf32, #tpu.memory_space<vmem>>) offsets(%arg13 : memref<80xi32, #tpu.memory_space<vmem>>) semaphore(%arg22 : memref<!tpu.dma_semaphore, #tpu.memory_space<semaphore_mem>>)
      %get3A_162 = arith.constant 0 : i32
      %get3A_163 = arith.index_cast %get3A_162 : i32 to index
      %get3A_164 = arith.constant 80 : index
      %get3A_165 = tpu.vector_load %arg9[%get3A_163, %get3A_164] {strides = array<i32>} : memref<1x2000xi32, #tpu.memory_space<vmem>>, vector<16xi32>,
      %swap3A_166 = arith.constant 0 : index
      %swap3A_167 = tpu.vector_load %arg14[%swap3A_166] {strides = array<i32>} : memref<80xi32, #tpu.memory_space<vmem>>, vector<16xi32>,
      tpu.vector_store %arg14[%swap3A_166], %get3A_165 {strides = array<i32>} : memref<80xi32, #tpu.memory_space<vmem>>, vector<16xi32>,
      %get3A_168 = arith.constant 0 : i32
      %get3A_169 = arith.index_cast %get3A_168 : i32 to index
      %get3A_170 = arith.constant 96 : index
      %get3A_171 = tpu.vector_load %arg9[%get3A_169, %get3A_170] {strides = array<i32>} : memref<1x2000xi32, #tpu.memory_space<vmem>>, vector<16xi32>,
      %swap3A_172 = arith.constant 16 : index
      %swap3A_173 = tpu.vector_load %arg14[%swap3A_172] {strides = array<i32>} : memref<80xi32, #tpu.memory_space<vmem>>, vector<16xi32>,
      tpu.vector_store %arg14[%swap3A_172], %get3A_171 {strides = array<i32>} : memref<80xi32, #tpu.memory_space<vmem>>, vector<16xi32>,
      %get3A_174 = arith.constant 0 : i32
      %get3A_175 = arith.index_cast %get3A_174 : i32 to index
      %get3A_176 = arith.constant 112 : index
      %get3A_177 = tpu.vector_load %arg9[%get3A_175, %get3A_176] {strides = array<i32>} : memref<1x2000xi32, #tpu.memory_space<vmem>>, vector<16xi32>,
      %swap3A_178 = arith.constant 32 : index
      %swap3A_179 = tpu.vector_load %arg14[%swap3A_178] {strides = array<i32>} : memref<80xi32, #tpu.memory_space<vmem>>, vector<16xi32>,
      tpu.vector_store %arg14[%swap3A_178], %get3A_177 {strides = array<i32>} : memref<80xi32, #tpu.memory_space<vmem>>, vector<16xi32>,
      %get3A_180 = arith.constant 0 : i32
      %get3A_181 = arith.index_cast %get3A_180 : i32 to index
      %get3A_182 = arith.constant 128 : index
      %get3A_183 = tpu.vector_load %arg9[%get3A_181, %get3A_182] {strides = array<i32>} : memref<1x2000xi32, #tpu.memory_space<vmem>>, vector<16xi32>,
      %swap3A_184 = arith.constant 48 : index
      %swap3A_185 = tpu.vector_load %arg14[%swap3A_184] {strides = array<i32>} : memref<80xi32, #tpu.memory_space<vmem>>, vector<16xi32>,
      tpu.vector_store %arg14[%swap3A_184], %get3A_183 {strides = array<i32>} : memref<80xi32, #tpu.memory_space<vmem>>, vector<16xi32>,
      %get3A_186 = arith.constant 0 : i32
      %get3A_187 = arith.index_cast %get3A_186 : i32 to index
      %get3A_188 = arith.constant 144 : index
      %get3A_189 = tpu.vector_load %arg9[%get3A_187, %get3A_188] {strides = array<i32>} : memref<1x2000xi32, #tpu.memory_space<vmem>>, vector<16xi32>,
      %swap3A_190 = arith.constant 64 : index
      %swap3A_191 = tpu.vector_load %arg14[%swap3A_190] {strides = array<i32>} : memref<80xi32, #tpu.memory_space<vmem>>, vector<16xi32>,
      tpu.vector_store %arg14[%swap3A_190], %get3A_189 {strides = array<i32>} : memref<80xi32, #tpu.memory_space<vmem>>, vector<16xi32>,
      %add3A_192 = arith.constant 80 : i32
      %add3A_193 = arith.addi %mul3A_62, %add3A_192 : i32
      %dma_start3A_194 = arith.constant 0 : i32
      %dma_start3A_195 = tpu.memref_slice %arg6[%add3A_193, %dma_start3A_194] : memref<320000x128xf32, #tpu.memory_space<hbm>> -> memref<80x128xf32, #tpu.memory_space<hbm>>
      %dma_start3A_196 = arith.constant 0 : i32
      %dma_start3A_197 = tpu.memref_slice %arg6[%add3A_193, %dma_start3A_196] : memref<320000x128xf32, #tpu.memory_space<hbm>> -> memref<80x128xf32, #tpu.memory_space<hbm>>
      tpu.enqueue_dma source(%dma_start3A_197 : memref<80x128xf32, #tpu.memory_space<hbm>>) target(%arg20 : memref<80x128xf32, #tpu.memory_space<vmem>>) target_semaphore(%arg23 : memref<!tpu.dma_semaphore, #tpu.memory_space<semaphore_mem>>)
      %dma_start3A_198 = arith.constant 0 : i32
      %dma_start3A_199 = arith.constant 0 : i32
      %dma_start3A_200 = tpu.memref_slice %arg7[%dma_start3A_198, %dma_start3A_199] : memref<10000x128xf32, #tpu.memory_space<hbm>> -> memref<10000x128xf32, #tpu.memory_space<hbm>>
      tpu.enqueue_indirect_dma source(%dma_start3A_200 : memref<10000x128xf32, #tpu.memory_space<hbm>>) target(%arg18 : memref<80x128xf32, #tpu.memory_space<vmem>>) offsets(%arg14 : memref<80xi32, #tpu.memory_space<vmem>>) semaphore(%arg23 : memref<!tpu.dma_semaphore, #tpu.memory_space<semaphore_mem>>)
      %scan3A_201 = arith.constant 0 : i32
      %scan3A_202 = arith.constant 0 : i32
      %scan3A_203 = arith.constant 12 : i32
      %scan3A_204 = arith.addi %scan3A_202, %scan3A_203 : i32
      %scan3A_205 = arith.constant 1 : i32
      scf.for %scan3A_258 = %scan3A_202 to %scan3A_204 step %scan3A_205  : i32 {
        %mul3A_259 = arith.constant 2 : i32
        %mul3A_260 = arith.muli %mul3A_259, %scan3A_258 : i32
        %dma_wait3A_261 = arith.constant 0 : i32
        %dma_wait3A_262 = arith.constant 0 : i32
        %dma_wait3A_263 = tpu.memref_slice %arg6[%dma_wait3A_261, %dma_wait3A_262] : memref<320000x128xf32, #tpu.memory_space<hbm>> -> memref<80x128xf32, #tpu.memory_space<hbm>>
        %dma_wait3A_264 = arith.constant 0 : i32
        %dma_wait3A_265 = arith.constant 0 : i32
        %dma_wait3A_266 = tpu.memref_slice %arg6[%dma_wait3A_264, %dma_wait3A_265] : memref<320000x128xf32, #tpu.memory_space<hbm>> -> memref<80x128xf32, #tpu.memory_space<hbm>>
        tpu.wait_dma2 semaphore(%arg22 : memref<!tpu.dma_semaphore, #tpu.memory_space<semaphore_mem>>) src(%dma_wait3A_266 : memref<80x128xf32, #tpu.memory_space<hbm>>) dst(%arg19 : memref<80x128xf32, #tpu.memory_space<vmem>>)
        %dma_wait3A_267 = arith.constant 0 : i32
        %dma_wait3A_268 = arith.constant 0 : i32
        %dma_wait3A_269 = tpu.memref_slice %arg7[%dma_wait3A_267, %dma_wait3A_268] : memref<10000x128xf32, #tpu.memory_space<hbm>> -> memref<10000x128xf32, #tpu.memory_space<hbm>>
        tpu.wait_indirect_dma semaphore(%arg22 : memref<!tpu.dma_semaphore, #tpu.memory_space<semaphore_mem>>) src(%dma_wait3A_269 : memref<10000x128xf32, #tpu.memory_space<hbm>>) dst(%arg17 : memref<80x128xf32, #tpu.memory_space<vmem>>)
        %mul3A_270 = arith.constant 80 : i32
        %mul3A_271 = arith.muli %mul3A_260, %mul3A_270 : i32
        %add3A_272 = arith.constant 0 : i32
        %add3A_273 = arith.addi %mul3A_271, %add3A_272 : i32
        %get3A_274 = arith.constant 0 : i32
        %get3A_275 = arith.index_cast %get3A_274 : i32 to index
        %get3A_276 = arith.index_cast %add3A_273 : i32 to index
        %get3A_277 = tpu.vector_load %arg10[%get3A_275, %get3A_276] {strides = array<i32>} : memref<1x2000xi32, #tpu.memory_space<vmem>>, vector<16xi32>,
        %swap3A_278 = arith.constant 0 : index
        %swap3A_279 = tpu.vector_load %arg15[%swap3A_278] {strides = array<i32>} : memref<80xi32, #tpu.memory_space<vmem>>, vector<16xi32>,
        tpu.vector_store %arg15[%swap3A_278], %get3A_277 {strides = array<i32>} : memref<80xi32, #tpu.memory_space<vmem>>, vector<16xi32>,
        %mul3A_280 = arith.constant 80 : i32
        %mul3A_281 = arith.muli %mul3A_260, %mul3A_280 : i32
        %add3A_282 = arith.constant 16 : i32
        %add3A_283 = arith.addi %mul3A_281, %add3A_282 : i32
        %get3A_284 = arith.constant 0 : i32
        %get3A_285 = arith.index_cast %get3A_284 : i32 to index
        %get3A_286 = arith.index_cast %add3A_283 : i32 to index
        %get3A_287 = tpu.vector_load %arg10[%get3A_285, %get3A_286] {strides = array<i32>} : memref<1x2000xi32, #tpu.memory_space<vmem>>, vector<16xi32>,
        %swap3A_288 = arith.constant 16 : index
        %swap3A_289 = tpu.vector_load %arg15[%swap3A_288] {strides = array<i32>} : memref<80xi32, #tpu.memory_space<vmem>>, vector<16xi32>,
        tpu.vector_store %arg15[%swap3A_288], %get3A_287 {strides = array<i32>} : memref<80xi32, #tpu.memory_space<vmem>>, vector<16xi32>,
        %mul3A_290 = arith.constant 80 : i32
        %mul3A_291 = arith.muli %mul3A_260, %mul3A_290 : i32
        %add3A_292 = arith.constant 32 : i32
        %add3A_293 = arith.addi %mul3A_291, %add3A_292 : i32
        %get3A_294 = arith.constant 0 : i32
        %get3A_295 = arith.index_cast %get3A_294 : i32 to index
        %get3A_296 = arith.index_cast %add3A_293 : i32 to index
        %get3A_297 = tpu.vector_load %arg10[%get3A_295, %get3A_296] {strides = array<i32>} : memref<1x2000xi32, #tpu.memory_space<vmem>>, vector<16xi32>,
        %swap3A_298 = arith.constant 32 : index
        %swap3A_299 = tpu.vector_load %arg15[%swap3A_298] {strides = array<i32>} : memref<80xi32, #tpu.memory_space<vmem>>, vector<16xi32>,
        tpu.vector_store %arg15[%swap3A_298], %get3A_297 {strides = array<i32>} : memref<80xi32, #tpu.memory_space<vmem>>, vector<16xi32>,
        %mul3A_300 = arith.constant 80 : i32
        %mul3A_301 = arith.muli %mul3A_260, %mul3A_300 : i32
        %add3A_302 = arith.constant 48 : i32
        %add3A_303 = arith.addi %mul3A_301, %add3A_302 : i32
        %get3A_304 = arith.constant 0 : i32
        %get3A_305 = arith.index_cast %get3A_304 : i32 to index
        %get3A_306 = arith.index_cast %add3A_303 : i32 to index
        %get3A_307 = tpu.vector_load %arg10[%get3A_305, %get3A_306] {strides = array<i32>} : memref<1x2000xi32, #tpu.memory_space<vmem>>, vector<16xi32>,
        %swap3A_308 = arith.constant 48 : index
        %swap3A_309 = tpu.vector_load %arg15[%swap3A_308] {strides = array<i32>} : memref<80xi32, #tpu.memory_space<vmem>>, vector<16xi32>,
        tpu.vector_store %arg15[%swap3A_308], %get3A_307 {strides = array<i32>} : memref<80xi32, #tpu.memory_space<vmem>>, vector<16xi32>,
        %mul3A_310 = arith.constant 80 : i32
        %mul3A_311 = arith.muli %mul3A_260, %mul3A_310 : i32
        %add3A_312 = arith.constant 64 : i32
        %add3A_313 = arith.addi %mul3A_311, %add3A_312 : i32
        %get3A_314 = arith.constant 0 : i32
        %get3A_315 = arith.index_cast %get3A_314 : i32 to index
        %get3A_316 = arith.index_cast %add3A_313 : i32 to index
        %get3A_317 = tpu.vector_load %arg10[%get3A_315, %get3A_316] {strides = array<i32>} : memref<1x2000xi32, #tpu.memory_space<vmem>>, vector<16xi32>,
        %swap3A_318 = arith.constant 64 : index
        %swap3A_319 = tpu.vector_load %arg15[%swap3A_318] {strides = array<i32>} : memref<80xi32, #tpu.memory_space<vmem>>, vector<16xi32>,
        tpu.vector_store %arg15[%swap3A_318], %get3A_317 {strides = array<i32>} : memref<80xi32, #tpu.memory_space<vmem>>, vector<16xi32>,
        %scan3A_320 = arith.constant 0 : i32
        %scan3A_321 = arith.constant 0 : i32
        %scan3A_322 = arith.constant 80 : i32
        %scan3A_323 = arith.addi %scan3A_321, %scan3A_322 : i32
        %scan3A_324 = arith.constant 1 : i32
        scf.for %scan3A_472 = %scan3A_321 to %scan3A_323 step %scan3A_324  : i32 {
          %mul3A_473 = arith.constant 80 : i32
          %mul3A_474 = arith.muli %mul3A_260, %mul3A_473 : i32
          %add3A_475 = arith.addi %mul3A_474, %scan3A_472 : i32
          %broadcast_in_dim3A_476 = vector.broadcast %add3A_475 : i32 to vector<16xi32>
          %gather3A = tpu.vector_load_idx %arg11[%broadcast_in_dim3A_1, %broadcast_in_dim3A_476] : memref<1x2000xf32, #tpu.memory_space<vmem>>[vector<16xi32>, vector<16xi32>], vector<16xf32>,
          %gather3A_477 = tpu.vector_load_idx %arg12[%broadcast_in_dim3A_1, %broadcast_in_dim3A_476] : memref<1x2000xf32, #tpu.memory_space<vmem>>[vector<16xi32>, vector<16xi32>], vector<16xf32>,
          %get3A_478 = arith.index_cast %scan3A_472 : i32 to index
          %get3A_479 = arith.constant 0 : index
          %get3A_480 = tpu.vector_load %arg17[%get3A_478, %get3A_479] {strides = array<i32>} : memref<80x128xf32, #tpu.memory_space<vmem>>, vector<16xf32>,
          %mul3A_481 = arith.mulf %get3A_480, %gather3A : vector<16xf32>
          %get3A_482 = arith.index_cast %scan3A_472 : i32 to index
          %get3A_483 = arith.constant 0 : index
          %get3A_484 = tpu.vector_load %arg19[%get3A_482, %get3A_483] {strides = array<i32>} : memref<80x128xf32, #tpu.memory_space<vmem>>, vector<16xf32>,
          %mul3A_485 = arith.mulf %get3A_484, %gather3A_477 : vector<16xf32>
          %add3A_486 = arith.addf %mul3A_481, %mul3A_485 : vector<16xf32>
          %swap3A_487 = arith.index_cast %scan3A_472 : i32 to index
          %swap3A_488 = arith.constant 0 : index
          %swap3A_489 = tpu.vector_load %arg17[%swap3A_487, %swap3A_488] {strides = array<i32>} : memref<80x128xf32, #tpu.memory_space<vmem>>, vector<16xf32>,
          tpu.vector_store %arg17[%swap3A_487, %swap3A_488], %add3A_486 {strides = array<i32>} : memref<80x128xf32, #tpu.memory_space<vmem>>, vector<16xf32>,
          %get3A_490 = arith.index_cast %scan3A_472 : i32 to index
          %get3A_491 = arith.constant 16 : index
          %get3A_492 = tpu.vector_load %arg17[%get3A_490, %get3A_491] {strides = array<i32>} : memref<80x128xf32, #tpu.memory_space<vmem>>, vector<16xf32>,
          %mul3A_493 = arith.mulf %get3A_492, %gather3A : vector<16xf32>
          %get3A_494 = arith.index_cast %scan3A_472 : i32 to index
          %get3A_495 = arith.constant 16 : index
          %get3A_496 = tpu.vector_load %arg19[%get3A_494, %get3A_495] {strides = array<i32>} : memref<80x128xf32, #tpu.memory_space<vmem>>, vector<16xf32>,
          %mul3A_497 = arith.mulf %get3A_496, %gather3A_477 : vector<16xf32>
          %add3A_498 = arith.addf %mul3A_493, %mul3A_497 : vector<16xf32>
          %swap3A_499 = arith.index_cast %scan3A_472 : i32 to index
          %swap3A_500 = arith.constant 16 : index
          %swap3A_501 = tpu.vector_load %arg17[%swap3A_499, %swap3A_500] {strides = array<i32>} : memref<80x128xf32, #tpu.memory_space<vmem>>, vector<16xf32>,
          tpu.vector_store %arg17[%swap3A_499, %swap3A_500], %add3A_498 {strides = array<i32>} : memref<80x128xf32, #tpu.memory_space<vmem>>, vector<16xf32>,
          %get3A_502 = arith.index_cast %scan3A_472 : i32 to index
          %get3A_503 = arith.constant 32 : index
          %get3A_504 = tpu.vector_load %arg17[%get3A_502, %get3A_503] {strides = array<i32>} : memref<80x128xf32, #tpu.memory_space<vmem>>, vector<16xf32>,
          %mul3A_505 = arith.mulf %get3A_504, %gather3A : vector<16xf32>
          %get3A_506 = arith.index_cast %scan3A_472 : i32 to index
          %get3A_507 = arith.constant 32 : index
          %get3A_508 = tpu.vector_load %arg19[%get3A_506, %get3A_507] {strides = array<i32>} : memref<80x128xf32, #tpu.memory_space<vmem>>, vector<16xf32>,
          %mul3A_509 = arith.mulf %get3A_508, %gather3A_477 : vector<16xf32>
          %add3A_510 = arith.addf %mul3A_505, %mul3A_509 : vector<16xf32>
          %swap3A_511 = arith.index_cast %scan3A_472 : i32 to index
          %swap3A_512 = arith.constant 32 : index
          %swap3A_513 = tpu.vector_load %arg17[%swap3A_511, %swap3A_512] {strides = array<i32>} : memref<80x128xf32, #tpu.memory_space<vmem>>, vector<16xf32>,
          tpu.vector_store %arg17[%swap3A_511, %swap3A_512], %add3A_510 {strides = array<i32>} : memref<80x128xf32, #tpu.memory_space<vmem>>, vector<16xf32>,
          %get3A_514 = arith.index_cast %scan3A_472 : i32 to index
          %get3A_515 = arith.constant 48 : index
          %get3A_516 = tpu.vector_load %arg17[%get3A_514, %get3A_515] {strides = array<i32>} : memref<80x128xf32, #tpu.memory_space<vmem>>, vector<16xf32>,
          %mul3A_517 = arith.mulf %get3A_516, %gather3A : vector<16xf32>
          %get3A_518 = arith.index_cast %scan3A_472 : i32 to index
          %get3A_519 = arith.constant 48 : index
          %get3A_520 = tpu.vector_load %arg19[%get3A_518, %get3A_519] {strides = array<i32>} : memref<80x128xf32, #tpu.memory_space<vmem>>, vector<16xf32>,
          %mul3A_521 = arith.mulf %get3A_520, %gather3A_477 : vector<16xf32>
          %add3A_522 = arith.addf %mul3A_517, %mul3A_521 : vector<16xf32>
          %swap3A_523 = arith.index_cast %scan3A_472 : i32 to index
          %swap3A_524 = arith.constant 48 : index
          %swap3A_525 = tpu.vector_load %arg17[%swap3A_523, %swap3A_524] {strides = array<i32>} : memref<80x128xf32, #tpu.memory_space<vmem>>, vector<16xf32>,
          tpu.vector_store %arg17[%swap3A_523, %swap3A_524], %add3A_522 {strides = array<i32>} : memref<80x128xf32, #tpu.memory_space<vmem>>, vector<16xf32>,
          %get3A_526 = arith.index_cast %scan3A_472 : i32 to index
          %get3A_527 = arith.constant 64 : index
          %get3A_528 = tpu.vector_load %arg17[%get3A_526, %get3A_527] {strides = array<i32>} : memref<80x128xf32, #tpu.memory_space<vmem>>, vector<16xf32>,
          %mul3A_529 = arith.mulf %get3A_528, %gather3A : vector<16xf32>
          %get3A_530 = arith.index_cast %scan3A_472 : i32 to index
          %get3A_531 = arith.constant 64 : index
          %get3A_532 = tpu.vector_load %arg19[%get3A_530, %get3A_531] {strides = array<i32>} : memref<80x128xf32, #tpu.memory_space<vmem>>, vector<16xf32>,
          %mul3A_533 = arith.mulf %get3A_532, %gather3A_477 : vector<16xf32>
          %add3A_534 = arith.addf %mul3A_529, %mul3A_533 : vector<16xf32>
          %swap3A_535 = arith.index_cast %scan3A_472 : i32 to index
          %swap3A_536 = arith.constant 64 : index
          %swap3A_537 = tpu.vector_load %arg17[%swap3A_535, %swap3A_536] {strides = array<i32>} : memref<80x128xf32, #tpu.memory_space<vmem>>, vector<16xf32>,
          tpu.vector_store %arg17[%swap3A_535, %swap3A_536], %add3A_534 {strides = array<i32>} : memref<80x128xf32, #tpu.memory_space<vmem>>, vector<16xf32>,
          %get3A_538 = arith.index_cast %scan3A_472 : i32 to index
          %get3A_539 = arith.constant 80 : index
          %get3A_540 = tpu.vector_load %arg17[%get3A_538, %get3A_539] {strides = array<i32>} : memref<80x128xf32, #tpu.memory_space<vmem>>, vector<16xf32>,
          %mul3A_541 = arith.mulf %get3A_540, %gather3A : vector<16xf32>
          %get3A_542 = arith.index_cast %scan3A_472 : i32 to index
          %get3A_543 = arith.constant 80 : index
          %get3A_544 = tpu.vector_load %arg19[%get3A_542, %get3A_543] {strides = array<i32>} : memref<80x128xf32, #tpu.memory_space<vmem>>, vector<16xf32>,
          %mul3A_545 = arith.mulf %get3A_544, %gather3A_477 : vector<16xf32>
          %add3A_546 = arith.addf %mul3A_541, %mul3A_545 : vector<16xf32>
          %swap3A_547 = arith.index_cast %scan3A_472 : i32 to index
          %swap3A_548 = arith.constant 80 : index
          %swap3A_549 = tpu.vector_load %arg17[%swap3A_547, %swap3A_548] {strides = array<i32>} : memref<80x128xf32, #tpu.memory_space<vmem>>, vector<16xf32>,
          tpu.vector_store %arg17[%swap3A_547, %swap3A_548], %add3A_546 {strides = array<i32>} : memref<80x128xf32, #tpu.memory_space<vmem>>, vector<16xf32>,
          %get3A_550 = arith.index_cast %scan3A_472 : i32 to index
          %get3A_551 = arith.constant 96 : index
          %get3A_552 = tpu.vector_load %arg17[%get3A_550, %get3A_551] {strides = array<i32>} : memref<80x128xf32, #tpu.memory_space<vmem>>, vector<16xf32>,
          %mul3A_553 = arith.mulf %get3A_552, %gather3A : vector<16xf32>
          %get3A_554 = arith.index_cast %scan3A_472 : i32 to index
          %get3A_555 = arith.constant 96 : index
          %get3A_556 = tpu.vector_load %arg19[%get3A_554, %get3A_555] {strides = array<i32>} : memref<80x128xf32, #tpu.memory_space<vmem>>, vector<16xf32>,
          %mul3A_557 = arith.mulf %get3A_556, %gather3A_477 : vector<16xf32>
          %add3A_558 = arith.addf %mul3A_553, %mul3A_557 : vector<16xf32>
          %swap3A_559 = arith.index_cast %scan3A_472 : i32 to index
          %swap3A_560 = arith.constant 96 : index
          %swap3A_561 = tpu.vector_load %arg17[%swap3A_559, %swap3A_560] {strides = array<i32>} : memref<80x128xf32, #tpu.memory_space<vmem>>, vector<16xf32>,
          tpu.vector_store %arg17[%swap3A_559, %swap3A_560], %add3A_558 {strides = array<i32>} : memref<80x128xf32, #tpu.memory_space<vmem>>, vector<16xf32>,
          %get3A_562 = arith.index_cast %scan3A_472 : i32 to index
          %get3A_563 = arith.constant 112 : index
          %get3A_564 = tpu.vector_load %arg17[%get3A_562, %get3A_563] {strides = array<i32>} : memref<80x128xf32, #tpu.memory_space<vmem>>, vector<16xf32>,
          %mul3A_565 = arith.mulf %get3A_564, %gather3A : vector<16xf32>
          %get3A_566 = arith.index_cast %scan3A_472 : i32 to index
          %get3A_567 = arith.constant 112 : index
          %get3A_568 = tpu.vector_load %arg19[%get3A_566, %get3A_567] {strides = array<i32>} : memref<80x128xf32, #tpu.memory_space<vmem>>, vector<16xf32>,
          %mul3A_569 = arith.mulf %get3A_568, %gather3A_477 : vector<16xf32>
          %add3A_570 = arith.addf %mul3A_565, %mul3A_569 : vector<16xf32>
          %swap3A_571 = arith.index_cast %scan3A_472 : i32 to index
          %swap3A_572 = arith.constant 112 : index
          %swap3A_573 = tpu.vector_load %arg17[%swap3A_571, %swap3A_572] {strides = array<i32>} : memref<80x128xf32, #tpu.memory_space<vmem>>, vector<16xf32>,
          tpu.vector_store %arg17[%swap3A_571, %swap3A_572], %add3A_570 {strides = array<i32>} : memref<80x128xf32, #tpu.memory_space<vmem>>, vector<16xf32>,
        }
        %scan3A_325 = arith.constant 80 : i32
        %dma_start3A_326 = arith.constant 0 : i32
        %dma_start3A_327 = arith.constant 0 : i32
        %dma_start3A_328 = tpu.memref_slice %arg21[%dma_start3A_326, %dma_start3A_327] : memref<10000x128xf32, #tpu.memory_space<vmem_shared>> -> memref<10000x128xf32, #tpu.memory_space<vmem_shared>>
        tpu.enqueue_indirect_dma source(%arg17 : memref<80x128xf32, #tpu.memory_space<vmem>>) target(%dma_start3A_328 : memref<10000x128xf32, #tpu.memory_space<vmem_shared>>) offsets(%arg15 : memref<80xi32, #tpu.memory_space<vmem>>) semaphore(%arg24 : memref<!tpu.dma_semaphore, #tpu.memory_space<semaphore_mem>>) {add = true}
        %dma_wait3A_329 = arith.constant 0 : i32
        %dma_wait3A_330 = arith.constant 0 : i32
        %dma_wait3A_331 = tpu.memref_slice %arg6[%dma_wait3A_329, %dma_wait3A_330] : memref<320000x128xf32, #tpu.memory_space<hbm>> -> memref<80x128xf32, #tpu.memory_space<hbm>>
        %dma_wait3A_332 = arith.constant 0 : i32
        %dma_wait3A_333 = arith.constant 0 : i32
        %dma_wait3A_334 = tpu.memref_slice %arg6[%dma_wait3A_332, %dma_wait3A_333] : memref<320000x128xf32, #tpu.memory_space<hbm>> -> memref<80x128xf32, #tpu.memory_space<hbm>>
        tpu.wait_dma2 semaphore(%arg23 : memref<!tpu.dma_semaphore, #tpu.memory_space<semaphore_mem>>) src(%dma_wait3A_334 : memref<80x128xf32, #tpu.memory_space<hbm>>) dst(%arg20 : memref<80x128xf32, #tpu.memory_space<vmem>>)
        %dma_wait3A_335 = arith.constant 0 : i32
        %dma_wait3A_336 = arith.constant 0 : i32
        %dma_wait3A_337 = tpu.memref_slice %arg7[%dma_wait3A_335, %dma_wait3A_336] : memref<10000x128xf32, #tpu.memory_space<hbm>> -> memref<10000x128xf32, #tpu.memory_space<hbm>>
        tpu.wait_indirect_dma semaphore(%arg23 : memref<!tpu.dma_semaphore, #tpu.memory_space<semaphore_mem>>) src(%dma_wait3A_337 : memref<10000x128xf32, #tpu.memory_space<hbm>>) dst(%arg18 : memref<80x128xf32, #tpu.memory_space<vmem>>)
        %add3A_338 = arith.constant 1 : i32
        %add3A_339 = arith.addi %mul3A_260, %add3A_338 : i32
        %mul3A_340 = arith.constant 80 : i32
        %mul3A_341 = arith.muli %add3A_339, %mul3A_340 : i32
        %add3A_342 = arith.constant 0 : i32
        %add3A_343 = arith.addi %mul3A_341, %add3A_342 : i32
        %get3A_344 = arith.constant 0 : i32
        %get3A_345 = arith.index_cast %get3A_344 : i32 to index
        %get3A_346 = arith.index_cast %add3A_343 : i32 to index
        %get3A_347 = tpu.vector_load %arg10[%get3A_345, %get3A_346] {strides = array<i32>} : memref<1x2000xi32, #tpu.memory_space<vmem>>, vector<16xi32>,
        %swap3A_348 = arith.constant 0 : index
        %swap3A_349 = tpu.vector_load %arg16[%swap3A_348] {strides = array<i32>} : memref<80xi32, #tpu.memory_space<vmem>>, vector<16xi32>,
        tpu.vector_store %arg16[%swap3A_348], %get3A_347 {strides = array<i32>} : memref<80xi32, #tpu.memory_space<vmem>>, vector<16xi32>,
        %mul3A_350 = arith.constant 80 : i32
        %mul3A_351 = arith.muli %add3A_339, %mul3A_350 : i32
        %add3A_352 = arith.constant 16 : i32
        %add3A_353 = arith.addi %mul3A_351, %add3A_352 : i32
        %get3A_354 = arith.constant 0 : i32
        %get3A_355 = arith.index_cast %get3A_354 : i32 to index
        %get3A_356 = arith.index_cast %add3A_353 : i32 to index
        %get3A_357 = tpu.vector_load %arg10[%get3A_355, %get3A_356] {strides = array<i32>} : memref<1x2000xi32, #tpu.memory_space<vmem>>, vector<16xi32>,
        %swap3A_358 = arith.constant 16 : index
        %swap3A_359 = tpu.vector_load %arg16[%swap3A_358] {strides = array<i32>} : memref<80xi32, #tpu.memory_space<vmem>>, vector<16xi32>,
        tpu.vector_store %arg16[%swap3A_358], %get3A_357 {strides = array<i32>} : memref<80xi32, #tpu.memory_space<vmem>>, vector<16xi32>,
        %mul3A_360 = arith.constant 80 : i32
        %mul3A_361 = arith.muli %add3A_339, %mul3A_360 : i32
        %add3A_362 = arith.constant 32 : i32
        %add3A_363 = arith.addi %mul3A_361, %add3A_362 : i32
        %get3A_364 = arith.constant 0 : i32
        %get3A_365 = arith.index_cast %get3A_364 : i32 to index
        %get3A_366 = arith.index_cast %add3A_363 : i32 to index
        %get3A_367 = tpu.vector_load %arg10[%get3A_365, %get3A_366] {strides = array<i32>} : memref<1x2000xi32, #tpu.memory_space<vmem>>, vector<16xi32>,
        %swap3A_368 = arith.constant 32 : index
        %swap3A_369 = tpu.vector_load %arg16[%swap3A_368] {strides = array<i32>} : memref<80xi32, #tpu.memory_space<vmem>>, vector<16xi32>,
        tpu.vector_store %arg16[%swap3A_368], %get3A_367 {strides = array<i32>} : memref<80xi32, #tpu.memory_space<vmem>>, vector<16xi32>,
        %mul3A_370 = arith.constant 80 : i32
        %mul3A_371 = arith.muli %add3A_339, %mul3A_370 : i32
        %add3A_372 = arith.constant 48 : i32
        %add3A_373 = arith.addi %mul3A_371, %add3A_372 : i32
        %get3A_374 = arith.constant 0 : i32
        %get3A_375 = arith.index_cast %get3A_374 : i32 to index
        %get3A_376 = arith.index_cast %add3A_373 : i32 to index
        %get3A_377 = tpu.vector_load %arg10[%get3A_375, %get3A_376] {strides = array<i32>} : memref<1x2000xi32, #tpu.memory_space<vmem>>, vector<16xi32>,
        %swap3A_378 = arith.constant 48 : index
        %swap3A_379 = tpu.vector_load %arg16[%swap3A_378] {strides = array<i32>} : memref<80xi32, #tpu.memory_space<vmem>>, vector<16xi32>,
        tpu.vector_store %arg16[%swap3A_378], %get3A_377 {strides = array<i32>} : memref<80xi32, #tpu.memory_space<vmem>>, vector<16xi32>,
        %mul3A_380 = arith.constant 80 : i32
        %mul3A_381 = arith.muli %add3A_339, %mul3A_380 : i32
        %add3A_382 = arith.constant 64 : i32
        %add3A_383 = arith.addi %mul3A_381, %add3A_382 : i32
        %get3A_384 = arith.constant 0 : i32
        %get3A_385 = arith.index_cast %get3A_384 : i32 to index
        %get3A_386 = arith.index_cast %add3A_383 : i32 to index
        %get3A_387 = tpu.vector_load %arg10[%get3A_385, %get3A_386] {strides = array<i32>} : memref<1x2000xi32, #tpu.memory_space<vmem>>, vector<16xi32>,
        %swap3A_388 = arith.constant 64 : index
        %swap3A_389 = tpu.vector_load %arg16[%swap3A_388] {strides = array<i32>} : memref<80xi32, #tpu.memory_space<vmem>>, vector<16xi32>,
        tpu.vector_store %arg16[%swap3A_388], %get3A_387 {strides = array<i32>} : memref<80xi32, #tpu.memory_space<vmem>>, vector<16xi32>,
        %scan3A_390 = arith.constant 0 : i32
        %scan3A_391 = arith.constant 0 : i32
        %scan3A_392 = arith.constant 80 : i32
        %scan3A_393 = arith.addi %scan3A_391, %scan3A_392 : i32
        %scan3A_394 = arith.constant 1 : i32
        scf.for %scan3A_472 = %scan3A_391 to %scan3A_393 step %scan3A_394  : i32 {
          %mul3A_473 = arith.constant 80 : i32
          %mul3A_474 = arith.muli %add3A_339, %mul3A_473 : i32
          %add3A_475 = arith.addi %mul3A_474, %scan3A_472 : i32
          %broadcast_in_dim3A_476 = vector.broadcast %add3A_475 : i32 to vector<16xi32>
          %gather3A = tpu.vector_load_idx %arg11[%broadcast_in_dim3A_1, %broadcast_in_dim3A_476] : memref<1x2000xf32, #tpu.memory_space<vmem>>[vector<16xi32>, vector<16xi32>], vector<16xf32>,
          %gather3A_477 = tpu.vector_load_idx %arg12[%broadcast_in_dim3A_1, %broadcast_in_dim3A_476] : memref<1x2000xf32, #tpu.memory_space<vmem>>[vector<16xi32>, vector<16xi32>], vector<16xf32>,
          %get3A_478 = arith.index_cast %scan3A_472 : i32 to index
          %get3A_479 = arith.constant 0 : index
          %get3A_480 = tpu.vector_load %arg18[%get3A_478, %get3A_479] {strides = array<i32>} : memref<80x128xf32, #tpu.memory_space<vmem>>, vector<16xf32>,
          %mul3A_481 = arith.mulf %get3A_480, %gather3A : vector<16xf32>
          %get3A_482 = arith.index_cast %scan3A_472 : i32 to index
          %get3A_483 = arith.constant 0 : index
          %get3A_484 = tpu.vector_load %arg20[%get3A_482, %get3A_483] {strides = array<i32>} : memref<80x128xf32, #tpu.memory_space<vmem>>, vector<16xf32>,
          %mul3A_485 = arith.mulf %get3A_484, %gather3A_477 : vector<16xf32>
          %add3A_486 = arith.addf %mul3A_481, %mul3A_485 : vector<16xf32>
          %swap3A_487 = arith.index_cast %scan3A_472 : i32 to index
          %swap3A_488 = arith.constant 0 : index
          %swap3A_489 = tpu.vector_load %arg18[%swap3A_487, %swap3A_488] {strides = array<i32>} : memref<80x128xf32, #tpu.memory_space<vmem>>, vector<16xf32>,
          tpu.vector_store %arg18[%swap3A_487, %swap3A_488], %add3A_486 {strides = array<i32>} : memref<80x128xf32, #tpu.memory_space<vmem>>, vector<16xf32>,
          %get3A_490 = arith.index_cast %scan3A_472 : i32 to index
          %get3A_491 = arith.constant 16 : index
          %get3A_492 = tpu.vector_load %arg18[%get3A_490, %get3A_491] {strides = array<i32>} : memref<80x128xf32, #tpu.memory_space<vmem>>, vector<16xf32>,
          %mul3A_493 = arith.mulf %get3A_492, %gather3A : vector<16xf32>
          %get3A_494 = arith.index_cast %scan3A_472 : i32 to index
          %get3A_495 = arith.constant 16 : index
          %get3A_496 = tpu.vector_load %arg20[%get3A_494, %get3A_495] {strides = array<i32>} : memref<80x128xf32, #tpu.memory_space<vmem>>, vector<16xf32>,
          %mul3A_497 = arith.mulf %get3A_496, %gather3A_477 : vector<16xf32>
          %add3A_498 = arith.addf %mul3A_493, %mul3A_497 : vector<16xf32>
          %swap3A_499 = arith.index_cast %scan3A_472 : i32 to index
          %swap3A_500 = arith.constant 16 : index
          %swap3A_501 = tpu.vector_load %arg18[%swap3A_499, %swap3A_500] {strides = array<i32>} : memref<80x128xf32, #tpu.memory_space<vmem>>, vector<16xf32>,
          tpu.vector_store %arg18[%swap3A_499, %swap3A_500], %add3A_498 {strides = array<i32>} : memref<80x128xf32, #tpu.memory_space<vmem>>, vector<16xf32>,
          %get3A_502 = arith.index_cast %scan3A_472 : i32 to index
          %get3A_503 = arith.constant 32 : index
          %get3A_504 = tpu.vector_load %arg18[%get3A_502, %get3A_503] {strides = array<i32>} : memref<80x128xf32, #tpu.memory_space<vmem>>, vector<16xf32>,
          %mul3A_505 = arith.mulf %get3A_504, %gather3A : vector<16xf32>
          %get3A_506 = arith.index_cast %scan3A_472 : i32 to index
          %get3A_507 = arith.constant 32 : index
          %get3A_508 = tpu.vector_load %arg20[%get3A_506, %get3A_507] {strides = array<i32>} : memref<80x128xf32, #tpu.memory_space<vmem>>, vector<16xf32>,
          %mul3A_509 = arith.mulf %get3A_508, %gather3A_477 : vector<16xf32>
          %add3A_510 = arith.addf %mul3A_505, %mul3A_509 : vector<16xf32>
          %swap3A_511 = arith.index_cast %scan3A_472 : i32 to index
          %swap3A_512 = arith.constant 32 : index
          %swap3A_513 = tpu.vector_load %arg18[%swap3A_511, %swap3A_512] {strides = array<i32>} : memref<80x128xf32, #tpu.memory_space<vmem>>, vector<16xf32>,
          tpu.vector_store %arg18[%swap3A_511, %swap3A_512], %add3A_510 {strides = array<i32>} : memref<80x128xf32, #tpu.memory_space<vmem>>, vector<16xf32>,
          %get3A_514 = arith.index_cast %scan3A_472 : i32 to index
          %get3A_515 = arith.constant 48 : index
          %get3A_516 = tpu.vector_load %arg18[%get3A_514, %get3A_515] {strides = array<i32>} : memref<80x128xf32, #tpu.memory_space<vmem>>, vector<16xf32>,
          %mul3A_517 = arith.mulf %get3A_516, %gather3A : vector<16xf32>
          %get3A_518 = arith.index_cast %scan3A_472 : i32 to index
          %get3A_519 = arith.constant 48 : index
          %get3A_520 = tpu.vector_load %arg20[%get3A_518, %get3A_519] {strides = array<i32>} : memref<80x128xf32, #tpu.memory_space<vmem>>, vector<16xf32>,
          %mul3A_521 = arith.mulf %get3A_520, %gather3A_477 : vector<16xf32>
          %add3A_522 = arith.addf %mul3A_517, %mul3A_521 : vector<16xf32>
          %swap3A_523 = arith.index_cast %scan3A_472 : i32 to index
          %swap3A_524 = arith.constant 48 : index
          %swap3A_525 = tpu.vector_load %arg18[%swap3A_523, %swap3A_524] {strides = array<i32>} : memref<80x128xf32, #tpu.memory_space<vmem>>, vector<16xf32>,
          tpu.vector_store %arg18[%swap3A_523, %swap3A_524], %add3A_522 {strides = array<i32>} : memref<80x128xf32, #tpu.memory_space<vmem>>, vector<16xf32>,
          %get3A_526 = arith.index_cast %scan3A_472 : i32 to index
          %get3A_527 = arith.constant 64 : index
          %get3A_528 = tpu.vector_load %arg18[%get3A_526, %get3A_527] {strides = array<i32>} : memref<80x128xf32, #tpu.memory_space<vmem>>, vector<16xf32>,
          %mul3A_529 = arith.mulf %get3A_528, %gather3A : vector<16xf32>
          %get3A_530 = arith.index_cast %scan3A_472 : i32 to index
          %get3A_531 = arith.constant 64 : index
          %get3A_532 = tpu.vector_load %arg20[%get3A_530, %get3A_531] {strides = array<i32>} : memref<80x128xf32, #tpu.memory_space<vmem>>, vector<16xf32>,
          %mul3A_533 = arith.mulf %get3A_532, %gather3A_477 : vector<16xf32>
          %add3A_534 = arith.addf %mul3A_529, %mul3A_533 : vector<16xf32>
          %swap3A_535 = arith.index_cast %scan3A_472 : i32 to index
          %swap3A_536 = arith.constant 64 : index
          %swap3A_537 = tpu.vector_load %arg18[%swap3A_535, %swap3A_536] {strides = array<i32>} : memref<80x128xf32, #tpu.memory_space<vmem>>, vector<16xf32>,
          tpu.vector_store %arg18[%swap3A_535, %swap3A_536], %add3A_534 {strides = array<i32>} : memref<80x128xf32, #tpu.memory_space<vmem>>, vector<16xf32>,
          %get3A_538 = arith.index_cast %scan3A_472 : i32 to index
          %get3A_539 = arith.constant 80 : index
          %get3A_540 = tpu.vector_load %arg18[%get3A_538, %get3A_539] {strides = array<i32>} : memref<80x128xf32, #tpu.memory_space<vmem>>, vector<16xf32>,
          %mul3A_541 = arith.mulf %get3A_540, %gather3A : vector<16xf32>
          %get3A_542 = arith.index_cast %scan3A_472 : i32 to index
          %get3A_543 = arith.constant 80 : index
          %get3A_544 = tpu.vector_load %arg20[%get3A_542, %get3A_543] {strides = array<i32>} : memref<80x128xf32, #tpu.memory_space<vmem>>, vector<16xf32>,
          %mul3A_545 = arith.mulf %get3A_544, %gather3A_477 : vector<16xf32>
          %add3A_546 = arith.addf %mul3A_541, %mul3A_545 : vector<16xf32>
          %swap3A_547 = arith.index_cast %scan3A_472 : i32 to index
          %swap3A_548 = arith.constant 80 : index
          %swap3A_549 = tpu.vector_load %arg18[%swap3A_547, %swap3A_548] {strides = array<i32>} : memref<80x128xf32, #tpu.memory_space<vmem>>, vector<16xf32>,
          tpu.vector_store %arg18[%swap3A_547, %swap3A_548], %add3A_546 {strides = array<i32>} : memref<80x128xf32, #tpu.memory_space<vmem>>, vector<16xf32>,
          %get3A_550 = arith.index_cast %scan3A_472 : i32 to index
          %get3A_551 = arith.constant 96 : index
          %get3A_552 = tpu.vector_load %arg18[%get3A_550, %get3A_551] {strides = array<i32>} : memref<80x128xf32, #tpu.memory_space<vmem>>, vector<16xf32>,
          %mul3A_553 = arith.mulf %get3A_552, %gather3A : vector<16xf32>
          %get3A_554 = arith.index_cast %scan3A_472 : i32 to index
          %get3A_555 = arith.constant 96 : index
          %get3A_556 = tpu.vector_load %arg20[%get3A_554, %get3A_555] {strides = array<i32>} : memref<80x128xf32, #tpu.memory_space<vmem>>, vector<16xf32>,
          %mul3A_557 = arith.mulf %get3A_556, %gather3A_477 : vector<16xf32>
          %add3A_558 = arith.addf %mul3A_553, %mul3A_557 : vector<16xf32>
          %swap3A_559 = arith.index_cast %scan3A_472 : i32 to index
          %swap3A_560 = arith.constant 96 : index
          %swap3A_561 = tpu.vector_load %arg18[%swap3A_559, %swap3A_560] {strides = array<i32>} : memref<80x128xf32, #tpu.memory_space<vmem>>, vector<16xf32>,
          tpu.vector_store %arg18[%swap3A_559, %swap3A_560], %add3A_558 {strides = array<i32>} : memref<80x128xf32, #tpu.memory_space<vmem>>, vector<16xf32>,
          %get3A_562 = arith.index_cast %scan3A_472 : i32 to index
          %get3A_563 = arith.constant 112 : index
          %get3A_564 = tpu.vector_load %arg18[%get3A_562, %get3A_563] {strides = array<i32>} : memref<80x128xf32, #tpu.memory_space<vmem>>, vector<16xf32>,
          %mul3A_565 = arith.mulf %get3A_564, %gather3A : vector<16xf32>
          %get3A_566 = arith.index_cast %scan3A_472 : i32 to index
          %get3A_567 = arith.constant 112 : index
          %get3A_568 = tpu.vector_load %arg20[%get3A_566, %get3A_567] {strides = array<i32>} : memref<80x128xf32, #tpu.memory_space<vmem>>, vector<16xf32>,
          %mul3A_569 = arith.mulf %get3A_568, %gather3A_477 : vector<16xf32>
          %add3A_570 = arith.addf %mul3A_565, %mul3A_569 : vector<16xf32>
          %swap3A_571 = arith.index_cast %scan3A_472 : i32 to index
          %swap3A_572 = arith.constant 112 : index
          %swap3A_573 = tpu.vector_load %arg18[%swap3A_571, %swap3A_572] {strides = array<i32>} : memref<80x128xf32, #tpu.memory_space<vmem>>, vector<16xf32>,
          tpu.vector_store %arg18[%swap3A_571, %swap3A_572], %add3A_570 {strides = array<i32>} : memref<80x128xf32, #tpu.memory_space<vmem>>, vector<16xf32>,
        }
        %scan3A_395 = arith.constant 80 : i32
        %dma_start3A_396 = arith.constant 0 : i32
        %dma_start3A_397 = arith.constant 0 : i32
        %dma_start3A_398 = tpu.memref_slice %arg21[%dma_start3A_396, %dma_start3A_397] : memref<10000x128xf32, #tpu.memory_space<vmem_shared>> -> memref<10000x128xf32, #tpu.memory_space<vmem_shared>>
        tpu.enqueue_indirect_dma source(%arg18 : memref<80x128xf32, #tpu.memory_space<vmem>>) target(%dma_start3A_398 : memref<10000x128xf32, #tpu.memory_space<vmem_shared>>) offsets(%arg16 : memref<80xi32, #tpu.memory_space<vmem>>) semaphore(%arg25 : memref<!tpu.dma_semaphore, #tpu.memory_space<semaphore_mem>>) {add = true}
        %dma_wait3A_399 = arith.constant 0 : i32
        %dma_wait3A_400 = arith.constant 0 : i32
        %dma_wait3A_401 = tpu.memref_slice %arg21[%dma_wait3A_399, %dma_wait3A_400] : memref<10000x128xf32, #tpu.memory_space<vmem_shared>> -> memref<10000x128xf32, #tpu.memory_space<vmem_shared>>
        tpu.wait_indirect_dma semaphore(%arg24 : memref<!tpu.dma_semaphore, #tpu.memory_space<semaphore_mem>>) src(%arg17 : memref<80x128xf32, #tpu.memory_space<vmem>>) dst(%dma_wait3A_401 : memref<10000x128xf32, #tpu.memory_space<vmem_shared>>)
        %add3A_402 = arith.constant 2 : i32
        %add3A_403 = arith.addi %mul3A_260, %add3A_402 : i32
        %mul3A_404 = arith.constant 80 : i32
        %mul3A_405 = arith.muli %add3A_403, %mul3A_404 : i32
        %add3A_406 = arith.constant 0 : i32
        %add3A_407 = arith.addi %mul3A_405, %add3A_406 : i32
        %get3A_408 = arith.constant 0 : i32
        %get3A_409 = arith.index_cast %get3A_408 : i32 to index
        %get3A_410 = arith.index_cast %add3A_407 : i32 to index
        %get3A_411 = tpu.vector_load %arg9[%get3A_409, %get3A_410] {strides = array<i32>} : memref<1x2000xi32, #tpu.memory_space<vmem>>, vector<16xi32>,
        %swap3A_412 = arith.constant 0 : index
        %swap3A_413 = tpu.vector_load %arg13[%swap3A_412] {strides = array<i32>} : memref<80xi32, #tpu.memory_space<vmem>>, vector<16xi32>,
        tpu.vector_store %arg13[%swap3A_412], %get3A_411 {strides = array<i32>} : memref<80xi32, #tpu.memory_space<vmem>>, vector<16xi32>,
        %mul3A_414 = arith.constant 80 : i32
        %mul3A_415 = arith.muli %add3A_403, %mul3A_414 : i32
        %add3A_416 = arith.constant 16 : i32
        %add3A_417 = arith.addi %mul3A_415, %add3A_416 : i32
        %get3A_418 = arith.constant 0 : i32
        %get3A_419 = arith.index_cast %get3A_418 : i32 to index
        %get3A_420 = arith.index_cast %add3A_417 : i32 to index
        %get3A_421 = tpu.vector_load %arg9[%get3A_419, %get3A_420] {strides = array<i32>} : memref<1x2000xi32, #tpu.memory_space<vmem>>, vector<16xi32>,
        %swap3A_422 = arith.constant 16 : index
        %swap3A_423 = tpu.vector_load %arg13[%swap3A_422] {strides = array<i32>} : memref<80xi32, #tpu.memory_space<vmem>>, vector<16xi32>,
        tpu.vector_store %arg13[%swap3A_422], %get3A_421 {strides = array<i32>} : memref<80xi32, #tpu.memory_space<vmem>>, vector<16xi32>,
        %mul3A_424 = arith.constant 80 : i32
        %mul3A_425 = arith.muli %add3A_403, %mul3A_424 : i32
        %add3A_426 = arith.constant 32 : i32
        %add3A_427 = arith.addi %mul3A_425, %add3A_426 : i32
        %get3A_428 = arith.constant 0 : i32
        %get3A_429 = arith.index_cast %get3A_428 : i32 to index
        %get3A_430 = arith.index_cast %add3A_427 : i32 to index
        %get3A_431 = tpu.vector_load %arg9[%get3A_429, %get3A_430] {strides = array<i32>} : memref<1x2000xi32, #tpu.memory_space<vmem>>, vector<16xi32>,
        %swap3A_432 = arith.constant 32 : index
        %swap3A_433 = tpu.vector_load %arg13[%swap3A_432] {strides = array<i32>} : memref<80xi32, #tpu.memory_space<vmem>>, vector<16xi32>,
        tpu.vector_store %arg13[%swap3A_432], %get3A_431 {strides = array<i32>} : memref<80xi32, #tpu.memory_space<vmem>>, vector<16xi32>,
        %mul3A_434 = arith.constant 80 : i32
        %mul3A_435 = arith.muli %add3A_403, %mul3A_434 : i32
        %add3A_436 = arith.constant 48 : i32
        %add3A_437 = arith.addi %mul3A_435, %add3A_436 : i32
        %get3A_438 = arith.constant 0 : i32
        %get3A_439 = arith.index_cast %get3A_438 : i32 to index
        %get3A_440 = arith.index_cast %add3A_437 : i32 to index
        %get3A_441 = tpu.vector_load %arg9[%get3A_439, %get3A_440] {strides = array<i32>} : memref<1x2000xi32, #tpu.memory_space<vmem>>, vector<16xi32>,
        %swap3A_442 = arith.constant 48 : index
        %swap3A_443 = tpu.vector_load %arg13[%swap3A_442] {strides = array<i32>} : memref<80xi32, #tpu.memory_space<vmem>>, vector<16xi32>,
        tpu.vector_store %arg13[%swap3A_442], %get3A_441 {strides = array<i32>} : memref<80xi32, #tpu.memory_space<vmem>>, vector<16xi32>,
        %mul3A_444 = arith.constant 80 : i32
        %mul3A_445 = arith.muli %add3A_403, %mul3A_444 : i32
        %add3A_446 = arith.constant 64 : i32
        %add3A_447 = arith.addi %mul3A_445, %add3A_446 : i32
        %get3A_448 = arith.constant 0 : i32
        %get3A_449 = arith.index_cast %get3A_448 : i32 to index
        %get3A_450 = arith.index_cast %add3A_447 : i32 to index
        %get3A_451 = tpu.vector_load %arg9[%get3A_449, %get3A_450] {strides = array<i32>} : memref<1x2000xi32, #tpu.memory_space<vmem>>, vector<16xi32>,
        %swap3A_452 = arith.constant 64 : index
        %swap3A_453 = tpu.vector_load %arg13[%swap3A_452] {strides = array<i32>} : memref<80xi32, #tpu.memory_space<vmem>>, vector<16xi32>,
        tpu.vector_store %arg13[%swap3A_452], %get3A_451 {strides = array<i32>} : memref<80xi32, #tpu.memory_space<vmem>>, vector<16xi32>,
        %mul3A_454 = arith.constant 80 : i32
        %mul3A_455 = arith.muli %add3A_403, %mul3A_454 : i32
        %add3A_456 = arith.addi %mul3A_62, %mul3A_455 : i32
        %dma_start3A_457 = arith.constant 0 : i32
        %dma_start3A_458 = tpu.memref_slice %arg6[%add3A_456, %dma_start3A_457] : memref<320000x128xf32, #tpu.memory_space<hbm>> -> memref<80x128xf32, #tpu.memory_space<hbm>>
        %dma_start3A_459 = arith.constant 0 : i32
        %dma_start3A_460 = tpu.memref_slice %arg6[%add3A_456, %dma_start3A_459] : memref<320000x128xf32, #tpu.memory_space<hbm>> -> memref<80x128xf32, #tpu.memory_space<hbm>>
        tpu.enqueue_dma source(%dma_start3A_460 : memref<80x128xf32, #tpu.memory_space<hbm>>) target(%arg19 : memref<80x128xf32, #tpu.memory_space<vmem>>) target_semaphore(%arg22 : memref<!tpu.dma_semaphore, #tpu.memory_space<semaphore_mem>>)
        %dma_start3A_461 = arith.constant 0 : i32
        %dma_start3A_462 = arith.constant 0 : i32
        %dma_start3A_463 = tpu.memref_slice %arg7[%dma_start3A_461, %dma_start3A_462] : memref<10000x128xf32, #tpu.memory_space<hbm>> -> memref<10000x128xf32, #tpu.memory_space<hbm>>
        tpu.enqueue_indirect_dma source(%dma_start3A_463 : memref<10000x128xf32, #tpu.memory_space<hbm>>) target(%arg17 : memref<80x128xf32, #tpu.memory_space<vmem>>) offsets(%arg13 : memref<80xi32, #tpu.memory_space<vmem>>) semaphore(%arg22 : memref<!tpu.dma_semaphore, #tpu.memory_space<semaphore_mem>>)
        %dma_wait3A_464 = arith.constant 0 : i32
        %dma_wait3A_465 = arith.constant 0 : i32
        %dma_wait3A_466 = tpu.memref_slice %arg21[%dma_wait3A_464, %dma_wait3A_465] : memref<10000x128xf32, #tpu.memory_space<vmem_shared>> -> memref<10000x128xf32, #tpu.memory_space<vmem_shared>>
        tpu.wait_indirect_dma semaphore(%arg25 : memref<!tpu.dma_semaphore, #tpu.memory_space<semaphore_mem>>) src(%arg18 : memref<80x128xf32, #tpu.memory_space<vmem>>) dst(%dma_wait3A_466 : memref<10000x128xf32, #tpu.memory_space<vmem_shared>>)
        %add3A_467 = arith.constant 3 : i32
        %add3A_468 = arith.addi %mul3A_260, %add3A_467 : i32
        %lt3A_469 = arith.constant 25 : i32
        %lt3A_470 = arith.cmpi slt, %add3A_468, %lt3A_469 : i32
        %convert_element_type3A = arith.extui %lt3A_470 : i1 to i32
        %cond3A = arith.constant 0 : i32
        %cond3A_471 = arith.cmpi ne, %convert_element_type3A, %cond3A : i32
        scf.if %cond3A_471 {
          %add3A_472 = arith.constant 3 : i32
          %add3A_473 = arith.addi %mul3A_260, %add3A_472 : i32
          %mul3A_474 = arith.constant 80 : i32
          %mul3A_475 = arith.muli %add3A_473, %mul3A_474 : i32
          %add3A_476 = arith.constant 0 : i32
          %add3A_477 = arith.addi %mul3A_475, %add3A_476 : i32
          %get3A_478 = arith.constant 0 : i32
          %get3A_479 = arith.index_cast %get3A_478 : i32 to index
          %get3A_480 = arith.index_cast %add3A_477 : i32 to index
          %get3A_481 = tpu.vector_load %arg9[%get3A_479, %get3A_480] {strides = array<i32>} : memref<1x2000xi32, #tpu.memory_space<vmem>>, vector<16xi32>,
          %swap3A_482 = arith.constant 0 : index
          %swap3A_483 = tpu.vector_load %arg14[%swap3A_482] {strides = array<i32>} : memref<80xi32, #tpu.memory_space<vmem>>, vector<16xi32>,
          tpu.vector_store %arg14[%swap3A_482], %get3A_481 {strides = array<i32>} : memref<80xi32, #tpu.memory_space<vmem>>, vector<16xi32>,
          %mul3A_484 = arith.constant 80 : i32
          %mul3A_485 = arith.muli %add3A_473, %mul3A_484 : i32
          %add3A_486 = arith.constant 16 : i32
          %add3A_487 = arith.addi %mul3A_485, %add3A_486 : i32
          %get3A_488 = arith.constant 0 : i32
          %get3A_489 = arith.index_cast %get3A_488 : i32 to index
          %get3A_490 = arith.index_cast %add3A_487 : i32 to index
          %get3A_491 = tpu.vector_load %arg9[%get3A_489, %get3A_490] {strides = array<i32>} : memref<1x2000xi32, #tpu.memory_space<vmem>>, vector<16xi32>,
          %swap3A_492 = arith.constant 16 : index
          %swap3A_493 = tpu.vector_load %arg14[%swap3A_492] {strides = array<i32>} : memref<80xi32, #tpu.memory_space<vmem>>, vector<16xi32>,
          tpu.vector_store %arg14[%swap3A_492], %get3A_491 {strides = array<i32>} : memref<80xi32, #tpu.memory_space<vmem>>, vector<16xi32>,
          %mul3A_494 = arith.constant 80 : i32
          %mul3A_495 = arith.muli %add3A_473, %mul3A_494 : i32
          %add3A_496 = arith.constant 32 : i32
          %add3A_497 = arith.addi %mul3A_495, %add3A_496 : i32
          %get3A_498 = arith.constant 0 : i32
          %get3A_499 = arith.index_cast %get3A_498 : i32 to index
          %get3A_500 = arith.index_cast %add3A_497 : i32 to index
          %get3A_501 = tpu.vector_load %arg9[%get3A_499, %get3A_500] {strides = array<i32>} : memref<1x2000xi32, #tpu.memory_space<vmem>>, vector<16xi32>,
          %swap3A_502 = arith.constant 32 : index
          %swap3A_503 = tpu.vector_load %arg14[%swap3A_502] {strides = array<i32>} : memref<80xi32, #tpu.memory_space<vmem>>, vector<16xi32>,
          tpu.vector_store %arg14[%swap3A_502], %get3A_501 {strides = array<i32>} : memref<80xi32, #tpu.memory_space<vmem>>, vector<16xi32>,
          %mul3A_504 = arith.constant 80 : i32
          %mul3A_505 = arith.muli %add3A_473, %mul3A_504 : i32
          %add3A_506 = arith.constant 48 : i32
          %add3A_507 = arith.addi %mul3A_505, %add3A_506 : i32
          %get3A_508 = arith.constant 0 : i32
          %get3A_509 = arith.index_cast %get3A_508 : i32 to index
          %get3A_510 = arith.index_cast %add3A_507 : i32 to index
          %get3A_511 = tpu.vector_load %arg9[%get3A_509, %get3A_510] {strides = array<i32>} : memref<1x2000xi32, #tpu.memory_space<vmem>>, vector<16xi32>,
          %swap3A_512 = arith.constant 48 : index
          %swap3A_513 = tpu.vector_load %arg14[%swap3A_512] {strides = array<i32>} : memref<80xi32, #tpu.memory_space<vmem>>, vector<16xi32>,
          tpu.vector_store %arg14[%swap3A_512], %get3A_511 {strides = array<i32>} : memref<80xi32, #tpu.memory_space<vmem>>, vector<16xi32>,
          %mul3A_514 = arith.constant 80 : i32
          %mul3A_515 = arith.muli %add3A_473, %mul3A_514 : i32
          %add3A_516 = arith.constant 64 : i32
          %add3A_517 = arith.addi %mul3A_515, %add3A_516 : i32
          %get3A_518 = arith.constant 0 : i32
          %get3A_519 = arith.index_cast %get3A_518 : i32 to index
          %get3A_520 = arith.index_cast %add3A_517 : i32 to index
          %get3A_521 = tpu.vector_load %arg9[%get3A_519, %get3A_520] {strides = array<i32>} : memref<1x2000xi32, #tpu.memory_space<vmem>>, vector<16xi32>,
          %swap3A_522 = arith.constant 64 : index
          %swap3A_523 = tpu.vector_load %arg14[%swap3A_522] {strides = array<i32>} : memref<80xi32, #tpu.memory_space<vmem>>, vector<16xi32>,
          tpu.vector_store %arg14[%swap3A_522], %get3A_521 {strides = array<i32>} : memref<80xi32, #tpu.memory_space<vmem>>, vector<16xi32>,
          %mul3A_524 = arith.constant 80 : i32
          %mul3A_525 = arith.muli %add3A_473, %mul3A_524 : i32
          %add3A_526 = arith.addi %mul3A_62, %mul3A_525 : i32
          %dma_start3A_527 = arith.constant 0 : i32
          %dma_start3A_528 = tpu.memref_slice %arg6[%add3A_526, %dma_start3A_527] : memref<320000x128xf32, #tpu.memory_space<hbm>> -> memref<80x128xf32, #tpu.memory_space<hbm>>
          %dma_start3A_529 = arith.constant 0 : i32
          %dma_start3A_530 = tpu.memref_slice %arg6[%add3A_526, %dma_start3A_529] : memref<320000x128xf32, #tpu.memory_space<hbm>> -> memref<80x128xf32, #tpu.memory_space<hbm>>
          tpu.enqueue_dma source(%dma_start3A_530 : memref<80x128xf32, #tpu.memory_space<hbm>>) target(%arg20 : memref<80x128xf32, #tpu.memory_space<vmem>>) target_semaphore(%arg23 : memref<!tpu.dma_semaphore, #tpu.memory_space<semaphore_mem>>)
          %dma_start3A_531 = arith.constant 0 : i32
          %dma_start3A_532 = arith.constant 0 : i32
          %dma_start3A_533 = tpu.memref_slice %arg7[%dma_start3A_531, %dma_start3A_532] : memref<10000x128xf32, #tpu.memory_space<hbm>> -> memref<10000x128xf32, #tpu.memory_space<hbm>>
          tpu.enqueue_indirect_dma source(%dma_start3A_533 : memref<10000x128xf32, #tpu.memory_space<hbm>>) target(%arg18 : memref<80x128xf32, #tpu.memory_space<vmem>>) offsets(%arg14 : memref<80xi32, #tpu.memory_space<vmem>>) semaphore(%arg23 : memref<!tpu.dma_semaphore, #tpu.memory_space<semaphore_mem>>)
        } else {
        }
      }
      %scan3A_206 = arith.constant 12 : i32
      %dma_wait3A_207 = arith.constant 0 : i32
      %dma_wait3A_208 = arith.constant 0 : i32
      %dma_wait3A_209 = tpu.memref_slice %arg6[%dma_wait3A_207, %dma_wait3A_208] : memref<320000x128xf32, #tpu.memory_space<hbm>> -> memref<80x128xf32, #tpu.memory_space<hbm>>
      %dma_wait3A_210 = arith.constant 0 : i32
      %dma_wait3A_211 = arith.constant 0 : i32
      %dma_wait3A_212 = tpu.memref_slice %arg6[%dma_wait3A_210, %dma_wait3A_211] : memref<320000x128xf32, #tpu.memory_space<hbm>> -> memref<80x128xf32, #tpu.memory_space<hbm>>
      tpu.wait_dma2 semaphore(%arg22 : memref<!tpu.dma_semaphore, #tpu.memory_space<semaphore_mem>>) src(%dma_wait3A_212 : memref<80x128xf32, #tpu.memory_space<hbm>>) dst(%arg19 : memref<80x128xf32, #tpu.memory_space<vmem>>)
      %dma_wait3A_213 = arith.constant 0 : i32
      %dma_wait3A_214 = arith.constant 0 : i32
      %dma_wait3A_215 = tpu.memref_slice %arg7[%dma_wait3A_213, %dma_wait3A_214] : memref<10000x128xf32, #tpu.memory_space<hbm>> -> memref<10000x128xf32, #tpu.memory_space<hbm>>
      tpu.wait_indirect_dma semaphore(%arg22 : memref<!tpu.dma_semaphore, #tpu.memory_space<semaphore_mem>>) src(%dma_wait3A_215 : memref<10000x128xf32, #tpu.memory_space<hbm>>) dst(%arg17 : memref<80x128xf32, #tpu.memory_space<vmem>>)
      %get3A_216 = arith.constant 0 : i32
      %get3A_217 = arith.index_cast %get3A_216 : i32 to index
      %get3A_218 = arith.constant 1920 : index
      %get3A_219 = tpu.vector_load %arg10[%get3A_217, %get3A_218] {strides = array<i32>} : memref<1x2000xi32, #tpu.memory_space<vmem>>, vector<16xi32>,
      %swap3A_220 = arith.constant 0 : index
      %swap3A_221 = tpu.vector_load %arg15[%swap3A_220] {strides = array<i32>} : memref<80xi32, #tpu.memory_space<vmem>>, vector<16xi32>,
      tpu.vector_store %arg15[%swap3A_220], %get3A_219 {strides = array<i32>} : memref<80xi32, #tpu.memory_space<vmem>>, vector<16xi32>,
      %get3A_222 = arith.constant 0 : i32
      %get3A_223 = arith.index_cast %get3A_222 : i32 to index
      %get3A_224 = arith.constant 1936 : index
      %get3A_225 = tpu.vector_load %arg10[%get3A_223, %get3A_224] {strides = array<i32>} : memref<1x2000xi32, #tpu.memory_space<vmem>>, vector<16xi32>,
      %swap3A_226 = arith.constant 16 : index
      %swap3A_227 = tpu.vector_load %arg15[%swap3A_226] {strides = array<i32>} : memref<80xi32, #tpu.memory_space<vmem>>, vector<16xi32>,
      tpu.vector_store %arg15[%swap3A_226], %get3A_225 {strides = array<i32>} : memref<80xi32, #tpu.memory_space<vmem>>, vector<16xi32>,
      %get3A_228 = arith.constant 0 : i32
      %get3A_229 = arith.index_cast %get3A_228 : i32 to index
      %get3A_230 = arith.constant 1952 : index
      %get3A_231 = tpu.vector_load %arg10[%get3A_229, %get3A_230] {strides = array<i32>} : memref<1x2000xi32, #tpu.memory_space<vmem>>, vector<16xi32>,
      %swap3A_232 = arith.constant 32 : index
      %swap3A_233 = tpu.vector_load %arg15[%swap3A_232] {strides = array<i32>} : memref<80xi32, #tpu.memory_space<vmem>>, vector<16xi32>,
      tpu.vector_store %arg15[%swap3A_232], %get3A_231 {strides = array<i32>} : memref<80xi32, #tpu.memory_space<vmem>>, vector<16xi32>,
      %get3A_234 = arith.constant 0 : i32
      %get3A_235 = arith.index_cast %get3A_234 : i32 to index
      %get3A_236 = arith.constant 1968 : index
      %get3A_237 = tpu.vector_load %arg10[%get3A_235, %get3A_236] {strides = array<i32>} : memref<1x2000xi32, #tpu.memory_space<vmem>>, vector<16xi32>,
      %swap3A_238 = arith.constant 48 : index
      %swap3A_239 = tpu.vector_load %arg15[%swap3A_238] {strides = array<i32>} : memref<80xi32, #tpu.memory_space<vmem>>, vector<16xi32>,
      tpu.vector_store %arg15[%swap3A_238], %get3A_237 {strides = array<i32>} : memref<80xi32, #tpu.memory_space<vmem>>, vector<16xi32>,
      %get3A_240 = arith.constant 0 : i32
      %get3A_241 = arith.index_cast %get3A_240 : i32 to index
      %get3A_242 = arith.constant 1984 : index
      %get3A_243 = tpu.vector_load %arg10[%get3A_241, %get3A_242] {strides = array<i32>} : memref<1x2000xi32, #tpu.memory_space<vmem>>, vector<16xi32>,
      %swap3A_244 = arith.constant 64 : index
      %swap3A_245 = tpu.vector_load %arg15[%swap3A_244] {strides = array<i32>} : memref<80xi32, #tpu.memory_space<vmem>>, vector<16xi32>,
      tpu.vector_store %arg15[%swap3A_244], %get3A_243 {strides = array<i32>} : memref<80xi32, #tpu.memory_space<vmem>>, vector<16xi32>,
      %scan3A_246 = arith.constant 0 : i32
      %scan3A_247 = arith.constant 0 : i32
      %scan3A_248 = arith.constant 80 : i32
      %scan3A_249 = arith.addi %scan3A_247, %scan3A_248 : i32
      %scan3A_250 = arith.constant 1 : i32
      scf.for %scan3A_258 = %scan3A_247 to %scan3A_249 step %scan3A_250  : i32 {
        %add3A_259 = arith.constant 1920 : i32
        %add3A_260 = arith.addi %add3A_259, %scan3A_258 : i32
        %broadcast_in_dim3A_261 = vector.broadcast %add3A_260 : i32 to vector<16xi32>
        %gather3A = tpu.vector_load_idx %arg11[%broadcast_in_dim3A_1, %broadcast_in_dim3A_261] : memref<1x2000xf32, #tpu.memory_space<vmem>>[vector<16xi32>, vector<16xi32>], vector<16xf32>,
        %gather3A_262 = tpu.vector_load_idx %arg12[%broadcast_in_dim3A_1, %broadcast_in_dim3A_261] : memref<1x2000xf32, #tpu.memory_space<vmem>>[vector<16xi32>, vector<16xi32>], vector<16xf32>,
        %get3A_263 = arith.index_cast %scan3A_258 : i32 to index
        %get3A_264 = arith.constant 0 : index
        %get3A_265 = tpu.vector_load %arg17[%get3A_263, %get3A_264] {strides = array<i32>} : memref<80x128xf32, #tpu.memory_space<vmem>>, vector<16xf32>,
        %mul3A_266 = arith.mulf %get3A_265, %gather3A : vector<16xf32>
        %get3A_267 = arith.index_cast %scan3A_258 : i32 to index
        %get3A_268 = arith.constant 0 : index
        %get3A_269 = tpu.vector_load %arg19[%get3A_267, %get3A_268] {strides = array<i32>} : memref<80x128xf32, #tpu.memory_space<vmem>>, vector<16xf32>,
        %mul3A_270 = arith.mulf %get3A_269, %gather3A_262 : vector<16xf32>
        %add3A_271 = arith.addf %mul3A_266, %mul3A_270 : vector<16xf32>
        %swap3A_272 = arith.index_cast %scan3A_258 : i32 to index
        %swap3A_273 = arith.constant 0 : index
        %swap3A_274 = tpu.vector_load %arg17[%swap3A_272, %swap3A_273] {strides = array<i32>} : memref<80x128xf32, #tpu.memory_space<vmem>>, vector<16xf32>,
        tpu.vector_store %arg17[%swap3A_272, %swap3A_273], %add3A_271 {strides = array<i32>} : memref<80x128xf32, #tpu.memory_space<vmem>>, vector<16xf32>,
        %get3A_275 = arith.index_cast %scan3A_258 : i32 to index
        %get3A_276 = arith.constant 16 : index
        %get3A_277 = tpu.vector_load %arg17[%get3A_275, %get3A_276] {strides = array<i32>} : memref<80x128xf32, #tpu.memory_space<vmem>>, vector<16xf32>,
        %mul3A_278 = arith.mulf %get3A_277, %gather3A : vector<16xf32>
        %get3A_279 = arith.index_cast %scan3A_258 : i32 to index
        %get3A_280 = arith.constant 16 : index
        %get3A_281 = tpu.vector_load %arg19[%get3A_279, %get3A_280] {strides = array<i32>} : memref<80x128xf32, #tpu.memory_space<vmem>>, vector<16xf32>,
        %mul3A_282 = arith.mulf %get3A_281, %gather3A_262 : vector<16xf32>
        %add3A_283 = arith.addf %mul3A_278, %mul3A_282 : vector<16xf32>
        %swap3A_284 = arith.index_cast %scan3A_258 : i32 to index
        %swap3A_285 = arith.constant 16 : index
        %swap3A_286 = tpu.vector_load %arg17[%swap3A_284, %swap3A_285] {strides = array<i32>} : memref<80x128xf32, #tpu.memory_space<vmem>>, vector<16xf32>,
        tpu.vector_store %arg17[%swap3A_284, %swap3A_285], %add3A_283 {strides = array<i32>} : memref<80x128xf32, #tpu.memory_space<vmem>>, vector<16xf32>,
        %get3A_287 = arith.index_cast %scan3A_258 : i32 to index
        %get3A_288 = arith.constant 32 : index
        %get3A_289 = tpu.vector_load %arg17[%get3A_287, %get3A_288] {strides = array<i32>} : memref<80x128xf32, #tpu.memory_space<vmem>>, vector<16xf32>,
        %mul3A_290 = arith.mulf %get3A_289, %gather3A : vector<16xf32>
        %get3A_291 = arith.index_cast %scan3A_258 : i32 to index
        %get3A_292 = arith.constant 32 : index
        %get3A_293 = tpu.vector_load %arg19[%get3A_291, %get3A_292] {strides = array<i32>} : memref<80x128xf32, #tpu.memory_space<vmem>>, vector<16xf32>,
        %mul3A_294 = arith.mulf %get3A_293, %gather3A_262 : vector<16xf32>
        %add3A_295 = arith.addf %mul3A_290, %mul3A_294 : vector<16xf32>
        %swap3A_296 = arith.index_cast %scan3A_258 : i32 to index
        %swap3A_297 = arith.constant 32 : index
        %swap3A_298 = tpu.vector_load %arg17[%swap3A_296, %swap3A_297] {strides = array<i32>} : memref<80x128xf32, #tpu.memory_space<vmem>>, vector<16xf32>,
        tpu.vector_store %arg17[%swap3A_296, %swap3A_297], %add3A_295 {strides = array<i32>} : memref<80x128xf32, #tpu.memory_space<vmem>>, vector<16xf32>,
        %get3A_299 = arith.index_cast %scan3A_258 : i32 to index
        %get3A_300 = arith.constant 48 : index
        %get3A_301 = tpu.vector_load %arg17[%get3A_299, %get3A_300] {strides = array<i32>} : memref<80x128xf32, #tpu.memory_space<vmem>>, vector<16xf32>,
        %mul3A_302 = arith.mulf %get3A_301, %gather3A : vector<16xf32>
        %get3A_303 = arith.index_cast %scan3A_258 : i32 to index
        %get3A_304 = arith.constant 48 : index
        %get3A_305 = tpu.vector_load %arg19[%get3A_303, %get3A_304] {strides = array<i32>} : memref<80x128xf32, #tpu.memory_space<vmem>>, vector<16xf32>,
        %mul3A_306 = arith.mulf %get3A_305, %gather3A_262 : vector<16xf32>
        %add3A_307 = arith.addf %mul3A_302, %mul3A_306 : vector<16xf32>
        %swap3A_308 = arith.index_cast %scan3A_258 : i32 to index
        %swap3A_309 = arith.constant 48 : index
        %swap3A_310 = tpu.vector_load %arg17[%swap3A_308, %swap3A_309] {strides = array<i32>} : memref<80x128xf32, #tpu.memory_space<vmem>>, vector<16xf32>,
        tpu.vector_store %arg17[%swap3A_308, %swap3A_309], %add3A_307 {strides = array<i32>} : memref<80x128xf32, #tpu.memory_space<vmem>>, vector<16xf32>,
        %get3A_311 = arith.index_cast %scan3A_258 : i32 to index
        %get3A_312 = arith.constant 64 : index
        %get3A_313 = tpu.vector_load %arg17[%get3A_311, %get3A_312] {strides = array<i32>} : memref<80x128xf32, #tpu.memory_space<vmem>>, vector<16xf32>,
        %mul3A_314 = arith.mulf %get3A_313, %gather3A : vector<16xf32>
        %get3A_315 = arith.index_cast %scan3A_258 : i32 to index
        %get3A_316 = arith.constant 64 : index
        %get3A_317 = tpu.vector_load %arg19[%get3A_315, %get3A_316] {strides = array<i32>} : memref<80x128xf32, #tpu.memory_space<vmem>>, vector<16xf32>,
        %mul3A_318 = arith.mulf %get3A_317, %gather3A_262 : vector<16xf32>
        %add3A_319 = arith.addf %mul3A_314, %mul3A_318 : vector<16xf32>
        %swap3A_320 = arith.index_cast %scan3A_258 : i32 to index
        %swap3A_321 = arith.constant 64 : index
        %swap3A_322 = tpu.vector_load %arg17[%swap3A_320, %swap3A_321] {strides = array<i32>} : memref<80x128xf32, #tpu.memory_space<vmem>>, vector<16xf32>,
        tpu.vector_store %arg17[%swap3A_320, %swap3A_321], %add3A_319 {strides = array<i32>} : memref<80x128xf32, #tpu.memory_space<vmem>>, vector<16xf32>,
        %get3A_323 = arith.index_cast %scan3A_258 : i32 to index
        %get3A_324 = arith.constant 80 : index
        %get3A_325 = tpu.vector_load %arg17[%get3A_323, %get3A_324] {strides = array<i32>} : memref<80x128xf32, #tpu.memory_space<vmem>>, vector<16xf32>,
        %mul3A_326 = arith.mulf %get3A_325, %gather3A : vector<16xf32>
        %get3A_327 = arith.index_cast %scan3A_258 : i32 to index
        %get3A_328 = arith.constant 80 : index
        %get3A_329 = tpu.vector_load %arg19[%get3A_327, %get3A_328] {strides = array<i32>} : memref<80x128xf32, #tpu.memory_space<vmem>>, vector<16xf32>,
        %mul3A_330 = arith.mulf %get3A_329, %gather3A_262 : vector<16xf32>
        %add3A_331 = arith.addf %mul3A_326, %mul3A_330 : vector<16xf32>
        %swap3A_332 = arith.index_cast %scan3A_258 : i32 to index
        %swap3A_333 = arith.constant 80 : index
        %swap3A_334 = tpu.vector_load %arg17[%swap3A_332, %swap3A_333] {strides = array<i32>} : memref<80x128xf32, #tpu.memory_space<vmem>>, vector<16xf32>,
        tpu.vector_store %arg17[%swap3A_332, %swap3A_333], %add3A_331 {strides = array<i32>} : memref<80x128xf32, #tpu.memory_space<vmem>>, vector<16xf32>,
        %get3A_335 = arith.index_cast %scan3A_258 : i32 to index
        %get3A_336 = arith.constant 96 : index
        %get3A_337 = tpu.vector_load %arg17[%get3A_335, %get3A_336] {strides = array<i32>} : memref<80x128xf32, #tpu.memory_space<vmem>>, vector<16xf32>,
        %mul3A_338 = arith.mulf %get3A_337, %gather3A : vector<16xf32>
        %get3A_339 = arith.index_cast %scan3A_258 : i32 to index
        %get3A_340 = arith.constant 96 : index
        %get3A_341 = tpu.vector_load %arg19[%get3A_339, %get3A_340] {strides = array<i32>} : memref<80x128xf32, #tpu.memory_space<vmem>>, vector<16xf32>,
        %mul3A_342 = arith.mulf %get3A_341, %gather3A_262 : vector<16xf32>
        %add3A_343 = arith.addf %mul3A_338, %mul3A_342 : vector<16xf32>
        %swap3A_344 = arith.index_cast %scan3A_258 : i32 to index
        %swap3A_345 = arith.constant 96 : index
        %swap3A_346 = tpu.vector_load %arg17[%swap3A_344, %swap3A_345] {strides = array<i32>} : memref<80x128xf32, #tpu.memory_space<vmem>>, vector<16xf32>,
        tpu.vector_store %arg17[%swap3A_344, %swap3A_345], %add3A_343 {strides = array<i32>} : memref<80x128xf32, #tpu.memory_space<vmem>>, vector<16xf32>,
        %get3A_347 = arith.index_cast %scan3A_258 : i32 to index
        %get3A_348 = arith.constant 112 : index
        %get3A_349 = tpu.vector_load %arg17[%get3A_347, %get3A_348] {strides = array<i32>} : memref<80x128xf32, #tpu.memory_space<vmem>>, vector<16xf32>,
        %mul3A_350 = arith.mulf %get3A_349, %gather3A : vector<16xf32>
        %get3A_351 = arith.index_cast %scan3A_258 : i32 to index
        %get3A_352 = arith.constant 112 : index
        %get3A_353 = tpu.vector_load %arg19[%get3A_351, %get3A_352] {strides = array<i32>} : memref<80x128xf32, #tpu.memory_space<vmem>>, vector<16xf32>,
        %mul3A_354 = arith.mulf %get3A_353, %gather3A_262 : vector<16xf32>
        %add3A_355 = arith.addf %mul3A_350, %mul3A_354 : vector<16xf32>
        %swap3A_356 = arith.index_cast %scan3A_258 : i32 to index
        %swap3A_357 = arith.constant 112 : index
        %swap3A_358 = tpu.vector_load %arg17[%swap3A_356, %swap3A_357] {strides = array<i32>} : memref<80x128xf32, #tpu.memory_space<vmem>>, vector<16xf32>,
        tpu.vector_store %arg17[%swap3A_356, %swap3A_357], %add3A_355 {strides = array<i32>} : memref<80x128xf32, #tpu.memory_space<vmem>>, vector<16xf32>,
      }
      %scan3A_251 = arith.constant 80 : i32
      %dma_start3A_252 = arith.constant 0 : i32
      %dma_start3A_253 = arith.constant 0 : i32
      %dma_start3A_254 = tpu.memref_slice %arg21[%dma_start3A_252, %dma_start3A_253] : memref<10000x128xf32, #tpu.memory_space<vmem_shared>> -> memref<10000x128xf32, #tpu.memory_space<vmem_shared>>
      tpu.enqueue_indirect_dma source(%arg17 : memref<80x128xf32, #tpu.memory_space<vmem>>) target(%dma_start3A_254 : memref<10000x128xf32, #tpu.memory_space<vmem_shared>>) offsets(%arg15 : memref<80xi32, #tpu.memory_space<vmem>>) semaphore(%arg24 : memref<!tpu.dma_semaphore, #tpu.memory_space<semaphore_mem>>) {add = true}
      %dma_wait3A_255 = arith.constant 0 : i32
      %dma_wait3A_256 = arith.constant 0 : i32
      %dma_wait3A_257 = tpu.memref_slice %arg21[%dma_wait3A_255, %dma_wait3A_256] : memref<10000x128xf32, #tpu.memory_space<vmem_shared>> -> memref<10000x128xf32, #tpu.memory_space<vmem_shared>>
      tpu.wait_indirect_dma semaphore(%arg24 : memref<!tpu.dma_semaphore, #tpu.memory_space<semaphore_mem>>) src(%arg17 : memref<80x128xf32, #tpu.memory_space<vmem>>) dst(%dma_wait3A_257 : memref<10000x128xf32, #tpu.memory_space<vmem_shared>>)
    }
    %scan3A_35 = arith.constant 5 : i32
    %barrier3A_36 = arith.constant 0 : index
    tpu.barrier barrier_id(%barrier3A_36)
    %while3A_37 = arith.constant 0 : i32
    %while3A_38 = arith.constant 0 : i32
    %while3A_39 = arith.subi %add3A_10, %while3A_38 : i32
    %while3A_40 = arith.addi %while3A_38, %while3A_39 : i32
    %while3A_41 = arith.constant 1 : i32
    %while3A_42 = arith.divsi %while3A_39, %while3A_41 : i32
    %while3A_43 = arith.muli %while3A_42, %while3A_41 : i32
    %while3A_44 = arith.addi %while3A_38, %while3A_43 : i32
    %while3A_45 = arith.constant 1 : i32
    scf.for %while3A_57 = %while3A_38 to %while3A_44 step %while3A_45  : i32 {
      %mul3A_58 = arith.constant 16 : i32
      %mul3A_59 = arith.muli %while3A_57, %mul3A_58 : i32
      %add3A_60 = arith.addi %mul3A_59, %arg1 : i32
      %mul3A_61 = arith.constant 80 : i32
      %mul3A_62 = arith.muli %add3A_60, %mul3A_61 : i32
      %mul3A_63 = arith.constant 80 : i32
      %mul3A_64 = arith.muli %add3A_60, %mul3A_63 : i32
      %dma_start3A = arith.constant 0 : i32
      %dma_start3A_65 = tpu.memref_slice %arg8[%arg0, %mul3A_64, %dma_start3A] : memref<2x10000x128xf32, #tpu.memory_space<hbm>> -> memref<1x80x128xf32, #tpu.memory_space<hbm>>
      %dma_start3A_66 = tpu.memref_squeeze %dma_start3A_65 : memref<1x80x128xf32, #tpu.memory_space<hbm>> -> memref<80x128xf32, #tpu.memory_space<hbm>>
      %dma_start3A_67 = arith.constant 0 : i32
      %dma_start3A_68 = tpu.memref_slice %arg21[%mul3A_62, %dma_start3A_67] : memref<10000x128xf32, #tpu.memory_space<vmem_shared>> -> memref<80x128xf32, #tpu.memory_space<vmem_shared>>
      tpu.enqueue_dma source(%dma_start3A_68 : memref<80x128xf32, #tpu.memory_space<vmem_shared>>) target(%dma_start3A_66 : memref<80x128xf32, #tpu.memory_space<hbm>>) target_semaphore(%arg22 : memref<!tpu.dma_semaphore, #tpu.memory_space<semaphore_mem>>)
    }
    %while3A_46 = arith.constant 1 : i32
    scf.for %while3A_57 = %while3A_44 to %while3A_40 step %while3A_46  : i32 {
      %mul3A_58 = arith.constant 16 : i32
      %mul3A_59 = arith.muli %while3A_57, %mul3A_58 : i32
      %add3A_60 = arith.addi %mul3A_59, %arg1 : i32
      %mul3A_61 = arith.constant 80 : i32
      %mul3A_62 = arith.muli %add3A_60, %mul3A_61 : i32
      %mul3A_63 = arith.constant 80 : i32
      %mul3A_64 = arith.muli %add3A_60, %mul3A_63 : i32
      %dma_start3A = arith.constant 0 : i32
      %dma_start3A_65 = tpu.memref_slice %arg8[%arg0, %mul3A_64, %dma_start3A] : memref<2x10000x128xf32, #tpu.memory_space<hbm>> -> memref<1x80x128xf32, #tpu.memory_space<hbm>>
      %dma_start3A_66 = tpu.memref_squeeze %dma_start3A_65 : memref<1x80x128xf32, #tpu.memory_space<hbm>> -> memref<80x128xf32, #tpu.memory_space<hbm>>
      %dma_start3A_67 = arith.constant 0 : i32
      %dma_start3A_68 = tpu.memref_slice %arg21[%mul3A_62, %dma_start3A_67] : memref<10000x128xf32, #tpu.memory_space<vmem_shared>> -> memref<80x128xf32, #tpu.memory_space<vmem_shared>>
      tpu.enqueue_dma source(%dma_start3A_68 : memref<80x128xf32, #tpu.memory_space<vmem_shared>>) target(%dma_start3A_66 : memref<80x128xf32, #tpu.memory_space<hbm>>) target_semaphore(%arg22 : memref<!tpu.dma_semaphore, #tpu.memory_space<semaphore_mem>>)
    }
    %while3A_47 = arith.constant 0 : i32
    %while3A_48 = arith.constant 0 : i32
    %while3A_49 = arith.subi %add3A_10, %while3A_48 : i32
    %while3A_50 = arith.addi %while3A_48, %while3A_49 : i32
    %while3A_51 = arith.constant 1 : i32
    %while3A_52 = arith.divsi %while3A_49, %while3A_51 : i32
    %while3A_53 = arith.muli %while3A_52, %while3A_51 : i32
    %while3A_54 = arith.addi %while3A_48, %while3A_53 : i32
    %while3A_55 = arith.constant 1 : i32
    scf.for %while3A_57 = %while3A_48 to %while3A_54 step %while3A_55  : i32 {
      %mul3A_58 = arith.constant 16 : i32
      %mul3A_59 = arith.muli %while3A_57, %mul3A_58 : i32
      %add3A_60 = arith.addi %mul3A_59, %arg1 : i32
      %mul3A_61 = arith.constant 80 : i32
      %mul3A_62 = arith.muli %add3A_60, %mul3A_61 : i32
      %mul3A_63 = arith.constant 80 : i32
      %mul3A_64 = arith.muli %add3A_60, %mul3A_63 : i32
      %dma_wait3A = arith.constant 0 : i32
      %dma_wait3A_65 = tpu.memref_slice %arg8[%arg0, %mul3A_64, %dma_wait3A] : memref<2x10000x128xf32, #tpu.memory_space<hbm>> -> memref<1x80x128xf32, #tpu.memory_space<hbm>>
      %dma_wait3A_66 = tpu.memref_squeeze %dma_wait3A_65 : memref<1x80x128xf32, #tpu.memory_space<hbm>> -> memref<80x128xf32, #tpu.memory_space<hbm>>
      %dma_wait3A_67 = arith.constant 0 : i32
      %dma_wait3A_68 = tpu.memref_slice %arg21[%mul3A_62, %dma_wait3A_67] : memref<10000x128xf32, #tpu.memory_space<vmem_shared>> -> memref<80x128xf32, #tpu.memory_space<vmem_shared>>
      tpu.wait_dma2 semaphore(%arg22 : memref<!tpu.dma_semaphore, #tpu.memory_space<semaphore_mem>>) src(%dma_wait3A_68 : memref<80x128xf32, #tpu.memory_space<vmem_shared>>) dst(%dma_wait3A_66 : memref<80x128xf32, #tpu.memory_space<hbm>>)
    }
    %while3A_56 = arith.constant 1 : i32
    scf.for %while3A_57 = %while3A_54 to %while3A_50 step %while3A_56  : i32 {
      %mul3A_58 = arith.constant 16 : i32
      %mul3A_59 = arith.muli %while3A_57, %mul3A_58 : i32
      %add3A_60 = arith.addi %mul3A_59, %arg1 : i32
      %mul3A_61 = arith.constant 80 : i32
      %mul3A_62 = arith.muli %add3A_60, %mul3A_61 : i32
      %mul3A_63 = arith.constant 80 : i32
      %mul3A_64 = arith.muli %add3A_60, %mul3A_63 : i32
      %dma_wait3A = arith.constant 0 : i32
      %dma_wait3A_65 = tpu.memref_slice %arg8[%arg0, %mul3A_64, %dma_wait3A] : memref<2x10000x128xf32, #tpu.memory_space<hbm>> -> memref<1x80x128xf32, #tpu.memory_space<hbm>>
      %dma_wait3A_66 = tpu.memref_squeeze %dma_wait3A_65 : memref<1x80x128xf32, #tpu.memory_space<hbm>> -> memref<80x128xf32, #tpu.memory_space<hbm>>
      %dma_wait3A_67 = arith.constant 0 : i32
      %dma_wait3A_68 = tpu.memref_slice %arg21[%mul3A_62, %dma_wait3A_67] : memref<10000x128xf32, #tpu.memory_space<vmem_shared>> -> memref<80x128xf32, #tpu.memory_space<vmem_shared>>
      tpu.wait_dma2 semaphore(%arg22 : memref<!tpu.dma_semaphore, #tpu.memory_space<semaphore_mem>>) src(%dma_wait3A_68 : memref<80x128xf32, #tpu.memory_space<vmem_shared>>) dst(%dma_wait3A_66 : memref<80x128xf32, #tpu.memory_space<hbm>>)
    }
    return
  }
}

#map = affine_map<(d0, d1) -> (0, 0, 0)>
#map1 = affine_map<(d0, d1) -> (0)>
module attributes {stable_mosaic.version = 14 : i64} {
  func.func @_sc_scalars(%arg0: i32, %arg1: i32, %arg2: memref<160x1x2000xi32, #tpu.memory_space<hbm>>, %arg3: memref<160x1x2000xf32, #tpu.memory_space<hbm>>, %arg4: memref<10000xf32, #tpu.memory_space<hbm>>, %arg5: memref<160x1x2000xf32, #tpu.memory_space<hbm>>, %arg6: memref<160x1x2000xf32, #tpu.memory_space<hbm>>, %arg7: memref<10000xf32, #tpu.memory_space<vmem>>, %arg8: memref<1x2000xi32, #tpu.memory_space<vmem>>, %arg9: memref<1x2000xf32, #tpu.memory_space<vmem>>, %arg10: memref<1x2000xf32, #tpu.memory_space<vmem>>, %arg11: memref<1x2000xf32, #tpu.memory_space<vmem>>) attributes {dimension_semantics = [#tpu.dimension_semantics<core_parallel>, #tpu.dimension_semantics<subcore_parallel>], iteration_bounds = array<i64: 2, 16>, scalar_prefetch = 0 : i64, scratch_operands = 5 : i64, tpu.core_type = #tpu.core_type<sc_vector_subcore>, window_params = [{transform_indices = #map}, {transform_indices = #map}, {transform_indices = #map1}, {transform_indices = #map}, {transform_indices = #map}]} {
    %mul3A = arith.constant 2 : i32
    %mul3A_0 = arith.muli %arg1, %mul3A : i32
    %add3A = arith.addi %mul3A_0, %arg0 : i32
    "tpu.region"() ({
      %run_scoped3A = tpu.sem_alloc : memref<!tpu.dma_semaphore, #tpu.memory_space<semaphore_mem>>
      tpu.enqueue_dma source(%arg4 : memref<10000xf32, #tpu.memory_space<hbm>>) target(%arg7 : memref<10000xf32, #tpu.memory_space<vmem>>) target_semaphore(%run_scoped3A : memref<!tpu.dma_semaphore, #tpu.memory_space<semaphore_mem>>)
      tpu.wait_dma2 semaphore(%run_scoped3A : memref<!tpu.dma_semaphore, #tpu.memory_space<semaphore_mem>>) src(%arg4 : memref<10000xf32, #tpu.memory_space<hbm>>) dst(%arg7 : memref<10000xf32, #tpu.memory_space<vmem>>)
      tpu.yield
    }) : () -> ()
    %scan3A = arith.constant 0 : i32
    %scan3A_1 = arith.constant 0 : i32
    %scan3A_2 = arith.constant 5 : i32
    %scan3A_3 = arith.addi %scan3A_1, %scan3A_2 : i32
    %scan3A_4 = arith.constant 1 : i32
    scf.for %scan3A_6 = %scan3A_1 to %scan3A_3 step %scan3A_4  : i32 {
      %mul3A_7 = arith.constant 5 : i32
      %mul3A_8 = arith.muli %add3A, %mul3A_7 : i32
      %add3A_9 = arith.addi %mul3A_8, %scan3A_6 : i32
      "tpu.region"() ({
        %run_scoped3A = tpu.sem_alloc : memref<!tpu.dma_semaphore, #tpu.memory_space<semaphore_mem>>
        %dma_start3A = arith.constant 0 : i32
        %dma_start3A_2257 = arith.constant 0 : i32
        %dma_start3A_2258 = tpu.memref_slice %arg2[%add3A_9, %dma_start3A, %dma_start3A_2257] : memref<160x1x2000xi32, #tpu.memory_space<hbm>> -> memref<1x1x2000xi32, #tpu.memory_space<hbm>>
        %dma_start3A_2259 = tpu.memref_squeeze %dma_start3A_2258 : memref<1x1x2000xi32, #tpu.memory_space<hbm>> -> memref<1x2000xi32, #tpu.memory_space<hbm>>
        %dma_start3A_2260 = arith.constant 0 : i32
        %dma_start3A_2261 = arith.constant 0 : i32
        %dma_start3A_2262 = tpu.memref_slice %arg2[%add3A_9, %dma_start3A_2260, %dma_start3A_2261] : memref<160x1x2000xi32, #tpu.memory_space<hbm>> -> memref<1x1x2000xi32, #tpu.memory_space<hbm>>
        %dma_start3A_2263 = tpu.memref_squeeze %dma_start3A_2262 : memref<1x1x2000xi32, #tpu.memory_space<hbm>> -> memref<1x2000xi32, #tpu.memory_space<hbm>>
        tpu.enqueue_dma source(%dma_start3A_2263 : memref<1x2000xi32, #tpu.memory_space<hbm>>) target(%arg8 : memref<1x2000xi32, #tpu.memory_space<vmem>>) target_semaphore(%run_scoped3A : memref<!tpu.dma_semaphore, #tpu.memory_space<semaphore_mem>>)
        %dma_wait3A = arith.constant 0 : i32
        %dma_wait3A_2264 = arith.constant 0 : i32
        %dma_wait3A_2265 = tpu.memref_slice %arg2[%add3A_9, %dma_wait3A, %dma_wait3A_2264] : memref<160x1x2000xi32, #tpu.memory_space<hbm>> -> memref<1x1x2000xi32, #tpu.memory_space<hbm>>
        %dma_wait3A_2266 = tpu.memref_squeeze %dma_wait3A_2265 : memref<1x1x2000xi32, #tpu.memory_space<hbm>> -> memref<1x2000xi32, #tpu.memory_space<hbm>>
        %dma_wait3A_2267 = arith.constant 0 : i32
        %dma_wait3A_2268 = arith.constant 0 : i32
        %dma_wait3A_2269 = tpu.memref_slice %arg2[%add3A_9, %dma_wait3A_2267, %dma_wait3A_2268] : memref<160x1x2000xi32, #tpu.memory_space<hbm>> -> memref<1x1x2000xi32, #tpu.memory_space<hbm>>
        %dma_wait3A_2270 = tpu.memref_squeeze %dma_wait3A_2269 : memref<1x1x2000xi32, #tpu.memory_space<hbm>> -> memref<1x2000xi32, #tpu.memory_space<hbm>>
        tpu.wait_dma2 semaphore(%run_scoped3A : memref<!tpu.dma_semaphore, #tpu.memory_space<semaphore_mem>>) src(%dma_wait3A_2270 : memref<1x2000xi32, #tpu.memory_space<hbm>>) dst(%arg8 : memref<1x2000xi32, #tpu.memory_space<vmem>>)
        tpu.yield
      }) : () -> ()
      "tpu.region"() ({
        %run_scoped3A = tpu.sem_alloc : memref<!tpu.dma_semaphore, #tpu.memory_space<semaphore_mem>>
        %dma_start3A = arith.constant 0 : i32
        %dma_start3A_2257 = arith.constant 0 : i32
        %dma_start3A_2258 = tpu.memref_slice %arg3[%add3A_9, %dma_start3A, %dma_start3A_2257] : memref<160x1x2000xf32, #tpu.memory_space<hbm>> -> memref<1x1x2000xf32, #tpu.memory_space<hbm>>
        %dma_start3A_2259 = tpu.memref_squeeze %dma_start3A_2258 : memref<1x1x2000xf32, #tpu.memory_space<hbm>> -> memref<1x2000xf32, #tpu.memory_space<hbm>>
        %dma_start3A_2260 = arith.constant 0 : i32
        %dma_start3A_2261 = arith.constant 0 : i32
        %dma_start3A_2262 = tpu.memref_slice %arg3[%add3A_9, %dma_start3A_2260, %dma_start3A_2261] : memref<160x1x2000xf32, #tpu.memory_space<hbm>> -> memref<1x1x2000xf32, #tpu.memory_space<hbm>>
        %dma_start3A_2263 = tpu.memref_squeeze %dma_start3A_2262 : memref<1x1x2000xf32, #tpu.memory_space<hbm>> -> memref<1x2000xf32, #tpu.memory_space<hbm>>
        tpu.enqueue_dma source(%dma_start3A_2263 : memref<1x2000xf32, #tpu.memory_space<hbm>>) target(%arg9 : memref<1x2000xf32, #tpu.memory_space<vmem>>) target_semaphore(%run_scoped3A : memref<!tpu.dma_semaphore, #tpu.memory_space<semaphore_mem>>)
        %dma_wait3A = arith.constant 0 : i32
        %dma_wait3A_2264 = arith.constant 0 : i32
        %dma_wait3A_2265 = tpu.memref_slice %arg3[%add3A_9, %dma_wait3A, %dma_wait3A_2264] : memref<160x1x2000xf32, #tpu.memory_space<hbm>> -> memref<1x1x2000xf32, #tpu.memory_space<hbm>>
        %dma_wait3A_2266 = tpu.memref_squeeze %dma_wait3A_2265 : memref<1x1x2000xf32, #tpu.memory_space<hbm>> -> memref<1x2000xf32, #tpu.memory_space<hbm>>
        %dma_wait3A_2267 = arith.constant 0 : i32
        %dma_wait3A_2268 = arith.constant 0 : i32
        %dma_wait3A_2269 = tpu.memref_slice %arg3[%add3A_9, %dma_wait3A_2267, %dma_wait3A_2268] : memref<160x1x2000xf32, #tpu.memory_space<hbm>> -> memref<1x1x2000xf32, #tpu.memory_space<hbm>>
        %dma_wait3A_2270 = tpu.memref_squeeze %dma_wait3A_2269 : memref<1x1x2000xf32, #tpu.memory_space<hbm>> -> memref<1x2000xf32, #tpu.memory_space<hbm>>
        tpu.wait_dma2 semaphore(%run_scoped3A : memref<!tpu.dma_semaphore, #tpu.memory_space<semaphore_mem>>) src(%dma_wait3A_2270 : memref<1x2000xf32, #tpu.memory_space<hbm>>) dst(%arg9 : memref<1x2000xf32, #tpu.memory_space<vmem>>)
        tpu.yield
      }) : () -> ()
      %get3A = arith.constant 0 : i32
      %get3A_10 = arith.index_cast %get3A : i32 to index
      %get3A_11 = arith.constant 0 : index
      %get3A_12 = tpu.vector_load %arg8[%get3A_10, %get3A_11] {strides = array<i32>} : memref<1x2000xi32, #tpu.memory_space<vmem>>, vector<16xi32>,
      %gather3A = tpu.vector_load_idx %arg7[%get3A_12] : memref<10000xf32, #tpu.memory_space<vmem>>[vector<16xi32>], vector<16xf32>,
      %get3A_13 = arith.constant 0 : i32
      %get3A_14 = arith.index_cast %get3A_13 : i32 to index
      %get3A_15 = arith.constant 0 : index
      %get3A_16 = tpu.vector_load %arg9[%get3A_14, %get3A_15] {strides = array<i32>} : memref<1x2000xf32, #tpu.memory_space<vmem>>, vector<16xf32>,
      %mul3A_17 = arith.mulf %get3A_16, %gather3A : vector<16xf32>
      %swap3A = arith.constant 0 : i32
      %swap3A_18 = arith.index_cast %swap3A : i32 to index
      %swap3A_19 = arith.constant 0 : index
      %swap3A_20 = tpu.vector_load %arg10[%swap3A_18, %swap3A_19] {strides = array<i32>} : memref<1x2000xf32, #tpu.memory_space<vmem>>, vector<16xf32>,
      tpu.vector_store %arg10[%swap3A_18, %swap3A_19], %mul3A_17 {strides = array<i32>} : memref<1x2000xf32, #tpu.memory_space<vmem>>, vector<16xf32>,
      %swap3A_21 = arith.constant 0 : i32
      %swap3A_22 = arith.index_cast %swap3A_21 : i32 to index
      %swap3A_23 = arith.constant 0 : index
      %swap3A_24 = tpu.vector_load %arg11[%swap3A_22, %swap3A_23] {strides = array<i32>} : memref<1x2000xf32, #tpu.memory_space<vmem>>, vector<16xf32>,
      tpu.vector_store %arg11[%swap3A_22, %swap3A_23], %gather3A {strides = array<i32>} : memref<1x2000xf32, #tpu.memory_space<vmem>>, vector<16xf32>,
      %get3A_25 = arith.constant 0 : i32
      %get3A_26 = arith.index_cast %get3A_25 : i32 to index
      %get3A_27 = arith.constant 16 : index
      %get3A_28 = tpu.vector_load %arg8[%get3A_26, %get3A_27] {strides = array<i32>} : memref<1x2000xi32, #tpu.memory_space<vmem>>, vector<16xi32>,
      %gather3A_29 = tpu.vector_load_idx %arg7[%get3A_28] : memref<10000xf32, #tpu.memory_space<vmem>>[vector<16xi32>], vector<16xf32>,
      %get3A_30 = arith.constant 0 : i32
      %get3A_31 = arith.index_cast %get3A_30 : i32 to index
      %get3A_32 = arith.constant 16 : index
      %get3A_33 = tpu.vector_load %arg9[%get3A_31, %get3A_32] {strides = array<i32>} : memref<1x2000xf32, #tpu.memory_space<vmem>>, vector<16xf32>,
      %mul3A_34 = arith.mulf %get3A_33, %gather3A_29 : vector<16xf32>
      %swap3A_35 = arith.constant 0 : i32
      %swap3A_36 = arith.index_cast %swap3A_35 : i32 to index
      %swap3A_37 = arith.constant 16 : index
      %swap3A_38 = tpu.vector_load %arg10[%swap3A_36, %swap3A_37] {strides = array<i32>} : memref<1x2000xf32, #tpu.memory_space<vmem>>, vector<16xf32>,
      tpu.vector_store %arg10[%swap3A_36, %swap3A_37], %mul3A_34 {strides = array<i32>} : memref<1x2000xf32, #tpu.memory_space<vmem>>, vector<16xf32>,
      %swap3A_39 = arith.constant 0 : i32
      %swap3A_40 = arith.index_cast %swap3A_39 : i32 to index
      %swap3A_41 = arith.constant 16 : index
      %swap3A_42 = tpu.vector_load %arg11[%swap3A_40, %swap3A_41] {strides = array<i32>} : memref<1x2000xf32, #tpu.memory_space<vmem>>, vector<16xf32>,
      tpu.vector_store %arg11[%swap3A_40, %swap3A_41], %gather3A_29 {strides = array<i32>} : memref<1x2000xf32, #tpu.memory_space<vmem>>, vector<16xf32>,
      %get3A_43 = arith.constant 0 : i32
      %get3A_44 = arith.index_cast %get3A_43 : i32 to index
      %get3A_45 = arith.constant 32 : index
      %get3A_46 = tpu.vector_load %arg8[%get3A_44, %get3A_45] {strides = array<i32>} : memref<1x2000xi32, #tpu.memory_space<vmem>>, vector<16xi32>,
      %gather3A_47 = tpu.vector_load_idx %arg7[%get3A_46] : memref<10000xf32, #tpu.memory_space<vmem>>[vector<16xi32>], vector<16xf32>,
      %get3A_48 = arith.constant 0 : i32
      %get3A_49 = arith.index_cast %get3A_48 : i32 to index
      %get3A_50 = arith.constant 32 : index
      %get3A_51 = tpu.vector_load %arg9[%get3A_49, %get3A_50] {strides = array<i32>} : memref<1x2000xf32, #tpu.memory_space<vmem>>, vector<16xf32>,
      %mul3A_52 = arith.mulf %get3A_51, %gather3A_47 : vector<16xf32>
      %swap3A_53 = arith.constant 0 : i32
      %swap3A_54 = arith.index_cast %swap3A_53 : i32 to index
      %swap3A_55 = arith.constant 32 : index
      %swap3A_56 = tpu.vector_load %arg10[%swap3A_54, %swap3A_55] {strides = array<i32>} : memref<1x2000xf32, #tpu.memory_space<vmem>>, vector<16xf32>,
      tpu.vector_store %arg10[%swap3A_54, %swap3A_55], %mul3A_52 {strides = array<i32>} : memref<1x2000xf32, #tpu.memory_space<vmem>>, vector<16xf32>,
      %swap3A_57 = arith.constant 0 : i32
      %swap3A_58 = arith.index_cast %swap3A_57 : i32 to index
      %swap3A_59 = arith.constant 32 : index
      %swap3A_60 = tpu.vector_load %arg11[%swap3A_58, %swap3A_59] {strides = array<i32>} : memref<1x2000xf32, #tpu.memory_space<vmem>>, vector<16xf32>,
      tpu.vector_store %arg11[%swap3A_58, %swap3A_59], %gather3A_47 {strides = array<i32>} : memref<1x2000xf32, #tpu.memory_space<vmem>>, vector<16xf32>,
      %get3A_61 = arith.constant 0 : i32
      %get3A_62 = arith.index_cast %get3A_61 : i32 to index
      %get3A_63 = arith.constant 48 : index
      %get3A_64 = tpu.vector_load %arg8[%get3A_62, %get3A_63] {strides = array<i32>} : memref<1x2000xi32, #tpu.memory_space<vmem>>, vector<16xi32>,
      %gather3A_65 = tpu.vector_load_idx %arg7[%get3A_64] : memref<10000xf32, #tpu.memory_space<vmem>>[vector<16xi32>], vector<16xf32>,
      %get3A_66 = arith.constant 0 : i32
      %get3A_67 = arith.index_cast %get3A_66 : i32 to index
      %get3A_68 = arith.constant 48 : index
      %get3A_69 = tpu.vector_load %arg9[%get3A_67, %get3A_68] {strides = array<i32>} : memref<1x2000xf32, #tpu.memory_space<vmem>>, vector<16xf32>,
      %mul3A_70 = arith.mulf %get3A_69, %gather3A_65 : vector<16xf32>
      %swap3A_71 = arith.constant 0 : i32
      %swap3A_72 = arith.index_cast %swap3A_71 : i32 to index
      %swap3A_73 = arith.constant 48 : index
      %swap3A_74 = tpu.vector_load %arg10[%swap3A_72, %swap3A_73] {strides = array<i32>} : memref<1x2000xf32, #tpu.memory_space<vmem>>, vector<16xf32>,
      tpu.vector_store %arg10[%swap3A_72, %swap3A_73], %mul3A_70 {strides = array<i32>} : memref<1x2000xf32, #tpu.memory_space<vmem>>, vector<16xf32>,
      %swap3A_75 = arith.constant 0 : i32
      %swap3A_76 = arith.index_cast %swap3A_75 : i32 to index
      %swap3A_77 = arith.constant 48 : index
      %swap3A_78 = tpu.vector_load %arg11[%swap3A_76, %swap3A_77] {strides = array<i32>} : memref<1x2000xf32, #tpu.memory_space<vmem>>, vector<16xf32>,
      tpu.vector_store %arg11[%swap3A_76, %swap3A_77], %gather3A_65 {strides = array<i32>} : memref<1x2000xf32, #tpu.memory_space<vmem>>, vector<16xf32>,
      %get3A_79 = arith.constant 0 : i32
      %get3A_80 = arith.index_cast %get3A_79 : i32 to index
      %get3A_81 = arith.constant 64 : index
      %get3A_82 = tpu.vector_load %arg8[%get3A_80, %get3A_81] {strides = array<i32>} : memref<1x2000xi32, #tpu.memory_space<vmem>>, vector<16xi32>,
      %gather3A_83 = tpu.vector_load_idx %arg7[%get3A_82] : memref<10000xf32, #tpu.memory_space<vmem>>[vector<16xi32>], vector<16xf32>,
      %get3A_84 = arith.constant 0 : i32
      %get3A_85 = arith.index_cast %get3A_84 : i32 to index
      %get3A_86 = arith.constant 64 : index
      %get3A_87 = tpu.vector_load %arg9[%get3A_85, %get3A_86] {strides = array<i32>} : memref<1x2000xf32, #tpu.memory_space<vmem>>, vector<16xf32>,
      %mul3A_88 = arith.mulf %get3A_87, %gather3A_83 : vector<16xf32>
      %swap3A_89 = arith.constant 0 : i32
      %swap3A_90 = arith.index_cast %swap3A_89 : i32 to index
      %swap3A_91 = arith.constant 64 : index
      %swap3A_92 = tpu.vector_load %arg10[%swap3A_90, %swap3A_91] {strides = array<i32>} : memref<1x2000xf32, #tpu.memory_space<vmem>>, vector<16xf32>,
      tpu.vector_store %arg10[%swap3A_90, %swap3A_91], %mul3A_88 {strides = array<i32>} : memref<1x2000xf32, #tpu.memory_space<vmem>>, vector<16xf32>,
      %swap3A_93 = arith.constant 0 : i32
      %swap3A_94 = arith.index_cast %swap3A_93 : i32 to index
      %swap3A_95 = arith.constant 64 : index
      %swap3A_96 = tpu.vector_load %arg11[%swap3A_94, %swap3A_95] {strides = array<i32>} : memref<1x2000xf32, #tpu.memory_space<vmem>>, vector<16xf32>,
      tpu.vector_store %arg11[%swap3A_94, %swap3A_95], %gather3A_83 {strides = array<i32>} : memref<1x2000xf32, #tpu.memory_space<vmem>>, vector<16xf32>,
      %get3A_97 = arith.constant 0 : i32
      %get3A_98 = arith.index_cast %get3A_97 : i32 to index
      %get3A_99 = arith.constant 80 : index
      %get3A_100 = tpu.vector_load %arg8[%get3A_98, %get3A_99] {strides = array<i32>} : memref<1x2000xi32, #tpu.memory_space<vmem>>, vector<16xi32>,
      %gather3A_101 = tpu.vector_load_idx %arg7[%get3A_100] : memref<10000xf32, #tpu.memory_space<vmem>>[vector<16xi32>], vector<16xf32>,
      %get3A_102 = arith.constant 0 : i32
      %get3A_103 = arith.index_cast %get3A_102 : i32 to index
      %get3A_104 = arith.constant 80 : index
      %get3A_105 = tpu.vector_load %arg9[%get3A_103, %get3A_104] {strides = array<i32>} : memref<1x2000xf32, #tpu.memory_space<vmem>>, vector<16xf32>,
      %mul3A_106 = arith.mulf %get3A_105, %gather3A_101 : vector<16xf32>
      %swap3A_107 = arith.constant 0 : i32
      %swap3A_108 = arith.index_cast %swap3A_107 : i32 to index
      %swap3A_109 = arith.constant 80 : index
      %swap3A_110 = tpu.vector_load %arg10[%swap3A_108, %swap3A_109] {strides = array<i32>} : memref<1x2000xf32, #tpu.memory_space<vmem>>, vector<16xf32>,
      tpu.vector_store %arg10[%swap3A_108, %swap3A_109], %mul3A_106 {strides = array<i32>} : memref<1x2000xf32, #tpu.memory_space<vmem>>, vector<16xf32>,
      %swap3A_111 = arith.constant 0 : i32
      %swap3A_112 = arith.index_cast %swap3A_111 : i32 to index
      %swap3A_113 = arith.constant 80 : index
      %swap3A_114 = tpu.vector_load %arg11[%swap3A_112, %swap3A_113] {strides = array<i32>} : memref<1x2000xf32, #tpu.memory_space<vmem>>, vector<16xf32>,
      tpu.vector_store %arg11[%swap3A_112, %swap3A_113], %gather3A_101 {strides = array<i32>} : memref<1x2000xf32, #tpu.memory_space<vmem>>, vector<16xf32>,
      %get3A_115 = arith.constant 0 : i32
      %get3A_116 = arith.index_cast %get3A_115 : i32 to index
      %get3A_117 = arith.constant 96 : index
      %get3A_118 = tpu.vector_load %arg8[%get3A_116, %get3A_117] {strides = array<i32>} : memref<1x2000xi32, #tpu.memory_space<vmem>>, vector<16xi32>,
      %gather3A_119 = tpu.vector_load_idx %arg7[%get3A_118] : memref<10000xf32, #tpu.memory_space<vmem>>[vector<16xi32>], vector<16xf32>,
      %get3A_120 = arith.constant 0 : i32
      %get3A_121 = arith.index_cast %get3A_120 : i32 to index
      %get3A_122 = arith.constant 96 : index
      %get3A_123 = tpu.vector_load %arg9[%get3A_121, %get3A_122] {strides = array<i32>} : memref<1x2000xf32, #tpu.memory_space<vmem>>, vector<16xf32>,
      %mul3A_124 = arith.mulf %get3A_123, %gather3A_119 : vector<16xf32>
      %swap3A_125 = arith.constant 0 : i32
      %swap3A_126 = arith.index_cast %swap3A_125 : i32 to index
      %swap3A_127 = arith.constant 96 : index
      %swap3A_128 = tpu.vector_load %arg10[%swap3A_126, %swap3A_127] {strides = array<i32>} : memref<1x2000xf32, #tpu.memory_space<vmem>>, vector<16xf32>,
      tpu.vector_store %arg10[%swap3A_126, %swap3A_127], %mul3A_124 {strides = array<i32>} : memref<1x2000xf32, #tpu.memory_space<vmem>>, vector<16xf32>,
      %swap3A_129 = arith.constant 0 : i32
      %swap3A_130 = arith.index_cast %swap3A_129 : i32 to index
      %swap3A_131 = arith.constant 96 : index
      %swap3A_132 = tpu.vector_load %arg11[%swap3A_130, %swap3A_131] {strides = array<i32>} : memref<1x2000xf32, #tpu.memory_space<vmem>>, vector<16xf32>,
      tpu.vector_store %arg11[%swap3A_130, %swap3A_131], %gather3A_119 {strides = array<i32>} : memref<1x2000xf32, #tpu.memory_space<vmem>>, vector<16xf32>,
      %get3A_133 = arith.constant 0 : i32
      %get3A_134 = arith.index_cast %get3A_133 : i32 to index
      %get3A_135 = arith.constant 112 : index
      %get3A_136 = tpu.vector_load %arg8[%get3A_134, %get3A_135] {strides = array<i32>} : memref<1x2000xi32, #tpu.memory_space<vmem>>, vector<16xi32>,
      %gather3A_137 = tpu.vector_load_idx %arg7[%get3A_136] : memref<10000xf32, #tpu.memory_space<vmem>>[vector<16xi32>], vector<16xf32>,
      %get3A_138 = arith.constant 0 : i32
      %get3A_139 = arith.index_cast %get3A_138 : i32 to index
      %get3A_140 = arith.constant 112 : index
      %get3A_141 = tpu.vector_load %arg9[%get3A_139, %get3A_140] {strides = array<i32>} : memref<1x2000xf32, #tpu.memory_space<vmem>>, vector<16xf32>,
      %mul3A_142 = arith.mulf %get3A_141, %gather3A_137 : vector<16xf32>
      %swap3A_143 = arith.constant 0 : i32
      %swap3A_144 = arith.index_cast %swap3A_143 : i32 to index
      %swap3A_145 = arith.constant 112 : index
      %swap3A_146 = tpu.vector_load %arg10[%swap3A_144, %swap3A_145] {strides = array<i32>} : memref<1x2000xf32, #tpu.memory_space<vmem>>, vector<16xf32>,
      tpu.vector_store %arg10[%swap3A_144, %swap3A_145], %mul3A_142 {strides = array<i32>} : memref<1x2000xf32, #tpu.memory_space<vmem>>, vector<16xf32>,
      %swap3A_147 = arith.constant 0 : i32
      %swap3A_148 = arith.index_cast %swap3A_147 : i32 to index
      %swap3A_149 = arith.constant 112 : index
      %swap3A_150 = tpu.vector_load %arg11[%swap3A_148, %swap3A_149] {strides = array<i32>} : memref<1x2000xf32, #tpu.memory_space<vmem>>, vector<16xf32>,
      tpu.vector_store %arg11[%swap3A_148, %swap3A_149], %gather3A_137 {strides = array<i32>} : memref<1x2000xf32, #tpu.memory_space<vmem>>, vector<16xf32>,
      %get3A_151 = arith.constant 0 : i32
      %get3A_152 = arith.index_cast %get3A_151 : i32 to index
      %get3A_153 = arith.constant 128 : index
      %get3A_154 = tpu.vector_load %arg8[%get3A_152, %get3A_153] {strides = array<i32>} : memref<1x2000xi32, #tpu.memory_space<vmem>>, vector<16xi32>,
      %gather3A_155 = tpu.vector_load_idx %arg7[%get3A_154] : memref<10000xf32, #tpu.memory_space<vmem>>[vector<16xi32>], vector<16xf32>,
      %get3A_156 = arith.constant 0 : i32
      %get3A_157 = arith.index_cast %get3A_156 : i32 to index
      %get3A_158 = arith.constant 128 : index
      %get3A_159 = tpu.vector_load %arg9[%get3A_157, %get3A_158] {strides = array<i32>} : memref<1x2000xf32, #tpu.memory_space<vmem>>, vector<16xf32>,
      %mul3A_160 = arith.mulf %get3A_159, %gather3A_155 : vector<16xf32>
      %swap3A_161 = arith.constant 0 : i32
      %swap3A_162 = arith.index_cast %swap3A_161 : i32 to index
      %swap3A_163 = arith.constant 128 : index
      %swap3A_164 = tpu.vector_load %arg10[%swap3A_162, %swap3A_163] {strides = array<i32>} : memref<1x2000xf32, #tpu.memory_space<vmem>>, vector<16xf32>,
      tpu.vector_store %arg10[%swap3A_162, %swap3A_163], %mul3A_160 {strides = array<i32>} : memref<1x2000xf32, #tpu.memory_space<vmem>>, vector<16xf32>,
      %swap3A_165 = arith.constant 0 : i32
      %swap3A_166 = arith.index_cast %swap3A_165 : i32 to index
      %swap3A_167 = arith.constant 128 : index
      %swap3A_168 = tpu.vector_load %arg11[%swap3A_166, %swap3A_167] {strides = array<i32>} : memref<1x2000xf32, #tpu.memory_space<vmem>>, vector<16xf32>,
      tpu.vector_store %arg11[%swap3A_166, %swap3A_167], %gather3A_155 {strides = array<i32>} : memref<1x2000xf32, #tpu.memory_space<vmem>>, vector<16xf32>,
      %get3A_169 = arith.constant 0 : i32
      %get3A_170 = arith.index_cast %get3A_169 : i32 to index
      %get3A_171 = arith.constant 144 : index
      %get3A_172 = tpu.vector_load %arg8[%get3A_170, %get3A_171] {strides = array<i32>} : memref<1x2000xi32, #tpu.memory_space<vmem>>, vector<16xi32>,
      %gather3A_173 = tpu.vector_load_idx %arg7[%get3A_172] : memref<10000xf32, #tpu.memory_space<vmem>>[vector<16xi32>], vector<16xf32>,
      %get3A_174 = arith.constant 0 : i32
      %get3A_175 = arith.index_cast %get3A_174 : i32 to index
      %get3A_176 = arith.constant 144 : index
      %get3A_177 = tpu.vector_load %arg9[%get3A_175, %get3A_176] {strides = array<i32>} : memref<1x2000xf32, #tpu.memory_space<vmem>>, vector<16xf32>,
      %mul3A_178 = arith.mulf %get3A_177, %gather3A_173 : vector<16xf32>
      %swap3A_179 = arith.constant 0 : i32
      %swap3A_180 = arith.index_cast %swap3A_179 : i32 to index
      %swap3A_181 = arith.constant 144 : index
      %swap3A_182 = tpu.vector_load %arg10[%swap3A_180, %swap3A_181] {strides = array<i32>} : memref<1x2000xf32, #tpu.memory_space<vmem>>, vector<16xf32>,
      tpu.vector_store %arg10[%swap3A_180, %swap3A_181], %mul3A_178 {strides = array<i32>} : memref<1x2000xf32, #tpu.memory_space<vmem>>, vector<16xf32>,
      %swap3A_183 = arith.constant 0 : i32
      %swap3A_184 = arith.index_cast %swap3A_183 : i32 to index
      %swap3A_185 = arith.constant 144 : index
      %swap3A_186 = tpu.vector_load %arg11[%swap3A_184, %swap3A_185] {strides = array<i32>} : memref<1x2000xf32, #tpu.memory_space<vmem>>, vector<16xf32>,
      tpu.vector_store %arg11[%swap3A_184, %swap3A_185], %gather3A_173 {strides = array<i32>} : memref<1x2000xf32, #tpu.memory_space<vmem>>, vector<16xf32>,
      %get3A_187 = arith.constant 0 : i32
      %get3A_188 = arith.index_cast %get3A_187 : i32 to index
      %get3A_189 = arith.constant 160 : index
      %get3A_190 = tpu.vector_load %arg8[%get3A_188, %get3A_189] {strides = array<i32>} : memref<1x2000xi32, #tpu.memory_space<vmem>>, vector<16xi32>,
      %gather3A_191 = tpu.vector_load_idx %arg7[%get3A_190] : memref<10000xf32, #tpu.memory_space<vmem>>[vector<16xi32>], vector<16xf32>,
      %get3A_192 = arith.constant 0 : i32
      %get3A_193 = arith.index_cast %get3A_192 : i32 to index
      %get3A_194 = arith.constant 160 : index
      %get3A_195 = tpu.vector_load %arg9[%get3A_193, %get3A_194] {strides = array<i32>} : memref<1x2000xf32, #tpu.memory_space<vmem>>, vector<16xf32>,
      %mul3A_196 = arith.mulf %get3A_195, %gather3A_191 : vector<16xf32>
      %swap3A_197 = arith.constant 0 : i32
      %swap3A_198 = arith.index_cast %swap3A_197 : i32 to index
      %swap3A_199 = arith.constant 160 : index
      %swap3A_200 = tpu.vector_load %arg10[%swap3A_198, %swap3A_199] {strides = array<i32>} : memref<1x2000xf32, #tpu.memory_space<vmem>>, vector<16xf32>,
      tpu.vector_store %arg10[%swap3A_198, %swap3A_199], %mul3A_196 {strides = array<i32>} : memref<1x2000xf32, #tpu.memory_space<vmem>>, vector<16xf32>,
      %swap3A_201 = arith.constant 0 : i32
      %swap3A_202 = arith.index_cast %swap3A_201 : i32 to index
      %swap3A_203 = arith.constant 160 : index
      %swap3A_204 = tpu.vector_load %arg11[%swap3A_202, %swap3A_203] {strides = array<i32>} : memref<1x2000xf32, #tpu.memory_space<vmem>>, vector<16xf32>,
      tpu.vector_store %arg11[%swap3A_202, %swap3A_203], %gather3A_191 {strides = array<i32>} : memref<1x2000xf32, #tpu.memory_space<vmem>>, vector<16xf32>,
      %get3A_205 = arith.constant 0 : i32
      %get3A_206 = arith.index_cast %get3A_205 : i32 to index
      %get3A_207 = arith.constant 176 : index
      %get3A_208 = tpu.vector_load %arg8[%get3A_206, %get3A_207] {strides = array<i32>} : memref<1x2000xi32, #tpu.memory_space<vmem>>, vector<16xi32>,
      %gather3A_209 = tpu.vector_load_idx %arg7[%get3A_208] : memref<10000xf32, #tpu.memory_space<vmem>>[vector<16xi32>], vector<16xf32>,
      %get3A_210 = arith.constant 0 : i32
      %get3A_211 = arith.index_cast %get3A_210 : i32 to index
      %get3A_212 = arith.constant 176 : index
      %get3A_213 = tpu.vector_load %arg9[%get3A_211, %get3A_212] {strides = array<i32>} : memref<1x2000xf32, #tpu.memory_space<vmem>>, vector<16xf32>,
      %mul3A_214 = arith.mulf %get3A_213, %gather3A_209 : vector<16xf32>
      %swap3A_215 = arith.constant 0 : i32
      %swap3A_216 = arith.index_cast %swap3A_215 : i32 to index
      %swap3A_217 = arith.constant 176 : index
      %swap3A_218 = tpu.vector_load %arg10[%swap3A_216, %swap3A_217] {strides = array<i32>} : memref<1x2000xf32, #tpu.memory_space<vmem>>, vector<16xf32>,
      tpu.vector_store %arg10[%swap3A_216, %swap3A_217], %mul3A_214 {strides = array<i32>} : memref<1x2000xf32, #tpu.memory_space<vmem>>, vector<16xf32>,
      %swap3A_219 = arith.constant 0 : i32
      %swap3A_220 = arith.index_cast %swap3A_219 : i32 to index
      %swap3A_221 = arith.constant 176 : index
      %swap3A_222 = tpu.vector_load %arg11[%swap3A_220, %swap3A_221] {strides = array<i32>} : memref<1x2000xf32, #tpu.memory_space<vmem>>, vector<16xf32>,
      tpu.vector_store %arg11[%swap3A_220, %swap3A_221], %gather3A_209 {strides = array<i32>} : memref<1x2000xf32, #tpu.memory_space<vmem>>, vector<16xf32>,
      %get3A_223 = arith.constant 0 : i32
      %get3A_224 = arith.index_cast %get3A_223 : i32 to index
      %get3A_225 = arith.constant 192 : index
      %get3A_226 = tpu.vector_load %arg8[%get3A_224, %get3A_225] {strides = array<i32>} : memref<1x2000xi32, #tpu.memory_space<vmem>>, vector<16xi32>,
      %gather3A_227 = tpu.vector_load_idx %arg7[%get3A_226] : memref<10000xf32, #tpu.memory_space<vmem>>[vector<16xi32>], vector<16xf32>,
      %get3A_228 = arith.constant 0 : i32
      %get3A_229 = arith.index_cast %get3A_228 : i32 to index
      %get3A_230 = arith.constant 192 : index
      %get3A_231 = tpu.vector_load %arg9[%get3A_229, %get3A_230] {strides = array<i32>} : memref<1x2000xf32, #tpu.memory_space<vmem>>, vector<16xf32>,
      %mul3A_232 = arith.mulf %get3A_231, %gather3A_227 : vector<16xf32>
      %swap3A_233 = arith.constant 0 : i32
      %swap3A_234 = arith.index_cast %swap3A_233 : i32 to index
      %swap3A_235 = arith.constant 192 : index
      %swap3A_236 = tpu.vector_load %arg10[%swap3A_234, %swap3A_235] {strides = array<i32>} : memref<1x2000xf32, #tpu.memory_space<vmem>>, vector<16xf32>,
      tpu.vector_store %arg10[%swap3A_234, %swap3A_235], %mul3A_232 {strides = array<i32>} : memref<1x2000xf32, #tpu.memory_space<vmem>>, vector<16xf32>,
      %swap3A_237 = arith.constant 0 : i32
      %swap3A_238 = arith.index_cast %swap3A_237 : i32 to index
      %swap3A_239 = arith.constant 192 : index
      %swap3A_240 = tpu.vector_load %arg11[%swap3A_238, %swap3A_239] {strides = array<i32>} : memref<1x2000xf32, #tpu.memory_space<vmem>>, vector<16xf32>,
      tpu.vector_store %arg11[%swap3A_238, %swap3A_239], %gather3A_227 {strides = array<i32>} : memref<1x2000xf32, #tpu.memory_space<vmem>>, vector<16xf32>,
      %get3A_241 = arith.constant 0 : i32
      %get3A_242 = arith.index_cast %get3A_241 : i32 to index
      %get3A_243 = arith.constant 208 : index
      %get3A_244 = tpu.vector_load %arg8[%get3A_242, %get3A_243] {strides = array<i32>} : memref<1x2000xi32, #tpu.memory_space<vmem>>, vector<16xi32>,
      %gather3A_245 = tpu.vector_load_idx %arg7[%get3A_244] : memref<10000xf32, #tpu.memory_space<vmem>>[vector<16xi32>], vector<16xf32>,
      %get3A_246 = arith.constant 0 : i32
      %get3A_247 = arith.index_cast %get3A_246 : i32 to index
      %get3A_248 = arith.constant 208 : index
      %get3A_249 = tpu.vector_load %arg9[%get3A_247, %get3A_248] {strides = array<i32>} : memref<1x2000xf32, #tpu.memory_space<vmem>>, vector<16xf32>,
      %mul3A_250 = arith.mulf %get3A_249, %gather3A_245 : vector<16xf32>
      %swap3A_251 = arith.constant 0 : i32
      %swap3A_252 = arith.index_cast %swap3A_251 : i32 to index
      %swap3A_253 = arith.constant 208 : index
      %swap3A_254 = tpu.vector_load %arg10[%swap3A_252, %swap3A_253] {strides = array<i32>} : memref<1x2000xf32, #tpu.memory_space<vmem>>, vector<16xf32>,
      tpu.vector_store %arg10[%swap3A_252, %swap3A_253], %mul3A_250 {strides = array<i32>} : memref<1x2000xf32, #tpu.memory_space<vmem>>, vector<16xf32>,
      %swap3A_255 = arith.constant 0 : i32
      %swap3A_256 = arith.index_cast %swap3A_255 : i32 to index
      %swap3A_257 = arith.constant 208 : index
      %swap3A_258 = tpu.vector_load %arg11[%swap3A_256, %swap3A_257] {strides = array<i32>} : memref<1x2000xf32, #tpu.memory_space<vmem>>, vector<16xf32>,
      tpu.vector_store %arg11[%swap3A_256, %swap3A_257], %gather3A_245 {strides = array<i32>} : memref<1x2000xf32, #tpu.memory_space<vmem>>, vector<16xf32>,
      %get3A_259 = arith.constant 0 : i32
      %get3A_260 = arith.index_cast %get3A_259 : i32 to index
      %get3A_261 = arith.constant 224 : index
      %get3A_262 = tpu.vector_load %arg8[%get3A_260, %get3A_261] {strides = array<i32>} : memref<1x2000xi32, #tpu.memory_space<vmem>>, vector<16xi32>,
      %gather3A_263 = tpu.vector_load_idx %arg7[%get3A_262] : memref<10000xf32, #tpu.memory_space<vmem>>[vector<16xi32>], vector<16xf32>,
      %get3A_264 = arith.constant 0 : i32
      %get3A_265 = arith.index_cast %get3A_264 : i32 to index
      %get3A_266 = arith.constant 224 : index
      %get3A_267 = tpu.vector_load %arg9[%get3A_265, %get3A_266] {strides = array<i32>} : memref<1x2000xf32, #tpu.memory_space<vmem>>, vector<16xf32>,
      %mul3A_268 = arith.mulf %get3A_267, %gather3A_263 : vector<16xf32>
      %swap3A_269 = arith.constant 0 : i32
      %swap3A_270 = arith.index_cast %swap3A_269 : i32 to index
      %swap3A_271 = arith.constant 224 : index
      %swap3A_272 = tpu.vector_load %arg10[%swap3A_270, %swap3A_271] {strides = array<i32>} : memref<1x2000xf32, #tpu.memory_space<vmem>>, vector<16xf32>,
      tpu.vector_store %arg10[%swap3A_270, %swap3A_271], %mul3A_268 {strides = array<i32>} : memref<1x2000xf32, #tpu.memory_space<vmem>>, vector<16xf32>,
      %swap3A_273 = arith.constant 0 : i32
      %swap3A_274 = arith.index_cast %swap3A_273 : i32 to index
      %swap3A_275 = arith.constant 224 : index
      %swap3A_276 = tpu.vector_load %arg11[%swap3A_274, %swap3A_275] {strides = array<i32>} : memref<1x2000xf32, #tpu.memory_space<vmem>>, vector<16xf32>,
      tpu.vector_store %arg11[%swap3A_274, %swap3A_275], %gather3A_263 {strides = array<i32>} : memref<1x2000xf32, #tpu.memory_space<vmem>>, vector<16xf32>,
      %get3A_277 = arith.constant 0 : i32
      %get3A_278 = arith.index_cast %get3A_277 : i32 to index
      %get3A_279 = arith.constant 240 : index
      %get3A_280 = tpu.vector_load %arg8[%get3A_278, %get3A_279] {strides = array<i32>} : memref<1x2000xi32, #tpu.memory_space<vmem>>, vector<16xi32>,
      %gather3A_281 = tpu.vector_load_idx %arg7[%get3A_280] : memref<10000xf32, #tpu.memory_space<vmem>>[vector<16xi32>], vector<16xf32>,
      %get3A_282 = arith.constant 0 : i32
      %get3A_283 = arith.index_cast %get3A_282 : i32 to index
      %get3A_284 = arith.constant 240 : index
      %get3A_285 = tpu.vector_load %arg9[%get3A_283, %get3A_284] {strides = array<i32>} : memref<1x2000xf32, #tpu.memory_space<vmem>>, vector<16xf32>,
      %mul3A_286 = arith.mulf %get3A_285, %gather3A_281 : vector<16xf32>
      %swap3A_287 = arith.constant 0 : i32
      %swap3A_288 = arith.index_cast %swap3A_287 : i32 to index
      %swap3A_289 = arith.constant 240 : index
      %swap3A_290 = tpu.vector_load %arg10[%swap3A_288, %swap3A_289] {strides = array<i32>} : memref<1x2000xf32, #tpu.memory_space<vmem>>, vector<16xf32>,
      tpu.vector_store %arg10[%swap3A_288, %swap3A_289], %mul3A_286 {strides = array<i32>} : memref<1x2000xf32, #tpu.memory_space<vmem>>, vector<16xf32>,
      %swap3A_291 = arith.constant 0 : i32
      %swap3A_292 = arith.index_cast %swap3A_291 : i32 to index
      %swap3A_293 = arith.constant 240 : index
      %swap3A_294 = tpu.vector_load %arg11[%swap3A_292, %swap3A_293] {strides = array<i32>} : memref<1x2000xf32, #tpu.memory_space<vmem>>, vector<16xf32>,
      tpu.vector_store %arg11[%swap3A_292, %swap3A_293], %gather3A_281 {strides = array<i32>} : memref<1x2000xf32, #tpu.memory_space<vmem>>, vector<16xf32>,
      %get3A_295 = arith.constant 0 : i32
      %get3A_296 = arith.index_cast %get3A_295 : i32 to index
      %get3A_297 = arith.constant 256 : index
      %get3A_298 = tpu.vector_load %arg8[%get3A_296, %get3A_297] {strides = array<i32>} : memref<1x2000xi32, #tpu.memory_space<vmem>>, vector<16xi32>,
      %gather3A_299 = tpu.vector_load_idx %arg7[%get3A_298] : memref<10000xf32, #tpu.memory_space<vmem>>[vector<16xi32>], vector<16xf32>,
      %get3A_300 = arith.constant 0 : i32
      %get3A_301 = arith.index_cast %get3A_300 : i32 to index
      %get3A_302 = arith.constant 256 : index
      %get3A_303 = tpu.vector_load %arg9[%get3A_301, %get3A_302] {strides = array<i32>} : memref<1x2000xf32, #tpu.memory_space<vmem>>, vector<16xf32>,
      %mul3A_304 = arith.mulf %get3A_303, %gather3A_299 : vector<16xf32>
      %swap3A_305 = arith.constant 0 : i32
      %swap3A_306 = arith.index_cast %swap3A_305 : i32 to index
      %swap3A_307 = arith.constant 256 : index
      %swap3A_308 = tpu.vector_load %arg10[%swap3A_306, %swap3A_307] {strides = array<i32>} : memref<1x2000xf32, #tpu.memory_space<vmem>>, vector<16xf32>,
      tpu.vector_store %arg10[%swap3A_306, %swap3A_307], %mul3A_304 {strides = array<i32>} : memref<1x2000xf32, #tpu.memory_space<vmem>>, vector<16xf32>,
      %swap3A_309 = arith.constant 0 : i32
      %swap3A_310 = arith.index_cast %swap3A_309 : i32 to index
      %swap3A_311 = arith.constant 256 : index
      %swap3A_312 = tpu.vector_load %arg11[%swap3A_310, %swap3A_311] {strides = array<i32>} : memref<1x2000xf32, #tpu.memory_space<vmem>>, vector<16xf32>,
      tpu.vector_store %arg11[%swap3A_310, %swap3A_311], %gather3A_299 {strides = array<i32>} : memref<1x2000xf32, #tpu.memory_space<vmem>>, vector<16xf32>,
      %get3A_313 = arith.constant 0 : i32
      %get3A_314 = arith.index_cast %get3A_313 : i32 to index
      %get3A_315 = arith.constant 272 : index
      %get3A_316 = tpu.vector_load %arg8[%get3A_314, %get3A_315] {strides = array<i32>} : memref<1x2000xi32, #tpu.memory_space<vmem>>, vector<16xi32>,
      %gather3A_317 = tpu.vector_load_idx %arg7[%get3A_316] : memref<10000xf32, #tpu.memory_space<vmem>>[vector<16xi32>], vector<16xf32>,
      %get3A_318 = arith.constant 0 : i32
      %get3A_319 = arith.index_cast %get3A_318 : i32 to index
      %get3A_320 = arith.constant 272 : index
      %get3A_321 = tpu.vector_load %arg9[%get3A_319, %get3A_320] {strides = array<i32>} : memref<1x2000xf32, #tpu.memory_space<vmem>>, vector<16xf32>,
      %mul3A_322 = arith.mulf %get3A_321, %gather3A_317 : vector<16xf32>
      %swap3A_323 = arith.constant 0 : i32
      %swap3A_324 = arith.index_cast %swap3A_323 : i32 to index
      %swap3A_325 = arith.constant 272 : index
      %swap3A_326 = tpu.vector_load %arg10[%swap3A_324, %swap3A_325] {strides = array<i32>} : memref<1x2000xf32, #tpu.memory_space<vmem>>, vector<16xf32>,
      tpu.vector_store %arg10[%swap3A_324, %swap3A_325], %mul3A_322 {strides = array<i32>} : memref<1x2000xf32, #tpu.memory_space<vmem>>, vector<16xf32>,
      %swap3A_327 = arith.constant 0 : i32
      %swap3A_328 = arith.index_cast %swap3A_327 : i32 to index
      %swap3A_329 = arith.constant 272 : index
      %swap3A_330 = tpu.vector_load %arg11[%swap3A_328, %swap3A_329] {strides = array<i32>} : memref<1x2000xf32, #tpu.memory_space<vmem>>, vector<16xf32>,
      tpu.vector_store %arg11[%swap3A_328, %swap3A_329], %gather3A_317 {strides = array<i32>} : memref<1x2000xf32, #tpu.memory_space<vmem>>, vector<16xf32>,
      %get3A_331 = arith.constant 0 : i32
      %get3A_332 = arith.index_cast %get3A_331 : i32 to index
      %get3A_333 = arith.constant 288 : index
      %get3A_334 = tpu.vector_load %arg8[%get3A_332, %get3A_333] {strides = array<i32>} : memref<1x2000xi32, #tpu.memory_space<vmem>>, vector<16xi32>,
      %gather3A_335 = tpu.vector_load_idx %arg7[%get3A_334] : memref<10000xf32, #tpu.memory_space<vmem>>[vector<16xi32>], vector<16xf32>,
      %get3A_336 = arith.constant 0 : i32
      %get3A_337 = arith.index_cast %get3A_336 : i32 to index
      %get3A_338 = arith.constant 288 : index
      %get3A_339 = tpu.vector_load %arg9[%get3A_337, %get3A_338] {strides = array<i32>} : memref<1x2000xf32, #tpu.memory_space<vmem>>, vector<16xf32>,
      %mul3A_340 = arith.mulf %get3A_339, %gather3A_335 : vector<16xf32>
      %swap3A_341 = arith.constant 0 : i32
      %swap3A_342 = arith.index_cast %swap3A_341 : i32 to index
      %swap3A_343 = arith.constant 288 : index
      %swap3A_344 = tpu.vector_load %arg10[%swap3A_342, %swap3A_343] {strides = array<i32>} : memref<1x2000xf32, #tpu.memory_space<vmem>>, vector<16xf32>,
      tpu.vector_store %arg10[%swap3A_342, %swap3A_343], %mul3A_340 {strides = array<i32>} : memref<1x2000xf32, #tpu.memory_space<vmem>>, vector<16xf32>,
      %swap3A_345 = arith.constant 0 : i32
      %swap3A_346 = arith.index_cast %swap3A_345 : i32 to index
      %swap3A_347 = arith.constant 288 : index
      %swap3A_348 = tpu.vector_load %arg11[%swap3A_346, %swap3A_347] {strides = array<i32>} : memref<1x2000xf32, #tpu.memory_space<vmem>>, vector<16xf32>,
      tpu.vector_store %arg11[%swap3A_346, %swap3A_347], %gather3A_335 {strides = array<i32>} : memref<1x2000xf32, #tpu.memory_space<vmem>>, vector<16xf32>,
      %get3A_349 = arith.constant 0 : i32
      %get3A_350 = arith.index_cast %get3A_349 : i32 to index
      %get3A_351 = arith.constant 304 : index
      %get3A_352 = tpu.vector_load %arg8[%get3A_350, %get3A_351] {strides = array<i32>} : memref<1x2000xi32, #tpu.memory_space<vmem>>, vector<16xi32>,
      %gather3A_353 = tpu.vector_load_idx %arg7[%get3A_352] : memref<10000xf32, #tpu.memory_space<vmem>>[vector<16xi32>], vector<16xf32>,
      %get3A_354 = arith.constant 0 : i32
      %get3A_355 = arith.index_cast %get3A_354 : i32 to index
      %get3A_356 = arith.constant 304 : index
      %get3A_357 = tpu.vector_load %arg9[%get3A_355, %get3A_356] {strides = array<i32>} : memref<1x2000xf32, #tpu.memory_space<vmem>>, vector<16xf32>,
      %mul3A_358 = arith.mulf %get3A_357, %gather3A_353 : vector<16xf32>
      %swap3A_359 = arith.constant 0 : i32
      %swap3A_360 = arith.index_cast %swap3A_359 : i32 to index
      %swap3A_361 = arith.constant 304 : index
      %swap3A_362 = tpu.vector_load %arg10[%swap3A_360, %swap3A_361] {strides = array<i32>} : memref<1x2000xf32, #tpu.memory_space<vmem>>, vector<16xf32>,
      tpu.vector_store %arg10[%swap3A_360, %swap3A_361], %mul3A_358 {strides = array<i32>} : memref<1x2000xf32, #tpu.memory_space<vmem>>, vector<16xf32>,
      %swap3A_363 = arith.constant 0 : i32
      %swap3A_364 = arith.index_cast %swap3A_363 : i32 to index
      %swap3A_365 = arith.constant 304 : index
      %swap3A_366 = tpu.vector_load %arg11[%swap3A_364, %swap3A_365] {strides = array<i32>} : memref<1x2000xf32, #tpu.memory_space<vmem>>, vector<16xf32>,
      tpu.vector_store %arg11[%swap3A_364, %swap3A_365], %gather3A_353 {strides = array<i32>} : memref<1x2000xf32, #tpu.memory_space<vmem>>, vector<16xf32>,
      %get3A_367 = arith.constant 0 : i32
      %get3A_368 = arith.index_cast %get3A_367 : i32 to index
      %get3A_369 = arith.constant 320 : index
      %get3A_370 = tpu.vector_load %arg8[%get3A_368, %get3A_369] {strides = array<i32>} : memref<1x2000xi32, #tpu.memory_space<vmem>>, vector<16xi32>,
      %gather3A_371 = tpu.vector_load_idx %arg7[%get3A_370] : memref<10000xf32, #tpu.memory_space<vmem>>[vector<16xi32>], vector<16xf32>,
      %get3A_372 = arith.constant 0 : i32
      %get3A_373 = arith.index_cast %get3A_372 : i32 to index
      %get3A_374 = arith.constant 320 : index
      %get3A_375 = tpu.vector_load %arg9[%get3A_373, %get3A_374] {strides = array<i32>} : memref<1x2000xf32, #tpu.memory_space<vmem>>, vector<16xf32>,
      %mul3A_376 = arith.mulf %get3A_375, %gather3A_371 : vector<16xf32>
      %swap3A_377 = arith.constant 0 : i32
      %swap3A_378 = arith.index_cast %swap3A_377 : i32 to index
      %swap3A_379 = arith.constant 320 : index
      %swap3A_380 = tpu.vector_load %arg10[%swap3A_378, %swap3A_379] {strides = array<i32>} : memref<1x2000xf32, #tpu.memory_space<vmem>>, vector<16xf32>,
      tpu.vector_store %arg10[%swap3A_378, %swap3A_379], %mul3A_376 {strides = array<i32>} : memref<1x2000xf32, #tpu.memory_space<vmem>>, vector<16xf32>,
      %swap3A_381 = arith.constant 0 : i32
      %swap3A_382 = arith.index_cast %swap3A_381 : i32 to index
      %swap3A_383 = arith.constant 320 : index
      %swap3A_384 = tpu.vector_load %arg11[%swap3A_382, %swap3A_383] {strides = array<i32>} : memref<1x2000xf32, #tpu.memory_space<vmem>>, vector<16xf32>,
      tpu.vector_store %arg11[%swap3A_382, %swap3A_383], %gather3A_371 {strides = array<i32>} : memref<1x2000xf32, #tpu.memory_space<vmem>>, vector<16xf32>,
      %get3A_385 = arith.constant 0 : i32
      %get3A_386 = arith.index_cast %get3A_385 : i32 to index
      %get3A_387 = arith.constant 336 : index
      %get3A_388 = tpu.vector_load %arg8[%get3A_386, %get3A_387] {strides = array<i32>} : memref<1x2000xi32, #tpu.memory_space<vmem>>, vector<16xi32>,
      %gather3A_389 = tpu.vector_load_idx %arg7[%get3A_388] : memref<10000xf32, #tpu.memory_space<vmem>>[vector<16xi32>], vector<16xf32>,
      %get3A_390 = arith.constant 0 : i32
      %get3A_391 = arith.index_cast %get3A_390 : i32 to index
      %get3A_392 = arith.constant 336 : index
      %get3A_393 = tpu.vector_load %arg9[%get3A_391, %get3A_392] {strides = array<i32>} : memref<1x2000xf32, #tpu.memory_space<vmem>>, vector<16xf32>,
      %mul3A_394 = arith.mulf %get3A_393, %gather3A_389 : vector<16xf32>
      %swap3A_395 = arith.constant 0 : i32
      %swap3A_396 = arith.index_cast %swap3A_395 : i32 to index
      %swap3A_397 = arith.constant 336 : index
      %swap3A_398 = tpu.vector_load %arg10[%swap3A_396, %swap3A_397] {strides = array<i32>} : memref<1x2000xf32, #tpu.memory_space<vmem>>, vector<16xf32>,
      tpu.vector_store %arg10[%swap3A_396, %swap3A_397], %mul3A_394 {strides = array<i32>} : memref<1x2000xf32, #tpu.memory_space<vmem>>, vector<16xf32>,
      %swap3A_399 = arith.constant 0 : i32
      %swap3A_400 = arith.index_cast %swap3A_399 : i32 to index
      %swap3A_401 = arith.constant 336 : index
      %swap3A_402 = tpu.vector_load %arg11[%swap3A_400, %swap3A_401] {strides = array<i32>} : memref<1x2000xf32, #tpu.memory_space<vmem>>, vector<16xf32>,
      tpu.vector_store %arg11[%swap3A_400, %swap3A_401], %gather3A_389 {strides = array<i32>} : memref<1x2000xf32, #tpu.memory_space<vmem>>, vector<16xf32>,
      %get3A_403 = arith.constant 0 : i32
      %get3A_404 = arith.index_cast %get3A_403 : i32 to index
      %get3A_405 = arith.constant 352 : index
      %get3A_406 = tpu.vector_load %arg8[%get3A_404, %get3A_405] {strides = array<i32>} : memref<1x2000xi32, #tpu.memory_space<vmem>>, vector<16xi32>,
      %gather3A_407 = tpu.vector_load_idx %arg7[%get3A_406] : memref<10000xf32, #tpu.memory_space<vmem>>[vector<16xi32>], vector<16xf32>,
      %get3A_408 = arith.constant 0 : i32
      %get3A_409 = arith.index_cast %get3A_408 : i32 to index
      %get3A_410 = arith.constant 352 : index
      %get3A_411 = tpu.vector_load %arg9[%get3A_409, %get3A_410] {strides = array<i32>} : memref<1x2000xf32, #tpu.memory_space<vmem>>, vector<16xf32>,
      %mul3A_412 = arith.mulf %get3A_411, %gather3A_407 : vector<16xf32>
      %swap3A_413 = arith.constant 0 : i32
      %swap3A_414 = arith.index_cast %swap3A_413 : i32 to index
      %swap3A_415 = arith.constant 352 : index
      %swap3A_416 = tpu.vector_load %arg10[%swap3A_414, %swap3A_415] {strides = array<i32>} : memref<1x2000xf32, #tpu.memory_space<vmem>>, vector<16xf32>,
      tpu.vector_store %arg10[%swap3A_414, %swap3A_415], %mul3A_412 {strides = array<i32>} : memref<1x2000xf32, #tpu.memory_space<vmem>>, vector<16xf32>,
      %swap3A_417 = arith.constant 0 : i32
      %swap3A_418 = arith.index_cast %swap3A_417 : i32 to index
      %swap3A_419 = arith.constant 352 : index
      %swap3A_420 = tpu.vector_load %arg11[%swap3A_418, %swap3A_419] {strides = array<i32>} : memref<1x2000xf32, #tpu.memory_space<vmem>>, vector<16xf32>,
      tpu.vector_store %arg11[%swap3A_418, %swap3A_419], %gather3A_407 {strides = array<i32>} : memref<1x2000xf32, #tpu.memory_space<vmem>>, vector<16xf32>,
      %get3A_421 = arith.constant 0 : i32
      %get3A_422 = arith.index_cast %get3A_421 : i32 to index
      %get3A_423 = arith.constant 368 : index
      %get3A_424 = tpu.vector_load %arg8[%get3A_422, %get3A_423] {strides = array<i32>} : memref<1x2000xi32, #tpu.memory_space<vmem>>, vector<16xi32>,
      %gather3A_425 = tpu.vector_load_idx %arg7[%get3A_424] : memref<10000xf32, #tpu.memory_space<vmem>>[vector<16xi32>], vector<16xf32>,
      %get3A_426 = arith.constant 0 : i32
      %get3A_427 = arith.index_cast %get3A_426 : i32 to index
      %get3A_428 = arith.constant 368 : index
      %get3A_429 = tpu.vector_load %arg9[%get3A_427, %get3A_428] {strides = array<i32>} : memref<1x2000xf32, #tpu.memory_space<vmem>>, vector<16xf32>,
      %mul3A_430 = arith.mulf %get3A_429, %gather3A_425 : vector<16xf32>
      %swap3A_431 = arith.constant 0 : i32
      %swap3A_432 = arith.index_cast %swap3A_431 : i32 to index
      %swap3A_433 = arith.constant 368 : index
      %swap3A_434 = tpu.vector_load %arg10[%swap3A_432, %swap3A_433] {strides = array<i32>} : memref<1x2000xf32, #tpu.memory_space<vmem>>, vector<16xf32>,
      tpu.vector_store %arg10[%swap3A_432, %swap3A_433], %mul3A_430 {strides = array<i32>} : memref<1x2000xf32, #tpu.memory_space<vmem>>, vector<16xf32>,
      %swap3A_435 = arith.constant 0 : i32
      %swap3A_436 = arith.index_cast %swap3A_435 : i32 to index
      %swap3A_437 = arith.constant 368 : index
      %swap3A_438 = tpu.vector_load %arg11[%swap3A_436, %swap3A_437] {strides = array<i32>} : memref<1x2000xf32, #tpu.memory_space<vmem>>, vector<16xf32>,
      tpu.vector_store %arg11[%swap3A_436, %swap3A_437], %gather3A_425 {strides = array<i32>} : memref<1x2000xf32, #tpu.memory_space<vmem>>, vector<16xf32>,
      %get3A_439 = arith.constant 0 : i32
      %get3A_440 = arith.index_cast %get3A_439 : i32 to index
      %get3A_441 = arith.constant 384 : index
      %get3A_442 = tpu.vector_load %arg8[%get3A_440, %get3A_441] {strides = array<i32>} : memref<1x2000xi32, #tpu.memory_space<vmem>>, vector<16xi32>,
      %gather3A_443 = tpu.vector_load_idx %arg7[%get3A_442] : memref<10000xf32, #tpu.memory_space<vmem>>[vector<16xi32>], vector<16xf32>,
      %get3A_444 = arith.constant 0 : i32
      %get3A_445 = arith.index_cast %get3A_444 : i32 to index
      %get3A_446 = arith.constant 384 : index
      %get3A_447 = tpu.vector_load %arg9[%get3A_445, %get3A_446] {strides = array<i32>} : memref<1x2000xf32, #tpu.memory_space<vmem>>, vector<16xf32>,
      %mul3A_448 = arith.mulf %get3A_447, %gather3A_443 : vector<16xf32>
      %swap3A_449 = arith.constant 0 : i32
      %swap3A_450 = arith.index_cast %swap3A_449 : i32 to index
      %swap3A_451 = arith.constant 384 : index
      %swap3A_452 = tpu.vector_load %arg10[%swap3A_450, %swap3A_451] {strides = array<i32>} : memref<1x2000xf32, #tpu.memory_space<vmem>>, vector<16xf32>,
      tpu.vector_store %arg10[%swap3A_450, %swap3A_451], %mul3A_448 {strides = array<i32>} : memref<1x2000xf32, #tpu.memory_space<vmem>>, vector<16xf32>,
      %swap3A_453 = arith.constant 0 : i32
      %swap3A_454 = arith.index_cast %swap3A_453 : i32 to index
      %swap3A_455 = arith.constant 384 : index
      %swap3A_456 = tpu.vector_load %arg11[%swap3A_454, %swap3A_455] {strides = array<i32>} : memref<1x2000xf32, #tpu.memory_space<vmem>>, vector<16xf32>,
      tpu.vector_store %arg11[%swap3A_454, %swap3A_455], %gather3A_443 {strides = array<i32>} : memref<1x2000xf32, #tpu.memory_space<vmem>>, vector<16xf32>,
      %get3A_457 = arith.constant 0 : i32
      %get3A_458 = arith.index_cast %get3A_457 : i32 to index
      %get3A_459 = arith.constant 400 : index
      %get3A_460 = tpu.vector_load %arg8[%get3A_458, %get3A_459] {strides = array<i32>} : memref<1x2000xi32, #tpu.memory_space<vmem>>, vector<16xi32>,
      %gather3A_461 = tpu.vector_load_idx %arg7[%get3A_460] : memref<10000xf32, #tpu.memory_space<vmem>>[vector<16xi32>], vector<16xf32>,
      %get3A_462 = arith.constant 0 : i32
      %get3A_463 = arith.index_cast %get3A_462 : i32 to index
      %get3A_464 = arith.constant 400 : index
      %get3A_465 = tpu.vector_load %arg9[%get3A_463, %get3A_464] {strides = array<i32>} : memref<1x2000xf32, #tpu.memory_space<vmem>>, vector<16xf32>,
      %mul3A_466 = arith.mulf %get3A_465, %gather3A_461 : vector<16xf32>
      %swap3A_467 = arith.constant 0 : i32
      %swap3A_468 = arith.index_cast %swap3A_467 : i32 to index
      %swap3A_469 = arith.constant 400 : index
      %swap3A_470 = tpu.vector_load %arg10[%swap3A_468, %swap3A_469] {strides = array<i32>} : memref<1x2000xf32, #tpu.memory_space<vmem>>, vector<16xf32>,
      tpu.vector_store %arg10[%swap3A_468, %swap3A_469], %mul3A_466 {strides = array<i32>} : memref<1x2000xf32, #tpu.memory_space<vmem>>, vector<16xf32>,
      %swap3A_471 = arith.constant 0 : i32
      %swap3A_472 = arith.index_cast %swap3A_471 : i32 to index
      %swap3A_473 = arith.constant 400 : index
      %swap3A_474 = tpu.vector_load %arg11[%swap3A_472, %swap3A_473] {strides = array<i32>} : memref<1x2000xf32, #tpu.memory_space<vmem>>, vector<16xf32>,
      tpu.vector_store %arg11[%swap3A_472, %swap3A_473], %gather3A_461 {strides = array<i32>} : memref<1x2000xf32, #tpu.memory_space<vmem>>, vector<16xf32>,
      %get3A_475 = arith.constant 0 : i32
      %get3A_476 = arith.index_cast %get3A_475 : i32 to index
      %get3A_477 = arith.constant 416 : index
      %get3A_478 = tpu.vector_load %arg8[%get3A_476, %get3A_477] {strides = array<i32>} : memref<1x2000xi32, #tpu.memory_space<vmem>>, vector<16xi32>,
      %gather3A_479 = tpu.vector_load_idx %arg7[%get3A_478] : memref<10000xf32, #tpu.memory_space<vmem>>[vector<16xi32>], vector<16xf32>,
      %get3A_480 = arith.constant 0 : i32
      %get3A_481 = arith.index_cast %get3A_480 : i32 to index
      %get3A_482 = arith.constant 416 : index
      %get3A_483 = tpu.vector_load %arg9[%get3A_481, %get3A_482] {strides = array<i32>} : memref<1x2000xf32, #tpu.memory_space<vmem>>, vector<16xf32>,
      %mul3A_484 = arith.mulf %get3A_483, %gather3A_479 : vector<16xf32>
      %swap3A_485 = arith.constant 0 : i32
      %swap3A_486 = arith.index_cast %swap3A_485 : i32 to index
      %swap3A_487 = arith.constant 416 : index
      %swap3A_488 = tpu.vector_load %arg10[%swap3A_486, %swap3A_487] {strides = array<i32>} : memref<1x2000xf32, #tpu.memory_space<vmem>>, vector<16xf32>,
      tpu.vector_store %arg10[%swap3A_486, %swap3A_487], %mul3A_484 {strides = array<i32>} : memref<1x2000xf32, #tpu.memory_space<vmem>>, vector<16xf32>,
      %swap3A_489 = arith.constant 0 : i32
      %swap3A_490 = arith.index_cast %swap3A_489 : i32 to index
      %swap3A_491 = arith.constant 416 : index
      %swap3A_492 = tpu.vector_load %arg11[%swap3A_490, %swap3A_491] {strides = array<i32>} : memref<1x2000xf32, #tpu.memory_space<vmem>>, vector<16xf32>,
      tpu.vector_store %arg11[%swap3A_490, %swap3A_491], %gather3A_479 {strides = array<i32>} : memref<1x2000xf32, #tpu.memory_space<vmem>>, vector<16xf32>,
      %get3A_493 = arith.constant 0 : i32
      %get3A_494 = arith.index_cast %get3A_493 : i32 to index
      %get3A_495 = arith.constant 432 : index
      %get3A_496 = tpu.vector_load %arg8[%get3A_494, %get3A_495] {strides = array<i32>} : memref<1x2000xi32, #tpu.memory_space<vmem>>, vector<16xi32>,
      %gather3A_497 = tpu.vector_load_idx %arg7[%get3A_496] : memref<10000xf32, #tpu.memory_space<vmem>>[vector<16xi32>], vector<16xf32>,
      %get3A_498 = arith.constant 0 : i32
      %get3A_499 = arith.index_cast %get3A_498 : i32 to index
      %get3A_500 = arith.constant 432 : index
      %get3A_501 = tpu.vector_load %arg9[%get3A_499, %get3A_500] {strides = array<i32>} : memref<1x2000xf32, #tpu.memory_space<vmem>>, vector<16xf32>,
      %mul3A_502 = arith.mulf %get3A_501, %gather3A_497 : vector<16xf32>
      %swap3A_503 = arith.constant 0 : i32
      %swap3A_504 = arith.index_cast %swap3A_503 : i32 to index
      %swap3A_505 = arith.constant 432 : index
      %swap3A_506 = tpu.vector_load %arg10[%swap3A_504, %swap3A_505] {strides = array<i32>} : memref<1x2000xf32, #tpu.memory_space<vmem>>, vector<16xf32>,
      tpu.vector_store %arg10[%swap3A_504, %swap3A_505], %mul3A_502 {strides = array<i32>} : memref<1x2000xf32, #tpu.memory_space<vmem>>, vector<16xf32>,
      %swap3A_507 = arith.constant 0 : i32
      %swap3A_508 = arith.index_cast %swap3A_507 : i32 to index
      %swap3A_509 = arith.constant 432 : index
      %swap3A_510 = tpu.vector_load %arg11[%swap3A_508, %swap3A_509] {strides = array<i32>} : memref<1x2000xf32, #tpu.memory_space<vmem>>, vector<16xf32>,
      tpu.vector_store %arg11[%swap3A_508, %swap3A_509], %gather3A_497 {strides = array<i32>} : memref<1x2000xf32, #tpu.memory_space<vmem>>, vector<16xf32>,
      %get3A_511 = arith.constant 0 : i32
      %get3A_512 = arith.index_cast %get3A_511 : i32 to index
      %get3A_513 = arith.constant 448 : index
      %get3A_514 = tpu.vector_load %arg8[%get3A_512, %get3A_513] {strides = array<i32>} : memref<1x2000xi32, #tpu.memory_space<vmem>>, vector<16xi32>,
      %gather3A_515 = tpu.vector_load_idx %arg7[%get3A_514] : memref<10000xf32, #tpu.memory_space<vmem>>[vector<16xi32>], vector<16xf32>,
      %get3A_516 = arith.constant 0 : i32
      %get3A_517 = arith.index_cast %get3A_516 : i32 to index
      %get3A_518 = arith.constant 448 : index
      %get3A_519 = tpu.vector_load %arg9[%get3A_517, %get3A_518] {strides = array<i32>} : memref<1x2000xf32, #tpu.memory_space<vmem>>, vector<16xf32>,
      %mul3A_520 = arith.mulf %get3A_519, %gather3A_515 : vector<16xf32>
      %swap3A_521 = arith.constant 0 : i32
      %swap3A_522 = arith.index_cast %swap3A_521 : i32 to index
      %swap3A_523 = arith.constant 448 : index
      %swap3A_524 = tpu.vector_load %arg10[%swap3A_522, %swap3A_523] {strides = array<i32>} : memref<1x2000xf32, #tpu.memory_space<vmem>>, vector<16xf32>,
      tpu.vector_store %arg10[%swap3A_522, %swap3A_523], %mul3A_520 {strides = array<i32>} : memref<1x2000xf32, #tpu.memory_space<vmem>>, vector<16xf32>,
      %swap3A_525 = arith.constant 0 : i32
      %swap3A_526 = arith.index_cast %swap3A_525 : i32 to index
      %swap3A_527 = arith.constant 448 : index
      %swap3A_528 = tpu.vector_load %arg11[%swap3A_526, %swap3A_527] {strides = array<i32>} : memref<1x2000xf32, #tpu.memory_space<vmem>>, vector<16xf32>,
      tpu.vector_store %arg11[%swap3A_526, %swap3A_527], %gather3A_515 {strides = array<i32>} : memref<1x2000xf32, #tpu.memory_space<vmem>>, vector<16xf32>,
      %get3A_529 = arith.constant 0 : i32
      %get3A_530 = arith.index_cast %get3A_529 : i32 to index
      %get3A_531 = arith.constant 464 : index
      %get3A_532 = tpu.vector_load %arg8[%get3A_530, %get3A_531] {strides = array<i32>} : memref<1x2000xi32, #tpu.memory_space<vmem>>, vector<16xi32>,
      %gather3A_533 = tpu.vector_load_idx %arg7[%get3A_532] : memref<10000xf32, #tpu.memory_space<vmem>>[vector<16xi32>], vector<16xf32>,
      %get3A_534 = arith.constant 0 : i32
      %get3A_535 = arith.index_cast %get3A_534 : i32 to index
      %get3A_536 = arith.constant 464 : index
      %get3A_537 = tpu.vector_load %arg9[%get3A_535, %get3A_536] {strides = array<i32>} : memref<1x2000xf32, #tpu.memory_space<vmem>>, vector<16xf32>,
      %mul3A_538 = arith.mulf %get3A_537, %gather3A_533 : vector<16xf32>
      %swap3A_539 = arith.constant 0 : i32
      %swap3A_540 = arith.index_cast %swap3A_539 : i32 to index
      %swap3A_541 = arith.constant 464 : index
      %swap3A_542 = tpu.vector_load %arg10[%swap3A_540, %swap3A_541] {strides = array<i32>} : memref<1x2000xf32, #tpu.memory_space<vmem>>, vector<16xf32>,
      tpu.vector_store %arg10[%swap3A_540, %swap3A_541], %mul3A_538 {strides = array<i32>} : memref<1x2000xf32, #tpu.memory_space<vmem>>, vector<16xf32>,
      %swap3A_543 = arith.constant 0 : i32
      %swap3A_544 = arith.index_cast %swap3A_543 : i32 to index
      %swap3A_545 = arith.constant 464 : index
      %swap3A_546 = tpu.vector_load %arg11[%swap3A_544, %swap3A_545] {strides = array<i32>} : memref<1x2000xf32, #tpu.memory_space<vmem>>, vector<16xf32>,
      tpu.vector_store %arg11[%swap3A_544, %swap3A_545], %gather3A_533 {strides = array<i32>} : memref<1x2000xf32, #tpu.memory_space<vmem>>, vector<16xf32>,
      %get3A_547 = arith.constant 0 : i32
      %get3A_548 = arith.index_cast %get3A_547 : i32 to index
      %get3A_549 = arith.constant 480 : index
      %get3A_550 = tpu.vector_load %arg8[%get3A_548, %get3A_549] {strides = array<i32>} : memref<1x2000xi32, #tpu.memory_space<vmem>>, vector<16xi32>,
      %gather3A_551 = tpu.vector_load_idx %arg7[%get3A_550] : memref<10000xf32, #tpu.memory_space<vmem>>[vector<16xi32>], vector<16xf32>,
      %get3A_552 = arith.constant 0 : i32
      %get3A_553 = arith.index_cast %get3A_552 : i32 to index
      %get3A_554 = arith.constant 480 : index
      %get3A_555 = tpu.vector_load %arg9[%get3A_553, %get3A_554] {strides = array<i32>} : memref<1x2000xf32, #tpu.memory_space<vmem>>, vector<16xf32>,
      %mul3A_556 = arith.mulf %get3A_555, %gather3A_551 : vector<16xf32>
      %swap3A_557 = arith.constant 0 : i32
      %swap3A_558 = arith.index_cast %swap3A_557 : i32 to index
      %swap3A_559 = arith.constant 480 : index
      %swap3A_560 = tpu.vector_load %arg10[%swap3A_558, %swap3A_559] {strides = array<i32>} : memref<1x2000xf32, #tpu.memory_space<vmem>>, vector<16xf32>,
      tpu.vector_store %arg10[%swap3A_558, %swap3A_559], %mul3A_556 {strides = array<i32>} : memref<1x2000xf32, #tpu.memory_space<vmem>>, vector<16xf32>,
      %swap3A_561 = arith.constant 0 : i32
      %swap3A_562 = arith.index_cast %swap3A_561 : i32 to index
      %swap3A_563 = arith.constant 480 : index
      %swap3A_564 = tpu.vector_load %arg11[%swap3A_562, %swap3A_563] {strides = array<i32>} : memref<1x2000xf32, #tpu.memory_space<vmem>>, vector<16xf32>,
      tpu.vector_store %arg11[%swap3A_562, %swap3A_563], %gather3A_551 {strides = array<i32>} : memref<1x2000xf32, #tpu.memory_space<vmem>>, vector<16xf32>,
      %get3A_565 = arith.constant 0 : i32
      %get3A_566 = arith.index_cast %get3A_565 : i32 to index
      %get3A_567 = arith.constant 496 : index
      %get3A_568 = tpu.vector_load %arg8[%get3A_566, %get3A_567] {strides = array<i32>} : memref<1x2000xi32, #tpu.memory_space<vmem>>, vector<16xi32>,
      %gather3A_569 = tpu.vector_load_idx %arg7[%get3A_568] : memref<10000xf32, #tpu.memory_space<vmem>>[vector<16xi32>], vector<16xf32>,
      %get3A_570 = arith.constant 0 : i32
      %get3A_571 = arith.index_cast %get3A_570 : i32 to index
      %get3A_572 = arith.constant 496 : index
      %get3A_573 = tpu.vector_load %arg9[%get3A_571, %get3A_572] {strides = array<i32>} : memref<1x2000xf32, #tpu.memory_space<vmem>>, vector<16xf32>,
      %mul3A_574 = arith.mulf %get3A_573, %gather3A_569 : vector<16xf32>
      %swap3A_575 = arith.constant 0 : i32
      %swap3A_576 = arith.index_cast %swap3A_575 : i32 to index
      %swap3A_577 = arith.constant 496 : index
      %swap3A_578 = tpu.vector_load %arg10[%swap3A_576, %swap3A_577] {strides = array<i32>} : memref<1x2000xf32, #tpu.memory_space<vmem>>, vector<16xf32>,
      tpu.vector_store %arg10[%swap3A_576, %swap3A_577], %mul3A_574 {strides = array<i32>} : memref<1x2000xf32, #tpu.memory_space<vmem>>, vector<16xf32>,
      %swap3A_579 = arith.constant 0 : i32
      %swap3A_580 = arith.index_cast %swap3A_579 : i32 to index
      %swap3A_581 = arith.constant 496 : index
      %swap3A_582 = tpu.vector_load %arg11[%swap3A_580, %swap3A_581] {strides = array<i32>} : memref<1x2000xf32, #tpu.memory_space<vmem>>, vector<16xf32>,
      tpu.vector_store %arg11[%swap3A_580, %swap3A_581], %gather3A_569 {strides = array<i32>} : memref<1x2000xf32, #tpu.memory_space<vmem>>, vector<16xf32>,
      %get3A_583 = arith.constant 0 : i32
      %get3A_584 = arith.index_cast %get3A_583 : i32 to index
      %get3A_585 = arith.constant 512 : index
      %get3A_586 = tpu.vector_load %arg8[%get3A_584, %get3A_585] {strides = array<i32>} : memref<1x2000xi32, #tpu.memory_space<vmem>>, vector<16xi32>,
      %gather3A_587 = tpu.vector_load_idx %arg7[%get3A_586] : memref<10000xf32, #tpu.memory_space<vmem>>[vector<16xi32>], vector<16xf32>,
      %get3A_588 = arith.constant 0 : i32
      %get3A_589 = arith.index_cast %get3A_588 : i32 to index
      %get3A_590 = arith.constant 512 : index
      %get3A_591 = tpu.vector_load %arg9[%get3A_589, %get3A_590] {strides = array<i32>} : memref<1x2000xf32, #tpu.memory_space<vmem>>, vector<16xf32>,
      %mul3A_592 = arith.mulf %get3A_591, %gather3A_587 : vector<16xf32>
      %swap3A_593 = arith.constant 0 : i32
      %swap3A_594 = arith.index_cast %swap3A_593 : i32 to index
      %swap3A_595 = arith.constant 512 : index
      %swap3A_596 = tpu.vector_load %arg10[%swap3A_594, %swap3A_595] {strides = array<i32>} : memref<1x2000xf32, #tpu.memory_space<vmem>>, vector<16xf32>,
      tpu.vector_store %arg10[%swap3A_594, %swap3A_595], %mul3A_592 {strides = array<i32>} : memref<1x2000xf32, #tpu.memory_space<vmem>>, vector<16xf32>,
      %swap3A_597 = arith.constant 0 : i32
      %swap3A_598 = arith.index_cast %swap3A_597 : i32 to index
      %swap3A_599 = arith.constant 512 : index
      %swap3A_600 = tpu.vector_load %arg11[%swap3A_598, %swap3A_599] {strides = array<i32>} : memref<1x2000xf32, #tpu.memory_space<vmem>>, vector<16xf32>,
      tpu.vector_store %arg11[%swap3A_598, %swap3A_599], %gather3A_587 {strides = array<i32>} : memref<1x2000xf32, #tpu.memory_space<vmem>>, vector<16xf32>,
      %get3A_601 = arith.constant 0 : i32
      %get3A_602 = arith.index_cast %get3A_601 : i32 to index
      %get3A_603 = arith.constant 528 : index
      %get3A_604 = tpu.vector_load %arg8[%get3A_602, %get3A_603] {strides = array<i32>} : memref<1x2000xi32, #tpu.memory_space<vmem>>, vector<16xi32>,
      %gather3A_605 = tpu.vector_load_idx %arg7[%get3A_604] : memref<10000xf32, #tpu.memory_space<vmem>>[vector<16xi32>], vector<16xf32>,
      %get3A_606 = arith.constant 0 : i32
      %get3A_607 = arith.index_cast %get3A_606 : i32 to index
      %get3A_608 = arith.constant 528 : index
      %get3A_609 = tpu.vector_load %arg9[%get3A_607, %get3A_608] {strides = array<i32>} : memref<1x2000xf32, #tpu.memory_space<vmem>>, vector<16xf32>,
      %mul3A_610 = arith.mulf %get3A_609, %gather3A_605 : vector<16xf32>
      %swap3A_611 = arith.constant 0 : i32
      %swap3A_612 = arith.index_cast %swap3A_611 : i32 to index
      %swap3A_613 = arith.constant 528 : index
      %swap3A_614 = tpu.vector_load %arg10[%swap3A_612, %swap3A_613] {strides = array<i32>} : memref<1x2000xf32, #tpu.memory_space<vmem>>, vector<16xf32>,
      tpu.vector_store %arg10[%swap3A_612, %swap3A_613], %mul3A_610 {strides = array<i32>} : memref<1x2000xf32, #tpu.memory_space<vmem>>, vector<16xf32>,
      %swap3A_615 = arith.constant 0 : i32
      %swap3A_616 = arith.index_cast %swap3A_615 : i32 to index
      %swap3A_617 = arith.constant 528 : index
      %swap3A_618 = tpu.vector_load %arg11[%swap3A_616, %swap3A_617] {strides = array<i32>} : memref<1x2000xf32, #tpu.memory_space<vmem>>, vector<16xf32>,
      tpu.vector_store %arg11[%swap3A_616, %swap3A_617], %gather3A_605 {strides = array<i32>} : memref<1x2000xf32, #tpu.memory_space<vmem>>, vector<16xf32>,
      %get3A_619 = arith.constant 0 : i32
      %get3A_620 = arith.index_cast %get3A_619 : i32 to index
      %get3A_621 = arith.constant 544 : index
      %get3A_622 = tpu.vector_load %arg8[%get3A_620, %get3A_621] {strides = array<i32>} : memref<1x2000xi32, #tpu.memory_space<vmem>>, vector<16xi32>,
      %gather3A_623 = tpu.vector_load_idx %arg7[%get3A_622] : memref<10000xf32, #tpu.memory_space<vmem>>[vector<16xi32>], vector<16xf32>,
      %get3A_624 = arith.constant 0 : i32
      %get3A_625 = arith.index_cast %get3A_624 : i32 to index
      %get3A_626 = arith.constant 544 : index
      %get3A_627 = tpu.vector_load %arg9[%get3A_625, %get3A_626] {strides = array<i32>} : memref<1x2000xf32, #tpu.memory_space<vmem>>, vector<16xf32>,
      %mul3A_628 = arith.mulf %get3A_627, %gather3A_623 : vector<16xf32>
      %swap3A_629 = arith.constant 0 : i32
      %swap3A_630 = arith.index_cast %swap3A_629 : i32 to index
      %swap3A_631 = arith.constant 544 : index
      %swap3A_632 = tpu.vector_load %arg10[%swap3A_630, %swap3A_631] {strides = array<i32>} : memref<1x2000xf32, #tpu.memory_space<vmem>>, vector<16xf32>,
      tpu.vector_store %arg10[%swap3A_630, %swap3A_631], %mul3A_628 {strides = array<i32>} : memref<1x2000xf32, #tpu.memory_space<vmem>>, vector<16xf32>,
      %swap3A_633 = arith.constant 0 : i32
      %swap3A_634 = arith.index_cast %swap3A_633 : i32 to index
      %swap3A_635 = arith.constant 544 : index
      %swap3A_636 = tpu.vector_load %arg11[%swap3A_634, %swap3A_635] {strides = array<i32>} : memref<1x2000xf32, #tpu.memory_space<vmem>>, vector<16xf32>,
      tpu.vector_store %arg11[%swap3A_634, %swap3A_635], %gather3A_623 {strides = array<i32>} : memref<1x2000xf32, #tpu.memory_space<vmem>>, vector<16xf32>,
      %get3A_637 = arith.constant 0 : i32
      %get3A_638 = arith.index_cast %get3A_637 : i32 to index
      %get3A_639 = arith.constant 560 : index
      %get3A_640 = tpu.vector_load %arg8[%get3A_638, %get3A_639] {strides = array<i32>} : memref<1x2000xi32, #tpu.memory_space<vmem>>, vector<16xi32>,
      %gather3A_641 = tpu.vector_load_idx %arg7[%get3A_640] : memref<10000xf32, #tpu.memory_space<vmem>>[vector<16xi32>], vector<16xf32>,
      %get3A_642 = arith.constant 0 : i32
      %get3A_643 = arith.index_cast %get3A_642 : i32 to index
      %get3A_644 = arith.constant 560 : index
      %get3A_645 = tpu.vector_load %arg9[%get3A_643, %get3A_644] {strides = array<i32>} : memref<1x2000xf32, #tpu.memory_space<vmem>>, vector<16xf32>,
      %mul3A_646 = arith.mulf %get3A_645, %gather3A_641 : vector<16xf32>
      %swap3A_647 = arith.constant 0 : i32
      %swap3A_648 = arith.index_cast %swap3A_647 : i32 to index
      %swap3A_649 = arith.constant 560 : index
      %swap3A_650 = tpu.vector_load %arg10[%swap3A_648, %swap3A_649] {strides = array<i32>} : memref<1x2000xf32, #tpu.memory_space<vmem>>, vector<16xf32>,
      tpu.vector_store %arg10[%swap3A_648, %swap3A_649], %mul3A_646 {strides = array<i32>} : memref<1x2000xf32, #tpu.memory_space<vmem>>, vector<16xf32>,
      %swap3A_651 = arith.constant 0 : i32
      %swap3A_652 = arith.index_cast %swap3A_651 : i32 to index
      %swap3A_653 = arith.constant 560 : index
      %swap3A_654 = tpu.vector_load %arg11[%swap3A_652, %swap3A_653] {strides = array<i32>} : memref<1x2000xf32, #tpu.memory_space<vmem>>, vector<16xf32>,
      tpu.vector_store %arg11[%swap3A_652, %swap3A_653], %gather3A_641 {strides = array<i32>} : memref<1x2000xf32, #tpu.memory_space<vmem>>, vector<16xf32>,
      %get3A_655 = arith.constant 0 : i32
      %get3A_656 = arith.index_cast %get3A_655 : i32 to index
      %get3A_657 = arith.constant 576 : index
      %get3A_658 = tpu.vector_load %arg8[%get3A_656, %get3A_657] {strides = array<i32>} : memref<1x2000xi32, #tpu.memory_space<vmem>>, vector<16xi32>,
      %gather3A_659 = tpu.vector_load_idx %arg7[%get3A_658] : memref<10000xf32, #tpu.memory_space<vmem>>[vector<16xi32>], vector<16xf32>,
      %get3A_660 = arith.constant 0 : i32
      %get3A_661 = arith.index_cast %get3A_660 : i32 to index
      %get3A_662 = arith.constant 576 : index
      %get3A_663 = tpu.vector_load %arg9[%get3A_661, %get3A_662] {strides = array<i32>} : memref<1x2000xf32, #tpu.memory_space<vmem>>, vector<16xf32>,
      %mul3A_664 = arith.mulf %get3A_663, %gather3A_659 : vector<16xf32>
      %swap3A_665 = arith.constant 0 : i32
      %swap3A_666 = arith.index_cast %swap3A_665 : i32 to index
      %swap3A_667 = arith.constant 576 : index
      %swap3A_668 = tpu.vector_load %arg10[%swap3A_666, %swap3A_667] {strides = array<i32>} : memref<1x2000xf32, #tpu.memory_space<vmem>>, vector<16xf32>,
      tpu.vector_store %arg10[%swap3A_666, %swap3A_667], %mul3A_664 {strides = array<i32>} : memref<1x2000xf32, #tpu.memory_space<vmem>>, vector<16xf32>,
      %swap3A_669 = arith.constant 0 : i32
      %swap3A_670 = arith.index_cast %swap3A_669 : i32 to index
      %swap3A_671 = arith.constant 576 : index
      %swap3A_672 = tpu.vector_load %arg11[%swap3A_670, %swap3A_671] {strides = array<i32>} : memref<1x2000xf32, #tpu.memory_space<vmem>>, vector<16xf32>,
      tpu.vector_store %arg11[%swap3A_670, %swap3A_671], %gather3A_659 {strides = array<i32>} : memref<1x2000xf32, #tpu.memory_space<vmem>>, vector<16xf32>,
      %get3A_673 = arith.constant 0 : i32
      %get3A_674 = arith.index_cast %get3A_673 : i32 to index
      %get3A_675 = arith.constant 592 : index
      %get3A_676 = tpu.vector_load %arg8[%get3A_674, %get3A_675] {strides = array<i32>} : memref<1x2000xi32, #tpu.memory_space<vmem>>, vector<16xi32>,
      %gather3A_677 = tpu.vector_load_idx %arg7[%get3A_676] : memref<10000xf32, #tpu.memory_space<vmem>>[vector<16xi32>], vector<16xf32>,
      %get3A_678 = arith.constant 0 : i32
      %get3A_679 = arith.index_cast %get3A_678 : i32 to index
      %get3A_680 = arith.constant 592 : index
      %get3A_681 = tpu.vector_load %arg9[%get3A_679, %get3A_680] {strides = array<i32>} : memref<1x2000xf32, #tpu.memory_space<vmem>>, vector<16xf32>,
      %mul3A_682 = arith.mulf %get3A_681, %gather3A_677 : vector<16xf32>
      %swap3A_683 = arith.constant 0 : i32
      %swap3A_684 = arith.index_cast %swap3A_683 : i32 to index
      %swap3A_685 = arith.constant 592 : index
      %swap3A_686 = tpu.vector_load %arg10[%swap3A_684, %swap3A_685] {strides = array<i32>} : memref<1x2000xf32, #tpu.memory_space<vmem>>, vector<16xf32>,
      tpu.vector_store %arg10[%swap3A_684, %swap3A_685], %mul3A_682 {strides = array<i32>} : memref<1x2000xf32, #tpu.memory_space<vmem>>, vector<16xf32>,
      %swap3A_687 = arith.constant 0 : i32
      %swap3A_688 = arith.index_cast %swap3A_687 : i32 to index
      %swap3A_689 = arith.constant 592 : index
      %swap3A_690 = tpu.vector_load %arg11[%swap3A_688, %swap3A_689] {strides = array<i32>} : memref<1x2000xf32, #tpu.memory_space<vmem>>, vector<16xf32>,
      tpu.vector_store %arg11[%swap3A_688, %swap3A_689], %gather3A_677 {strides = array<i32>} : memref<1x2000xf32, #tpu.memory_space<vmem>>, vector<16xf32>,
      %get3A_691 = arith.constant 0 : i32
      %get3A_692 = arith.index_cast %get3A_691 : i32 to index
      %get3A_693 = arith.constant 608 : index
      %get3A_694 = tpu.vector_load %arg8[%get3A_692, %get3A_693] {strides = array<i32>} : memref<1x2000xi32, #tpu.memory_space<vmem>>, vector<16xi32>,
      %gather3A_695 = tpu.vector_load_idx %arg7[%get3A_694] : memref<10000xf32, #tpu.memory_space<vmem>>[vector<16xi32>], vector<16xf32>,
      %get3A_696 = arith.constant 0 : i32
      %get3A_697 = arith.index_cast %get3A_696 : i32 to index
      %get3A_698 = arith.constant 608 : index
      %get3A_699 = tpu.vector_load %arg9[%get3A_697, %get3A_698] {strides = array<i32>} : memref<1x2000xf32, #tpu.memory_space<vmem>>, vector<16xf32>,
      %mul3A_700 = arith.mulf %get3A_699, %gather3A_695 : vector<16xf32>
      %swap3A_701 = arith.constant 0 : i32
      %swap3A_702 = arith.index_cast %swap3A_701 : i32 to index
      %swap3A_703 = arith.constant 608 : index
      %swap3A_704 = tpu.vector_load %arg10[%swap3A_702, %swap3A_703] {strides = array<i32>} : memref<1x2000xf32, #tpu.memory_space<vmem>>, vector<16xf32>,
      tpu.vector_store %arg10[%swap3A_702, %swap3A_703], %mul3A_700 {strides = array<i32>} : memref<1x2000xf32, #tpu.memory_space<vmem>>, vector<16xf32>,
      %swap3A_705 = arith.constant 0 : i32
      %swap3A_706 = arith.index_cast %swap3A_705 : i32 to index
      %swap3A_707 = arith.constant 608 : index
      %swap3A_708 = tpu.vector_load %arg11[%swap3A_706, %swap3A_707] {strides = array<i32>} : memref<1x2000xf32, #tpu.memory_space<vmem>>, vector<16xf32>,
      tpu.vector_store %arg11[%swap3A_706, %swap3A_707], %gather3A_695 {strides = array<i32>} : memref<1x2000xf32, #tpu.memory_space<vmem>>, vector<16xf32>,
      %get3A_709 = arith.constant 0 : i32
      %get3A_710 = arith.index_cast %get3A_709 : i32 to index
      %get3A_711 = arith.constant 624 : index
      %get3A_712 = tpu.vector_load %arg8[%get3A_710, %get3A_711] {strides = array<i32>} : memref<1x2000xi32, #tpu.memory_space<vmem>>, vector<16xi32>,
      %gather3A_713 = tpu.vector_load_idx %arg7[%get3A_712] : memref<10000xf32, #tpu.memory_space<vmem>>[vector<16xi32>], vector<16xf32>,
      %get3A_714 = arith.constant 0 : i32
      %get3A_715 = arith.index_cast %get3A_714 : i32 to index
      %get3A_716 = arith.constant 624 : index
      %get3A_717 = tpu.vector_load %arg9[%get3A_715, %get3A_716] {strides = array<i32>} : memref<1x2000xf32, #tpu.memory_space<vmem>>, vector<16xf32>,
      %mul3A_718 = arith.mulf %get3A_717, %gather3A_713 : vector<16xf32>
      %swap3A_719 = arith.constant 0 : i32
      %swap3A_720 = arith.index_cast %swap3A_719 : i32 to index
      %swap3A_721 = arith.constant 624 : index
      %swap3A_722 = tpu.vector_load %arg10[%swap3A_720, %swap3A_721] {strides = array<i32>} : memref<1x2000xf32, #tpu.memory_space<vmem>>, vector<16xf32>,
      tpu.vector_store %arg10[%swap3A_720, %swap3A_721], %mul3A_718 {strides = array<i32>} : memref<1x2000xf32, #tpu.memory_space<vmem>>, vector<16xf32>,
      %swap3A_723 = arith.constant 0 : i32
      %swap3A_724 = arith.index_cast %swap3A_723 : i32 to index
      %swap3A_725 = arith.constant 624 : index
      %swap3A_726 = tpu.vector_load %arg11[%swap3A_724, %swap3A_725] {strides = array<i32>} : memref<1x2000xf32, #tpu.memory_space<vmem>>, vector<16xf32>,
      tpu.vector_store %arg11[%swap3A_724, %swap3A_725], %gather3A_713 {strides = array<i32>} : memref<1x2000xf32, #tpu.memory_space<vmem>>, vector<16xf32>,
      %get3A_727 = arith.constant 0 : i32
      %get3A_728 = arith.index_cast %get3A_727 : i32 to index
      %get3A_729 = arith.constant 640 : index
      %get3A_730 = tpu.vector_load %arg8[%get3A_728, %get3A_729] {strides = array<i32>} : memref<1x2000xi32, #tpu.memory_space<vmem>>, vector<16xi32>,
      %gather3A_731 = tpu.vector_load_idx %arg7[%get3A_730] : memref<10000xf32, #tpu.memory_space<vmem>>[vector<16xi32>], vector<16xf32>,
      %get3A_732 = arith.constant 0 : i32
      %get3A_733 = arith.index_cast %get3A_732 : i32 to index
      %get3A_734 = arith.constant 640 : index
      %get3A_735 = tpu.vector_load %arg9[%get3A_733, %get3A_734] {strides = array<i32>} : memref<1x2000xf32, #tpu.memory_space<vmem>>, vector<16xf32>,
      %mul3A_736 = arith.mulf %get3A_735, %gather3A_731 : vector<16xf32>
      %swap3A_737 = arith.constant 0 : i32
      %swap3A_738 = arith.index_cast %swap3A_737 : i32 to index
      %swap3A_739 = arith.constant 640 : index
      %swap3A_740 = tpu.vector_load %arg10[%swap3A_738, %swap3A_739] {strides = array<i32>} : memref<1x2000xf32, #tpu.memory_space<vmem>>, vector<16xf32>,
      tpu.vector_store %arg10[%swap3A_738, %swap3A_739], %mul3A_736 {strides = array<i32>} : memref<1x2000xf32, #tpu.memory_space<vmem>>, vector<16xf32>,
      %swap3A_741 = arith.constant 0 : i32
      %swap3A_742 = arith.index_cast %swap3A_741 : i32 to index
      %swap3A_743 = arith.constant 640 : index
      %swap3A_744 = tpu.vector_load %arg11[%swap3A_742, %swap3A_743] {strides = array<i32>} : memref<1x2000xf32, #tpu.memory_space<vmem>>, vector<16xf32>,
      tpu.vector_store %arg11[%swap3A_742, %swap3A_743], %gather3A_731 {strides = array<i32>} : memref<1x2000xf32, #tpu.memory_space<vmem>>, vector<16xf32>,
      %get3A_745 = arith.constant 0 : i32
      %get3A_746 = arith.index_cast %get3A_745 : i32 to index
      %get3A_747 = arith.constant 656 : index
      %get3A_748 = tpu.vector_load %arg8[%get3A_746, %get3A_747] {strides = array<i32>} : memref<1x2000xi32, #tpu.memory_space<vmem>>, vector<16xi32>,
      %gather3A_749 = tpu.vector_load_idx %arg7[%get3A_748] : memref<10000xf32, #tpu.memory_space<vmem>>[vector<16xi32>], vector<16xf32>,
      %get3A_750 = arith.constant 0 : i32
      %get3A_751 = arith.index_cast %get3A_750 : i32 to index
      %get3A_752 = arith.constant 656 : index
      %get3A_753 = tpu.vector_load %arg9[%get3A_751, %get3A_752] {strides = array<i32>} : memref<1x2000xf32, #tpu.memory_space<vmem>>, vector<16xf32>,
      %mul3A_754 = arith.mulf %get3A_753, %gather3A_749 : vector<16xf32>
      %swap3A_755 = arith.constant 0 : i32
      %swap3A_756 = arith.index_cast %swap3A_755 : i32 to index
      %swap3A_757 = arith.constant 656 : index
      %swap3A_758 = tpu.vector_load %arg10[%swap3A_756, %swap3A_757] {strides = array<i32>} : memref<1x2000xf32, #tpu.memory_space<vmem>>, vector<16xf32>,
      tpu.vector_store %arg10[%swap3A_756, %swap3A_757], %mul3A_754 {strides = array<i32>} : memref<1x2000xf32, #tpu.memory_space<vmem>>, vector<16xf32>,
      %swap3A_759 = arith.constant 0 : i32
      %swap3A_760 = arith.index_cast %swap3A_759 : i32 to index
      %swap3A_761 = arith.constant 656 : index
      %swap3A_762 = tpu.vector_load %arg11[%swap3A_760, %swap3A_761] {strides = array<i32>} : memref<1x2000xf32, #tpu.memory_space<vmem>>, vector<16xf32>,
      tpu.vector_store %arg11[%swap3A_760, %swap3A_761], %gather3A_749 {strides = array<i32>} : memref<1x2000xf32, #tpu.memory_space<vmem>>, vector<16xf32>,
      %get3A_763 = arith.constant 0 : i32
      %get3A_764 = arith.index_cast %get3A_763 : i32 to index
      %get3A_765 = arith.constant 672 : index
      %get3A_766 = tpu.vector_load %arg8[%get3A_764, %get3A_765] {strides = array<i32>} : memref<1x2000xi32, #tpu.memory_space<vmem>>, vector<16xi32>,
      %gather3A_767 = tpu.vector_load_idx %arg7[%get3A_766] : memref<10000xf32, #tpu.memory_space<vmem>>[vector<16xi32>], vector<16xf32>,
      %get3A_768 = arith.constant 0 : i32
      %get3A_769 = arith.index_cast %get3A_768 : i32 to index
      %get3A_770 = arith.constant 672 : index
      %get3A_771 = tpu.vector_load %arg9[%get3A_769, %get3A_770] {strides = array<i32>} : memref<1x2000xf32, #tpu.memory_space<vmem>>, vector<16xf32>,
      %mul3A_772 = arith.mulf %get3A_771, %gather3A_767 : vector<16xf32>
      %swap3A_773 = arith.constant 0 : i32
      %swap3A_774 = arith.index_cast %swap3A_773 : i32 to index
      %swap3A_775 = arith.constant 672 : index
      %swap3A_776 = tpu.vector_load %arg10[%swap3A_774, %swap3A_775] {strides = array<i32>} : memref<1x2000xf32, #tpu.memory_space<vmem>>, vector<16xf32>,
      tpu.vector_store %arg10[%swap3A_774, %swap3A_775], %mul3A_772 {strides = array<i32>} : memref<1x2000xf32, #tpu.memory_space<vmem>>, vector<16xf32>,
      %swap3A_777 = arith.constant 0 : i32
      %swap3A_778 = arith.index_cast %swap3A_777 : i32 to index
      %swap3A_779 = arith.constant 672 : index
      %swap3A_780 = tpu.vector_load %arg11[%swap3A_778, %swap3A_779] {strides = array<i32>} : memref<1x2000xf32, #tpu.memory_space<vmem>>, vector<16xf32>,
      tpu.vector_store %arg11[%swap3A_778, %swap3A_779], %gather3A_767 {strides = array<i32>} : memref<1x2000xf32, #tpu.memory_space<vmem>>, vector<16xf32>,
      %get3A_781 = arith.constant 0 : i32
      %get3A_782 = arith.index_cast %get3A_781 : i32 to index
      %get3A_783 = arith.constant 688 : index
      %get3A_784 = tpu.vector_load %arg8[%get3A_782, %get3A_783] {strides = array<i32>} : memref<1x2000xi32, #tpu.memory_space<vmem>>, vector<16xi32>,
      %gather3A_785 = tpu.vector_load_idx %arg7[%get3A_784] : memref<10000xf32, #tpu.memory_space<vmem>>[vector<16xi32>], vector<16xf32>,
      %get3A_786 = arith.constant 0 : i32
      %get3A_787 = arith.index_cast %get3A_786 : i32 to index
      %get3A_788 = arith.constant 688 : index
      %get3A_789 = tpu.vector_load %arg9[%get3A_787, %get3A_788] {strides = array<i32>} : memref<1x2000xf32, #tpu.memory_space<vmem>>, vector<16xf32>,
      %mul3A_790 = arith.mulf %get3A_789, %gather3A_785 : vector<16xf32>
      %swap3A_791 = arith.constant 0 : i32
      %swap3A_792 = arith.index_cast %swap3A_791 : i32 to index
      %swap3A_793 = arith.constant 688 : index
      %swap3A_794 = tpu.vector_load %arg10[%swap3A_792, %swap3A_793] {strides = array<i32>} : memref<1x2000xf32, #tpu.memory_space<vmem>>, vector<16xf32>,
      tpu.vector_store %arg10[%swap3A_792, %swap3A_793], %mul3A_790 {strides = array<i32>} : memref<1x2000xf32, #tpu.memory_space<vmem>>, vector<16xf32>,
      %swap3A_795 = arith.constant 0 : i32
      %swap3A_796 = arith.index_cast %swap3A_795 : i32 to index
      %swap3A_797 = arith.constant 688 : index
      %swap3A_798 = tpu.vector_load %arg11[%swap3A_796, %swap3A_797] {strides = array<i32>} : memref<1x2000xf32, #tpu.memory_space<vmem>>, vector<16xf32>,
      tpu.vector_store %arg11[%swap3A_796, %swap3A_797], %gather3A_785 {strides = array<i32>} : memref<1x2000xf32, #tpu.memory_space<vmem>>, vector<16xf32>,
      %get3A_799 = arith.constant 0 : i32
      %get3A_800 = arith.index_cast %get3A_799 : i32 to index
      %get3A_801 = arith.constant 704 : index
      %get3A_802 = tpu.vector_load %arg8[%get3A_800, %get3A_801] {strides = array<i32>} : memref<1x2000xi32, #tpu.memory_space<vmem>>, vector<16xi32>,
      %gather3A_803 = tpu.vector_load_idx %arg7[%get3A_802] : memref<10000xf32, #tpu.memory_space<vmem>>[vector<16xi32>], vector<16xf32>,
      %get3A_804 = arith.constant 0 : i32
      %get3A_805 = arith.index_cast %get3A_804 : i32 to index
      %get3A_806 = arith.constant 704 : index
      %get3A_807 = tpu.vector_load %arg9[%get3A_805, %get3A_806] {strides = array<i32>} : memref<1x2000xf32, #tpu.memory_space<vmem>>, vector<16xf32>,
      %mul3A_808 = arith.mulf %get3A_807, %gather3A_803 : vector<16xf32>
      %swap3A_809 = arith.constant 0 : i32
      %swap3A_810 = arith.index_cast %swap3A_809 : i32 to index
      %swap3A_811 = arith.constant 704 : index
      %swap3A_812 = tpu.vector_load %arg10[%swap3A_810, %swap3A_811] {strides = array<i32>} : memref<1x2000xf32, #tpu.memory_space<vmem>>, vector<16xf32>,
      tpu.vector_store %arg10[%swap3A_810, %swap3A_811], %mul3A_808 {strides = array<i32>} : memref<1x2000xf32, #tpu.memory_space<vmem>>, vector<16xf32>,
      %swap3A_813 = arith.constant 0 : i32
      %swap3A_814 = arith.index_cast %swap3A_813 : i32 to index
      %swap3A_815 = arith.constant 704 : index
      %swap3A_816 = tpu.vector_load %arg11[%swap3A_814, %swap3A_815] {strides = array<i32>} : memref<1x2000xf32, #tpu.memory_space<vmem>>, vector<16xf32>,
      tpu.vector_store %arg11[%swap3A_814, %swap3A_815], %gather3A_803 {strides = array<i32>} : memref<1x2000xf32, #tpu.memory_space<vmem>>, vector<16xf32>,
      %get3A_817 = arith.constant 0 : i32
      %get3A_818 = arith.index_cast %get3A_817 : i32 to index
      %get3A_819 = arith.constant 720 : index
      %get3A_820 = tpu.vector_load %arg8[%get3A_818, %get3A_819] {strides = array<i32>} : memref<1x2000xi32, #tpu.memory_space<vmem>>, vector<16xi32>,
      %gather3A_821 = tpu.vector_load_idx %arg7[%get3A_820] : memref<10000xf32, #tpu.memory_space<vmem>>[vector<16xi32>], vector<16xf32>,
      %get3A_822 = arith.constant 0 : i32
      %get3A_823 = arith.index_cast %get3A_822 : i32 to index
      %get3A_824 = arith.constant 720 : index
      %get3A_825 = tpu.vector_load %arg9[%get3A_823, %get3A_824] {strides = array<i32>} : memref<1x2000xf32, #tpu.memory_space<vmem>>, vector<16xf32>,
      %mul3A_826 = arith.mulf %get3A_825, %gather3A_821 : vector<16xf32>
      %swap3A_827 = arith.constant 0 : i32
      %swap3A_828 = arith.index_cast %swap3A_827 : i32 to index
      %swap3A_829 = arith.constant 720 : index
      %swap3A_830 = tpu.vector_load %arg10[%swap3A_828, %swap3A_829] {strides = array<i32>} : memref<1x2000xf32, #tpu.memory_space<vmem>>, vector<16xf32>,
      tpu.vector_store %arg10[%swap3A_828, %swap3A_829], %mul3A_826 {strides = array<i32>} : memref<1x2000xf32, #tpu.memory_space<vmem>>, vector<16xf32>,
      %swap3A_831 = arith.constant 0 : i32
      %swap3A_832 = arith.index_cast %swap3A_831 : i32 to index
      %swap3A_833 = arith.constant 720 : index
      %swap3A_834 = tpu.vector_load %arg11[%swap3A_832, %swap3A_833] {strides = array<i32>} : memref<1x2000xf32, #tpu.memory_space<vmem>>, vector<16xf32>,
      tpu.vector_store %arg11[%swap3A_832, %swap3A_833], %gather3A_821 {strides = array<i32>} : memref<1x2000xf32, #tpu.memory_space<vmem>>, vector<16xf32>,
      %get3A_835 = arith.constant 0 : i32
      %get3A_836 = arith.index_cast %get3A_835 : i32 to index
      %get3A_837 = arith.constant 736 : index
      %get3A_838 = tpu.vector_load %arg8[%get3A_836, %get3A_837] {strides = array<i32>} : memref<1x2000xi32, #tpu.memory_space<vmem>>, vector<16xi32>,
      %gather3A_839 = tpu.vector_load_idx %arg7[%get3A_838] : memref<10000xf32, #tpu.memory_space<vmem>>[vector<16xi32>], vector<16xf32>,
      %get3A_840 = arith.constant 0 : i32
      %get3A_841 = arith.index_cast %get3A_840 : i32 to index
      %get3A_842 = arith.constant 736 : index
      %get3A_843 = tpu.vector_load %arg9[%get3A_841, %get3A_842] {strides = array<i32>} : memref<1x2000xf32, #tpu.memory_space<vmem>>, vector<16xf32>,
      %mul3A_844 = arith.mulf %get3A_843, %gather3A_839 : vector<16xf32>
      %swap3A_845 = arith.constant 0 : i32
      %swap3A_846 = arith.index_cast %swap3A_845 : i32 to index
      %swap3A_847 = arith.constant 736 : index
      %swap3A_848 = tpu.vector_load %arg10[%swap3A_846, %swap3A_847] {strides = array<i32>} : memref<1x2000xf32, #tpu.memory_space<vmem>>, vector<16xf32>,
      tpu.vector_store %arg10[%swap3A_846, %swap3A_847], %mul3A_844 {strides = array<i32>} : memref<1x2000xf32, #tpu.memory_space<vmem>>, vector<16xf32>,
      %swap3A_849 = arith.constant 0 : i32
      %swap3A_850 = arith.index_cast %swap3A_849 : i32 to index
      %swap3A_851 = arith.constant 736 : index
      %swap3A_852 = tpu.vector_load %arg11[%swap3A_850, %swap3A_851] {strides = array<i32>} : memref<1x2000xf32, #tpu.memory_space<vmem>>, vector<16xf32>,
      tpu.vector_store %arg11[%swap3A_850, %swap3A_851], %gather3A_839 {strides = array<i32>} : memref<1x2000xf32, #tpu.memory_space<vmem>>, vector<16xf32>,
      %get3A_853 = arith.constant 0 : i32
      %get3A_854 = arith.index_cast %get3A_853 : i32 to index
      %get3A_855 = arith.constant 752 : index
      %get3A_856 = tpu.vector_load %arg8[%get3A_854, %get3A_855] {strides = array<i32>} : memref<1x2000xi32, #tpu.memory_space<vmem>>, vector<16xi32>,
      %gather3A_857 = tpu.vector_load_idx %arg7[%get3A_856] : memref<10000xf32, #tpu.memory_space<vmem>>[vector<16xi32>], vector<16xf32>,
      %get3A_858 = arith.constant 0 : i32
      %get3A_859 = arith.index_cast %get3A_858 : i32 to index
      %get3A_860 = arith.constant 752 : index
      %get3A_861 = tpu.vector_load %arg9[%get3A_859, %get3A_860] {strides = array<i32>} : memref<1x2000xf32, #tpu.memory_space<vmem>>, vector<16xf32>,
      %mul3A_862 = arith.mulf %get3A_861, %gather3A_857 : vector<16xf32>
      %swap3A_863 = arith.constant 0 : i32
      %swap3A_864 = arith.index_cast %swap3A_863 : i32 to index
      %swap3A_865 = arith.constant 752 : index
      %swap3A_866 = tpu.vector_load %arg10[%swap3A_864, %swap3A_865] {strides = array<i32>} : memref<1x2000xf32, #tpu.memory_space<vmem>>, vector<16xf32>,
      tpu.vector_store %arg10[%swap3A_864, %swap3A_865], %mul3A_862 {strides = array<i32>} : memref<1x2000xf32, #tpu.memory_space<vmem>>, vector<16xf32>,
      %swap3A_867 = arith.constant 0 : i32
      %swap3A_868 = arith.index_cast %swap3A_867 : i32 to index
      %swap3A_869 = arith.constant 752 : index
      %swap3A_870 = tpu.vector_load %arg11[%swap3A_868, %swap3A_869] {strides = array<i32>} : memref<1x2000xf32, #tpu.memory_space<vmem>>, vector<16xf32>,
      tpu.vector_store %arg11[%swap3A_868, %swap3A_869], %gather3A_857 {strides = array<i32>} : memref<1x2000xf32, #tpu.memory_space<vmem>>, vector<16xf32>,
      %get3A_871 = arith.constant 0 : i32
      %get3A_872 = arith.index_cast %get3A_871 : i32 to index
      %get3A_873 = arith.constant 768 : index
      %get3A_874 = tpu.vector_load %arg8[%get3A_872, %get3A_873] {strides = array<i32>} : memref<1x2000xi32, #tpu.memory_space<vmem>>, vector<16xi32>,
      %gather3A_875 = tpu.vector_load_idx %arg7[%get3A_874] : memref<10000xf32, #tpu.memory_space<vmem>>[vector<16xi32>], vector<16xf32>,
      %get3A_876 = arith.constant 0 : i32
      %get3A_877 = arith.index_cast %get3A_876 : i32 to index
      %get3A_878 = arith.constant 768 : index
      %get3A_879 = tpu.vector_load %arg9[%get3A_877, %get3A_878] {strides = array<i32>} : memref<1x2000xf32, #tpu.memory_space<vmem>>, vector<16xf32>,
      %mul3A_880 = arith.mulf %get3A_879, %gather3A_875 : vector<16xf32>
      %swap3A_881 = arith.constant 0 : i32
      %swap3A_882 = arith.index_cast %swap3A_881 : i32 to index
      %swap3A_883 = arith.constant 768 : index
      %swap3A_884 = tpu.vector_load %arg10[%swap3A_882, %swap3A_883] {strides = array<i32>} : memref<1x2000xf32, #tpu.memory_space<vmem>>, vector<16xf32>,
      tpu.vector_store %arg10[%swap3A_882, %swap3A_883], %mul3A_880 {strides = array<i32>} : memref<1x2000xf32, #tpu.memory_space<vmem>>, vector<16xf32>,
      %swap3A_885 = arith.constant 0 : i32
      %swap3A_886 = arith.index_cast %swap3A_885 : i32 to index
      %swap3A_887 = arith.constant 768 : index
      %swap3A_888 = tpu.vector_load %arg11[%swap3A_886, %swap3A_887] {strides = array<i32>} : memref<1x2000xf32, #tpu.memory_space<vmem>>, vector<16xf32>,
      tpu.vector_store %arg11[%swap3A_886, %swap3A_887], %gather3A_875 {strides = array<i32>} : memref<1x2000xf32, #tpu.memory_space<vmem>>, vector<16xf32>,
      %get3A_889 = arith.constant 0 : i32
      %get3A_890 = arith.index_cast %get3A_889 : i32 to index
      %get3A_891 = arith.constant 784 : index
      %get3A_892 = tpu.vector_load %arg8[%get3A_890, %get3A_891] {strides = array<i32>} : memref<1x2000xi32, #tpu.memory_space<vmem>>, vector<16xi32>,
      %gather3A_893 = tpu.vector_load_idx %arg7[%get3A_892] : memref<10000xf32, #tpu.memory_space<vmem>>[vector<16xi32>], vector<16xf32>,
      %get3A_894 = arith.constant 0 : i32
      %get3A_895 = arith.index_cast %get3A_894 : i32 to index
      %get3A_896 = arith.constant 784 : index
      %get3A_897 = tpu.vector_load %arg9[%get3A_895, %get3A_896] {strides = array<i32>} : memref<1x2000xf32, #tpu.memory_space<vmem>>, vector<16xf32>,
      %mul3A_898 = arith.mulf %get3A_897, %gather3A_893 : vector<16xf32>
      %swap3A_899 = arith.constant 0 : i32
      %swap3A_900 = arith.index_cast %swap3A_899 : i32 to index
      %swap3A_901 = arith.constant 784 : index
      %swap3A_902 = tpu.vector_load %arg10[%swap3A_900, %swap3A_901] {strides = array<i32>} : memref<1x2000xf32, #tpu.memory_space<vmem>>, vector<16xf32>,
      tpu.vector_store %arg10[%swap3A_900, %swap3A_901], %mul3A_898 {strides = array<i32>} : memref<1x2000xf32, #tpu.memory_space<vmem>>, vector<16xf32>,
      %swap3A_903 = arith.constant 0 : i32
      %swap3A_904 = arith.index_cast %swap3A_903 : i32 to index
      %swap3A_905 = arith.constant 784 : index
      %swap3A_906 = tpu.vector_load %arg11[%swap3A_904, %swap3A_905] {strides = array<i32>} : memref<1x2000xf32, #tpu.memory_space<vmem>>, vector<16xf32>,
      tpu.vector_store %arg11[%swap3A_904, %swap3A_905], %gather3A_893 {strides = array<i32>} : memref<1x2000xf32, #tpu.memory_space<vmem>>, vector<16xf32>,
      %get3A_907 = arith.constant 0 : i32
      %get3A_908 = arith.index_cast %get3A_907 : i32 to index
      %get3A_909 = arith.constant 800 : index
      %get3A_910 = tpu.vector_load %arg8[%get3A_908, %get3A_909] {strides = array<i32>} : memref<1x2000xi32, #tpu.memory_space<vmem>>, vector<16xi32>,
      %gather3A_911 = tpu.vector_load_idx %arg7[%get3A_910] : memref<10000xf32, #tpu.memory_space<vmem>>[vector<16xi32>], vector<16xf32>,
      %get3A_912 = arith.constant 0 : i32
      %get3A_913 = arith.index_cast %get3A_912 : i32 to index
      %get3A_914 = arith.constant 800 : index
      %get3A_915 = tpu.vector_load %arg9[%get3A_913, %get3A_914] {strides = array<i32>} : memref<1x2000xf32, #tpu.memory_space<vmem>>, vector<16xf32>,
      %mul3A_916 = arith.mulf %get3A_915, %gather3A_911 : vector<16xf32>
      %swap3A_917 = arith.constant 0 : i32
      %swap3A_918 = arith.index_cast %swap3A_917 : i32 to index
      %swap3A_919 = arith.constant 800 : index
      %swap3A_920 = tpu.vector_load %arg10[%swap3A_918, %swap3A_919] {strides = array<i32>} : memref<1x2000xf32, #tpu.memory_space<vmem>>, vector<16xf32>,
      tpu.vector_store %arg10[%swap3A_918, %swap3A_919], %mul3A_916 {strides = array<i32>} : memref<1x2000xf32, #tpu.memory_space<vmem>>, vector<16xf32>,
      %swap3A_921 = arith.constant 0 : i32
      %swap3A_922 = arith.index_cast %swap3A_921 : i32 to index
      %swap3A_923 = arith.constant 800 : index
      %swap3A_924 = tpu.vector_load %arg11[%swap3A_922, %swap3A_923] {strides = array<i32>} : memref<1x2000xf32, #tpu.memory_space<vmem>>, vector<16xf32>,
      tpu.vector_store %arg11[%swap3A_922, %swap3A_923], %gather3A_911 {strides = array<i32>} : memref<1x2000xf32, #tpu.memory_space<vmem>>, vector<16xf32>,
      %get3A_925 = arith.constant 0 : i32
      %get3A_926 = arith.index_cast %get3A_925 : i32 to index
      %get3A_927 = arith.constant 816 : index
      %get3A_928 = tpu.vector_load %arg8[%get3A_926, %get3A_927] {strides = array<i32>} : memref<1x2000xi32, #tpu.memory_space<vmem>>, vector<16xi32>,
      %gather3A_929 = tpu.vector_load_idx %arg7[%get3A_928] : memref<10000xf32, #tpu.memory_space<vmem>>[vector<16xi32>], vector<16xf32>,
      %get3A_930 = arith.constant 0 : i32
      %get3A_931 = arith.index_cast %get3A_930 : i32 to index
      %get3A_932 = arith.constant 816 : index
      %get3A_933 = tpu.vector_load %arg9[%get3A_931, %get3A_932] {strides = array<i32>} : memref<1x2000xf32, #tpu.memory_space<vmem>>, vector<16xf32>,
      %mul3A_934 = arith.mulf %get3A_933, %gather3A_929 : vector<16xf32>
      %swap3A_935 = arith.constant 0 : i32
      %swap3A_936 = arith.index_cast %swap3A_935 : i32 to index
      %swap3A_937 = arith.constant 816 : index
      %swap3A_938 = tpu.vector_load %arg10[%swap3A_936, %swap3A_937] {strides = array<i32>} : memref<1x2000xf32, #tpu.memory_space<vmem>>, vector<16xf32>,
      tpu.vector_store %arg10[%swap3A_936, %swap3A_937], %mul3A_934 {strides = array<i32>} : memref<1x2000xf32, #tpu.memory_space<vmem>>, vector<16xf32>,
      %swap3A_939 = arith.constant 0 : i32
      %swap3A_940 = arith.index_cast %swap3A_939 : i32 to index
      %swap3A_941 = arith.constant 816 : index
      %swap3A_942 = tpu.vector_load %arg11[%swap3A_940, %swap3A_941] {strides = array<i32>} : memref<1x2000xf32, #tpu.memory_space<vmem>>, vector<16xf32>,
      tpu.vector_store %arg11[%swap3A_940, %swap3A_941], %gather3A_929 {strides = array<i32>} : memref<1x2000xf32, #tpu.memory_space<vmem>>, vector<16xf32>,
      %get3A_943 = arith.constant 0 : i32
      %get3A_944 = arith.index_cast %get3A_943 : i32 to index
      %get3A_945 = arith.constant 832 : index
      %get3A_946 = tpu.vector_load %arg8[%get3A_944, %get3A_945] {strides = array<i32>} : memref<1x2000xi32, #tpu.memory_space<vmem>>, vector<16xi32>,
      %gather3A_947 = tpu.vector_load_idx %arg7[%get3A_946] : memref<10000xf32, #tpu.memory_space<vmem>>[vector<16xi32>], vector<16xf32>,
      %get3A_948 = arith.constant 0 : i32
      %get3A_949 = arith.index_cast %get3A_948 : i32 to index
      %get3A_950 = arith.constant 832 : index
      %get3A_951 = tpu.vector_load %arg9[%get3A_949, %get3A_950] {strides = array<i32>} : memref<1x2000xf32, #tpu.memory_space<vmem>>, vector<16xf32>,
      %mul3A_952 = arith.mulf %get3A_951, %gather3A_947 : vector<16xf32>
      %swap3A_953 = arith.constant 0 : i32
      %swap3A_954 = arith.index_cast %swap3A_953 : i32 to index
      %swap3A_955 = arith.constant 832 : index
      %swap3A_956 = tpu.vector_load %arg10[%swap3A_954, %swap3A_955] {strides = array<i32>} : memref<1x2000xf32, #tpu.memory_space<vmem>>, vector<16xf32>,
      tpu.vector_store %arg10[%swap3A_954, %swap3A_955], %mul3A_952 {strides = array<i32>} : memref<1x2000xf32, #tpu.memory_space<vmem>>, vector<16xf32>,
      %swap3A_957 = arith.constant 0 : i32
      %swap3A_958 = arith.index_cast %swap3A_957 : i32 to index
      %swap3A_959 = arith.constant 832 : index
      %swap3A_960 = tpu.vector_load %arg11[%swap3A_958, %swap3A_959] {strides = array<i32>} : memref<1x2000xf32, #tpu.memory_space<vmem>>, vector<16xf32>,
      tpu.vector_store %arg11[%swap3A_958, %swap3A_959], %gather3A_947 {strides = array<i32>} : memref<1x2000xf32, #tpu.memory_space<vmem>>, vector<16xf32>,
      %get3A_961 = arith.constant 0 : i32
      %get3A_962 = arith.index_cast %get3A_961 : i32 to index
      %get3A_963 = arith.constant 848 : index
      %get3A_964 = tpu.vector_load %arg8[%get3A_962, %get3A_963] {strides = array<i32>} : memref<1x2000xi32, #tpu.memory_space<vmem>>, vector<16xi32>,
      %gather3A_965 = tpu.vector_load_idx %arg7[%get3A_964] : memref<10000xf32, #tpu.memory_space<vmem>>[vector<16xi32>], vector<16xf32>,
      %get3A_966 = arith.constant 0 : i32
      %get3A_967 = arith.index_cast %get3A_966 : i32 to index
      %get3A_968 = arith.constant 848 : index
      %get3A_969 = tpu.vector_load %arg9[%get3A_967, %get3A_968] {strides = array<i32>} : memref<1x2000xf32, #tpu.memory_space<vmem>>, vector<16xf32>,
      %mul3A_970 = arith.mulf %get3A_969, %gather3A_965 : vector<16xf32>
      %swap3A_971 = arith.constant 0 : i32
      %swap3A_972 = arith.index_cast %swap3A_971 : i32 to index
      %swap3A_973 = arith.constant 848 : index
      %swap3A_974 = tpu.vector_load %arg10[%swap3A_972, %swap3A_973] {strides = array<i32>} : memref<1x2000xf32, #tpu.memory_space<vmem>>, vector<16xf32>,
      tpu.vector_store %arg10[%swap3A_972, %swap3A_973], %mul3A_970 {strides = array<i32>} : memref<1x2000xf32, #tpu.memory_space<vmem>>, vector<16xf32>,
      %swap3A_975 = arith.constant 0 : i32
      %swap3A_976 = arith.index_cast %swap3A_975 : i32 to index
      %swap3A_977 = arith.constant 848 : index
      %swap3A_978 = tpu.vector_load %arg11[%swap3A_976, %swap3A_977] {strides = array<i32>} : memref<1x2000xf32, #tpu.memory_space<vmem>>, vector<16xf32>,
      tpu.vector_store %arg11[%swap3A_976, %swap3A_977], %gather3A_965 {strides = array<i32>} : memref<1x2000xf32, #tpu.memory_space<vmem>>, vector<16xf32>,
      %get3A_979 = arith.constant 0 : i32
      %get3A_980 = arith.index_cast %get3A_979 : i32 to index
      %get3A_981 = arith.constant 864 : index
      %get3A_982 = tpu.vector_load %arg8[%get3A_980, %get3A_981] {strides = array<i32>} : memref<1x2000xi32, #tpu.memory_space<vmem>>, vector<16xi32>,
      %gather3A_983 = tpu.vector_load_idx %arg7[%get3A_982] : memref<10000xf32, #tpu.memory_space<vmem>>[vector<16xi32>], vector<16xf32>,
      %get3A_984 = arith.constant 0 : i32
      %get3A_985 = arith.index_cast %get3A_984 : i32 to index
      %get3A_986 = arith.constant 864 : index
      %get3A_987 = tpu.vector_load %arg9[%get3A_985, %get3A_986] {strides = array<i32>} : memref<1x2000xf32, #tpu.memory_space<vmem>>, vector<16xf32>,
      %mul3A_988 = arith.mulf %get3A_987, %gather3A_983 : vector<16xf32>
      %swap3A_989 = arith.constant 0 : i32
      %swap3A_990 = arith.index_cast %swap3A_989 : i32 to index
      %swap3A_991 = arith.constant 864 : index
      %swap3A_992 = tpu.vector_load %arg10[%swap3A_990, %swap3A_991] {strides = array<i32>} : memref<1x2000xf32, #tpu.memory_space<vmem>>, vector<16xf32>,
      tpu.vector_store %arg10[%swap3A_990, %swap3A_991], %mul3A_988 {strides = array<i32>} : memref<1x2000xf32, #tpu.memory_space<vmem>>, vector<16xf32>,
      %swap3A_993 = arith.constant 0 : i32
      %swap3A_994 = arith.index_cast %swap3A_993 : i32 to index
      %swap3A_995 = arith.constant 864 : index
      %swap3A_996 = tpu.vector_load %arg11[%swap3A_994, %swap3A_995] {strides = array<i32>} : memref<1x2000xf32, #tpu.memory_space<vmem>>, vector<16xf32>,
      tpu.vector_store %arg11[%swap3A_994, %swap3A_995], %gather3A_983 {strides = array<i32>} : memref<1x2000xf32, #tpu.memory_space<vmem>>, vector<16xf32>,
      %get3A_997 = arith.constant 0 : i32
      %get3A_998 = arith.index_cast %get3A_997 : i32 to index
      %get3A_999 = arith.constant 880 : index
      %get3A_1000 = tpu.vector_load %arg8[%get3A_998, %get3A_999] {strides = array<i32>} : memref<1x2000xi32, #tpu.memory_space<vmem>>, vector<16xi32>,
      %gather3A_1001 = tpu.vector_load_idx %arg7[%get3A_1000] : memref<10000xf32, #tpu.memory_space<vmem>>[vector<16xi32>], vector<16xf32>,
      %get3A_1002 = arith.constant 0 : i32
      %get3A_1003 = arith.index_cast %get3A_1002 : i32 to index
      %get3A_1004 = arith.constant 880 : index
      %get3A_1005 = tpu.vector_load %arg9[%get3A_1003, %get3A_1004] {strides = array<i32>} : memref<1x2000xf32, #tpu.memory_space<vmem>>, vector<16xf32>,
      %mul3A_1006 = arith.mulf %get3A_1005, %gather3A_1001 : vector<16xf32>
      %swap3A_1007 = arith.constant 0 : i32
      %swap3A_1008 = arith.index_cast %swap3A_1007 : i32 to index
      %swap3A_1009 = arith.constant 880 : index
      %swap3A_1010 = tpu.vector_load %arg10[%swap3A_1008, %swap3A_1009] {strides = array<i32>} : memref<1x2000xf32, #tpu.memory_space<vmem>>, vector<16xf32>,
      tpu.vector_store %arg10[%swap3A_1008, %swap3A_1009], %mul3A_1006 {strides = array<i32>} : memref<1x2000xf32, #tpu.memory_space<vmem>>, vector<16xf32>,
      %swap3A_1011 = arith.constant 0 : i32
      %swap3A_1012 = arith.index_cast %swap3A_1011 : i32 to index
      %swap3A_1013 = arith.constant 880 : index
      %swap3A_1014 = tpu.vector_load %arg11[%swap3A_1012, %swap3A_1013] {strides = array<i32>} : memref<1x2000xf32, #tpu.memory_space<vmem>>, vector<16xf32>,
      tpu.vector_store %arg11[%swap3A_1012, %swap3A_1013], %gather3A_1001 {strides = array<i32>} : memref<1x2000xf32, #tpu.memory_space<vmem>>, vector<16xf32>,
      %get3A_1015 = arith.constant 0 : i32
      %get3A_1016 = arith.index_cast %get3A_1015 : i32 to index
      %get3A_1017 = arith.constant 896 : index
      %get3A_1018 = tpu.vector_load %arg8[%get3A_1016, %get3A_1017] {strides = array<i32>} : memref<1x2000xi32, #tpu.memory_space<vmem>>, vector<16xi32>,
      %gather3A_1019 = tpu.vector_load_idx %arg7[%get3A_1018] : memref<10000xf32, #tpu.memory_space<vmem>>[vector<16xi32>], vector<16xf32>,
      %get3A_1020 = arith.constant 0 : i32
      %get3A_1021 = arith.index_cast %get3A_1020 : i32 to index
      %get3A_1022 = arith.constant 896 : index
      %get3A_1023 = tpu.vector_load %arg9[%get3A_1021, %get3A_1022] {strides = array<i32>} : memref<1x2000xf32, #tpu.memory_space<vmem>>, vector<16xf32>,
      %mul3A_1024 = arith.mulf %get3A_1023, %gather3A_1019 : vector<16xf32>
      %swap3A_1025 = arith.constant 0 : i32
      %swap3A_1026 = arith.index_cast %swap3A_1025 : i32 to index
      %swap3A_1027 = arith.constant 896 : index
      %swap3A_1028 = tpu.vector_load %arg10[%swap3A_1026, %swap3A_1027] {strides = array<i32>} : memref<1x2000xf32, #tpu.memory_space<vmem>>, vector<16xf32>,
      tpu.vector_store %arg10[%swap3A_1026, %swap3A_1027], %mul3A_1024 {strides = array<i32>} : memref<1x2000xf32, #tpu.memory_space<vmem>>, vector<16xf32>,
      %swap3A_1029 = arith.constant 0 : i32
      %swap3A_1030 = arith.index_cast %swap3A_1029 : i32 to index
      %swap3A_1031 = arith.constant 896 : index
      %swap3A_1032 = tpu.vector_load %arg11[%swap3A_1030, %swap3A_1031] {strides = array<i32>} : memref<1x2000xf32, #tpu.memory_space<vmem>>, vector<16xf32>,
      tpu.vector_store %arg11[%swap3A_1030, %swap3A_1031], %gather3A_1019 {strides = array<i32>} : memref<1x2000xf32, #tpu.memory_space<vmem>>, vector<16xf32>,
      %get3A_1033 = arith.constant 0 : i32
      %get3A_1034 = arith.index_cast %get3A_1033 : i32 to index
      %get3A_1035 = arith.constant 912 : index
      %get3A_1036 = tpu.vector_load %arg8[%get3A_1034, %get3A_1035] {strides = array<i32>} : memref<1x2000xi32, #tpu.memory_space<vmem>>, vector<16xi32>,
      %gather3A_1037 = tpu.vector_load_idx %arg7[%get3A_1036] : memref<10000xf32, #tpu.memory_space<vmem>>[vector<16xi32>], vector<16xf32>,
      %get3A_1038 = arith.constant 0 : i32
      %get3A_1039 = arith.index_cast %get3A_1038 : i32 to index
      %get3A_1040 = arith.constant 912 : index
      %get3A_1041 = tpu.vector_load %arg9[%get3A_1039, %get3A_1040] {strides = array<i32>} : memref<1x2000xf32, #tpu.memory_space<vmem>>, vector<16xf32>,
      %mul3A_1042 = arith.mulf %get3A_1041, %gather3A_1037 : vector<16xf32>
      %swap3A_1043 = arith.constant 0 : i32
      %swap3A_1044 = arith.index_cast %swap3A_1043 : i32 to index
      %swap3A_1045 = arith.constant 912 : index
      %swap3A_1046 = tpu.vector_load %arg10[%swap3A_1044, %swap3A_1045] {strides = array<i32>} : memref<1x2000xf32, #tpu.memory_space<vmem>>, vector<16xf32>,
      tpu.vector_store %arg10[%swap3A_1044, %swap3A_1045], %mul3A_1042 {strides = array<i32>} : memref<1x2000xf32, #tpu.memory_space<vmem>>, vector<16xf32>,
      %swap3A_1047 = arith.constant 0 : i32
      %swap3A_1048 = arith.index_cast %swap3A_1047 : i32 to index
      %swap3A_1049 = arith.constant 912 : index
      %swap3A_1050 = tpu.vector_load %arg11[%swap3A_1048, %swap3A_1049] {strides = array<i32>} : memref<1x2000xf32, #tpu.memory_space<vmem>>, vector<16xf32>,
      tpu.vector_store %arg11[%swap3A_1048, %swap3A_1049], %gather3A_1037 {strides = array<i32>} : memref<1x2000xf32, #tpu.memory_space<vmem>>, vector<16xf32>,
      %get3A_1051 = arith.constant 0 : i32
      %get3A_1052 = arith.index_cast %get3A_1051 : i32 to index
      %get3A_1053 = arith.constant 928 : index
      %get3A_1054 = tpu.vector_load %arg8[%get3A_1052, %get3A_1053] {strides = array<i32>} : memref<1x2000xi32, #tpu.memory_space<vmem>>, vector<16xi32>,
      %gather3A_1055 = tpu.vector_load_idx %arg7[%get3A_1054] : memref<10000xf32, #tpu.memory_space<vmem>>[vector<16xi32>], vector<16xf32>,
      %get3A_1056 = arith.constant 0 : i32
      %get3A_1057 = arith.index_cast %get3A_1056 : i32 to index
      %get3A_1058 = arith.constant 928 : index
      %get3A_1059 = tpu.vector_load %arg9[%get3A_1057, %get3A_1058] {strides = array<i32>} : memref<1x2000xf32, #tpu.memory_space<vmem>>, vector<16xf32>,
      %mul3A_1060 = arith.mulf %get3A_1059, %gather3A_1055 : vector<16xf32>
      %swap3A_1061 = arith.constant 0 : i32
      %swap3A_1062 = arith.index_cast %swap3A_1061 : i32 to index
      %swap3A_1063 = arith.constant 928 : index
      %swap3A_1064 = tpu.vector_load %arg10[%swap3A_1062, %swap3A_1063] {strides = array<i32>} : memref<1x2000xf32, #tpu.memory_space<vmem>>, vector<16xf32>,
      tpu.vector_store %arg10[%swap3A_1062, %swap3A_1063], %mul3A_1060 {strides = array<i32>} : memref<1x2000xf32, #tpu.memory_space<vmem>>, vector<16xf32>,
      %swap3A_1065 = arith.constant 0 : i32
      %swap3A_1066 = arith.index_cast %swap3A_1065 : i32 to index
      %swap3A_1067 = arith.constant 928 : index
      %swap3A_1068 = tpu.vector_load %arg11[%swap3A_1066, %swap3A_1067] {strides = array<i32>} : memref<1x2000xf32, #tpu.memory_space<vmem>>, vector<16xf32>,
      tpu.vector_store %arg11[%swap3A_1066, %swap3A_1067], %gather3A_1055 {strides = array<i32>} : memref<1x2000xf32, #tpu.memory_space<vmem>>, vector<16xf32>,
      %get3A_1069 = arith.constant 0 : i32
      %get3A_1070 = arith.index_cast %get3A_1069 : i32 to index
      %get3A_1071 = arith.constant 944 : index
      %get3A_1072 = tpu.vector_load %arg8[%get3A_1070, %get3A_1071] {strides = array<i32>} : memref<1x2000xi32, #tpu.memory_space<vmem>>, vector<16xi32>,
      %gather3A_1073 = tpu.vector_load_idx %arg7[%get3A_1072] : memref<10000xf32, #tpu.memory_space<vmem>>[vector<16xi32>], vector<16xf32>,
      %get3A_1074 = arith.constant 0 : i32
      %get3A_1075 = arith.index_cast %get3A_1074 : i32 to index
      %get3A_1076 = arith.constant 944 : index
      %get3A_1077 = tpu.vector_load %arg9[%get3A_1075, %get3A_1076] {strides = array<i32>} : memref<1x2000xf32, #tpu.memory_space<vmem>>, vector<16xf32>,
      %mul3A_1078 = arith.mulf %get3A_1077, %gather3A_1073 : vector<16xf32>
      %swap3A_1079 = arith.constant 0 : i32
      %swap3A_1080 = arith.index_cast %swap3A_1079 : i32 to index
      %swap3A_1081 = arith.constant 944 : index
      %swap3A_1082 = tpu.vector_load %arg10[%swap3A_1080, %swap3A_1081] {strides = array<i32>} : memref<1x2000xf32, #tpu.memory_space<vmem>>, vector<16xf32>,
      tpu.vector_store %arg10[%swap3A_1080, %swap3A_1081], %mul3A_1078 {strides = array<i32>} : memref<1x2000xf32, #tpu.memory_space<vmem>>, vector<16xf32>,
      %swap3A_1083 = arith.constant 0 : i32
      %swap3A_1084 = arith.index_cast %swap3A_1083 : i32 to index
      %swap3A_1085 = arith.constant 944 : index
      %swap3A_1086 = tpu.vector_load %arg11[%swap3A_1084, %swap3A_1085] {strides = array<i32>} : memref<1x2000xf32, #tpu.memory_space<vmem>>, vector<16xf32>,
      tpu.vector_store %arg11[%swap3A_1084, %swap3A_1085], %gather3A_1073 {strides = array<i32>} : memref<1x2000xf32, #tpu.memory_space<vmem>>, vector<16xf32>,
      %get3A_1087 = arith.constant 0 : i32
      %get3A_1088 = arith.index_cast %get3A_1087 : i32 to index
      %get3A_1089 = arith.constant 960 : index
      %get3A_1090 = tpu.vector_load %arg8[%get3A_1088, %get3A_1089] {strides = array<i32>} : memref<1x2000xi32, #tpu.memory_space<vmem>>, vector<16xi32>,
      %gather3A_1091 = tpu.vector_load_idx %arg7[%get3A_1090] : memref<10000xf32, #tpu.memory_space<vmem>>[vector<16xi32>], vector<16xf32>,
      %get3A_1092 = arith.constant 0 : i32
      %get3A_1093 = arith.index_cast %get3A_1092 : i32 to index
      %get3A_1094 = arith.constant 960 : index
      %get3A_1095 = tpu.vector_load %arg9[%get3A_1093, %get3A_1094] {strides = array<i32>} : memref<1x2000xf32, #tpu.memory_space<vmem>>, vector<16xf32>,
      %mul3A_1096 = arith.mulf %get3A_1095, %gather3A_1091 : vector<16xf32>
      %swap3A_1097 = arith.constant 0 : i32
      %swap3A_1098 = arith.index_cast %swap3A_1097 : i32 to index
      %swap3A_1099 = arith.constant 960 : index
      %swap3A_1100 = tpu.vector_load %arg10[%swap3A_1098, %swap3A_1099] {strides = array<i32>} : memref<1x2000xf32, #tpu.memory_space<vmem>>, vector<16xf32>,
      tpu.vector_store %arg10[%swap3A_1098, %swap3A_1099], %mul3A_1096 {strides = array<i32>} : memref<1x2000xf32, #tpu.memory_space<vmem>>, vector<16xf32>,
      %swap3A_1101 = arith.constant 0 : i32
      %swap3A_1102 = arith.index_cast %swap3A_1101 : i32 to index
      %swap3A_1103 = arith.constant 960 : index
      %swap3A_1104 = tpu.vector_load %arg11[%swap3A_1102, %swap3A_1103] {strides = array<i32>} : memref<1x2000xf32, #tpu.memory_space<vmem>>, vector<16xf32>,
      tpu.vector_store %arg11[%swap3A_1102, %swap3A_1103], %gather3A_1091 {strides = array<i32>} : memref<1x2000xf32, #tpu.memory_space<vmem>>, vector<16xf32>,
      %get3A_1105 = arith.constant 0 : i32
      %get3A_1106 = arith.index_cast %get3A_1105 : i32 to index
      %get3A_1107 = arith.constant 976 : index
      %get3A_1108 = tpu.vector_load %arg8[%get3A_1106, %get3A_1107] {strides = array<i32>} : memref<1x2000xi32, #tpu.memory_space<vmem>>, vector<16xi32>,
      %gather3A_1109 = tpu.vector_load_idx %arg7[%get3A_1108] : memref<10000xf32, #tpu.memory_space<vmem>>[vector<16xi32>], vector<16xf32>,
      %get3A_1110 = arith.constant 0 : i32
      %get3A_1111 = arith.index_cast %get3A_1110 : i32 to index
      %get3A_1112 = arith.constant 976 : index
      %get3A_1113 = tpu.vector_load %arg9[%get3A_1111, %get3A_1112] {strides = array<i32>} : memref<1x2000xf32, #tpu.memory_space<vmem>>, vector<16xf32>,
      %mul3A_1114 = arith.mulf %get3A_1113, %gather3A_1109 : vector<16xf32>
      %swap3A_1115 = arith.constant 0 : i32
      %swap3A_1116 = arith.index_cast %swap3A_1115 : i32 to index
      %swap3A_1117 = arith.constant 976 : index
      %swap3A_1118 = tpu.vector_load %arg10[%swap3A_1116, %swap3A_1117] {strides = array<i32>} : memref<1x2000xf32, #tpu.memory_space<vmem>>, vector<16xf32>,
      tpu.vector_store %arg10[%swap3A_1116, %swap3A_1117], %mul3A_1114 {strides = array<i32>} : memref<1x2000xf32, #tpu.memory_space<vmem>>, vector<16xf32>,
      %swap3A_1119 = arith.constant 0 : i32
      %swap3A_1120 = arith.index_cast %swap3A_1119 : i32 to index
      %swap3A_1121 = arith.constant 976 : index
      %swap3A_1122 = tpu.vector_load %arg11[%swap3A_1120, %swap3A_1121] {strides = array<i32>} : memref<1x2000xf32, #tpu.memory_space<vmem>>, vector<16xf32>,
      tpu.vector_store %arg11[%swap3A_1120, %swap3A_1121], %gather3A_1109 {strides = array<i32>} : memref<1x2000xf32, #tpu.memory_space<vmem>>, vector<16xf32>,
      %get3A_1123 = arith.constant 0 : i32
      %get3A_1124 = arith.index_cast %get3A_1123 : i32 to index
      %get3A_1125 = arith.constant 992 : index
      %get3A_1126 = tpu.vector_load %arg8[%get3A_1124, %get3A_1125] {strides = array<i32>} : memref<1x2000xi32, #tpu.memory_space<vmem>>, vector<16xi32>,
      %gather3A_1127 = tpu.vector_load_idx %arg7[%get3A_1126] : memref<10000xf32, #tpu.memory_space<vmem>>[vector<16xi32>], vector<16xf32>,
      %get3A_1128 = arith.constant 0 : i32
      %get3A_1129 = arith.index_cast %get3A_1128 : i32 to index
      %get3A_1130 = arith.constant 992 : index
      %get3A_1131 = tpu.vector_load %arg9[%get3A_1129, %get3A_1130] {strides = array<i32>} : memref<1x2000xf32, #tpu.memory_space<vmem>>, vector<16xf32>,
      %mul3A_1132 = arith.mulf %get3A_1131, %gather3A_1127 : vector<16xf32>
      %swap3A_1133 = arith.constant 0 : i32
      %swap3A_1134 = arith.index_cast %swap3A_1133 : i32 to index
      %swap3A_1135 = arith.constant 992 : index
      %swap3A_1136 = tpu.vector_load %arg10[%swap3A_1134, %swap3A_1135] {strides = array<i32>} : memref<1x2000xf32, #tpu.memory_space<vmem>>, vector<16xf32>,
      tpu.vector_store %arg10[%swap3A_1134, %swap3A_1135], %mul3A_1132 {strides = array<i32>} : memref<1x2000xf32, #tpu.memory_space<vmem>>, vector<16xf32>,
      %swap3A_1137 = arith.constant 0 : i32
      %swap3A_1138 = arith.index_cast %swap3A_1137 : i32 to index
      %swap3A_1139 = arith.constant 992 : index
      %swap3A_1140 = tpu.vector_load %arg11[%swap3A_1138, %swap3A_1139] {strides = array<i32>} : memref<1x2000xf32, #tpu.memory_space<vmem>>, vector<16xf32>,
      tpu.vector_store %arg11[%swap3A_1138, %swap3A_1139], %gather3A_1127 {strides = array<i32>} : memref<1x2000xf32, #tpu.memory_space<vmem>>, vector<16xf32>,
      %get3A_1141 = arith.constant 0 : i32
      %get3A_1142 = arith.index_cast %get3A_1141 : i32 to index
      %get3A_1143 = arith.constant 1008 : index
      %get3A_1144 = tpu.vector_load %arg8[%get3A_1142, %get3A_1143] {strides = array<i32>} : memref<1x2000xi32, #tpu.memory_space<vmem>>, vector<16xi32>,
      %gather3A_1145 = tpu.vector_load_idx %arg7[%get3A_1144] : memref<10000xf32, #tpu.memory_space<vmem>>[vector<16xi32>], vector<16xf32>,
      %get3A_1146 = arith.constant 0 : i32
      %get3A_1147 = arith.index_cast %get3A_1146 : i32 to index
      %get3A_1148 = arith.constant 1008 : index
      %get3A_1149 = tpu.vector_load %arg9[%get3A_1147, %get3A_1148] {strides = array<i32>} : memref<1x2000xf32, #tpu.memory_space<vmem>>, vector<16xf32>,
      %mul3A_1150 = arith.mulf %get3A_1149, %gather3A_1145 : vector<16xf32>
      %swap3A_1151 = arith.constant 0 : i32
      %swap3A_1152 = arith.index_cast %swap3A_1151 : i32 to index
      %swap3A_1153 = arith.constant 1008 : index
      %swap3A_1154 = tpu.vector_load %arg10[%swap3A_1152, %swap3A_1153] {strides = array<i32>} : memref<1x2000xf32, #tpu.memory_space<vmem>>, vector<16xf32>,
      tpu.vector_store %arg10[%swap3A_1152, %swap3A_1153], %mul3A_1150 {strides = array<i32>} : memref<1x2000xf32, #tpu.memory_space<vmem>>, vector<16xf32>,
      %swap3A_1155 = arith.constant 0 : i32
      %swap3A_1156 = arith.index_cast %swap3A_1155 : i32 to index
      %swap3A_1157 = arith.constant 1008 : index
      %swap3A_1158 = tpu.vector_load %arg11[%swap3A_1156, %swap3A_1157] {strides = array<i32>} : memref<1x2000xf32, #tpu.memory_space<vmem>>, vector<16xf32>,
      tpu.vector_store %arg11[%swap3A_1156, %swap3A_1157], %gather3A_1145 {strides = array<i32>} : memref<1x2000xf32, #tpu.memory_space<vmem>>, vector<16xf32>,
      %get3A_1159 = arith.constant 0 : i32
      %get3A_1160 = arith.index_cast %get3A_1159 : i32 to index
      %get3A_1161 = arith.constant 1024 : index
      %get3A_1162 = tpu.vector_load %arg8[%get3A_1160, %get3A_1161] {strides = array<i32>} : memref<1x2000xi32, #tpu.memory_space<vmem>>, vector<16xi32>,
      %gather3A_1163 = tpu.vector_load_idx %arg7[%get3A_1162] : memref<10000xf32, #tpu.memory_space<vmem>>[vector<16xi32>], vector<16xf32>,
      %get3A_1164 = arith.constant 0 : i32
      %get3A_1165 = arith.index_cast %get3A_1164 : i32 to index
      %get3A_1166 = arith.constant 1024 : index
      %get3A_1167 = tpu.vector_load %arg9[%get3A_1165, %get3A_1166] {strides = array<i32>} : memref<1x2000xf32, #tpu.memory_space<vmem>>, vector<16xf32>,
      %mul3A_1168 = arith.mulf %get3A_1167, %gather3A_1163 : vector<16xf32>
      %swap3A_1169 = arith.constant 0 : i32
      %swap3A_1170 = arith.index_cast %swap3A_1169 : i32 to index
      %swap3A_1171 = arith.constant 1024 : index
      %swap3A_1172 = tpu.vector_load %arg10[%swap3A_1170, %swap3A_1171] {strides = array<i32>} : memref<1x2000xf32, #tpu.memory_space<vmem>>, vector<16xf32>,
      tpu.vector_store %arg10[%swap3A_1170, %swap3A_1171], %mul3A_1168 {strides = array<i32>} : memref<1x2000xf32, #tpu.memory_space<vmem>>, vector<16xf32>,
      %swap3A_1173 = arith.constant 0 : i32
      %swap3A_1174 = arith.index_cast %swap3A_1173 : i32 to index
      %swap3A_1175 = arith.constant 1024 : index
      %swap3A_1176 = tpu.vector_load %arg11[%swap3A_1174, %swap3A_1175] {strides = array<i32>} : memref<1x2000xf32, #tpu.memory_space<vmem>>, vector<16xf32>,
      tpu.vector_store %arg11[%swap3A_1174, %swap3A_1175], %gather3A_1163 {strides = array<i32>} : memref<1x2000xf32, #tpu.memory_space<vmem>>, vector<16xf32>,
      %get3A_1177 = arith.constant 0 : i32
      %get3A_1178 = arith.index_cast %get3A_1177 : i32 to index
      %get3A_1179 = arith.constant 1040 : index
      %get3A_1180 = tpu.vector_load %arg8[%get3A_1178, %get3A_1179] {strides = array<i32>} : memref<1x2000xi32, #tpu.memory_space<vmem>>, vector<16xi32>,
      %gather3A_1181 = tpu.vector_load_idx %arg7[%get3A_1180] : memref<10000xf32, #tpu.memory_space<vmem>>[vector<16xi32>], vector<16xf32>,
      %get3A_1182 = arith.constant 0 : i32
      %get3A_1183 = arith.index_cast %get3A_1182 : i32 to index
      %get3A_1184 = arith.constant 1040 : index
      %get3A_1185 = tpu.vector_load %arg9[%get3A_1183, %get3A_1184] {strides = array<i32>} : memref<1x2000xf32, #tpu.memory_space<vmem>>, vector<16xf32>,
      %mul3A_1186 = arith.mulf %get3A_1185, %gather3A_1181 : vector<16xf32>
      %swap3A_1187 = arith.constant 0 : i32
      %swap3A_1188 = arith.index_cast %swap3A_1187 : i32 to index
      %swap3A_1189 = arith.constant 1040 : index
      %swap3A_1190 = tpu.vector_load %arg10[%swap3A_1188, %swap3A_1189] {strides = array<i32>} : memref<1x2000xf32, #tpu.memory_space<vmem>>, vector<16xf32>,
      tpu.vector_store %arg10[%swap3A_1188, %swap3A_1189], %mul3A_1186 {strides = array<i32>} : memref<1x2000xf32, #tpu.memory_space<vmem>>, vector<16xf32>,
      %swap3A_1191 = arith.constant 0 : i32
      %swap3A_1192 = arith.index_cast %swap3A_1191 : i32 to index
      %swap3A_1193 = arith.constant 1040 : index
      %swap3A_1194 = tpu.vector_load %arg11[%swap3A_1192, %swap3A_1193] {strides = array<i32>} : memref<1x2000xf32, #tpu.memory_space<vmem>>, vector<16xf32>,
      tpu.vector_store %arg11[%swap3A_1192, %swap3A_1193], %gather3A_1181 {strides = array<i32>} : memref<1x2000xf32, #tpu.memory_space<vmem>>, vector<16xf32>,
      %get3A_1195 = arith.constant 0 : i32
      %get3A_1196 = arith.index_cast %get3A_1195 : i32 to index
      %get3A_1197 = arith.constant 1056 : index
      %get3A_1198 = tpu.vector_load %arg8[%get3A_1196, %get3A_1197] {strides = array<i32>} : memref<1x2000xi32, #tpu.memory_space<vmem>>, vector<16xi32>,
      %gather3A_1199 = tpu.vector_load_idx %arg7[%get3A_1198] : memref<10000xf32, #tpu.memory_space<vmem>>[vector<16xi32>], vector<16xf32>,
      %get3A_1200 = arith.constant 0 : i32
      %get3A_1201 = arith.index_cast %get3A_1200 : i32 to index
      %get3A_1202 = arith.constant 1056 : index
      %get3A_1203 = tpu.vector_load %arg9[%get3A_1201, %get3A_1202] {strides = array<i32>} : memref<1x2000xf32, #tpu.memory_space<vmem>>, vector<16xf32>,
      %mul3A_1204 = arith.mulf %get3A_1203, %gather3A_1199 : vector<16xf32>
      %swap3A_1205 = arith.constant 0 : i32
      %swap3A_1206 = arith.index_cast %swap3A_1205 : i32 to index
      %swap3A_1207 = arith.constant 1056 : index
      %swap3A_1208 = tpu.vector_load %arg10[%swap3A_1206, %swap3A_1207] {strides = array<i32>} : memref<1x2000xf32, #tpu.memory_space<vmem>>, vector<16xf32>,
      tpu.vector_store %arg10[%swap3A_1206, %swap3A_1207], %mul3A_1204 {strides = array<i32>} : memref<1x2000xf32, #tpu.memory_space<vmem>>, vector<16xf32>,
      %swap3A_1209 = arith.constant 0 : i32
      %swap3A_1210 = arith.index_cast %swap3A_1209 : i32 to index
      %swap3A_1211 = arith.constant 1056 : index
      %swap3A_1212 = tpu.vector_load %arg11[%swap3A_1210, %swap3A_1211] {strides = array<i32>} : memref<1x2000xf32, #tpu.memory_space<vmem>>, vector<16xf32>,
      tpu.vector_store %arg11[%swap3A_1210, %swap3A_1211], %gather3A_1199 {strides = array<i32>} : memref<1x2000xf32, #tpu.memory_space<vmem>>, vector<16xf32>,
      %get3A_1213 = arith.constant 0 : i32
      %get3A_1214 = arith.index_cast %get3A_1213 : i32 to index
      %get3A_1215 = arith.constant 1072 : index
      %get3A_1216 = tpu.vector_load %arg8[%get3A_1214, %get3A_1215] {strides = array<i32>} : memref<1x2000xi32, #tpu.memory_space<vmem>>, vector<16xi32>,
      %gather3A_1217 = tpu.vector_load_idx %arg7[%get3A_1216] : memref<10000xf32, #tpu.memory_space<vmem>>[vector<16xi32>], vector<16xf32>,
      %get3A_1218 = arith.constant 0 : i32
      %get3A_1219 = arith.index_cast %get3A_1218 : i32 to index
      %get3A_1220 = arith.constant 1072 : index
      %get3A_1221 = tpu.vector_load %arg9[%get3A_1219, %get3A_1220] {strides = array<i32>} : memref<1x2000xf32, #tpu.memory_space<vmem>>, vector<16xf32>,
      %mul3A_1222 = arith.mulf %get3A_1221, %gather3A_1217 : vector<16xf32>
      %swap3A_1223 = arith.constant 0 : i32
      %swap3A_1224 = arith.index_cast %swap3A_1223 : i32 to index
      %swap3A_1225 = arith.constant 1072 : index
      %swap3A_1226 = tpu.vector_load %arg10[%swap3A_1224, %swap3A_1225] {strides = array<i32>} : memref<1x2000xf32, #tpu.memory_space<vmem>>, vector<16xf32>,
      tpu.vector_store %arg10[%swap3A_1224, %swap3A_1225], %mul3A_1222 {strides = array<i32>} : memref<1x2000xf32, #tpu.memory_space<vmem>>, vector<16xf32>,
      %swap3A_1227 = arith.constant 0 : i32
      %swap3A_1228 = arith.index_cast %swap3A_1227 : i32 to index
      %swap3A_1229 = arith.constant 1072 : index
      %swap3A_1230 = tpu.vector_load %arg11[%swap3A_1228, %swap3A_1229] {strides = array<i32>} : memref<1x2000xf32, #tpu.memory_space<vmem>>, vector<16xf32>,
      tpu.vector_store %arg11[%swap3A_1228, %swap3A_1229], %gather3A_1217 {strides = array<i32>} : memref<1x2000xf32, #tpu.memory_space<vmem>>, vector<16xf32>,
      %get3A_1231 = arith.constant 0 : i32
      %get3A_1232 = arith.index_cast %get3A_1231 : i32 to index
      %get3A_1233 = arith.constant 1088 : index
      %get3A_1234 = tpu.vector_load %arg8[%get3A_1232, %get3A_1233] {strides = array<i32>} : memref<1x2000xi32, #tpu.memory_space<vmem>>, vector<16xi32>,
      %gather3A_1235 = tpu.vector_load_idx %arg7[%get3A_1234] : memref<10000xf32, #tpu.memory_space<vmem>>[vector<16xi32>], vector<16xf32>,
      %get3A_1236 = arith.constant 0 : i32
      %get3A_1237 = arith.index_cast %get3A_1236 : i32 to index
      %get3A_1238 = arith.constant 1088 : index
      %get3A_1239 = tpu.vector_load %arg9[%get3A_1237, %get3A_1238] {strides = array<i32>} : memref<1x2000xf32, #tpu.memory_space<vmem>>, vector<16xf32>,
      %mul3A_1240 = arith.mulf %get3A_1239, %gather3A_1235 : vector<16xf32>
      %swap3A_1241 = arith.constant 0 : i32
      %swap3A_1242 = arith.index_cast %swap3A_1241 : i32 to index
      %swap3A_1243 = arith.constant 1088 : index
      %swap3A_1244 = tpu.vector_load %arg10[%swap3A_1242, %swap3A_1243] {strides = array<i32>} : memref<1x2000xf32, #tpu.memory_space<vmem>>, vector<16xf32>,
      tpu.vector_store %arg10[%swap3A_1242, %swap3A_1243], %mul3A_1240 {strides = array<i32>} : memref<1x2000xf32, #tpu.memory_space<vmem>>, vector<16xf32>,
      %swap3A_1245 = arith.constant 0 : i32
      %swap3A_1246 = arith.index_cast %swap3A_1245 : i32 to index
      %swap3A_1247 = arith.constant 1088 : index
      %swap3A_1248 = tpu.vector_load %arg11[%swap3A_1246, %swap3A_1247] {strides = array<i32>} : memref<1x2000xf32, #tpu.memory_space<vmem>>, vector<16xf32>,
      tpu.vector_store %arg11[%swap3A_1246, %swap3A_1247], %gather3A_1235 {strides = array<i32>} : memref<1x2000xf32, #tpu.memory_space<vmem>>, vector<16xf32>,
      %get3A_1249 = arith.constant 0 : i32
      %get3A_1250 = arith.index_cast %get3A_1249 : i32 to index
      %get3A_1251 = arith.constant 1104 : index
      %get3A_1252 = tpu.vector_load %arg8[%get3A_1250, %get3A_1251] {strides = array<i32>} : memref<1x2000xi32, #tpu.memory_space<vmem>>, vector<16xi32>,
      %gather3A_1253 = tpu.vector_load_idx %arg7[%get3A_1252] : memref<10000xf32, #tpu.memory_space<vmem>>[vector<16xi32>], vector<16xf32>,
      %get3A_1254 = arith.constant 0 : i32
      %get3A_1255 = arith.index_cast %get3A_1254 : i32 to index
      %get3A_1256 = arith.constant 1104 : index
      %get3A_1257 = tpu.vector_load %arg9[%get3A_1255, %get3A_1256] {strides = array<i32>} : memref<1x2000xf32, #tpu.memory_space<vmem>>, vector<16xf32>,
      %mul3A_1258 = arith.mulf %get3A_1257, %gather3A_1253 : vector<16xf32>
      %swap3A_1259 = arith.constant 0 : i32
      %swap3A_1260 = arith.index_cast %swap3A_1259 : i32 to index
      %swap3A_1261 = arith.constant 1104 : index
      %swap3A_1262 = tpu.vector_load %arg10[%swap3A_1260, %swap3A_1261] {strides = array<i32>} : memref<1x2000xf32, #tpu.memory_space<vmem>>, vector<16xf32>,
      tpu.vector_store %arg10[%swap3A_1260, %swap3A_1261], %mul3A_1258 {strides = array<i32>} : memref<1x2000xf32, #tpu.memory_space<vmem>>, vector<16xf32>,
      %swap3A_1263 = arith.constant 0 : i32
      %swap3A_1264 = arith.index_cast %swap3A_1263 : i32 to index
      %swap3A_1265 = arith.constant 1104 : index
      %swap3A_1266 = tpu.vector_load %arg11[%swap3A_1264, %swap3A_1265] {strides = array<i32>} : memref<1x2000xf32, #tpu.memory_space<vmem>>, vector<16xf32>,
      tpu.vector_store %arg11[%swap3A_1264, %swap3A_1265], %gather3A_1253 {strides = array<i32>} : memref<1x2000xf32, #tpu.memory_space<vmem>>, vector<16xf32>,
      %get3A_1267 = arith.constant 0 : i32
      %get3A_1268 = arith.index_cast %get3A_1267 : i32 to index
      %get3A_1269 = arith.constant 1120 : index
      %get3A_1270 = tpu.vector_load %arg8[%get3A_1268, %get3A_1269] {strides = array<i32>} : memref<1x2000xi32, #tpu.memory_space<vmem>>, vector<16xi32>,
      %gather3A_1271 = tpu.vector_load_idx %arg7[%get3A_1270] : memref<10000xf32, #tpu.memory_space<vmem>>[vector<16xi32>], vector<16xf32>,
      %get3A_1272 = arith.constant 0 : i32
      %get3A_1273 = arith.index_cast %get3A_1272 : i32 to index
      %get3A_1274 = arith.constant 1120 : index
      %get3A_1275 = tpu.vector_load %arg9[%get3A_1273, %get3A_1274] {strides = array<i32>} : memref<1x2000xf32, #tpu.memory_space<vmem>>, vector<16xf32>,
      %mul3A_1276 = arith.mulf %get3A_1275, %gather3A_1271 : vector<16xf32>
      %swap3A_1277 = arith.constant 0 : i32
      %swap3A_1278 = arith.index_cast %swap3A_1277 : i32 to index
      %swap3A_1279 = arith.constant 1120 : index
      %swap3A_1280 = tpu.vector_load %arg10[%swap3A_1278, %swap3A_1279] {strides = array<i32>} : memref<1x2000xf32, #tpu.memory_space<vmem>>, vector<16xf32>,
      tpu.vector_store %arg10[%swap3A_1278, %swap3A_1279], %mul3A_1276 {strides = array<i32>} : memref<1x2000xf32, #tpu.memory_space<vmem>>, vector<16xf32>,
      %swap3A_1281 = arith.constant 0 : i32
      %swap3A_1282 = arith.index_cast %swap3A_1281 : i32 to index
      %swap3A_1283 = arith.constant 1120 : index
      %swap3A_1284 = tpu.vector_load %arg11[%swap3A_1282, %swap3A_1283] {strides = array<i32>} : memref<1x2000xf32, #tpu.memory_space<vmem>>, vector<16xf32>,
      tpu.vector_store %arg11[%swap3A_1282, %swap3A_1283], %gather3A_1271 {strides = array<i32>} : memref<1x2000xf32, #tpu.memory_space<vmem>>, vector<16xf32>,
      %get3A_1285 = arith.constant 0 : i32
      %get3A_1286 = arith.index_cast %get3A_1285 : i32 to index
      %get3A_1287 = arith.constant 1136 : index
      %get3A_1288 = tpu.vector_load %arg8[%get3A_1286, %get3A_1287] {strides = array<i32>} : memref<1x2000xi32, #tpu.memory_space<vmem>>, vector<16xi32>,
      %gather3A_1289 = tpu.vector_load_idx %arg7[%get3A_1288] : memref<10000xf32, #tpu.memory_space<vmem>>[vector<16xi32>], vector<16xf32>,
      %get3A_1290 = arith.constant 0 : i32
      %get3A_1291 = arith.index_cast %get3A_1290 : i32 to index
      %get3A_1292 = arith.constant 1136 : index
      %get3A_1293 = tpu.vector_load %arg9[%get3A_1291, %get3A_1292] {strides = array<i32>} : memref<1x2000xf32, #tpu.memory_space<vmem>>, vector<16xf32>,
      %mul3A_1294 = arith.mulf %get3A_1293, %gather3A_1289 : vector<16xf32>
      %swap3A_1295 = arith.constant 0 : i32
      %swap3A_1296 = arith.index_cast %swap3A_1295 : i32 to index
      %swap3A_1297 = arith.constant 1136 : index
      %swap3A_1298 = tpu.vector_load %arg10[%swap3A_1296, %swap3A_1297] {strides = array<i32>} : memref<1x2000xf32, #tpu.memory_space<vmem>>, vector<16xf32>,
      tpu.vector_store %arg10[%swap3A_1296, %swap3A_1297], %mul3A_1294 {strides = array<i32>} : memref<1x2000xf32, #tpu.memory_space<vmem>>, vector<16xf32>,
      %swap3A_1299 = arith.constant 0 : i32
      %swap3A_1300 = arith.index_cast %swap3A_1299 : i32 to index
      %swap3A_1301 = arith.constant 1136 : index
      %swap3A_1302 = tpu.vector_load %arg11[%swap3A_1300, %swap3A_1301] {strides = array<i32>} : memref<1x2000xf32, #tpu.memory_space<vmem>>, vector<16xf32>,
      tpu.vector_store %arg11[%swap3A_1300, %swap3A_1301], %gather3A_1289 {strides = array<i32>} : memref<1x2000xf32, #tpu.memory_space<vmem>>, vector<16xf32>,
      %get3A_1303 = arith.constant 0 : i32
      %get3A_1304 = arith.index_cast %get3A_1303 : i32 to index
      %get3A_1305 = arith.constant 1152 : index
      %get3A_1306 = tpu.vector_load %arg8[%get3A_1304, %get3A_1305] {strides = array<i32>} : memref<1x2000xi32, #tpu.memory_space<vmem>>, vector<16xi32>,
      %gather3A_1307 = tpu.vector_load_idx %arg7[%get3A_1306] : memref<10000xf32, #tpu.memory_space<vmem>>[vector<16xi32>], vector<16xf32>,
      %get3A_1308 = arith.constant 0 : i32
      %get3A_1309 = arith.index_cast %get3A_1308 : i32 to index
      %get3A_1310 = arith.constant 1152 : index
      %get3A_1311 = tpu.vector_load %arg9[%get3A_1309, %get3A_1310] {strides = array<i32>} : memref<1x2000xf32, #tpu.memory_space<vmem>>, vector<16xf32>,
      %mul3A_1312 = arith.mulf %get3A_1311, %gather3A_1307 : vector<16xf32>
      %swap3A_1313 = arith.constant 0 : i32
      %swap3A_1314 = arith.index_cast %swap3A_1313 : i32 to index
      %swap3A_1315 = arith.constant 1152 : index
      %swap3A_1316 = tpu.vector_load %arg10[%swap3A_1314, %swap3A_1315] {strides = array<i32>} : memref<1x2000xf32, #tpu.memory_space<vmem>>, vector<16xf32>,
      tpu.vector_store %arg10[%swap3A_1314, %swap3A_1315], %mul3A_1312 {strides = array<i32>} : memref<1x2000xf32, #tpu.memory_space<vmem>>, vector<16xf32>,
      %swap3A_1317 = arith.constant 0 : i32
      %swap3A_1318 = arith.index_cast %swap3A_1317 : i32 to index
      %swap3A_1319 = arith.constant 1152 : index
      %swap3A_1320 = tpu.vector_load %arg11[%swap3A_1318, %swap3A_1319] {strides = array<i32>} : memref<1x2000xf32, #tpu.memory_space<vmem>>, vector<16xf32>,
      tpu.vector_store %arg11[%swap3A_1318, %swap3A_1319], %gather3A_1307 {strides = array<i32>} : memref<1x2000xf32, #tpu.memory_space<vmem>>, vector<16xf32>,
      %get3A_1321 = arith.constant 0 : i32
      %get3A_1322 = arith.index_cast %get3A_1321 : i32 to index
      %get3A_1323 = arith.constant 1168 : index
      %get3A_1324 = tpu.vector_load %arg8[%get3A_1322, %get3A_1323] {strides = array<i32>} : memref<1x2000xi32, #tpu.memory_space<vmem>>, vector<16xi32>,
      %gather3A_1325 = tpu.vector_load_idx %arg7[%get3A_1324] : memref<10000xf32, #tpu.memory_space<vmem>>[vector<16xi32>], vector<16xf32>,
      %get3A_1326 = arith.constant 0 : i32
      %get3A_1327 = arith.index_cast %get3A_1326 : i32 to index
      %get3A_1328 = arith.constant 1168 : index
      %get3A_1329 = tpu.vector_load %arg9[%get3A_1327, %get3A_1328] {strides = array<i32>} : memref<1x2000xf32, #tpu.memory_space<vmem>>, vector<16xf32>,
      %mul3A_1330 = arith.mulf %get3A_1329, %gather3A_1325 : vector<16xf32>
      %swap3A_1331 = arith.constant 0 : i32
      %swap3A_1332 = arith.index_cast %swap3A_1331 : i32 to index
      %swap3A_1333 = arith.constant 1168 : index
      %swap3A_1334 = tpu.vector_load %arg10[%swap3A_1332, %swap3A_1333] {strides = array<i32>} : memref<1x2000xf32, #tpu.memory_space<vmem>>, vector<16xf32>,
      tpu.vector_store %arg10[%swap3A_1332, %swap3A_1333], %mul3A_1330 {strides = array<i32>} : memref<1x2000xf32, #tpu.memory_space<vmem>>, vector<16xf32>,
      %swap3A_1335 = arith.constant 0 : i32
      %swap3A_1336 = arith.index_cast %swap3A_1335 : i32 to index
      %swap3A_1337 = arith.constant 1168 : index
      %swap3A_1338 = tpu.vector_load %arg11[%swap3A_1336, %swap3A_1337] {strides = array<i32>} : memref<1x2000xf32, #tpu.memory_space<vmem>>, vector<16xf32>,
      tpu.vector_store %arg11[%swap3A_1336, %swap3A_1337], %gather3A_1325 {strides = array<i32>} : memref<1x2000xf32, #tpu.memory_space<vmem>>, vector<16xf32>,
      %get3A_1339 = arith.constant 0 : i32
      %get3A_1340 = arith.index_cast %get3A_1339 : i32 to index
      %get3A_1341 = arith.constant 1184 : index
      %get3A_1342 = tpu.vector_load %arg8[%get3A_1340, %get3A_1341] {strides = array<i32>} : memref<1x2000xi32, #tpu.memory_space<vmem>>, vector<16xi32>,
      %gather3A_1343 = tpu.vector_load_idx %arg7[%get3A_1342] : memref<10000xf32, #tpu.memory_space<vmem>>[vector<16xi32>], vector<16xf32>,
      %get3A_1344 = arith.constant 0 : i32
      %get3A_1345 = arith.index_cast %get3A_1344 : i32 to index
      %get3A_1346 = arith.constant 1184 : index
      %get3A_1347 = tpu.vector_load %arg9[%get3A_1345, %get3A_1346] {strides = array<i32>} : memref<1x2000xf32, #tpu.memory_space<vmem>>, vector<16xf32>,
      %mul3A_1348 = arith.mulf %get3A_1347, %gather3A_1343 : vector<16xf32>
      %swap3A_1349 = arith.constant 0 : i32
      %swap3A_1350 = arith.index_cast %swap3A_1349 : i32 to index
      %swap3A_1351 = arith.constant 1184 : index
      %swap3A_1352 = tpu.vector_load %arg10[%swap3A_1350, %swap3A_1351] {strides = array<i32>} : memref<1x2000xf32, #tpu.memory_space<vmem>>, vector<16xf32>,
      tpu.vector_store %arg10[%swap3A_1350, %swap3A_1351], %mul3A_1348 {strides = array<i32>} : memref<1x2000xf32, #tpu.memory_space<vmem>>, vector<16xf32>,
      %swap3A_1353 = arith.constant 0 : i32
      %swap3A_1354 = arith.index_cast %swap3A_1353 : i32 to index
      %swap3A_1355 = arith.constant 1184 : index
      %swap3A_1356 = tpu.vector_load %arg11[%swap3A_1354, %swap3A_1355] {strides = array<i32>} : memref<1x2000xf32, #tpu.memory_space<vmem>>, vector<16xf32>,
      tpu.vector_store %arg11[%swap3A_1354, %swap3A_1355], %gather3A_1343 {strides = array<i32>} : memref<1x2000xf32, #tpu.memory_space<vmem>>, vector<16xf32>,
      %get3A_1357 = arith.constant 0 : i32
      %get3A_1358 = arith.index_cast %get3A_1357 : i32 to index
      %get3A_1359 = arith.constant 1200 : index
      %get3A_1360 = tpu.vector_load %arg8[%get3A_1358, %get3A_1359] {strides = array<i32>} : memref<1x2000xi32, #tpu.memory_space<vmem>>, vector<16xi32>,
      %gather3A_1361 = tpu.vector_load_idx %arg7[%get3A_1360] : memref<10000xf32, #tpu.memory_space<vmem>>[vector<16xi32>], vector<16xf32>,
      %get3A_1362 = arith.constant 0 : i32
      %get3A_1363 = arith.index_cast %get3A_1362 : i32 to index
      %get3A_1364 = arith.constant 1200 : index
      %get3A_1365 = tpu.vector_load %arg9[%get3A_1363, %get3A_1364] {strides = array<i32>} : memref<1x2000xf32, #tpu.memory_space<vmem>>, vector<16xf32>,
      %mul3A_1366 = arith.mulf %get3A_1365, %gather3A_1361 : vector<16xf32>
      %swap3A_1367 = arith.constant 0 : i32
      %swap3A_1368 = arith.index_cast %swap3A_1367 : i32 to index
      %swap3A_1369 = arith.constant 1200 : index
      %swap3A_1370 = tpu.vector_load %arg10[%swap3A_1368, %swap3A_1369] {strides = array<i32>} : memref<1x2000xf32, #tpu.memory_space<vmem>>, vector<16xf32>,
      tpu.vector_store %arg10[%swap3A_1368, %swap3A_1369], %mul3A_1366 {strides = array<i32>} : memref<1x2000xf32, #tpu.memory_space<vmem>>, vector<16xf32>,
      %swap3A_1371 = arith.constant 0 : i32
      %swap3A_1372 = arith.index_cast %swap3A_1371 : i32 to index
      %swap3A_1373 = arith.constant 1200 : index
      %swap3A_1374 = tpu.vector_load %arg11[%swap3A_1372, %swap3A_1373] {strides = array<i32>} : memref<1x2000xf32, #tpu.memory_space<vmem>>, vector<16xf32>,
      tpu.vector_store %arg11[%swap3A_1372, %swap3A_1373], %gather3A_1361 {strides = array<i32>} : memref<1x2000xf32, #tpu.memory_space<vmem>>, vector<16xf32>,
      %get3A_1375 = arith.constant 0 : i32
      %get3A_1376 = arith.index_cast %get3A_1375 : i32 to index
      %get3A_1377 = arith.constant 1216 : index
      %get3A_1378 = tpu.vector_load %arg8[%get3A_1376, %get3A_1377] {strides = array<i32>} : memref<1x2000xi32, #tpu.memory_space<vmem>>, vector<16xi32>,
      %gather3A_1379 = tpu.vector_load_idx %arg7[%get3A_1378] : memref<10000xf32, #tpu.memory_space<vmem>>[vector<16xi32>], vector<16xf32>,
      %get3A_1380 = arith.constant 0 : i32
      %get3A_1381 = arith.index_cast %get3A_1380 : i32 to index
      %get3A_1382 = arith.constant 1216 : index
      %get3A_1383 = tpu.vector_load %arg9[%get3A_1381, %get3A_1382] {strides = array<i32>} : memref<1x2000xf32, #tpu.memory_space<vmem>>, vector<16xf32>,
      %mul3A_1384 = arith.mulf %get3A_1383, %gather3A_1379 : vector<16xf32>
      %swap3A_1385 = arith.constant 0 : i32
      %swap3A_1386 = arith.index_cast %swap3A_1385 : i32 to index
      %swap3A_1387 = arith.constant 1216 : index
      %swap3A_1388 = tpu.vector_load %arg10[%swap3A_1386, %swap3A_1387] {strides = array<i32>} : memref<1x2000xf32, #tpu.memory_space<vmem>>, vector<16xf32>,
      tpu.vector_store %arg10[%swap3A_1386, %swap3A_1387], %mul3A_1384 {strides = array<i32>} : memref<1x2000xf32, #tpu.memory_space<vmem>>, vector<16xf32>,
      %swap3A_1389 = arith.constant 0 : i32
      %swap3A_1390 = arith.index_cast %swap3A_1389 : i32 to index
      %swap3A_1391 = arith.constant 1216 : index
      %swap3A_1392 = tpu.vector_load %arg11[%swap3A_1390, %swap3A_1391] {strides = array<i32>} : memref<1x2000xf32, #tpu.memory_space<vmem>>, vector<16xf32>,
      tpu.vector_store %arg11[%swap3A_1390, %swap3A_1391], %gather3A_1379 {strides = array<i32>} : memref<1x2000xf32, #tpu.memory_space<vmem>>, vector<16xf32>,
      %get3A_1393 = arith.constant 0 : i32
      %get3A_1394 = arith.index_cast %get3A_1393 : i32 to index
      %get3A_1395 = arith.constant 1232 : index
      %get3A_1396 = tpu.vector_load %arg8[%get3A_1394, %get3A_1395] {strides = array<i32>} : memref<1x2000xi32, #tpu.memory_space<vmem>>, vector<16xi32>,
      %gather3A_1397 = tpu.vector_load_idx %arg7[%get3A_1396] : memref<10000xf32, #tpu.memory_space<vmem>>[vector<16xi32>], vector<16xf32>,
      %get3A_1398 = arith.constant 0 : i32
      %get3A_1399 = arith.index_cast %get3A_1398 : i32 to index
      %get3A_1400 = arith.constant 1232 : index
      %get3A_1401 = tpu.vector_load %arg9[%get3A_1399, %get3A_1400] {strides = array<i32>} : memref<1x2000xf32, #tpu.memory_space<vmem>>, vector<16xf32>,
      %mul3A_1402 = arith.mulf %get3A_1401, %gather3A_1397 : vector<16xf32>
      %swap3A_1403 = arith.constant 0 : i32
      %swap3A_1404 = arith.index_cast %swap3A_1403 : i32 to index
      %swap3A_1405 = arith.constant 1232 : index
      %swap3A_1406 = tpu.vector_load %arg10[%swap3A_1404, %swap3A_1405] {strides = array<i32>} : memref<1x2000xf32, #tpu.memory_space<vmem>>, vector<16xf32>,
      tpu.vector_store %arg10[%swap3A_1404, %swap3A_1405], %mul3A_1402 {strides = array<i32>} : memref<1x2000xf32, #tpu.memory_space<vmem>>, vector<16xf32>,
      %swap3A_1407 = arith.constant 0 : i32
      %swap3A_1408 = arith.index_cast %swap3A_1407 : i32 to index
      %swap3A_1409 = arith.constant 1232 : index
      %swap3A_1410 = tpu.vector_load %arg11[%swap3A_1408, %swap3A_1409] {strides = array<i32>} : memref<1x2000xf32, #tpu.memory_space<vmem>>, vector<16xf32>,
      tpu.vector_store %arg11[%swap3A_1408, %swap3A_1409], %gather3A_1397 {strides = array<i32>} : memref<1x2000xf32, #tpu.memory_space<vmem>>, vector<16xf32>,
      %get3A_1411 = arith.constant 0 : i32
      %get3A_1412 = arith.index_cast %get3A_1411 : i32 to index
      %get3A_1413 = arith.constant 1248 : index
      %get3A_1414 = tpu.vector_load %arg8[%get3A_1412, %get3A_1413] {strides = array<i32>} : memref<1x2000xi32, #tpu.memory_space<vmem>>, vector<16xi32>,
      %gather3A_1415 = tpu.vector_load_idx %arg7[%get3A_1414] : memref<10000xf32, #tpu.memory_space<vmem>>[vector<16xi32>], vector<16xf32>,
      %get3A_1416 = arith.constant 0 : i32
      %get3A_1417 = arith.index_cast %get3A_1416 : i32 to index
      %get3A_1418 = arith.constant 1248 : index
      %get3A_1419 = tpu.vector_load %arg9[%get3A_1417, %get3A_1418] {strides = array<i32>} : memref<1x2000xf32, #tpu.memory_space<vmem>>, vector<16xf32>,
      %mul3A_1420 = arith.mulf %get3A_1419, %gather3A_1415 : vector<16xf32>
      %swap3A_1421 = arith.constant 0 : i32
      %swap3A_1422 = arith.index_cast %swap3A_1421 : i32 to index
      %swap3A_1423 = arith.constant 1248 : index
      %swap3A_1424 = tpu.vector_load %arg10[%swap3A_1422, %swap3A_1423] {strides = array<i32>} : memref<1x2000xf32, #tpu.memory_space<vmem>>, vector<16xf32>,
      tpu.vector_store %arg10[%swap3A_1422, %swap3A_1423], %mul3A_1420 {strides = array<i32>} : memref<1x2000xf32, #tpu.memory_space<vmem>>, vector<16xf32>,
      %swap3A_1425 = arith.constant 0 : i32
      %swap3A_1426 = arith.index_cast %swap3A_1425 : i32 to index
      %swap3A_1427 = arith.constant 1248 : index
      %swap3A_1428 = tpu.vector_load %arg11[%swap3A_1426, %swap3A_1427] {strides = array<i32>} : memref<1x2000xf32, #tpu.memory_space<vmem>>, vector<16xf32>,
      tpu.vector_store %arg11[%swap3A_1426, %swap3A_1427], %gather3A_1415 {strides = array<i32>} : memref<1x2000xf32, #tpu.memory_space<vmem>>, vector<16xf32>,
      %get3A_1429 = arith.constant 0 : i32
      %get3A_1430 = arith.index_cast %get3A_1429 : i32 to index
      %get3A_1431 = arith.constant 1264 : index
      %get3A_1432 = tpu.vector_load %arg8[%get3A_1430, %get3A_1431] {strides = array<i32>} : memref<1x2000xi32, #tpu.memory_space<vmem>>, vector<16xi32>,
      %gather3A_1433 = tpu.vector_load_idx %arg7[%get3A_1432] : memref<10000xf32, #tpu.memory_space<vmem>>[vector<16xi32>], vector<16xf32>,
      %get3A_1434 = arith.constant 0 : i32
      %get3A_1435 = arith.index_cast %get3A_1434 : i32 to index
      %get3A_1436 = arith.constant 1264 : index
      %get3A_1437 = tpu.vector_load %arg9[%get3A_1435, %get3A_1436] {strides = array<i32>} : memref<1x2000xf32, #tpu.memory_space<vmem>>, vector<16xf32>,
      %mul3A_1438 = arith.mulf %get3A_1437, %gather3A_1433 : vector<16xf32>
      %swap3A_1439 = arith.constant 0 : i32
      %swap3A_1440 = arith.index_cast %swap3A_1439 : i32 to index
      %swap3A_1441 = arith.constant 1264 : index
      %swap3A_1442 = tpu.vector_load %arg10[%swap3A_1440, %swap3A_1441] {strides = array<i32>} : memref<1x2000xf32, #tpu.memory_space<vmem>>, vector<16xf32>,
      tpu.vector_store %arg10[%swap3A_1440, %swap3A_1441], %mul3A_1438 {strides = array<i32>} : memref<1x2000xf32, #tpu.memory_space<vmem>>, vector<16xf32>,
      %swap3A_1443 = arith.constant 0 : i32
      %swap3A_1444 = arith.index_cast %swap3A_1443 : i32 to index
      %swap3A_1445 = arith.constant 1264 : index
      %swap3A_1446 = tpu.vector_load %arg11[%swap3A_1444, %swap3A_1445] {strides = array<i32>} : memref<1x2000xf32, #tpu.memory_space<vmem>>, vector<16xf32>,
      tpu.vector_store %arg11[%swap3A_1444, %swap3A_1445], %gather3A_1433 {strides = array<i32>} : memref<1x2000xf32, #tpu.memory_space<vmem>>, vector<16xf32>,
      %get3A_1447 = arith.constant 0 : i32
      %get3A_1448 = arith.index_cast %get3A_1447 : i32 to index
      %get3A_1449 = arith.constant 1280 : index
      %get3A_1450 = tpu.vector_load %arg8[%get3A_1448, %get3A_1449] {strides = array<i32>} : memref<1x2000xi32, #tpu.memory_space<vmem>>, vector<16xi32>,
      %gather3A_1451 = tpu.vector_load_idx %arg7[%get3A_1450] : memref<10000xf32, #tpu.memory_space<vmem>>[vector<16xi32>], vector<16xf32>,
      %get3A_1452 = arith.constant 0 : i32
      %get3A_1453 = arith.index_cast %get3A_1452 : i32 to index
      %get3A_1454 = arith.constant 1280 : index
      %get3A_1455 = tpu.vector_load %arg9[%get3A_1453, %get3A_1454] {strides = array<i32>} : memref<1x2000xf32, #tpu.memory_space<vmem>>, vector<16xf32>,
      %mul3A_1456 = arith.mulf %get3A_1455, %gather3A_1451 : vector<16xf32>
      %swap3A_1457 = arith.constant 0 : i32
      %swap3A_1458 = arith.index_cast %swap3A_1457 : i32 to index
      %swap3A_1459 = arith.constant 1280 : index
      %swap3A_1460 = tpu.vector_load %arg10[%swap3A_1458, %swap3A_1459] {strides = array<i32>} : memref<1x2000xf32, #tpu.memory_space<vmem>>, vector<16xf32>,
      tpu.vector_store %arg10[%swap3A_1458, %swap3A_1459], %mul3A_1456 {strides = array<i32>} : memref<1x2000xf32, #tpu.memory_space<vmem>>, vector<16xf32>,
      %swap3A_1461 = arith.constant 0 : i32
      %swap3A_1462 = arith.index_cast %swap3A_1461 : i32 to index
      %swap3A_1463 = arith.constant 1280 : index
      %swap3A_1464 = tpu.vector_load %arg11[%swap3A_1462, %swap3A_1463] {strides = array<i32>} : memref<1x2000xf32, #tpu.memory_space<vmem>>, vector<16xf32>,
      tpu.vector_store %arg11[%swap3A_1462, %swap3A_1463], %gather3A_1451 {strides = array<i32>} : memref<1x2000xf32, #tpu.memory_space<vmem>>, vector<16xf32>,
      %get3A_1465 = arith.constant 0 : i32
      %get3A_1466 = arith.index_cast %get3A_1465 : i32 to index
      %get3A_1467 = arith.constant 1296 : index
      %get3A_1468 = tpu.vector_load %arg8[%get3A_1466, %get3A_1467] {strides = array<i32>} : memref<1x2000xi32, #tpu.memory_space<vmem>>, vector<16xi32>,
      %gather3A_1469 = tpu.vector_load_idx %arg7[%get3A_1468] : memref<10000xf32, #tpu.memory_space<vmem>>[vector<16xi32>], vector<16xf32>,
      %get3A_1470 = arith.constant 0 : i32
      %get3A_1471 = arith.index_cast %get3A_1470 : i32 to index
      %get3A_1472 = arith.constant 1296 : index
      %get3A_1473 = tpu.vector_load %arg9[%get3A_1471, %get3A_1472] {strides = array<i32>} : memref<1x2000xf32, #tpu.memory_space<vmem>>, vector<16xf32>,
      %mul3A_1474 = arith.mulf %get3A_1473, %gather3A_1469 : vector<16xf32>
      %swap3A_1475 = arith.constant 0 : i32
      %swap3A_1476 = arith.index_cast %swap3A_1475 : i32 to index
      %swap3A_1477 = arith.constant 1296 : index
      %swap3A_1478 = tpu.vector_load %arg10[%swap3A_1476, %swap3A_1477] {strides = array<i32>} : memref<1x2000xf32, #tpu.memory_space<vmem>>, vector<16xf32>,
      tpu.vector_store %arg10[%swap3A_1476, %swap3A_1477], %mul3A_1474 {strides = array<i32>} : memref<1x2000xf32, #tpu.memory_space<vmem>>, vector<16xf32>,
      %swap3A_1479 = arith.constant 0 : i32
      %swap3A_1480 = arith.index_cast %swap3A_1479 : i32 to index
      %swap3A_1481 = arith.constant 1296 : index
      %swap3A_1482 = tpu.vector_load %arg11[%swap3A_1480, %swap3A_1481] {strides = array<i32>} : memref<1x2000xf32, #tpu.memory_space<vmem>>, vector<16xf32>,
      tpu.vector_store %arg11[%swap3A_1480, %swap3A_1481], %gather3A_1469 {strides = array<i32>} : memref<1x2000xf32, #tpu.memory_space<vmem>>, vector<16xf32>,
      %get3A_1483 = arith.constant 0 : i32
      %get3A_1484 = arith.index_cast %get3A_1483 : i32 to index
      %get3A_1485 = arith.constant 1312 : index
      %get3A_1486 = tpu.vector_load %arg8[%get3A_1484, %get3A_1485] {strides = array<i32>} : memref<1x2000xi32, #tpu.memory_space<vmem>>, vector<16xi32>,
      %gather3A_1487 = tpu.vector_load_idx %arg7[%get3A_1486] : memref<10000xf32, #tpu.memory_space<vmem>>[vector<16xi32>], vector<16xf32>,
      %get3A_1488 = arith.constant 0 : i32
      %get3A_1489 = arith.index_cast %get3A_1488 : i32 to index
      %get3A_1490 = arith.constant 1312 : index
      %get3A_1491 = tpu.vector_load %arg9[%get3A_1489, %get3A_1490] {strides = array<i32>} : memref<1x2000xf32, #tpu.memory_space<vmem>>, vector<16xf32>,
      %mul3A_1492 = arith.mulf %get3A_1491, %gather3A_1487 : vector<16xf32>
      %swap3A_1493 = arith.constant 0 : i32
      %swap3A_1494 = arith.index_cast %swap3A_1493 : i32 to index
      %swap3A_1495 = arith.constant 1312 : index
      %swap3A_1496 = tpu.vector_load %arg10[%swap3A_1494, %swap3A_1495] {strides = array<i32>} : memref<1x2000xf32, #tpu.memory_space<vmem>>, vector<16xf32>,
      tpu.vector_store %arg10[%swap3A_1494, %swap3A_1495], %mul3A_1492 {strides = array<i32>} : memref<1x2000xf32, #tpu.memory_space<vmem>>, vector<16xf32>,
      %swap3A_1497 = arith.constant 0 : i32
      %swap3A_1498 = arith.index_cast %swap3A_1497 : i32 to index
      %swap3A_1499 = arith.constant 1312 : index
      %swap3A_1500 = tpu.vector_load %arg11[%swap3A_1498, %swap3A_1499] {strides = array<i32>} : memref<1x2000xf32, #tpu.memory_space<vmem>>, vector<16xf32>,
      tpu.vector_store %arg11[%swap3A_1498, %swap3A_1499], %gather3A_1487 {strides = array<i32>} : memref<1x2000xf32, #tpu.memory_space<vmem>>, vector<16xf32>,
      %get3A_1501 = arith.constant 0 : i32
      %get3A_1502 = arith.index_cast %get3A_1501 : i32 to index
      %get3A_1503 = arith.constant 1328 : index
      %get3A_1504 = tpu.vector_load %arg8[%get3A_1502, %get3A_1503] {strides = array<i32>} : memref<1x2000xi32, #tpu.memory_space<vmem>>, vector<16xi32>,
      %gather3A_1505 = tpu.vector_load_idx %arg7[%get3A_1504] : memref<10000xf32, #tpu.memory_space<vmem>>[vector<16xi32>], vector<16xf32>,
      %get3A_1506 = arith.constant 0 : i32
      %get3A_1507 = arith.index_cast %get3A_1506 : i32 to index
      %get3A_1508 = arith.constant 1328 : index
      %get3A_1509 = tpu.vector_load %arg9[%get3A_1507, %get3A_1508] {strides = array<i32>} : memref<1x2000xf32, #tpu.memory_space<vmem>>, vector<16xf32>,
      %mul3A_1510 = arith.mulf %get3A_1509, %gather3A_1505 : vector<16xf32>
      %swap3A_1511 = arith.constant 0 : i32
      %swap3A_1512 = arith.index_cast %swap3A_1511 : i32 to index
      %swap3A_1513 = arith.constant 1328 : index
      %swap3A_1514 = tpu.vector_load %arg10[%swap3A_1512, %swap3A_1513] {strides = array<i32>} : memref<1x2000xf32, #tpu.memory_space<vmem>>, vector<16xf32>,
      tpu.vector_store %arg10[%swap3A_1512, %swap3A_1513], %mul3A_1510 {strides = array<i32>} : memref<1x2000xf32, #tpu.memory_space<vmem>>, vector<16xf32>,
      %swap3A_1515 = arith.constant 0 : i32
      %swap3A_1516 = arith.index_cast %swap3A_1515 : i32 to index
      %swap3A_1517 = arith.constant 1328 : index
      %swap3A_1518 = tpu.vector_load %arg11[%swap3A_1516, %swap3A_1517] {strides = array<i32>} : memref<1x2000xf32, #tpu.memory_space<vmem>>, vector<16xf32>,
      tpu.vector_store %arg11[%swap3A_1516, %swap3A_1517], %gather3A_1505 {strides = array<i32>} : memref<1x2000xf32, #tpu.memory_space<vmem>>, vector<16xf32>,
      %get3A_1519 = arith.constant 0 : i32
      %get3A_1520 = arith.index_cast %get3A_1519 : i32 to index
      %get3A_1521 = arith.constant 1344 : index
      %get3A_1522 = tpu.vector_load %arg8[%get3A_1520, %get3A_1521] {strides = array<i32>} : memref<1x2000xi32, #tpu.memory_space<vmem>>, vector<16xi32>,
      %gather3A_1523 = tpu.vector_load_idx %arg7[%get3A_1522] : memref<10000xf32, #tpu.memory_space<vmem>>[vector<16xi32>], vector<16xf32>,
      %get3A_1524 = arith.constant 0 : i32
      %get3A_1525 = arith.index_cast %get3A_1524 : i32 to index
      %get3A_1526 = arith.constant 1344 : index
      %get3A_1527 = tpu.vector_load %arg9[%get3A_1525, %get3A_1526] {strides = array<i32>} : memref<1x2000xf32, #tpu.memory_space<vmem>>, vector<16xf32>,
      %mul3A_1528 = arith.mulf %get3A_1527, %gather3A_1523 : vector<16xf32>
      %swap3A_1529 = arith.constant 0 : i32
      %swap3A_1530 = arith.index_cast %swap3A_1529 : i32 to index
      %swap3A_1531 = arith.constant 1344 : index
      %swap3A_1532 = tpu.vector_load %arg10[%swap3A_1530, %swap3A_1531] {strides = array<i32>} : memref<1x2000xf32, #tpu.memory_space<vmem>>, vector<16xf32>,
      tpu.vector_store %arg10[%swap3A_1530, %swap3A_1531], %mul3A_1528 {strides = array<i32>} : memref<1x2000xf32, #tpu.memory_space<vmem>>, vector<16xf32>,
      %swap3A_1533 = arith.constant 0 : i32
      %swap3A_1534 = arith.index_cast %swap3A_1533 : i32 to index
      %swap3A_1535 = arith.constant 1344 : index
      %swap3A_1536 = tpu.vector_load %arg11[%swap3A_1534, %swap3A_1535] {strides = array<i32>} : memref<1x2000xf32, #tpu.memory_space<vmem>>, vector<16xf32>,
      tpu.vector_store %arg11[%swap3A_1534, %swap3A_1535], %gather3A_1523 {strides = array<i32>} : memref<1x2000xf32, #tpu.memory_space<vmem>>, vector<16xf32>,
      %get3A_1537 = arith.constant 0 : i32
      %get3A_1538 = arith.index_cast %get3A_1537 : i32 to index
      %get3A_1539 = arith.constant 1360 : index
      %get3A_1540 = tpu.vector_load %arg8[%get3A_1538, %get3A_1539] {strides = array<i32>} : memref<1x2000xi32, #tpu.memory_space<vmem>>, vector<16xi32>,
      %gather3A_1541 = tpu.vector_load_idx %arg7[%get3A_1540] : memref<10000xf32, #tpu.memory_space<vmem>>[vector<16xi32>], vector<16xf32>,
      %get3A_1542 = arith.constant 0 : i32
      %get3A_1543 = arith.index_cast %get3A_1542 : i32 to index
      %get3A_1544 = arith.constant 1360 : index
      %get3A_1545 = tpu.vector_load %arg9[%get3A_1543, %get3A_1544] {strides = array<i32>} : memref<1x2000xf32, #tpu.memory_space<vmem>>, vector<16xf32>,
      %mul3A_1546 = arith.mulf %get3A_1545, %gather3A_1541 : vector<16xf32>
      %swap3A_1547 = arith.constant 0 : i32
      %swap3A_1548 = arith.index_cast %swap3A_1547 : i32 to index
      %swap3A_1549 = arith.constant 1360 : index
      %swap3A_1550 = tpu.vector_load %arg10[%swap3A_1548, %swap3A_1549] {strides = array<i32>} : memref<1x2000xf32, #tpu.memory_space<vmem>>, vector<16xf32>,
      tpu.vector_store %arg10[%swap3A_1548, %swap3A_1549], %mul3A_1546 {strides = array<i32>} : memref<1x2000xf32, #tpu.memory_space<vmem>>, vector<16xf32>,
      %swap3A_1551 = arith.constant 0 : i32
      %swap3A_1552 = arith.index_cast %swap3A_1551 : i32 to index
      %swap3A_1553 = arith.constant 1360 : index
      %swap3A_1554 = tpu.vector_load %arg11[%swap3A_1552, %swap3A_1553] {strides = array<i32>} : memref<1x2000xf32, #tpu.memory_space<vmem>>, vector<16xf32>,
      tpu.vector_store %arg11[%swap3A_1552, %swap3A_1553], %gather3A_1541 {strides = array<i32>} : memref<1x2000xf32, #tpu.memory_space<vmem>>, vector<16xf32>,
      %get3A_1555 = arith.constant 0 : i32
      %get3A_1556 = arith.index_cast %get3A_1555 : i32 to index
      %get3A_1557 = arith.constant 1376 : index
      %get3A_1558 = tpu.vector_load %arg8[%get3A_1556, %get3A_1557] {strides = array<i32>} : memref<1x2000xi32, #tpu.memory_space<vmem>>, vector<16xi32>,
      %gather3A_1559 = tpu.vector_load_idx %arg7[%get3A_1558] : memref<10000xf32, #tpu.memory_space<vmem>>[vector<16xi32>], vector<16xf32>,
      %get3A_1560 = arith.constant 0 : i32
      %get3A_1561 = arith.index_cast %get3A_1560 : i32 to index
      %get3A_1562 = arith.constant 1376 : index
      %get3A_1563 = tpu.vector_load %arg9[%get3A_1561, %get3A_1562] {strides = array<i32>} : memref<1x2000xf32, #tpu.memory_space<vmem>>, vector<16xf32>,
      %mul3A_1564 = arith.mulf %get3A_1563, %gather3A_1559 : vector<16xf32>
      %swap3A_1565 = arith.constant 0 : i32
      %swap3A_1566 = arith.index_cast %swap3A_1565 : i32 to index
      %swap3A_1567 = arith.constant 1376 : index
      %swap3A_1568 = tpu.vector_load %arg10[%swap3A_1566, %swap3A_1567] {strides = array<i32>} : memref<1x2000xf32, #tpu.memory_space<vmem>>, vector<16xf32>,
      tpu.vector_store %arg10[%swap3A_1566, %swap3A_1567], %mul3A_1564 {strides = array<i32>} : memref<1x2000xf32, #tpu.memory_space<vmem>>, vector<16xf32>,
      %swap3A_1569 = arith.constant 0 : i32
      %swap3A_1570 = arith.index_cast %swap3A_1569 : i32 to index
      %swap3A_1571 = arith.constant 1376 : index
      %swap3A_1572 = tpu.vector_load %arg11[%swap3A_1570, %swap3A_1571] {strides = array<i32>} : memref<1x2000xf32, #tpu.memory_space<vmem>>, vector<16xf32>,
      tpu.vector_store %arg11[%swap3A_1570, %swap3A_1571], %gather3A_1559 {strides = array<i32>} : memref<1x2000xf32, #tpu.memory_space<vmem>>, vector<16xf32>,
      %get3A_1573 = arith.constant 0 : i32
      %get3A_1574 = arith.index_cast %get3A_1573 : i32 to index
      %get3A_1575 = arith.constant 1392 : index
      %get3A_1576 = tpu.vector_load %arg8[%get3A_1574, %get3A_1575] {strides = array<i32>} : memref<1x2000xi32, #tpu.memory_space<vmem>>, vector<16xi32>,
      %gather3A_1577 = tpu.vector_load_idx %arg7[%get3A_1576] : memref<10000xf32, #tpu.memory_space<vmem>>[vector<16xi32>], vector<16xf32>,
      %get3A_1578 = arith.constant 0 : i32
      %get3A_1579 = arith.index_cast %get3A_1578 : i32 to index
      %get3A_1580 = arith.constant 1392 : index
      %get3A_1581 = tpu.vector_load %arg9[%get3A_1579, %get3A_1580] {strides = array<i32>} : memref<1x2000xf32, #tpu.memory_space<vmem>>, vector<16xf32>,
      %mul3A_1582 = arith.mulf %get3A_1581, %gather3A_1577 : vector<16xf32>
      %swap3A_1583 = arith.constant 0 : i32
      %swap3A_1584 = arith.index_cast %swap3A_1583 : i32 to index
      %swap3A_1585 = arith.constant 1392 : index
      %swap3A_1586 = tpu.vector_load %arg10[%swap3A_1584, %swap3A_1585] {strides = array<i32>} : memref<1x2000xf32, #tpu.memory_space<vmem>>, vector<16xf32>,
      tpu.vector_store %arg10[%swap3A_1584, %swap3A_1585], %mul3A_1582 {strides = array<i32>} : memref<1x2000xf32, #tpu.memory_space<vmem>>, vector<16xf32>,
      %swap3A_1587 = arith.constant 0 : i32
      %swap3A_1588 = arith.index_cast %swap3A_1587 : i32 to index
      %swap3A_1589 = arith.constant 1392 : index
      %swap3A_1590 = tpu.vector_load %arg11[%swap3A_1588, %swap3A_1589] {strides = array<i32>} : memref<1x2000xf32, #tpu.memory_space<vmem>>, vector<16xf32>,
      tpu.vector_store %arg11[%swap3A_1588, %swap3A_1589], %gather3A_1577 {strides = array<i32>} : memref<1x2000xf32, #tpu.memory_space<vmem>>, vector<16xf32>,
      %get3A_1591 = arith.constant 0 : i32
      %get3A_1592 = arith.index_cast %get3A_1591 : i32 to index
      %get3A_1593 = arith.constant 1408 : index
      %get3A_1594 = tpu.vector_load %arg8[%get3A_1592, %get3A_1593] {strides = array<i32>} : memref<1x2000xi32, #tpu.memory_space<vmem>>, vector<16xi32>,
      %gather3A_1595 = tpu.vector_load_idx %arg7[%get3A_1594] : memref<10000xf32, #tpu.memory_space<vmem>>[vector<16xi32>], vector<16xf32>,
      %get3A_1596 = arith.constant 0 : i32
      %get3A_1597 = arith.index_cast %get3A_1596 : i32 to index
      %get3A_1598 = arith.constant 1408 : index
      %get3A_1599 = tpu.vector_load %arg9[%get3A_1597, %get3A_1598] {strides = array<i32>} : memref<1x2000xf32, #tpu.memory_space<vmem>>, vector<16xf32>,
      %mul3A_1600 = arith.mulf %get3A_1599, %gather3A_1595 : vector<16xf32>
      %swap3A_1601 = arith.constant 0 : i32
      %swap3A_1602 = arith.index_cast %swap3A_1601 : i32 to index
      %swap3A_1603 = arith.constant 1408 : index
      %swap3A_1604 = tpu.vector_load %arg10[%swap3A_1602, %swap3A_1603] {strides = array<i32>} : memref<1x2000xf32, #tpu.memory_space<vmem>>, vector<16xf32>,
      tpu.vector_store %arg10[%swap3A_1602, %swap3A_1603], %mul3A_1600 {strides = array<i32>} : memref<1x2000xf32, #tpu.memory_space<vmem>>, vector<16xf32>,
      %swap3A_1605 = arith.constant 0 : i32
      %swap3A_1606 = arith.index_cast %swap3A_1605 : i32 to index
      %swap3A_1607 = arith.constant 1408 : index
      %swap3A_1608 = tpu.vector_load %arg11[%swap3A_1606, %swap3A_1607] {strides = array<i32>} : memref<1x2000xf32, #tpu.memory_space<vmem>>, vector<16xf32>,
      tpu.vector_store %arg11[%swap3A_1606, %swap3A_1607], %gather3A_1595 {strides = array<i32>} : memref<1x2000xf32, #tpu.memory_space<vmem>>, vector<16xf32>,
      %get3A_1609 = arith.constant 0 : i32
      %get3A_1610 = arith.index_cast %get3A_1609 : i32 to index
      %get3A_1611 = arith.constant 1424 : index
      %get3A_1612 = tpu.vector_load %arg8[%get3A_1610, %get3A_1611] {strides = array<i32>} : memref<1x2000xi32, #tpu.memory_space<vmem>>, vector<16xi32>,
      %gather3A_1613 = tpu.vector_load_idx %arg7[%get3A_1612] : memref<10000xf32, #tpu.memory_space<vmem>>[vector<16xi32>], vector<16xf32>,
      %get3A_1614 = arith.constant 0 : i32
      %get3A_1615 = arith.index_cast %get3A_1614 : i32 to index
      %get3A_1616 = arith.constant 1424 : index
      %get3A_1617 = tpu.vector_load %arg9[%get3A_1615, %get3A_1616] {strides = array<i32>} : memref<1x2000xf32, #tpu.memory_space<vmem>>, vector<16xf32>,
      %mul3A_1618 = arith.mulf %get3A_1617, %gather3A_1613 : vector<16xf32>
      %swap3A_1619 = arith.constant 0 : i32
      %swap3A_1620 = arith.index_cast %swap3A_1619 : i32 to index
      %swap3A_1621 = arith.constant 1424 : index
      %swap3A_1622 = tpu.vector_load %arg10[%swap3A_1620, %swap3A_1621] {strides = array<i32>} : memref<1x2000xf32, #tpu.memory_space<vmem>>, vector<16xf32>,
      tpu.vector_store %arg10[%swap3A_1620, %swap3A_1621], %mul3A_1618 {strides = array<i32>} : memref<1x2000xf32, #tpu.memory_space<vmem>>, vector<16xf32>,
      %swap3A_1623 = arith.constant 0 : i32
      %swap3A_1624 = arith.index_cast %swap3A_1623 : i32 to index
      %swap3A_1625 = arith.constant 1424 : index
      %swap3A_1626 = tpu.vector_load %arg11[%swap3A_1624, %swap3A_1625] {strides = array<i32>} : memref<1x2000xf32, #tpu.memory_space<vmem>>, vector<16xf32>,
      tpu.vector_store %arg11[%swap3A_1624, %swap3A_1625], %gather3A_1613 {strides = array<i32>} : memref<1x2000xf32, #tpu.memory_space<vmem>>, vector<16xf32>,
      %get3A_1627 = arith.constant 0 : i32
      %get3A_1628 = arith.index_cast %get3A_1627 : i32 to index
      %get3A_1629 = arith.constant 1440 : index
      %get3A_1630 = tpu.vector_load %arg8[%get3A_1628, %get3A_1629] {strides = array<i32>} : memref<1x2000xi32, #tpu.memory_space<vmem>>, vector<16xi32>,
      %gather3A_1631 = tpu.vector_load_idx %arg7[%get3A_1630] : memref<10000xf32, #tpu.memory_space<vmem>>[vector<16xi32>], vector<16xf32>,
      %get3A_1632 = arith.constant 0 : i32
      %get3A_1633 = arith.index_cast %get3A_1632 : i32 to index
      %get3A_1634 = arith.constant 1440 : index
      %get3A_1635 = tpu.vector_load %arg9[%get3A_1633, %get3A_1634] {strides = array<i32>} : memref<1x2000xf32, #tpu.memory_space<vmem>>, vector<16xf32>,
      %mul3A_1636 = arith.mulf %get3A_1635, %gather3A_1631 : vector<16xf32>
      %swap3A_1637 = arith.constant 0 : i32
      %swap3A_1638 = arith.index_cast %swap3A_1637 : i32 to index
      %swap3A_1639 = arith.constant 1440 : index
      %swap3A_1640 = tpu.vector_load %arg10[%swap3A_1638, %swap3A_1639] {strides = array<i32>} : memref<1x2000xf32, #tpu.memory_space<vmem>>, vector<16xf32>,
      tpu.vector_store %arg10[%swap3A_1638, %swap3A_1639], %mul3A_1636 {strides = array<i32>} : memref<1x2000xf32, #tpu.memory_space<vmem>>, vector<16xf32>,
      %swap3A_1641 = arith.constant 0 : i32
      %swap3A_1642 = arith.index_cast %swap3A_1641 : i32 to index
      %swap3A_1643 = arith.constant 1440 : index
      %swap3A_1644 = tpu.vector_load %arg11[%swap3A_1642, %swap3A_1643] {strides = array<i32>} : memref<1x2000xf32, #tpu.memory_space<vmem>>, vector<16xf32>,
      tpu.vector_store %arg11[%swap3A_1642, %swap3A_1643], %gather3A_1631 {strides = array<i32>} : memref<1x2000xf32, #tpu.memory_space<vmem>>, vector<16xf32>,
      %get3A_1645 = arith.constant 0 : i32
      %get3A_1646 = arith.index_cast %get3A_1645 : i32 to index
      %get3A_1647 = arith.constant 1456 : index
      %get3A_1648 = tpu.vector_load %arg8[%get3A_1646, %get3A_1647] {strides = array<i32>} : memref<1x2000xi32, #tpu.memory_space<vmem>>, vector<16xi32>,
      %gather3A_1649 = tpu.vector_load_idx %arg7[%get3A_1648] : memref<10000xf32, #tpu.memory_space<vmem>>[vector<16xi32>], vector<16xf32>,
      %get3A_1650 = arith.constant 0 : i32
      %get3A_1651 = arith.index_cast %get3A_1650 : i32 to index
      %get3A_1652 = arith.constant 1456 : index
      %get3A_1653 = tpu.vector_load %arg9[%get3A_1651, %get3A_1652] {strides = array<i32>} : memref<1x2000xf32, #tpu.memory_space<vmem>>, vector<16xf32>,
      %mul3A_1654 = arith.mulf %get3A_1653, %gather3A_1649 : vector<16xf32>
      %swap3A_1655 = arith.constant 0 : i32
      %swap3A_1656 = arith.index_cast %swap3A_1655 : i32 to index
      %swap3A_1657 = arith.constant 1456 : index
      %swap3A_1658 = tpu.vector_load %arg10[%swap3A_1656, %swap3A_1657] {strides = array<i32>} : memref<1x2000xf32, #tpu.memory_space<vmem>>, vector<16xf32>,
      tpu.vector_store %arg10[%swap3A_1656, %swap3A_1657], %mul3A_1654 {strides = array<i32>} : memref<1x2000xf32, #tpu.memory_space<vmem>>, vector<16xf32>,
      %swap3A_1659 = arith.constant 0 : i32
      %swap3A_1660 = arith.index_cast %swap3A_1659 : i32 to index
      %swap3A_1661 = arith.constant 1456 : index
      %swap3A_1662 = tpu.vector_load %arg11[%swap3A_1660, %swap3A_1661] {strides = array<i32>} : memref<1x2000xf32, #tpu.memory_space<vmem>>, vector<16xf32>,
      tpu.vector_store %arg11[%swap3A_1660, %swap3A_1661], %gather3A_1649 {strides = array<i32>} : memref<1x2000xf32, #tpu.memory_space<vmem>>, vector<16xf32>,
      %get3A_1663 = arith.constant 0 : i32
      %get3A_1664 = arith.index_cast %get3A_1663 : i32 to index
      %get3A_1665 = arith.constant 1472 : index
      %get3A_1666 = tpu.vector_load %arg8[%get3A_1664, %get3A_1665] {strides = array<i32>} : memref<1x2000xi32, #tpu.memory_space<vmem>>, vector<16xi32>,
      %gather3A_1667 = tpu.vector_load_idx %arg7[%get3A_1666] : memref<10000xf32, #tpu.memory_space<vmem>>[vector<16xi32>], vector<16xf32>,
      %get3A_1668 = arith.constant 0 : i32
      %get3A_1669 = arith.index_cast %get3A_1668 : i32 to index
      %get3A_1670 = arith.constant 1472 : index
      %get3A_1671 = tpu.vector_load %arg9[%get3A_1669, %get3A_1670] {strides = array<i32>} : memref<1x2000xf32, #tpu.memory_space<vmem>>, vector<16xf32>,
      %mul3A_1672 = arith.mulf %get3A_1671, %gather3A_1667 : vector<16xf32>
      %swap3A_1673 = arith.constant 0 : i32
      %swap3A_1674 = arith.index_cast %swap3A_1673 : i32 to index
      %swap3A_1675 = arith.constant 1472 : index
      %swap3A_1676 = tpu.vector_load %arg10[%swap3A_1674, %swap3A_1675] {strides = array<i32>} : memref<1x2000xf32, #tpu.memory_space<vmem>>, vector<16xf32>,
      tpu.vector_store %arg10[%swap3A_1674, %swap3A_1675], %mul3A_1672 {strides = array<i32>} : memref<1x2000xf32, #tpu.memory_space<vmem>>, vector<16xf32>,
      %swap3A_1677 = arith.constant 0 : i32
      %swap3A_1678 = arith.index_cast %swap3A_1677 : i32 to index
      %swap3A_1679 = arith.constant 1472 : index
      %swap3A_1680 = tpu.vector_load %arg11[%swap3A_1678, %swap3A_1679] {strides = array<i32>} : memref<1x2000xf32, #tpu.memory_space<vmem>>, vector<16xf32>,
      tpu.vector_store %arg11[%swap3A_1678, %swap3A_1679], %gather3A_1667 {strides = array<i32>} : memref<1x2000xf32, #tpu.memory_space<vmem>>, vector<16xf32>,
      %get3A_1681 = arith.constant 0 : i32
      %get3A_1682 = arith.index_cast %get3A_1681 : i32 to index
      %get3A_1683 = arith.constant 1488 : index
      %get3A_1684 = tpu.vector_load %arg8[%get3A_1682, %get3A_1683] {strides = array<i32>} : memref<1x2000xi32, #tpu.memory_space<vmem>>, vector<16xi32>,
      %gather3A_1685 = tpu.vector_load_idx %arg7[%get3A_1684] : memref<10000xf32, #tpu.memory_space<vmem>>[vector<16xi32>], vector<16xf32>,
      %get3A_1686 = arith.constant 0 : i32
      %get3A_1687 = arith.index_cast %get3A_1686 : i32 to index
      %get3A_1688 = arith.constant 1488 : index
      %get3A_1689 = tpu.vector_load %arg9[%get3A_1687, %get3A_1688] {strides = array<i32>} : memref<1x2000xf32, #tpu.memory_space<vmem>>, vector<16xf32>,
      %mul3A_1690 = arith.mulf %get3A_1689, %gather3A_1685 : vector<16xf32>
      %swap3A_1691 = arith.constant 0 : i32
      %swap3A_1692 = arith.index_cast %swap3A_1691 : i32 to index
      %swap3A_1693 = arith.constant 1488 : index
      %swap3A_1694 = tpu.vector_load %arg10[%swap3A_1692, %swap3A_1693] {strides = array<i32>} : memref<1x2000xf32, #tpu.memory_space<vmem>>, vector<16xf32>,
      tpu.vector_store %arg10[%swap3A_1692, %swap3A_1693], %mul3A_1690 {strides = array<i32>} : memref<1x2000xf32, #tpu.memory_space<vmem>>, vector<16xf32>,
      %swap3A_1695 = arith.constant 0 : i32
      %swap3A_1696 = arith.index_cast %swap3A_1695 : i32 to index
      %swap3A_1697 = arith.constant 1488 : index
      %swap3A_1698 = tpu.vector_load %arg11[%swap3A_1696, %swap3A_1697] {strides = array<i32>} : memref<1x2000xf32, #tpu.memory_space<vmem>>, vector<16xf32>,
      tpu.vector_store %arg11[%swap3A_1696, %swap3A_1697], %gather3A_1685 {strides = array<i32>} : memref<1x2000xf32, #tpu.memory_space<vmem>>, vector<16xf32>,
      %get3A_1699 = arith.constant 0 : i32
      %get3A_1700 = arith.index_cast %get3A_1699 : i32 to index
      %get3A_1701 = arith.constant 1504 : index
      %get3A_1702 = tpu.vector_load %arg8[%get3A_1700, %get3A_1701] {strides = array<i32>} : memref<1x2000xi32, #tpu.memory_space<vmem>>, vector<16xi32>,
      %gather3A_1703 = tpu.vector_load_idx %arg7[%get3A_1702] : memref<10000xf32, #tpu.memory_space<vmem>>[vector<16xi32>], vector<16xf32>,
      %get3A_1704 = arith.constant 0 : i32
      %get3A_1705 = arith.index_cast %get3A_1704 : i32 to index
      %get3A_1706 = arith.constant 1504 : index
      %get3A_1707 = tpu.vector_load %arg9[%get3A_1705, %get3A_1706] {strides = array<i32>} : memref<1x2000xf32, #tpu.memory_space<vmem>>, vector<16xf32>,
      %mul3A_1708 = arith.mulf %get3A_1707, %gather3A_1703 : vector<16xf32>
      %swap3A_1709 = arith.constant 0 : i32
      %swap3A_1710 = arith.index_cast %swap3A_1709 : i32 to index
      %swap3A_1711 = arith.constant 1504 : index
      %swap3A_1712 = tpu.vector_load %arg10[%swap3A_1710, %swap3A_1711] {strides = array<i32>} : memref<1x2000xf32, #tpu.memory_space<vmem>>, vector<16xf32>,
      tpu.vector_store %arg10[%swap3A_1710, %swap3A_1711], %mul3A_1708 {strides = array<i32>} : memref<1x2000xf32, #tpu.memory_space<vmem>>, vector<16xf32>,
      %swap3A_1713 = arith.constant 0 : i32
      %swap3A_1714 = arith.index_cast %swap3A_1713 : i32 to index
      %swap3A_1715 = arith.constant 1504 : index
      %swap3A_1716 = tpu.vector_load %arg11[%swap3A_1714, %swap3A_1715] {strides = array<i32>} : memref<1x2000xf32, #tpu.memory_space<vmem>>, vector<16xf32>,
      tpu.vector_store %arg11[%swap3A_1714, %swap3A_1715], %gather3A_1703 {strides = array<i32>} : memref<1x2000xf32, #tpu.memory_space<vmem>>, vector<16xf32>,
      %get3A_1717 = arith.constant 0 : i32
      %get3A_1718 = arith.index_cast %get3A_1717 : i32 to index
      %get3A_1719 = arith.constant 1520 : index
      %get3A_1720 = tpu.vector_load %arg8[%get3A_1718, %get3A_1719] {strides = array<i32>} : memref<1x2000xi32, #tpu.memory_space<vmem>>, vector<16xi32>,
      %gather3A_1721 = tpu.vector_load_idx %arg7[%get3A_1720] : memref<10000xf32, #tpu.memory_space<vmem>>[vector<16xi32>], vector<16xf32>,
      %get3A_1722 = arith.constant 0 : i32
      %get3A_1723 = arith.index_cast %get3A_1722 : i32 to index
      %get3A_1724 = arith.constant 1520 : index
      %get3A_1725 = tpu.vector_load %arg9[%get3A_1723, %get3A_1724] {strides = array<i32>} : memref<1x2000xf32, #tpu.memory_space<vmem>>, vector<16xf32>,
      %mul3A_1726 = arith.mulf %get3A_1725, %gather3A_1721 : vector<16xf32>
      %swap3A_1727 = arith.constant 0 : i32
      %swap3A_1728 = arith.index_cast %swap3A_1727 : i32 to index
      %swap3A_1729 = arith.constant 1520 : index
      %swap3A_1730 = tpu.vector_load %arg10[%swap3A_1728, %swap3A_1729] {strides = array<i32>} : memref<1x2000xf32, #tpu.memory_space<vmem>>, vector<16xf32>,
      tpu.vector_store %arg10[%swap3A_1728, %swap3A_1729], %mul3A_1726 {strides = array<i32>} : memref<1x2000xf32, #tpu.memory_space<vmem>>, vector<16xf32>,
      %swap3A_1731 = arith.constant 0 : i32
      %swap3A_1732 = arith.index_cast %swap3A_1731 : i32 to index
      %swap3A_1733 = arith.constant 1520 : index
      %swap3A_1734 = tpu.vector_load %arg11[%swap3A_1732, %swap3A_1733] {strides = array<i32>} : memref<1x2000xf32, #tpu.memory_space<vmem>>, vector<16xf32>,
      tpu.vector_store %arg11[%swap3A_1732, %swap3A_1733], %gather3A_1721 {strides = array<i32>} : memref<1x2000xf32, #tpu.memory_space<vmem>>, vector<16xf32>,
      %get3A_1735 = arith.constant 0 : i32
      %get3A_1736 = arith.index_cast %get3A_1735 : i32 to index
      %get3A_1737 = arith.constant 1536 : index
      %get3A_1738 = tpu.vector_load %arg8[%get3A_1736, %get3A_1737] {strides = array<i32>} : memref<1x2000xi32, #tpu.memory_space<vmem>>, vector<16xi32>,
      %gather3A_1739 = tpu.vector_load_idx %arg7[%get3A_1738] : memref<10000xf32, #tpu.memory_space<vmem>>[vector<16xi32>], vector<16xf32>,
      %get3A_1740 = arith.constant 0 : i32
      %get3A_1741 = arith.index_cast %get3A_1740 : i32 to index
      %get3A_1742 = arith.constant 1536 : index
      %get3A_1743 = tpu.vector_load %arg9[%get3A_1741, %get3A_1742] {strides = array<i32>} : memref<1x2000xf32, #tpu.memory_space<vmem>>, vector<16xf32>,
      %mul3A_1744 = arith.mulf %get3A_1743, %gather3A_1739 : vector<16xf32>
      %swap3A_1745 = arith.constant 0 : i32
      %swap3A_1746 = arith.index_cast %swap3A_1745 : i32 to index
      %swap3A_1747 = arith.constant 1536 : index
      %swap3A_1748 = tpu.vector_load %arg10[%swap3A_1746, %swap3A_1747] {strides = array<i32>} : memref<1x2000xf32, #tpu.memory_space<vmem>>, vector<16xf32>,
      tpu.vector_store %arg10[%swap3A_1746, %swap3A_1747], %mul3A_1744 {strides = array<i32>} : memref<1x2000xf32, #tpu.memory_space<vmem>>, vector<16xf32>,
      %swap3A_1749 = arith.constant 0 : i32
      %swap3A_1750 = arith.index_cast %swap3A_1749 : i32 to index
      %swap3A_1751 = arith.constant 1536 : index
      %swap3A_1752 = tpu.vector_load %arg11[%swap3A_1750, %swap3A_1751] {strides = array<i32>} : memref<1x2000xf32, #tpu.memory_space<vmem>>, vector<16xf32>,
      tpu.vector_store %arg11[%swap3A_1750, %swap3A_1751], %gather3A_1739 {strides = array<i32>} : memref<1x2000xf32, #tpu.memory_space<vmem>>, vector<16xf32>,
      %get3A_1753 = arith.constant 0 : i32
      %get3A_1754 = arith.index_cast %get3A_1753 : i32 to index
      %get3A_1755 = arith.constant 1552 : index
      %get3A_1756 = tpu.vector_load %arg8[%get3A_1754, %get3A_1755] {strides = array<i32>} : memref<1x2000xi32, #tpu.memory_space<vmem>>, vector<16xi32>,
      %gather3A_1757 = tpu.vector_load_idx %arg7[%get3A_1756] : memref<10000xf32, #tpu.memory_space<vmem>>[vector<16xi32>], vector<16xf32>,
      %get3A_1758 = arith.constant 0 : i32
      %get3A_1759 = arith.index_cast %get3A_1758 : i32 to index
      %get3A_1760 = arith.constant 1552 : index
      %get3A_1761 = tpu.vector_load %arg9[%get3A_1759, %get3A_1760] {strides = array<i32>} : memref<1x2000xf32, #tpu.memory_space<vmem>>, vector<16xf32>,
      %mul3A_1762 = arith.mulf %get3A_1761, %gather3A_1757 : vector<16xf32>
      %swap3A_1763 = arith.constant 0 : i32
      %swap3A_1764 = arith.index_cast %swap3A_1763 : i32 to index
      %swap3A_1765 = arith.constant 1552 : index
      %swap3A_1766 = tpu.vector_load %arg10[%swap3A_1764, %swap3A_1765] {strides = array<i32>} : memref<1x2000xf32, #tpu.memory_space<vmem>>, vector<16xf32>,
      tpu.vector_store %arg10[%swap3A_1764, %swap3A_1765], %mul3A_1762 {strides = array<i32>} : memref<1x2000xf32, #tpu.memory_space<vmem>>, vector<16xf32>,
      %swap3A_1767 = arith.constant 0 : i32
      %swap3A_1768 = arith.index_cast %swap3A_1767 : i32 to index
      %swap3A_1769 = arith.constant 1552 : index
      %swap3A_1770 = tpu.vector_load %arg11[%swap3A_1768, %swap3A_1769] {strides = array<i32>} : memref<1x2000xf32, #tpu.memory_space<vmem>>, vector<16xf32>,
      tpu.vector_store %arg11[%swap3A_1768, %swap3A_1769], %gather3A_1757 {strides = array<i32>} : memref<1x2000xf32, #tpu.memory_space<vmem>>, vector<16xf32>,
      %get3A_1771 = arith.constant 0 : i32
      %get3A_1772 = arith.index_cast %get3A_1771 : i32 to index
      %get3A_1773 = arith.constant 1568 : index
      %get3A_1774 = tpu.vector_load %arg8[%get3A_1772, %get3A_1773] {strides = array<i32>} : memref<1x2000xi32, #tpu.memory_space<vmem>>, vector<16xi32>,
      %gather3A_1775 = tpu.vector_load_idx %arg7[%get3A_1774] : memref<10000xf32, #tpu.memory_space<vmem>>[vector<16xi32>], vector<16xf32>,
      %get3A_1776 = arith.constant 0 : i32
      %get3A_1777 = arith.index_cast %get3A_1776 : i32 to index
      %get3A_1778 = arith.constant 1568 : index
      %get3A_1779 = tpu.vector_load %arg9[%get3A_1777, %get3A_1778] {strides = array<i32>} : memref<1x2000xf32, #tpu.memory_space<vmem>>, vector<16xf32>,
      %mul3A_1780 = arith.mulf %get3A_1779, %gather3A_1775 : vector<16xf32>
      %swap3A_1781 = arith.constant 0 : i32
      %swap3A_1782 = arith.index_cast %swap3A_1781 : i32 to index
      %swap3A_1783 = arith.constant 1568 : index
      %swap3A_1784 = tpu.vector_load %arg10[%swap3A_1782, %swap3A_1783] {strides = array<i32>} : memref<1x2000xf32, #tpu.memory_space<vmem>>, vector<16xf32>,
      tpu.vector_store %arg10[%swap3A_1782, %swap3A_1783], %mul3A_1780 {strides = array<i32>} : memref<1x2000xf32, #tpu.memory_space<vmem>>, vector<16xf32>,
      %swap3A_1785 = arith.constant 0 : i32
      %swap3A_1786 = arith.index_cast %swap3A_1785 : i32 to index
      %swap3A_1787 = arith.constant 1568 : index
      %swap3A_1788 = tpu.vector_load %arg11[%swap3A_1786, %swap3A_1787] {strides = array<i32>} : memref<1x2000xf32, #tpu.memory_space<vmem>>, vector<16xf32>,
      tpu.vector_store %arg11[%swap3A_1786, %swap3A_1787], %gather3A_1775 {strides = array<i32>} : memref<1x2000xf32, #tpu.memory_space<vmem>>, vector<16xf32>,
      %get3A_1789 = arith.constant 0 : i32
      %get3A_1790 = arith.index_cast %get3A_1789 : i32 to index
      %get3A_1791 = arith.constant 1584 : index
      %get3A_1792 = tpu.vector_load %arg8[%get3A_1790, %get3A_1791] {strides = array<i32>} : memref<1x2000xi32, #tpu.memory_space<vmem>>, vector<16xi32>,
      %gather3A_1793 = tpu.vector_load_idx %arg7[%get3A_1792] : memref<10000xf32, #tpu.memory_space<vmem>>[vector<16xi32>], vector<16xf32>,
      %get3A_1794 = arith.constant 0 : i32
      %get3A_1795 = arith.index_cast %get3A_1794 : i32 to index
      %get3A_1796 = arith.constant 1584 : index
      %get3A_1797 = tpu.vector_load %arg9[%get3A_1795, %get3A_1796] {strides = array<i32>} : memref<1x2000xf32, #tpu.memory_space<vmem>>, vector<16xf32>,
      %mul3A_1798 = arith.mulf %get3A_1797, %gather3A_1793 : vector<16xf32>
      %swap3A_1799 = arith.constant 0 : i32
      %swap3A_1800 = arith.index_cast %swap3A_1799 : i32 to index
      %swap3A_1801 = arith.constant 1584 : index
      %swap3A_1802 = tpu.vector_load %arg10[%swap3A_1800, %swap3A_1801] {strides = array<i32>} : memref<1x2000xf32, #tpu.memory_space<vmem>>, vector<16xf32>,
      tpu.vector_store %arg10[%swap3A_1800, %swap3A_1801], %mul3A_1798 {strides = array<i32>} : memref<1x2000xf32, #tpu.memory_space<vmem>>, vector<16xf32>,
      %swap3A_1803 = arith.constant 0 : i32
      %swap3A_1804 = arith.index_cast %swap3A_1803 : i32 to index
      %swap3A_1805 = arith.constant 1584 : index
      %swap3A_1806 = tpu.vector_load %arg11[%swap3A_1804, %swap3A_1805] {strides = array<i32>} : memref<1x2000xf32, #tpu.memory_space<vmem>>, vector<16xf32>,
      tpu.vector_store %arg11[%swap3A_1804, %swap3A_1805], %gather3A_1793 {strides = array<i32>} : memref<1x2000xf32, #tpu.memory_space<vmem>>, vector<16xf32>,
      %get3A_1807 = arith.constant 0 : i32
      %get3A_1808 = arith.index_cast %get3A_1807 : i32 to index
      %get3A_1809 = arith.constant 1600 : index
      %get3A_1810 = tpu.vector_load %arg8[%get3A_1808, %get3A_1809] {strides = array<i32>} : memref<1x2000xi32, #tpu.memory_space<vmem>>, vector<16xi32>,
      %gather3A_1811 = tpu.vector_load_idx %arg7[%get3A_1810] : memref<10000xf32, #tpu.memory_space<vmem>>[vector<16xi32>], vector<16xf32>,
      %get3A_1812 = arith.constant 0 : i32
      %get3A_1813 = arith.index_cast %get3A_1812 : i32 to index
      %get3A_1814 = arith.constant 1600 : index
      %get3A_1815 = tpu.vector_load %arg9[%get3A_1813, %get3A_1814] {strides = array<i32>} : memref<1x2000xf32, #tpu.memory_space<vmem>>, vector<16xf32>,
      %mul3A_1816 = arith.mulf %get3A_1815, %gather3A_1811 : vector<16xf32>
      %swap3A_1817 = arith.constant 0 : i32
      %swap3A_1818 = arith.index_cast %swap3A_1817 : i32 to index
      %swap3A_1819 = arith.constant 1600 : index
      %swap3A_1820 = tpu.vector_load %arg10[%swap3A_1818, %swap3A_1819] {strides = array<i32>} : memref<1x2000xf32, #tpu.memory_space<vmem>>, vector<16xf32>,
      tpu.vector_store %arg10[%swap3A_1818, %swap3A_1819], %mul3A_1816 {strides = array<i32>} : memref<1x2000xf32, #tpu.memory_space<vmem>>, vector<16xf32>,
      %swap3A_1821 = arith.constant 0 : i32
      %swap3A_1822 = arith.index_cast %swap3A_1821 : i32 to index
      %swap3A_1823 = arith.constant 1600 : index
      %swap3A_1824 = tpu.vector_load %arg11[%swap3A_1822, %swap3A_1823] {strides = array<i32>} : memref<1x2000xf32, #tpu.memory_space<vmem>>, vector<16xf32>,
      tpu.vector_store %arg11[%swap3A_1822, %swap3A_1823], %gather3A_1811 {strides = array<i32>} : memref<1x2000xf32, #tpu.memory_space<vmem>>, vector<16xf32>,
      %get3A_1825 = arith.constant 0 : i32
      %get3A_1826 = arith.index_cast %get3A_1825 : i32 to index
      %get3A_1827 = arith.constant 1616 : index
      %get3A_1828 = tpu.vector_load %arg8[%get3A_1826, %get3A_1827] {strides = array<i32>} : memref<1x2000xi32, #tpu.memory_space<vmem>>, vector<16xi32>,
      %gather3A_1829 = tpu.vector_load_idx %arg7[%get3A_1828] : memref<10000xf32, #tpu.memory_space<vmem>>[vector<16xi32>], vector<16xf32>,
      %get3A_1830 = arith.constant 0 : i32
      %get3A_1831 = arith.index_cast %get3A_1830 : i32 to index
      %get3A_1832 = arith.constant 1616 : index
      %get3A_1833 = tpu.vector_load %arg9[%get3A_1831, %get3A_1832] {strides = array<i32>} : memref<1x2000xf32, #tpu.memory_space<vmem>>, vector<16xf32>,
      %mul3A_1834 = arith.mulf %get3A_1833, %gather3A_1829 : vector<16xf32>
      %swap3A_1835 = arith.constant 0 : i32
      %swap3A_1836 = arith.index_cast %swap3A_1835 : i32 to index
      %swap3A_1837 = arith.constant 1616 : index
      %swap3A_1838 = tpu.vector_load %arg10[%swap3A_1836, %swap3A_1837] {strides = array<i32>} : memref<1x2000xf32, #tpu.memory_space<vmem>>, vector<16xf32>,
      tpu.vector_store %arg10[%swap3A_1836, %swap3A_1837], %mul3A_1834 {strides = array<i32>} : memref<1x2000xf32, #tpu.memory_space<vmem>>, vector<16xf32>,
      %swap3A_1839 = arith.constant 0 : i32
      %swap3A_1840 = arith.index_cast %swap3A_1839 : i32 to index
      %swap3A_1841 = arith.constant 1616 : index
      %swap3A_1842 = tpu.vector_load %arg11[%swap3A_1840, %swap3A_1841] {strides = array<i32>} : memref<1x2000xf32, #tpu.memory_space<vmem>>, vector<16xf32>,
      tpu.vector_store %arg11[%swap3A_1840, %swap3A_1841], %gather3A_1829 {strides = array<i32>} : memref<1x2000xf32, #tpu.memory_space<vmem>>, vector<16xf32>,
      %get3A_1843 = arith.constant 0 : i32
      %get3A_1844 = arith.index_cast %get3A_1843 : i32 to index
      %get3A_1845 = arith.constant 1632 : index
      %get3A_1846 = tpu.vector_load %arg8[%get3A_1844, %get3A_1845] {strides = array<i32>} : memref<1x2000xi32, #tpu.memory_space<vmem>>, vector<16xi32>,
      %gather3A_1847 = tpu.vector_load_idx %arg7[%get3A_1846] : memref<10000xf32, #tpu.memory_space<vmem>>[vector<16xi32>], vector<16xf32>,
      %get3A_1848 = arith.constant 0 : i32
      %get3A_1849 = arith.index_cast %get3A_1848 : i32 to index
      %get3A_1850 = arith.constant 1632 : index
      %get3A_1851 = tpu.vector_load %arg9[%get3A_1849, %get3A_1850] {strides = array<i32>} : memref<1x2000xf32, #tpu.memory_space<vmem>>, vector<16xf32>,
      %mul3A_1852 = arith.mulf %get3A_1851, %gather3A_1847 : vector<16xf32>
      %swap3A_1853 = arith.constant 0 : i32
      %swap3A_1854 = arith.index_cast %swap3A_1853 : i32 to index
      %swap3A_1855 = arith.constant 1632 : index
      %swap3A_1856 = tpu.vector_load %arg10[%swap3A_1854, %swap3A_1855] {strides = array<i32>} : memref<1x2000xf32, #tpu.memory_space<vmem>>, vector<16xf32>,
      tpu.vector_store %arg10[%swap3A_1854, %swap3A_1855], %mul3A_1852 {strides = array<i32>} : memref<1x2000xf32, #tpu.memory_space<vmem>>, vector<16xf32>,
      %swap3A_1857 = arith.constant 0 : i32
      %swap3A_1858 = arith.index_cast %swap3A_1857 : i32 to index
      %swap3A_1859 = arith.constant 1632 : index
      %swap3A_1860 = tpu.vector_load %arg11[%swap3A_1858, %swap3A_1859] {strides = array<i32>} : memref<1x2000xf32, #tpu.memory_space<vmem>>, vector<16xf32>,
      tpu.vector_store %arg11[%swap3A_1858, %swap3A_1859], %gather3A_1847 {strides = array<i32>} : memref<1x2000xf32, #tpu.memory_space<vmem>>, vector<16xf32>,
      %get3A_1861 = arith.constant 0 : i32
      %get3A_1862 = arith.index_cast %get3A_1861 : i32 to index
      %get3A_1863 = arith.constant 1648 : index
      %get3A_1864 = tpu.vector_load %arg8[%get3A_1862, %get3A_1863] {strides = array<i32>} : memref<1x2000xi32, #tpu.memory_space<vmem>>, vector<16xi32>,
      %gather3A_1865 = tpu.vector_load_idx %arg7[%get3A_1864] : memref<10000xf32, #tpu.memory_space<vmem>>[vector<16xi32>], vector<16xf32>,
      %get3A_1866 = arith.constant 0 : i32
      %get3A_1867 = arith.index_cast %get3A_1866 : i32 to index
      %get3A_1868 = arith.constant 1648 : index
      %get3A_1869 = tpu.vector_load %arg9[%get3A_1867, %get3A_1868] {strides = array<i32>} : memref<1x2000xf32, #tpu.memory_space<vmem>>, vector<16xf32>,
      %mul3A_1870 = arith.mulf %get3A_1869, %gather3A_1865 : vector<16xf32>
      %swap3A_1871 = arith.constant 0 : i32
      %swap3A_1872 = arith.index_cast %swap3A_1871 : i32 to index
      %swap3A_1873 = arith.constant 1648 : index
      %swap3A_1874 = tpu.vector_load %arg10[%swap3A_1872, %swap3A_1873] {strides = array<i32>} : memref<1x2000xf32, #tpu.memory_space<vmem>>, vector<16xf32>,
      tpu.vector_store %arg10[%swap3A_1872, %swap3A_1873], %mul3A_1870 {strides = array<i32>} : memref<1x2000xf32, #tpu.memory_space<vmem>>, vector<16xf32>,
      %swap3A_1875 = arith.constant 0 : i32
      %swap3A_1876 = arith.index_cast %swap3A_1875 : i32 to index
      %swap3A_1877 = arith.constant 1648 : index
      %swap3A_1878 = tpu.vector_load %arg11[%swap3A_1876, %swap3A_1877] {strides = array<i32>} : memref<1x2000xf32, #tpu.memory_space<vmem>>, vector<16xf32>,
      tpu.vector_store %arg11[%swap3A_1876, %swap3A_1877], %gather3A_1865 {strides = array<i32>} : memref<1x2000xf32, #tpu.memory_space<vmem>>, vector<16xf32>,
      %get3A_1879 = arith.constant 0 : i32
      %get3A_1880 = arith.index_cast %get3A_1879 : i32 to index
      %get3A_1881 = arith.constant 1664 : index
      %get3A_1882 = tpu.vector_load %arg8[%get3A_1880, %get3A_1881] {strides = array<i32>} : memref<1x2000xi32, #tpu.memory_space<vmem>>, vector<16xi32>,
      %gather3A_1883 = tpu.vector_load_idx %arg7[%get3A_1882] : memref<10000xf32, #tpu.memory_space<vmem>>[vector<16xi32>], vector<16xf32>,
      %get3A_1884 = arith.constant 0 : i32
      %get3A_1885 = arith.index_cast %get3A_1884 : i32 to index
      %get3A_1886 = arith.constant 1664 : index
      %get3A_1887 = tpu.vector_load %arg9[%get3A_1885, %get3A_1886] {strides = array<i32>} : memref<1x2000xf32, #tpu.memory_space<vmem>>, vector<16xf32>,
      %mul3A_1888 = arith.mulf %get3A_1887, %gather3A_1883 : vector<16xf32>
      %swap3A_1889 = arith.constant 0 : i32
      %swap3A_1890 = arith.index_cast %swap3A_1889 : i32 to index
      %swap3A_1891 = arith.constant 1664 : index
      %swap3A_1892 = tpu.vector_load %arg10[%swap3A_1890, %swap3A_1891] {strides = array<i32>} : memref<1x2000xf32, #tpu.memory_space<vmem>>, vector<16xf32>,
      tpu.vector_store %arg10[%swap3A_1890, %swap3A_1891], %mul3A_1888 {strides = array<i32>} : memref<1x2000xf32, #tpu.memory_space<vmem>>, vector<16xf32>,
      %swap3A_1893 = arith.constant 0 : i32
      %swap3A_1894 = arith.index_cast %swap3A_1893 : i32 to index
      %swap3A_1895 = arith.constant 1664 : index
      %swap3A_1896 = tpu.vector_load %arg11[%swap3A_1894, %swap3A_1895] {strides = array<i32>} : memref<1x2000xf32, #tpu.memory_space<vmem>>, vector<16xf32>,
      tpu.vector_store %arg11[%swap3A_1894, %swap3A_1895], %gather3A_1883 {strides = array<i32>} : memref<1x2000xf32, #tpu.memory_space<vmem>>, vector<16xf32>,
      %get3A_1897 = arith.constant 0 : i32
      %get3A_1898 = arith.index_cast %get3A_1897 : i32 to index
      %get3A_1899 = arith.constant 1680 : index
      %get3A_1900 = tpu.vector_load %arg8[%get3A_1898, %get3A_1899] {strides = array<i32>} : memref<1x2000xi32, #tpu.memory_space<vmem>>, vector<16xi32>,
      %gather3A_1901 = tpu.vector_load_idx %arg7[%get3A_1900] : memref<10000xf32, #tpu.memory_space<vmem>>[vector<16xi32>], vector<16xf32>,
      %get3A_1902 = arith.constant 0 : i32
      %get3A_1903 = arith.index_cast %get3A_1902 : i32 to index
      %get3A_1904 = arith.constant 1680 : index
      %get3A_1905 = tpu.vector_load %arg9[%get3A_1903, %get3A_1904] {strides = array<i32>} : memref<1x2000xf32, #tpu.memory_space<vmem>>, vector<16xf32>,
      %mul3A_1906 = arith.mulf %get3A_1905, %gather3A_1901 : vector<16xf32>
      %swap3A_1907 = arith.constant 0 : i32
      %swap3A_1908 = arith.index_cast %swap3A_1907 : i32 to index
      %swap3A_1909 = arith.constant 1680 : index
      %swap3A_1910 = tpu.vector_load %arg10[%swap3A_1908, %swap3A_1909] {strides = array<i32>} : memref<1x2000xf32, #tpu.memory_space<vmem>>, vector<16xf32>,
      tpu.vector_store %arg10[%swap3A_1908, %swap3A_1909], %mul3A_1906 {strides = array<i32>} : memref<1x2000xf32, #tpu.memory_space<vmem>>, vector<16xf32>,
      %swap3A_1911 = arith.constant 0 : i32
      %swap3A_1912 = arith.index_cast %swap3A_1911 : i32 to index
      %swap3A_1913 = arith.constant 1680 : index
      %swap3A_1914 = tpu.vector_load %arg11[%swap3A_1912, %swap3A_1913] {strides = array<i32>} : memref<1x2000xf32, #tpu.memory_space<vmem>>, vector<16xf32>,
      tpu.vector_store %arg11[%swap3A_1912, %swap3A_1913], %gather3A_1901 {strides = array<i32>} : memref<1x2000xf32, #tpu.memory_space<vmem>>, vector<16xf32>,
      %get3A_1915 = arith.constant 0 : i32
      %get3A_1916 = arith.index_cast %get3A_1915 : i32 to index
      %get3A_1917 = arith.constant 1696 : index
      %get3A_1918 = tpu.vector_load %arg8[%get3A_1916, %get3A_1917] {strides = array<i32>} : memref<1x2000xi32, #tpu.memory_space<vmem>>, vector<16xi32>,
      %gather3A_1919 = tpu.vector_load_idx %arg7[%get3A_1918] : memref<10000xf32, #tpu.memory_space<vmem>>[vector<16xi32>], vector<16xf32>,
      %get3A_1920 = arith.constant 0 : i32
      %get3A_1921 = arith.index_cast %get3A_1920 : i32 to index
      %get3A_1922 = arith.constant 1696 : index
      %get3A_1923 = tpu.vector_load %arg9[%get3A_1921, %get3A_1922] {strides = array<i32>} : memref<1x2000xf32, #tpu.memory_space<vmem>>, vector<16xf32>,
      %mul3A_1924 = arith.mulf %get3A_1923, %gather3A_1919 : vector<16xf32>
      %swap3A_1925 = arith.constant 0 : i32
      %swap3A_1926 = arith.index_cast %swap3A_1925 : i32 to index
      %swap3A_1927 = arith.constant 1696 : index
      %swap3A_1928 = tpu.vector_load %arg10[%swap3A_1926, %swap3A_1927] {strides = array<i32>} : memref<1x2000xf32, #tpu.memory_space<vmem>>, vector<16xf32>,
      tpu.vector_store %arg10[%swap3A_1926, %swap3A_1927], %mul3A_1924 {strides = array<i32>} : memref<1x2000xf32, #tpu.memory_space<vmem>>, vector<16xf32>,
      %swap3A_1929 = arith.constant 0 : i32
      %swap3A_1930 = arith.index_cast %swap3A_1929 : i32 to index
      %swap3A_1931 = arith.constant 1696 : index
      %swap3A_1932 = tpu.vector_load %arg11[%swap3A_1930, %swap3A_1931] {strides = array<i32>} : memref<1x2000xf32, #tpu.memory_space<vmem>>, vector<16xf32>,
      tpu.vector_store %arg11[%swap3A_1930, %swap3A_1931], %gather3A_1919 {strides = array<i32>} : memref<1x2000xf32, #tpu.memory_space<vmem>>, vector<16xf32>,
      %get3A_1933 = arith.constant 0 : i32
      %get3A_1934 = arith.index_cast %get3A_1933 : i32 to index
      %get3A_1935 = arith.constant 1712 : index
      %get3A_1936 = tpu.vector_load %arg8[%get3A_1934, %get3A_1935] {strides = array<i32>} : memref<1x2000xi32, #tpu.memory_space<vmem>>, vector<16xi32>,
      %gather3A_1937 = tpu.vector_load_idx %arg7[%get3A_1936] : memref<10000xf32, #tpu.memory_space<vmem>>[vector<16xi32>], vector<16xf32>,
      %get3A_1938 = arith.constant 0 : i32
      %get3A_1939 = arith.index_cast %get3A_1938 : i32 to index
      %get3A_1940 = arith.constant 1712 : index
      %get3A_1941 = tpu.vector_load %arg9[%get3A_1939, %get3A_1940] {strides = array<i32>} : memref<1x2000xf32, #tpu.memory_space<vmem>>, vector<16xf32>,
      %mul3A_1942 = arith.mulf %get3A_1941, %gather3A_1937 : vector<16xf32>
      %swap3A_1943 = arith.constant 0 : i32
      %swap3A_1944 = arith.index_cast %swap3A_1943 : i32 to index
      %swap3A_1945 = arith.constant 1712 : index
      %swap3A_1946 = tpu.vector_load %arg10[%swap3A_1944, %swap3A_1945] {strides = array<i32>} : memref<1x2000xf32, #tpu.memory_space<vmem>>, vector<16xf32>,
      tpu.vector_store %arg10[%swap3A_1944, %swap3A_1945], %mul3A_1942 {strides = array<i32>} : memref<1x2000xf32, #tpu.memory_space<vmem>>, vector<16xf32>,
      %swap3A_1947 = arith.constant 0 : i32
      %swap3A_1948 = arith.index_cast %swap3A_1947 : i32 to index
      %swap3A_1949 = arith.constant 1712 : index
      %swap3A_1950 = tpu.vector_load %arg11[%swap3A_1948, %swap3A_1949] {strides = array<i32>} : memref<1x2000xf32, #tpu.memory_space<vmem>>, vector<16xf32>,
      tpu.vector_store %arg11[%swap3A_1948, %swap3A_1949], %gather3A_1937 {strides = array<i32>} : memref<1x2000xf32, #tpu.memory_space<vmem>>, vector<16xf32>,
      %get3A_1951 = arith.constant 0 : i32
      %get3A_1952 = arith.index_cast %get3A_1951 : i32 to index
      %get3A_1953 = arith.constant 1728 : index
      %get3A_1954 = tpu.vector_load %arg8[%get3A_1952, %get3A_1953] {strides = array<i32>} : memref<1x2000xi32, #tpu.memory_space<vmem>>, vector<16xi32>,
      %gather3A_1955 = tpu.vector_load_idx %arg7[%get3A_1954] : memref<10000xf32, #tpu.memory_space<vmem>>[vector<16xi32>], vector<16xf32>,
      %get3A_1956 = arith.constant 0 : i32
      %get3A_1957 = arith.index_cast %get3A_1956 : i32 to index
      %get3A_1958 = arith.constant 1728 : index
      %get3A_1959 = tpu.vector_load %arg9[%get3A_1957, %get3A_1958] {strides = array<i32>} : memref<1x2000xf32, #tpu.memory_space<vmem>>, vector<16xf32>,
      %mul3A_1960 = arith.mulf %get3A_1959, %gather3A_1955 : vector<16xf32>
      %swap3A_1961 = arith.constant 0 : i32
      %swap3A_1962 = arith.index_cast %swap3A_1961 : i32 to index
      %swap3A_1963 = arith.constant 1728 : index
      %swap3A_1964 = tpu.vector_load %arg10[%swap3A_1962, %swap3A_1963] {strides = array<i32>} : memref<1x2000xf32, #tpu.memory_space<vmem>>, vector<16xf32>,
      tpu.vector_store %arg10[%swap3A_1962, %swap3A_1963], %mul3A_1960 {strides = array<i32>} : memref<1x2000xf32, #tpu.memory_space<vmem>>, vector<16xf32>,
      %swap3A_1965 = arith.constant 0 : i32
      %swap3A_1966 = arith.index_cast %swap3A_1965 : i32 to index
      %swap3A_1967 = arith.constant 1728 : index
      %swap3A_1968 = tpu.vector_load %arg11[%swap3A_1966, %swap3A_1967] {strides = array<i32>} : memref<1x2000xf32, #tpu.memory_space<vmem>>, vector<16xf32>,
      tpu.vector_store %arg11[%swap3A_1966, %swap3A_1967], %gather3A_1955 {strides = array<i32>} : memref<1x2000xf32, #tpu.memory_space<vmem>>, vector<16xf32>,
      %get3A_1969 = arith.constant 0 : i32
      %get3A_1970 = arith.index_cast %get3A_1969 : i32 to index
      %get3A_1971 = arith.constant 1744 : index
      %get3A_1972 = tpu.vector_load %arg8[%get3A_1970, %get3A_1971] {strides = array<i32>} : memref<1x2000xi32, #tpu.memory_space<vmem>>, vector<16xi32>,
      %gather3A_1973 = tpu.vector_load_idx %arg7[%get3A_1972] : memref<10000xf32, #tpu.memory_space<vmem>>[vector<16xi32>], vector<16xf32>,
      %get3A_1974 = arith.constant 0 : i32
      %get3A_1975 = arith.index_cast %get3A_1974 : i32 to index
      %get3A_1976 = arith.constant 1744 : index
      %get3A_1977 = tpu.vector_load %arg9[%get3A_1975, %get3A_1976] {strides = array<i32>} : memref<1x2000xf32, #tpu.memory_space<vmem>>, vector<16xf32>,
      %mul3A_1978 = arith.mulf %get3A_1977, %gather3A_1973 : vector<16xf32>
      %swap3A_1979 = arith.constant 0 : i32
      %swap3A_1980 = arith.index_cast %swap3A_1979 : i32 to index
      %swap3A_1981 = arith.constant 1744 : index
      %swap3A_1982 = tpu.vector_load %arg10[%swap3A_1980, %swap3A_1981] {strides = array<i32>} : memref<1x2000xf32, #tpu.memory_space<vmem>>, vector<16xf32>,
      tpu.vector_store %arg10[%swap3A_1980, %swap3A_1981], %mul3A_1978 {strides = array<i32>} : memref<1x2000xf32, #tpu.memory_space<vmem>>, vector<16xf32>,
      %swap3A_1983 = arith.constant 0 : i32
      %swap3A_1984 = arith.index_cast %swap3A_1983 : i32 to index
      %swap3A_1985 = arith.constant 1744 : index
      %swap3A_1986 = tpu.vector_load %arg11[%swap3A_1984, %swap3A_1985] {strides = array<i32>} : memref<1x2000xf32, #tpu.memory_space<vmem>>, vector<16xf32>,
      tpu.vector_store %arg11[%swap3A_1984, %swap3A_1985], %gather3A_1973 {strides = array<i32>} : memref<1x2000xf32, #tpu.memory_space<vmem>>, vector<16xf32>,
      %get3A_1987 = arith.constant 0 : i32
      %get3A_1988 = arith.index_cast %get3A_1987 : i32 to index
      %get3A_1989 = arith.constant 1760 : index
      %get3A_1990 = tpu.vector_load %arg8[%get3A_1988, %get3A_1989] {strides = array<i32>} : memref<1x2000xi32, #tpu.memory_space<vmem>>, vector<16xi32>,
      %gather3A_1991 = tpu.vector_load_idx %arg7[%get3A_1990] : memref<10000xf32, #tpu.memory_space<vmem>>[vector<16xi32>], vector<16xf32>,
      %get3A_1992 = arith.constant 0 : i32
      %get3A_1993 = arith.index_cast %get3A_1992 : i32 to index
      %get3A_1994 = arith.constant 1760 : index
      %get3A_1995 = tpu.vector_load %arg9[%get3A_1993, %get3A_1994] {strides = array<i32>} : memref<1x2000xf32, #tpu.memory_space<vmem>>, vector<16xf32>,
      %mul3A_1996 = arith.mulf %get3A_1995, %gather3A_1991 : vector<16xf32>
      %swap3A_1997 = arith.constant 0 : i32
      %swap3A_1998 = arith.index_cast %swap3A_1997 : i32 to index
      %swap3A_1999 = arith.constant 1760 : index
      %swap3A_2000 = tpu.vector_load %arg10[%swap3A_1998, %swap3A_1999] {strides = array<i32>} : memref<1x2000xf32, #tpu.memory_space<vmem>>, vector<16xf32>,
      tpu.vector_store %arg10[%swap3A_1998, %swap3A_1999], %mul3A_1996 {strides = array<i32>} : memref<1x2000xf32, #tpu.memory_space<vmem>>, vector<16xf32>,
      %swap3A_2001 = arith.constant 0 : i32
      %swap3A_2002 = arith.index_cast %swap3A_2001 : i32 to index
      %swap3A_2003 = arith.constant 1760 : index
      %swap3A_2004 = tpu.vector_load %arg11[%swap3A_2002, %swap3A_2003] {strides = array<i32>} : memref<1x2000xf32, #tpu.memory_space<vmem>>, vector<16xf32>,
      tpu.vector_store %arg11[%swap3A_2002, %swap3A_2003], %gather3A_1991 {strides = array<i32>} : memref<1x2000xf32, #tpu.memory_space<vmem>>, vector<16xf32>,
      %get3A_2005 = arith.constant 0 : i32
      %get3A_2006 = arith.index_cast %get3A_2005 : i32 to index
      %get3A_2007 = arith.constant 1776 : index
      %get3A_2008 = tpu.vector_load %arg8[%get3A_2006, %get3A_2007] {strides = array<i32>} : memref<1x2000xi32, #tpu.memory_space<vmem>>, vector<16xi32>,
      %gather3A_2009 = tpu.vector_load_idx %arg7[%get3A_2008] : memref<10000xf32, #tpu.memory_space<vmem>>[vector<16xi32>], vector<16xf32>,
      %get3A_2010 = arith.constant 0 : i32
      %get3A_2011 = arith.index_cast %get3A_2010 : i32 to index
      %get3A_2012 = arith.constant 1776 : index
      %get3A_2013 = tpu.vector_load %arg9[%get3A_2011, %get3A_2012] {strides = array<i32>} : memref<1x2000xf32, #tpu.memory_space<vmem>>, vector<16xf32>,
      %mul3A_2014 = arith.mulf %get3A_2013, %gather3A_2009 : vector<16xf32>
      %swap3A_2015 = arith.constant 0 : i32
      %swap3A_2016 = arith.index_cast %swap3A_2015 : i32 to index
      %swap3A_2017 = arith.constant 1776 : index
      %swap3A_2018 = tpu.vector_load %arg10[%swap3A_2016, %swap3A_2017] {strides = array<i32>} : memref<1x2000xf32, #tpu.memory_space<vmem>>, vector<16xf32>,
      tpu.vector_store %arg10[%swap3A_2016, %swap3A_2017], %mul3A_2014 {strides = array<i32>} : memref<1x2000xf32, #tpu.memory_space<vmem>>, vector<16xf32>,
      %swap3A_2019 = arith.constant 0 : i32
      %swap3A_2020 = arith.index_cast %swap3A_2019 : i32 to index
      %swap3A_2021 = arith.constant 1776 : index
      %swap3A_2022 = tpu.vector_load %arg11[%swap3A_2020, %swap3A_2021] {strides = array<i32>} : memref<1x2000xf32, #tpu.memory_space<vmem>>, vector<16xf32>,
      tpu.vector_store %arg11[%swap3A_2020, %swap3A_2021], %gather3A_2009 {strides = array<i32>} : memref<1x2000xf32, #tpu.memory_space<vmem>>, vector<16xf32>,
      %get3A_2023 = arith.constant 0 : i32
      %get3A_2024 = arith.index_cast %get3A_2023 : i32 to index
      %get3A_2025 = arith.constant 1792 : index
      %get3A_2026 = tpu.vector_load %arg8[%get3A_2024, %get3A_2025] {strides = array<i32>} : memref<1x2000xi32, #tpu.memory_space<vmem>>, vector<16xi32>,
      %gather3A_2027 = tpu.vector_load_idx %arg7[%get3A_2026] : memref<10000xf32, #tpu.memory_space<vmem>>[vector<16xi32>], vector<16xf32>,
      %get3A_2028 = arith.constant 0 : i32
      %get3A_2029 = arith.index_cast %get3A_2028 : i32 to index
      %get3A_2030 = arith.constant 1792 : index
      %get3A_2031 = tpu.vector_load %arg9[%get3A_2029, %get3A_2030] {strides = array<i32>} : memref<1x2000xf32, #tpu.memory_space<vmem>>, vector<16xf32>,
      %mul3A_2032 = arith.mulf %get3A_2031, %gather3A_2027 : vector<16xf32>
      %swap3A_2033 = arith.constant 0 : i32
      %swap3A_2034 = arith.index_cast %swap3A_2033 : i32 to index
      %swap3A_2035 = arith.constant 1792 : index
      %swap3A_2036 = tpu.vector_load %arg10[%swap3A_2034, %swap3A_2035] {strides = array<i32>} : memref<1x2000xf32, #tpu.memory_space<vmem>>, vector<16xf32>,
      tpu.vector_store %arg10[%swap3A_2034, %swap3A_2035], %mul3A_2032 {strides = array<i32>} : memref<1x2000xf32, #tpu.memory_space<vmem>>, vector<16xf32>,
      %swap3A_2037 = arith.constant 0 : i32
      %swap3A_2038 = arith.index_cast %swap3A_2037 : i32 to index
      %swap3A_2039 = arith.constant 1792 : index
      %swap3A_2040 = tpu.vector_load %arg11[%swap3A_2038, %swap3A_2039] {strides = array<i32>} : memref<1x2000xf32, #tpu.memory_space<vmem>>, vector<16xf32>,
      tpu.vector_store %arg11[%swap3A_2038, %swap3A_2039], %gather3A_2027 {strides = array<i32>} : memref<1x2000xf32, #tpu.memory_space<vmem>>, vector<16xf32>,
      %get3A_2041 = arith.constant 0 : i32
      %get3A_2042 = arith.index_cast %get3A_2041 : i32 to index
      %get3A_2043 = arith.constant 1808 : index
      %get3A_2044 = tpu.vector_load %arg8[%get3A_2042, %get3A_2043] {strides = array<i32>} : memref<1x2000xi32, #tpu.memory_space<vmem>>, vector<16xi32>,
      %gather3A_2045 = tpu.vector_load_idx %arg7[%get3A_2044] : memref<10000xf32, #tpu.memory_space<vmem>>[vector<16xi32>], vector<16xf32>,
      %get3A_2046 = arith.constant 0 : i32
      %get3A_2047 = arith.index_cast %get3A_2046 : i32 to index
      %get3A_2048 = arith.constant 1808 : index
      %get3A_2049 = tpu.vector_load %arg9[%get3A_2047, %get3A_2048] {strides = array<i32>} : memref<1x2000xf32, #tpu.memory_space<vmem>>, vector<16xf32>,
      %mul3A_2050 = arith.mulf %get3A_2049, %gather3A_2045 : vector<16xf32>
      %swap3A_2051 = arith.constant 0 : i32
      %swap3A_2052 = arith.index_cast %swap3A_2051 : i32 to index
      %swap3A_2053 = arith.constant 1808 : index
      %swap3A_2054 = tpu.vector_load %arg10[%swap3A_2052, %swap3A_2053] {strides = array<i32>} : memref<1x2000xf32, #tpu.memory_space<vmem>>, vector<16xf32>,
      tpu.vector_store %arg10[%swap3A_2052, %swap3A_2053], %mul3A_2050 {strides = array<i32>} : memref<1x2000xf32, #tpu.memory_space<vmem>>, vector<16xf32>,
      %swap3A_2055 = arith.constant 0 : i32
      %swap3A_2056 = arith.index_cast %swap3A_2055 : i32 to index
      %swap3A_2057 = arith.constant 1808 : index
      %swap3A_2058 = tpu.vector_load %arg11[%swap3A_2056, %swap3A_2057] {strides = array<i32>} : memref<1x2000xf32, #tpu.memory_space<vmem>>, vector<16xf32>,
      tpu.vector_store %arg11[%swap3A_2056, %swap3A_2057], %gather3A_2045 {strides = array<i32>} : memref<1x2000xf32, #tpu.memory_space<vmem>>, vector<16xf32>,
      %get3A_2059 = arith.constant 0 : i32
      %get3A_2060 = arith.index_cast %get3A_2059 : i32 to index
      %get3A_2061 = arith.constant 1824 : index
      %get3A_2062 = tpu.vector_load %arg8[%get3A_2060, %get3A_2061] {strides = array<i32>} : memref<1x2000xi32, #tpu.memory_space<vmem>>, vector<16xi32>,
      %gather3A_2063 = tpu.vector_load_idx %arg7[%get3A_2062] : memref<10000xf32, #tpu.memory_space<vmem>>[vector<16xi32>], vector<16xf32>,
      %get3A_2064 = arith.constant 0 : i32
      %get3A_2065 = arith.index_cast %get3A_2064 : i32 to index
      %get3A_2066 = arith.constant 1824 : index
      %get3A_2067 = tpu.vector_load %arg9[%get3A_2065, %get3A_2066] {strides = array<i32>} : memref<1x2000xf32, #tpu.memory_space<vmem>>, vector<16xf32>,
      %mul3A_2068 = arith.mulf %get3A_2067, %gather3A_2063 : vector<16xf32>
      %swap3A_2069 = arith.constant 0 : i32
      %swap3A_2070 = arith.index_cast %swap3A_2069 : i32 to index
      %swap3A_2071 = arith.constant 1824 : index
      %swap3A_2072 = tpu.vector_load %arg10[%swap3A_2070, %swap3A_2071] {strides = array<i32>} : memref<1x2000xf32, #tpu.memory_space<vmem>>, vector<16xf32>,
      tpu.vector_store %arg10[%swap3A_2070, %swap3A_2071], %mul3A_2068 {strides = array<i32>} : memref<1x2000xf32, #tpu.memory_space<vmem>>, vector<16xf32>,
      %swap3A_2073 = arith.constant 0 : i32
      %swap3A_2074 = arith.index_cast %swap3A_2073 : i32 to index
      %swap3A_2075 = arith.constant 1824 : index
      %swap3A_2076 = tpu.vector_load %arg11[%swap3A_2074, %swap3A_2075] {strides = array<i32>} : memref<1x2000xf32, #tpu.memory_space<vmem>>, vector<16xf32>,
      tpu.vector_store %arg11[%swap3A_2074, %swap3A_2075], %gather3A_2063 {strides = array<i32>} : memref<1x2000xf32, #tpu.memory_space<vmem>>, vector<16xf32>,
      %get3A_2077 = arith.constant 0 : i32
      %get3A_2078 = arith.index_cast %get3A_2077 : i32 to index
      %get3A_2079 = arith.constant 1840 : index
      %get3A_2080 = tpu.vector_load %arg8[%get3A_2078, %get3A_2079] {strides = array<i32>} : memref<1x2000xi32, #tpu.memory_space<vmem>>, vector<16xi32>,
      %gather3A_2081 = tpu.vector_load_idx %arg7[%get3A_2080] : memref<10000xf32, #tpu.memory_space<vmem>>[vector<16xi32>], vector<16xf32>,
      %get3A_2082 = arith.constant 0 : i32
      %get3A_2083 = arith.index_cast %get3A_2082 : i32 to index
      %get3A_2084 = arith.constant 1840 : index
      %get3A_2085 = tpu.vector_load %arg9[%get3A_2083, %get3A_2084] {strides = array<i32>} : memref<1x2000xf32, #tpu.memory_space<vmem>>, vector<16xf32>,
      %mul3A_2086 = arith.mulf %get3A_2085, %gather3A_2081 : vector<16xf32>
      %swap3A_2087 = arith.constant 0 : i32
      %swap3A_2088 = arith.index_cast %swap3A_2087 : i32 to index
      %swap3A_2089 = arith.constant 1840 : index
      %swap3A_2090 = tpu.vector_load %arg10[%swap3A_2088, %swap3A_2089] {strides = array<i32>} : memref<1x2000xf32, #tpu.memory_space<vmem>>, vector<16xf32>,
      tpu.vector_store %arg10[%swap3A_2088, %swap3A_2089], %mul3A_2086 {strides = array<i32>} : memref<1x2000xf32, #tpu.memory_space<vmem>>, vector<16xf32>,
      %swap3A_2091 = arith.constant 0 : i32
      %swap3A_2092 = arith.index_cast %swap3A_2091 : i32 to index
      %swap3A_2093 = arith.constant 1840 : index
      %swap3A_2094 = tpu.vector_load %arg11[%swap3A_2092, %swap3A_2093] {strides = array<i32>} : memref<1x2000xf32, #tpu.memory_space<vmem>>, vector<16xf32>,
      tpu.vector_store %arg11[%swap3A_2092, %swap3A_2093], %gather3A_2081 {strides = array<i32>} : memref<1x2000xf32, #tpu.memory_space<vmem>>, vector<16xf32>,
      %get3A_2095 = arith.constant 0 : i32
      %get3A_2096 = arith.index_cast %get3A_2095 : i32 to index
      %get3A_2097 = arith.constant 1856 : index
      %get3A_2098 = tpu.vector_load %arg8[%get3A_2096, %get3A_2097] {strides = array<i32>} : memref<1x2000xi32, #tpu.memory_space<vmem>>, vector<16xi32>,
      %gather3A_2099 = tpu.vector_load_idx %arg7[%get3A_2098] : memref<10000xf32, #tpu.memory_space<vmem>>[vector<16xi32>], vector<16xf32>,
      %get3A_2100 = arith.constant 0 : i32
      %get3A_2101 = arith.index_cast %get3A_2100 : i32 to index
      %get3A_2102 = arith.constant 1856 : index
      %get3A_2103 = tpu.vector_load %arg9[%get3A_2101, %get3A_2102] {strides = array<i32>} : memref<1x2000xf32, #tpu.memory_space<vmem>>, vector<16xf32>,
      %mul3A_2104 = arith.mulf %get3A_2103, %gather3A_2099 : vector<16xf32>
      %swap3A_2105 = arith.constant 0 : i32
      %swap3A_2106 = arith.index_cast %swap3A_2105 : i32 to index
      %swap3A_2107 = arith.constant 1856 : index
      %swap3A_2108 = tpu.vector_load %arg10[%swap3A_2106, %swap3A_2107] {strides = array<i32>} : memref<1x2000xf32, #tpu.memory_space<vmem>>, vector<16xf32>,
      tpu.vector_store %arg10[%swap3A_2106, %swap3A_2107], %mul3A_2104 {strides = array<i32>} : memref<1x2000xf32, #tpu.memory_space<vmem>>, vector<16xf32>,
      %swap3A_2109 = arith.constant 0 : i32
      %swap3A_2110 = arith.index_cast %swap3A_2109 : i32 to index
      %swap3A_2111 = arith.constant 1856 : index
      %swap3A_2112 = tpu.vector_load %arg11[%swap3A_2110, %swap3A_2111] {strides = array<i32>} : memref<1x2000xf32, #tpu.memory_space<vmem>>, vector<16xf32>,
      tpu.vector_store %arg11[%swap3A_2110, %swap3A_2111], %gather3A_2099 {strides = array<i32>} : memref<1x2000xf32, #tpu.memory_space<vmem>>, vector<16xf32>,
      %get3A_2113 = arith.constant 0 : i32
      %get3A_2114 = arith.index_cast %get3A_2113 : i32 to index
      %get3A_2115 = arith.constant 1872 : index
      %get3A_2116 = tpu.vector_load %arg8[%get3A_2114, %get3A_2115] {strides = array<i32>} : memref<1x2000xi32, #tpu.memory_space<vmem>>, vector<16xi32>,
      %gather3A_2117 = tpu.vector_load_idx %arg7[%get3A_2116] : memref<10000xf32, #tpu.memory_space<vmem>>[vector<16xi32>], vector<16xf32>,
      %get3A_2118 = arith.constant 0 : i32
      %get3A_2119 = arith.index_cast %get3A_2118 : i32 to index
      %get3A_2120 = arith.constant 1872 : index
      %get3A_2121 = tpu.vector_load %arg9[%get3A_2119, %get3A_2120] {strides = array<i32>} : memref<1x2000xf32, #tpu.memory_space<vmem>>, vector<16xf32>,
      %mul3A_2122 = arith.mulf %get3A_2121, %gather3A_2117 : vector<16xf32>
      %swap3A_2123 = arith.constant 0 : i32
      %swap3A_2124 = arith.index_cast %swap3A_2123 : i32 to index
      %swap3A_2125 = arith.constant 1872 : index
      %swap3A_2126 = tpu.vector_load %arg10[%swap3A_2124, %swap3A_2125] {strides = array<i32>} : memref<1x2000xf32, #tpu.memory_space<vmem>>, vector<16xf32>,
      tpu.vector_store %arg10[%swap3A_2124, %swap3A_2125], %mul3A_2122 {strides = array<i32>} : memref<1x2000xf32, #tpu.memory_space<vmem>>, vector<16xf32>,
      %swap3A_2127 = arith.constant 0 : i32
      %swap3A_2128 = arith.index_cast %swap3A_2127 : i32 to index
      %swap3A_2129 = arith.constant 1872 : index
      %swap3A_2130 = tpu.vector_load %arg11[%swap3A_2128, %swap3A_2129] {strides = array<i32>} : memref<1x2000xf32, #tpu.memory_space<vmem>>, vector<16xf32>,
      tpu.vector_store %arg11[%swap3A_2128, %swap3A_2129], %gather3A_2117 {strides = array<i32>} : memref<1x2000xf32, #tpu.memory_space<vmem>>, vector<16xf32>,
      %get3A_2131 = arith.constant 0 : i32
      %get3A_2132 = arith.index_cast %get3A_2131 : i32 to index
      %get3A_2133 = arith.constant 1888 : index
      %get3A_2134 = tpu.vector_load %arg8[%get3A_2132, %get3A_2133] {strides = array<i32>} : memref<1x2000xi32, #tpu.memory_space<vmem>>, vector<16xi32>,
      %gather3A_2135 = tpu.vector_load_idx %arg7[%get3A_2134] : memref<10000xf32, #tpu.memory_space<vmem>>[vector<16xi32>], vector<16xf32>,
      %get3A_2136 = arith.constant 0 : i32
      %get3A_2137 = arith.index_cast %get3A_2136 : i32 to index
      %get3A_2138 = arith.constant 1888 : index
      %get3A_2139 = tpu.vector_load %arg9[%get3A_2137, %get3A_2138] {strides = array<i32>} : memref<1x2000xf32, #tpu.memory_space<vmem>>, vector<16xf32>,
      %mul3A_2140 = arith.mulf %get3A_2139, %gather3A_2135 : vector<16xf32>
      %swap3A_2141 = arith.constant 0 : i32
      %swap3A_2142 = arith.index_cast %swap3A_2141 : i32 to index
      %swap3A_2143 = arith.constant 1888 : index
      %swap3A_2144 = tpu.vector_load %arg10[%swap3A_2142, %swap3A_2143] {strides = array<i32>} : memref<1x2000xf32, #tpu.memory_space<vmem>>, vector<16xf32>,
      tpu.vector_store %arg10[%swap3A_2142, %swap3A_2143], %mul3A_2140 {strides = array<i32>} : memref<1x2000xf32, #tpu.memory_space<vmem>>, vector<16xf32>,
      %swap3A_2145 = arith.constant 0 : i32
      %swap3A_2146 = arith.index_cast %swap3A_2145 : i32 to index
      %swap3A_2147 = arith.constant 1888 : index
      %swap3A_2148 = tpu.vector_load %arg11[%swap3A_2146, %swap3A_2147] {strides = array<i32>} : memref<1x2000xf32, #tpu.memory_space<vmem>>, vector<16xf32>,
      tpu.vector_store %arg11[%swap3A_2146, %swap3A_2147], %gather3A_2135 {strides = array<i32>} : memref<1x2000xf32, #tpu.memory_space<vmem>>, vector<16xf32>,
      %get3A_2149 = arith.constant 0 : i32
      %get3A_2150 = arith.index_cast %get3A_2149 : i32 to index
      %get3A_2151 = arith.constant 1904 : index
      %get3A_2152 = tpu.vector_load %arg8[%get3A_2150, %get3A_2151] {strides = array<i32>} : memref<1x2000xi32, #tpu.memory_space<vmem>>, vector<16xi32>,
      %gather3A_2153 = tpu.vector_load_idx %arg7[%get3A_2152] : memref<10000xf32, #tpu.memory_space<vmem>>[vector<16xi32>], vector<16xf32>,
      %get3A_2154 = arith.constant 0 : i32
      %get3A_2155 = arith.index_cast %get3A_2154 : i32 to index
      %get3A_2156 = arith.constant 1904 : index
      %get3A_2157 = tpu.vector_load %arg9[%get3A_2155, %get3A_2156] {strides = array<i32>} : memref<1x2000xf32, #tpu.memory_space<vmem>>, vector<16xf32>,
      %mul3A_2158 = arith.mulf %get3A_2157, %gather3A_2153 : vector<16xf32>
      %swap3A_2159 = arith.constant 0 : i32
      %swap3A_2160 = arith.index_cast %swap3A_2159 : i32 to index
      %swap3A_2161 = arith.constant 1904 : index
      %swap3A_2162 = tpu.vector_load %arg10[%swap3A_2160, %swap3A_2161] {strides = array<i32>} : memref<1x2000xf32, #tpu.memory_space<vmem>>, vector<16xf32>,
      tpu.vector_store %arg10[%swap3A_2160, %swap3A_2161], %mul3A_2158 {strides = array<i32>} : memref<1x2000xf32, #tpu.memory_space<vmem>>, vector<16xf32>,
      %swap3A_2163 = arith.constant 0 : i32
      %swap3A_2164 = arith.index_cast %swap3A_2163 : i32 to index
      %swap3A_2165 = arith.constant 1904 : index
      %swap3A_2166 = tpu.vector_load %arg11[%swap3A_2164, %swap3A_2165] {strides = array<i32>} : memref<1x2000xf32, #tpu.memory_space<vmem>>, vector<16xf32>,
      tpu.vector_store %arg11[%swap3A_2164, %swap3A_2165], %gather3A_2153 {strides = array<i32>} : memref<1x2000xf32, #tpu.memory_space<vmem>>, vector<16xf32>,
      %get3A_2167 = arith.constant 0 : i32
      %get3A_2168 = arith.index_cast %get3A_2167 : i32 to index
      %get3A_2169 = arith.constant 1920 : index
      %get3A_2170 = tpu.vector_load %arg8[%get3A_2168, %get3A_2169] {strides = array<i32>} : memref<1x2000xi32, #tpu.memory_space<vmem>>, vector<16xi32>,
      %gather3A_2171 = tpu.vector_load_idx %arg7[%get3A_2170] : memref<10000xf32, #tpu.memory_space<vmem>>[vector<16xi32>], vector<16xf32>,
      %get3A_2172 = arith.constant 0 : i32
      %get3A_2173 = arith.index_cast %get3A_2172 : i32 to index
      %get3A_2174 = arith.constant 1920 : index
      %get3A_2175 = tpu.vector_load %arg9[%get3A_2173, %get3A_2174] {strides = array<i32>} : memref<1x2000xf32, #tpu.memory_space<vmem>>, vector<16xf32>,
      %mul3A_2176 = arith.mulf %get3A_2175, %gather3A_2171 : vector<16xf32>
      %swap3A_2177 = arith.constant 0 : i32
      %swap3A_2178 = arith.index_cast %swap3A_2177 : i32 to index
      %swap3A_2179 = arith.constant 1920 : index
      %swap3A_2180 = tpu.vector_load %arg10[%swap3A_2178, %swap3A_2179] {strides = array<i32>} : memref<1x2000xf32, #tpu.memory_space<vmem>>, vector<16xf32>,
      tpu.vector_store %arg10[%swap3A_2178, %swap3A_2179], %mul3A_2176 {strides = array<i32>} : memref<1x2000xf32, #tpu.memory_space<vmem>>, vector<16xf32>,
      %swap3A_2181 = arith.constant 0 : i32
      %swap3A_2182 = arith.index_cast %swap3A_2181 : i32 to index
      %swap3A_2183 = arith.constant 1920 : index
      %swap3A_2184 = tpu.vector_load %arg11[%swap3A_2182, %swap3A_2183] {strides = array<i32>} : memref<1x2000xf32, #tpu.memory_space<vmem>>, vector<16xf32>,
      tpu.vector_store %arg11[%swap3A_2182, %swap3A_2183], %gather3A_2171 {strides = array<i32>} : memref<1x2000xf32, #tpu.memory_space<vmem>>, vector<16xf32>,
      %get3A_2185 = arith.constant 0 : i32
      %get3A_2186 = arith.index_cast %get3A_2185 : i32 to index
      %get3A_2187 = arith.constant 1936 : index
      %get3A_2188 = tpu.vector_load %arg8[%get3A_2186, %get3A_2187] {strides = array<i32>} : memref<1x2000xi32, #tpu.memory_space<vmem>>, vector<16xi32>,
      %gather3A_2189 = tpu.vector_load_idx %arg7[%get3A_2188] : memref<10000xf32, #tpu.memory_space<vmem>>[vector<16xi32>], vector<16xf32>,
      %get3A_2190 = arith.constant 0 : i32
      %get3A_2191 = arith.index_cast %get3A_2190 : i32 to index
      %get3A_2192 = arith.constant 1936 : index
      %get3A_2193 = tpu.vector_load %arg9[%get3A_2191, %get3A_2192] {strides = array<i32>} : memref<1x2000xf32, #tpu.memory_space<vmem>>, vector<16xf32>,
      %mul3A_2194 = arith.mulf %get3A_2193, %gather3A_2189 : vector<16xf32>
      %swap3A_2195 = arith.constant 0 : i32
      %swap3A_2196 = arith.index_cast %swap3A_2195 : i32 to index
      %swap3A_2197 = arith.constant 1936 : index
      %swap3A_2198 = tpu.vector_load %arg10[%swap3A_2196, %swap3A_2197] {strides = array<i32>} : memref<1x2000xf32, #tpu.memory_space<vmem>>, vector<16xf32>,
      tpu.vector_store %arg10[%swap3A_2196, %swap3A_2197], %mul3A_2194 {strides = array<i32>} : memref<1x2000xf32, #tpu.memory_space<vmem>>, vector<16xf32>,
      %swap3A_2199 = arith.constant 0 : i32
      %swap3A_2200 = arith.index_cast %swap3A_2199 : i32 to index
      %swap3A_2201 = arith.constant 1936 : index
      %swap3A_2202 = tpu.vector_load %arg11[%swap3A_2200, %swap3A_2201] {strides = array<i32>} : memref<1x2000xf32, #tpu.memory_space<vmem>>, vector<16xf32>,
      tpu.vector_store %arg11[%swap3A_2200, %swap3A_2201], %gather3A_2189 {strides = array<i32>} : memref<1x2000xf32, #tpu.memory_space<vmem>>, vector<16xf32>,
      %get3A_2203 = arith.constant 0 : i32
      %get3A_2204 = arith.index_cast %get3A_2203 : i32 to index
      %get3A_2205 = arith.constant 1952 : index
      %get3A_2206 = tpu.vector_load %arg8[%get3A_2204, %get3A_2205] {strides = array<i32>} : memref<1x2000xi32, #tpu.memory_space<vmem>>, vector<16xi32>,
      %gather3A_2207 = tpu.vector_load_idx %arg7[%get3A_2206] : memref<10000xf32, #tpu.memory_space<vmem>>[vector<16xi32>], vector<16xf32>,
      %get3A_2208 = arith.constant 0 : i32
      %get3A_2209 = arith.index_cast %get3A_2208 : i32 to index
      %get3A_2210 = arith.constant 1952 : index
      %get3A_2211 = tpu.vector_load %arg9[%get3A_2209, %get3A_2210] {strides = array<i32>} : memref<1x2000xf32, #tpu.memory_space<vmem>>, vector<16xf32>,
      %mul3A_2212 = arith.mulf %get3A_2211, %gather3A_2207 : vector<16xf32>
      %swap3A_2213 = arith.constant 0 : i32
      %swap3A_2214 = arith.index_cast %swap3A_2213 : i32 to index
      %swap3A_2215 = arith.constant 1952 : index
      %swap3A_2216 = tpu.vector_load %arg10[%swap3A_2214, %swap3A_2215] {strides = array<i32>} : memref<1x2000xf32, #tpu.memory_space<vmem>>, vector<16xf32>,
      tpu.vector_store %arg10[%swap3A_2214, %swap3A_2215], %mul3A_2212 {strides = array<i32>} : memref<1x2000xf32, #tpu.memory_space<vmem>>, vector<16xf32>,
      %swap3A_2217 = arith.constant 0 : i32
      %swap3A_2218 = arith.index_cast %swap3A_2217 : i32 to index
      %swap3A_2219 = arith.constant 1952 : index
      %swap3A_2220 = tpu.vector_load %arg11[%swap3A_2218, %swap3A_2219] {strides = array<i32>} : memref<1x2000xf32, #tpu.memory_space<vmem>>, vector<16xf32>,
      tpu.vector_store %arg11[%swap3A_2218, %swap3A_2219], %gather3A_2207 {strides = array<i32>} : memref<1x2000xf32, #tpu.memory_space<vmem>>, vector<16xf32>,
      %get3A_2221 = arith.constant 0 : i32
      %get3A_2222 = arith.index_cast %get3A_2221 : i32 to index
      %get3A_2223 = arith.constant 1968 : index
      %get3A_2224 = tpu.vector_load %arg8[%get3A_2222, %get3A_2223] {strides = array<i32>} : memref<1x2000xi32, #tpu.memory_space<vmem>>, vector<16xi32>,
      %gather3A_2225 = tpu.vector_load_idx %arg7[%get3A_2224] : memref<10000xf32, #tpu.memory_space<vmem>>[vector<16xi32>], vector<16xf32>,
      %get3A_2226 = arith.constant 0 : i32
      %get3A_2227 = arith.index_cast %get3A_2226 : i32 to index
      %get3A_2228 = arith.constant 1968 : index
      %get3A_2229 = tpu.vector_load %arg9[%get3A_2227, %get3A_2228] {strides = array<i32>} : memref<1x2000xf32, #tpu.memory_space<vmem>>, vector<16xf32>,
      %mul3A_2230 = arith.mulf %get3A_2229, %gather3A_2225 : vector<16xf32>
      %swap3A_2231 = arith.constant 0 : i32
      %swap3A_2232 = arith.index_cast %swap3A_2231 : i32 to index
      %swap3A_2233 = arith.constant 1968 : index
      %swap3A_2234 = tpu.vector_load %arg10[%swap3A_2232, %swap3A_2233] {strides = array<i32>} : memref<1x2000xf32, #tpu.memory_space<vmem>>, vector<16xf32>,
      tpu.vector_store %arg10[%swap3A_2232, %swap3A_2233], %mul3A_2230 {strides = array<i32>} : memref<1x2000xf32, #tpu.memory_space<vmem>>, vector<16xf32>,
      %swap3A_2235 = arith.constant 0 : i32
      %swap3A_2236 = arith.index_cast %swap3A_2235 : i32 to index
      %swap3A_2237 = arith.constant 1968 : index
      %swap3A_2238 = tpu.vector_load %arg11[%swap3A_2236, %swap3A_2237] {strides = array<i32>} : memref<1x2000xf32, #tpu.memory_space<vmem>>, vector<16xf32>,
      tpu.vector_store %arg11[%swap3A_2236, %swap3A_2237], %gather3A_2225 {strides = array<i32>} : memref<1x2000xf32, #tpu.memory_space<vmem>>, vector<16xf32>,
      %get3A_2239 = arith.constant 0 : i32
      %get3A_2240 = arith.index_cast %get3A_2239 : i32 to index
      %get3A_2241 = arith.constant 1984 : index
      %get3A_2242 = tpu.vector_load %arg8[%get3A_2240, %get3A_2241] {strides = array<i32>} : memref<1x2000xi32, #tpu.memory_space<vmem>>, vector<16xi32>,
      %gather3A_2243 = tpu.vector_load_idx %arg7[%get3A_2242] : memref<10000xf32, #tpu.memory_space<vmem>>[vector<16xi32>], vector<16xf32>,
      %get3A_2244 = arith.constant 0 : i32
      %get3A_2245 = arith.index_cast %get3A_2244 : i32 to index
      %get3A_2246 = arith.constant 1984 : index
      %get3A_2247 = tpu.vector_load %arg9[%get3A_2245, %get3A_2246] {strides = array<i32>} : memref<1x2000xf32, #tpu.memory_space<vmem>>, vector<16xf32>,
      %mul3A_2248 = arith.mulf %get3A_2247, %gather3A_2243 : vector<16xf32>
      %swap3A_2249 = arith.constant 0 : i32
      %swap3A_2250 = arith.index_cast %swap3A_2249 : i32 to index
      %swap3A_2251 = arith.constant 1984 : index
      %swap3A_2252 = tpu.vector_load %arg10[%swap3A_2250, %swap3A_2251] {strides = array<i32>} : memref<1x2000xf32, #tpu.memory_space<vmem>>, vector<16xf32>,
      tpu.vector_store %arg10[%swap3A_2250, %swap3A_2251], %mul3A_2248 {strides = array<i32>} : memref<1x2000xf32, #tpu.memory_space<vmem>>, vector<16xf32>,
      %swap3A_2253 = arith.constant 0 : i32
      %swap3A_2254 = arith.index_cast %swap3A_2253 : i32 to index
      %swap3A_2255 = arith.constant 1984 : index
      %swap3A_2256 = tpu.vector_load %arg11[%swap3A_2254, %swap3A_2255] {strides = array<i32>} : memref<1x2000xf32, #tpu.memory_space<vmem>>, vector<16xf32>,
      tpu.vector_store %arg11[%swap3A_2254, %swap3A_2255], %gather3A_2243 {strides = array<i32>} : memref<1x2000xf32, #tpu.memory_space<vmem>>, vector<16xf32>,
      "tpu.region"() ({
        %run_scoped3A = tpu.sem_alloc : memref<!tpu.dma_semaphore, #tpu.memory_space<semaphore_mem>>
        %dma_start3A = arith.constant 0 : i32
        %dma_start3A_2257 = arith.constant 0 : i32
        %dma_start3A_2258 = tpu.memref_slice %arg5[%add3A_9, %dma_start3A, %dma_start3A_2257] : memref<160x1x2000xf32, #tpu.memory_space<hbm>> -> memref<1x1x2000xf32, #tpu.memory_space<hbm>>
        %dma_start3A_2259 = tpu.memref_squeeze %dma_start3A_2258 : memref<1x1x2000xf32, #tpu.memory_space<hbm>> -> memref<1x2000xf32, #tpu.memory_space<hbm>>
        %dma_start3A_2260 = arith.constant 0 : i32
        %dma_start3A_2261 = arith.constant 0 : i32
        %dma_start3A_2262 = tpu.memref_slice %arg5[%add3A_9, %dma_start3A_2260, %dma_start3A_2261] : memref<160x1x2000xf32, #tpu.memory_space<hbm>> -> memref<1x1x2000xf32, #tpu.memory_space<hbm>>
        %dma_start3A_2263 = tpu.memref_squeeze %dma_start3A_2262 : memref<1x1x2000xf32, #tpu.memory_space<hbm>> -> memref<1x2000xf32, #tpu.memory_space<hbm>>
        tpu.enqueue_dma source(%arg10 : memref<1x2000xf32, #tpu.memory_space<vmem>>) target(%dma_start3A_2263 : memref<1x2000xf32, #tpu.memory_space<hbm>>) target_semaphore(%run_scoped3A : memref<!tpu.dma_semaphore, #tpu.memory_space<semaphore_mem>>)
        %dma_wait3A = arith.constant 0 : i32
        %dma_wait3A_2264 = arith.constant 0 : i32
        %dma_wait3A_2265 = tpu.memref_slice %arg5[%add3A_9, %dma_wait3A, %dma_wait3A_2264] : memref<160x1x2000xf32, #tpu.memory_space<hbm>> -> memref<1x1x2000xf32, #tpu.memory_space<hbm>>
        %dma_wait3A_2266 = tpu.memref_squeeze %dma_wait3A_2265 : memref<1x1x2000xf32, #tpu.memory_space<hbm>> -> memref<1x2000xf32, #tpu.memory_space<hbm>>
        %dma_wait3A_2267 = arith.constant 0 : i32
        %dma_wait3A_2268 = arith.constant 0 : i32
        %dma_wait3A_2269 = tpu.memref_slice %arg5[%add3A_9, %dma_wait3A_2267, %dma_wait3A_2268] : memref<160x1x2000xf32, #tpu.memory_space<hbm>> -> memref<1x1x2000xf32, #tpu.memory_space<hbm>>
        %dma_wait3A_2270 = tpu.memref_squeeze %dma_wait3A_2269 : memref<1x1x2000xf32, #tpu.memory_space<hbm>> -> memref<1x2000xf32, #tpu.memory_space<hbm>>
        tpu.wait_dma2 semaphore(%run_scoped3A : memref<!tpu.dma_semaphore, #tpu.memory_space<semaphore_mem>>) src(%arg10 : memref<1x2000xf32, #tpu.memory_space<vmem>>) dst(%dma_wait3A_2270 : memref<1x2000xf32, #tpu.memory_space<hbm>>)
        tpu.yield
      }) : () -> ()
      "tpu.region"() ({
        %run_scoped3A = tpu.sem_alloc : memref<!tpu.dma_semaphore, #tpu.memory_space<semaphore_mem>>
        %dma_start3A = arith.constant 0 : i32
        %dma_start3A_2257 = arith.constant 0 : i32
        %dma_start3A_2258 = tpu.memref_slice %arg6[%add3A_9, %dma_start3A, %dma_start3A_2257] : memref<160x1x2000xf32, #tpu.memory_space<hbm>> -> memref<1x1x2000xf32, #tpu.memory_space<hbm>>
        %dma_start3A_2259 = tpu.memref_squeeze %dma_start3A_2258 : memref<1x1x2000xf32, #tpu.memory_space<hbm>> -> memref<1x2000xf32, #tpu.memory_space<hbm>>
        %dma_start3A_2260 = arith.constant 0 : i32
        %dma_start3A_2261 = arith.constant 0 : i32
        %dma_start3A_2262 = tpu.memref_slice %arg6[%add3A_9, %dma_start3A_2260, %dma_start3A_2261] : memref<160x1x2000xf32, #tpu.memory_space<hbm>> -> memref<1x1x2000xf32, #tpu.memory_space<hbm>>
        %dma_start3A_2263 = tpu.memref_squeeze %dma_start3A_2262 : memref<1x1x2000xf32, #tpu.memory_space<hbm>> -> memref<1x2000xf32, #tpu.memory_space<hbm>>
        tpu.enqueue_dma source(%arg11 : memref<1x2000xf32, #tpu.memory_space<vmem>>) target(%dma_start3A_2263 : memref<1x2000xf32, #tpu.memory_space<hbm>>) target_semaphore(%run_scoped3A : memref<!tpu.dma_semaphore, #tpu.memory_space<semaphore_mem>>)
        %dma_wait3A = arith.constant 0 : i32
        %dma_wait3A_2264 = arith.constant 0 : i32
        %dma_wait3A_2265 = tpu.memref_slice %arg6[%add3A_9, %dma_wait3A, %dma_wait3A_2264] : memref<160x1x2000xf32, #tpu.memory_space<hbm>> -> memref<1x1x2000xf32, #tpu.memory_space<hbm>>
        %dma_wait3A_2266 = tpu.memref_squeeze %dma_wait3A_2265 : memref<1x1x2000xf32, #tpu.memory_space<hbm>> -> memref<1x2000xf32, #tpu.memory_space<hbm>>
        %dma_wait3A_2267 = arith.constant 0 : i32
        %dma_wait3A_2268 = arith.constant 0 : i32
        %dma_wait3A_2269 = tpu.memref_slice %arg6[%add3A_9, %dma_wait3A_2267, %dma_wait3A_2268] : memref<160x1x2000xf32, #tpu.memory_space<hbm>> -> memref<1x1x2000xf32, #tpu.memory_space<hbm>>
        %dma_wait3A_2270 = tpu.memref_squeeze %dma_wait3A_2269 : memref<1x1x2000xf32, #tpu.memory_space<hbm>> -> memref<1x2000xf32, #tpu.memory_space<hbm>>
        tpu.wait_dma2 semaphore(%run_scoped3A : memref<!tpu.dma_semaphore, #tpu.memory_space<semaphore_mem>>) src(%arg11 : memref<1x2000xf32, #tpu.memory_space<vmem>>) dst(%dma_wait3A_2270 : memref<1x2000xf32, #tpu.memory_space<hbm>>)
        tpu.yield
      }) : () -> ()
    }
    %scan3A_5 = arith.constant 5 : i32
    return
  }
}

module attributes {stable_mosaic.version = 14 : i64} {
  func.func @_prep_body(%arg0: i32, %arg1: memref<2000x128xf32, #tpu.memory_space<vmem>>, %arg2: memref<128x128xf32, #tpu.memory_space<vmem>>, %arg3: memref<2x128xf32, #tpu.memory_space<vmem>>, %arg4: memref<2000x128xf32, #tpu.memory_space<vmem>>, %arg5: memref<2000x1xf32, #tpu.memory_space<vmem>>) attributes {dimension_semantics = [#tpu.dimension_semantics<arbitrary>], iteration_bounds = array<i64: 160>, scalar_prefetch = 0 : i64, scratch_operands = 0 : i64, tpu.core_type = #tpu.core_type<tc>, window_params = [{transform_indices = @transform_0, window_bounds = array<i64: 2000, 128>}, {pipeline_mode = #tpu.pipeline_mode<synchronous>, transform_indices = @transform_1, window_bounds = array<i64: 128, 128>}, {pipeline_mode = #tpu.pipeline_mode<synchronous>, transform_indices = @transform_2, window_bounds = array<i64: 2, 128>}, {transform_indices = @transform_3, window_bounds = array<i64: 2000, 128>}, {transform_indices = @transform_4, window_bounds = array<i64: 2000, 1>}]} {
    %get3A = arith.constant 0 : index
    %get3A_0 = arith.constant 0 : index
    %get3A_1 = vector.load %arg1[%get3A, %get3A_0] : memref<2000x128xf32, #tpu.memory_space<vmem>>, vector<2000x128xf32>
    %get3A_2 = arith.constant 0 : index
    %get3A_3 = arith.constant 0 : index
    %get3A_4 = vector.load %arg2[%get3A_2, %get3A_3] : memref<128x128xf32, #tpu.memory_space<vmem>>, vector<128x128xf32>
    %dot_general3A = arith.constant dense<0.000000e+00> : vector<2000x128xf32>
    %dot_general3A_5 = tpu.matmul %get3A_1, %get3A_4, %dot_general3A {dimension_numbers = #tpu.dot_dimension_numbers<[1], [1], [0], [0], [0, 0, 1, 0], [], []>, transpose_lhs_hint = false} : vector<2000x128xf32>, vector<128x128xf32>, vector<2000x128xf32> -> vector<2000x128xf32>
    %get3A_6 = arith.constant 0 : index
    %get3A_7 = arith.constant 0 : index
    %get3A_8 = vector.load %arg3[%get3A_6, %get3A_7] : memref<2x128xf32, #tpu.memory_space<vmem>>, vector<2x128xf32>
    %dot_general3A_9 = arith.constant dense<0.000000e+00> : vector<2000x2xf32>
    %dot_general3A_10 = tpu.matmul %get3A_1, %get3A_8, %dot_general3A_9 {dimension_numbers = #tpu.dot_dimension_numbers<[1], [1], [0], [0], [0, 0, 1, 0], [], []>, transpose_lhs_hint = false} : vector<2000x128xf32>, vector<2x128xf32>, vector<2000x2xf32> -> vector<2000x2xf32>
    %slice3A = vector.extract_strided_slice %dot_general3A_10 {offsets = [0, 1], sizes = [2000, 1], strides = [1, 1]} : vector<2000x2xf32> to vector<2000x1xf32>
    %logistic3A = arith.negf %slice3A : vector<2000x1xf32>
    %logistic3A_11 = math.exp %logistic3A : vector<2000x1xf32>
    %logistic3A_12 = arith.constant 1.000000e+00 : f32
    %logistic3A_13 = vector.broadcast %logistic3A_12 : f32 to vector<2000x1xf32>
    %logistic3A_14 = arith.addf %logistic3A_13, %logistic3A_11 : vector<2000x1xf32>
    %logistic3A_15 = arith.divf %logistic3A_13, %logistic3A_14 : vector<2000x1xf32>
    %mul3A = vector.broadcast %logistic3A_15 : vector<2000x1xf32> to vector<2000x128xf32>
    %mul3A_16 = arith.mulf %dot_general3A_5, %mul3A : vector<2000x128xf32>
    %swap3A = arith.constant 0 : index
    %swap3A_17 = arith.constant 0 : index
    %swap3A_18 = vector.load %arg4[%swap3A, %swap3A_17] : memref<2000x128xf32, #tpu.memory_space<vmem>>, vector<2000x128xf32>
    tpu.vector_store %arg4[%swap3A, %swap3A_17], %mul3A_16 {strides = array<i32>} : memref<2000x128xf32, #tpu.memory_space<vmem>>, vector<2000x128xf32>,
    %slice3A_19 = vector.extract_strided_slice %dot_general3A_10 {offsets = [0, 0], sizes = [2000, 1], strides = [1, 1]} : vector<2000x2xf32> to vector<2000x1xf32>
    %logistic3A_20 = arith.negf %slice3A_19 : vector<2000x1xf32>
    %logistic3A_21 = math.exp %logistic3A_20 : vector<2000x1xf32>
    %logistic3A_22 = arith.constant 1.000000e+00 : f32
    %logistic3A_23 = vector.broadcast %logistic3A_22 : f32 to vector<2000x1xf32>
    %logistic3A_24 = arith.addf %logistic3A_23, %logistic3A_21 : vector<2000x1xf32>
    %logistic3A_25 = arith.divf %logistic3A_23, %logistic3A_24 : vector<2000x1xf32>
    %swap3A_26 = arith.constant 0 : index
    %swap3A_27 = arith.constant 0 : index
    %swap3A_28 = vector.load %arg5[%swap3A_26, %swap3A_27] : memref<2000x1xf32, #tpu.memory_space<vmem>>, vector<2000x1xf32>
    tpu.vector_store %arg5[%swap3A_26, %swap3A_27], %logistic3A_25 {strides = array<i32>} : memref<2000x1xf32, #tpu.memory_space<vmem>>, vector<2000x1xf32>,
    return
  }
  func.func @transform_0(%arg0: i32) -> (i32, i32) {
    %c0_i32 = arith.constant 0 : i32
    %c0_i32_0 = arith.constant 0 : i32
    return %arg0, %c0_i32 : i32, i32
  }
  func.func @transform_1(%arg0: i32) -> (i32, i32) {
    %c0_i32 = arith.constant 0 : i32
    %c0_i32_0 = arith.constant 0 : i32
    %c0_i32_1 = arith.constant 0 : i32
    return %c0_i32, %c0_i32_0 : i32, i32
  }
  func.func @transform_2(%arg0: i32) -> (i32, i32) {
    %c0_i32 = arith.constant 0 : i32
    %c0_i32_0 = arith.constant 0 : i32
    %c0_i32_1 = arith.constant 0 : i32
    return %c0_i32, %c0_i32_0 : i32, i32
  }
  func.func @transform_3(%arg0: i32) -> (i32, i32) {
    %c0_i32 = arith.constant 0 : i32
    %c0_i32_0 = arith.constant 0 : i32
    return %arg0, %c0_i32 : i32, i32
  }
  func.func @transform_4(%arg0: i32) -> (i32, i32) {
    %c0_i32 = arith.constant 0 : i32
    %c0_i32_0 = arith.constant 0 : i32
    return %arg0, %c0_i32 : i32, i32
  }
}

module attributes {stable_mosaic.version = 14 : i64} {
  func.func @_combine_body(%arg0: i32, %arg1: memref<2x1000x128xf32, #tpu.memory_space<vmem>>, %arg2: memref<1000x1xf32, #tpu.memory_space<vmem>>, %arg3: memref<1000x128xf32, #tpu.memory_space<vmem>>) attributes {dimension_semantics = [#tpu.dimension_semantics<arbitrary>], iteration_bounds = array<i64: 10>, scalar_prefetch = 0 : i64, scratch_operands = 0 : i64, tpu.core_type = #tpu.core_type<tc>, window_params = [{transform_indices = @transform_0, window_bounds = array<i64: 2, 1000, 128>}, {transform_indices = @transform_1, window_bounds = array<i64: 1000, 1>}, {transform_indices = @transform_2, window_bounds = array<i64: 1000, 128>}]} {
    %get3A = arith.constant 0 : index
    %get3A_0 = arith.constant 0 : index
    %get3A_1 = arith.constant 0 : index
    %get3A_2 = vector.load %arg1[%get3A, %get3A_0, %get3A_1] : memref<2x1000x128xf32, #tpu.memory_space<vmem>>, vector<2x1000x128xf32>
    %slice3A = vector.extract_strided_slice %get3A_2 {offsets = [0, 0, 0], sizes = [1, 1000, 128], strides = [1, 1, 1]} : vector<2x1000x128xf32> to vector<1x1000x128xf32>
    %squeeze3A = vector.shape_cast %slice3A : vector<1x1000x128xf32> to vector<1000x128xf32>
    %slice3A_3 = vector.extract_strided_slice %get3A_2 {offsets = [1, 0, 0], sizes = [1, 1000, 128], strides = [1, 1, 1]} : vector<2x1000x128xf32> to vector<1x1000x128xf32>
    %squeeze3A_4 = vector.shape_cast %slice3A_3 : vector<1x1000x128xf32> to vector<1000x128xf32>
    %add3A = arith.addf %squeeze3A, %squeeze3A_4 : vector<1000x128xf32>
    %get3A_5 = arith.constant 0 : index
    %get3A_6 = arith.constant 0 : index
    %get3A_7 = vector.load %arg2[%get3A_5, %get3A_6] : memref<1000x1xf32, #tpu.memory_space<vmem>>, vector<1000x1xf32>
    %mul3A = vector.broadcast %get3A_7 : vector<1000x1xf32> to vector<1000x128xf32>
    %mul3A_8 = arith.mulf %add3A, %mul3A : vector<1000x128xf32>
    %swap3A = arith.constant 0 : index
    %swap3A_9 = arith.constant 0 : index
    %swap3A_10 = vector.load %arg3[%swap3A, %swap3A_9] : memref<1000x128xf32, #tpu.memory_space<vmem>>, vector<1000x128xf32>
    tpu.vector_store %arg3[%swap3A, %swap3A_9], %mul3A_8 {strides = array<i32>} : memref<1000x128xf32, #tpu.memory_space<vmem>>, vector<1000x128xf32>,
    return
  }
  func.func @transform_0(%arg0: i32) -> (i32, i32, i32) {
    %c0_i32 = arith.constant 0 : i32
    %c0_i32_0 = arith.constant 0 : i32
    %c0_i32_1 = arith.constant 0 : i32
    return %c0_i32, %arg0, %c0_i32_0 : i32, i32, i32
  }
  func.func @transform_1(%arg0: i32) -> (i32, i32) {
    %c0_i32 = arith.constant 0 : i32
    %c0_i32_0 = arith.constant 0 : i32
    return %arg0, %c0_i32 : i32, i32
  }
  func.func @transform_2(%arg0: i32) -> (i32, i32) {
    %c0_i32 = arith.constant 0 : i32
    %c0_i32_0 = arith.constant 0 : i32
    return %arg0, %c0_i32 : i32, i32
  }
}

</mosaic_0001>

<sc_bundles>
// kernel: kernel.6.cloned.1.call-start
scs
__scs_entry_jumppad:
0x0: {  	(pc) =	sbr.rel $0x88, $3  }
0x1: {  	(tag) =	ssettag $0x0;
	lr =	simm.s32 $0x1  }
0x2: {  	[smem:$0x3F99] =	sst lr;
	_ =	strace $0xD0000000  }
0x3: {  	_ = 	snop  }
0x4: {  	_ = 	snop  }
0x5: {  	_ = 	snop  }
0x6: {  	_ = 	snop  }
0x7: {  	_ = 	snop  }
__scs_overlays_trampoline_lowered:
0x8: {  	[smem:$0x3FA8] =	sst s0  }
0x9: {  	[smem:$0x3FA9] =	sst s1  }
0xa: {  	[smem:$0x3FAA] =	sst s2  }
0xb: {  	[smem:$0x3FAB] =	sst s3  }
0xc: {  	[smem:$0x3FAC] =	sst s4  }
0xd: {  	[smem:$0x3FAD] =	sst s5  }
0xe: {  	[smem:$0x3FAE] =	sst s6  }
0xf: {  	[smem:$0x3FAF] =	sst s7  }
0x10: {  	[smem:$0x3FB0] =	sst s8  }
0x11: {  	[smem:$0x3FB1] =	sst s9;
	s0 =	simm.s32 @!p0 $0x0  }
0x12: {  	s1 =	sld [smem:$0x3F97];
	s0 =	simm.s32 @p0 $0x1  }
0x13: {  	[smem:$0x3FB2] =	sst s0;
	s0 =	simm.s32 @!p1 $0x0  }
0x14: {  	s2 =	sld [smem:$0x3F96];
	s0 =	simm.s32 @p1 $0x1  }
0x15: {  	[smem:$0x3FB3] =	sst s0;
	s0 =	simm.s32 @!p2 $0x0  }
0x16: {  	s3 =	sld [smem:$0x3FDB];
	s0 =	simm.s32 @p2 $0x1  }
0x17: {  	s4 =	simm.s32 $0x1BF5;
	[smem:$0x3FB5] =	sst s0  }
0x18: {  	s0 =	sld [smem:$0x3F98];
	_ =	swait.ge [sflag:s4], $0x0  }
0x19: {  	s7 =	sld [smem:$0x3F99]  }
0x1a: {  	s8 =	sadd.s32 $0xFFFFE003, lr  }
0x1b: {  	s9 =	sadd.s32 $0xFFFFFEF7, lr;
	s5 =	simm.s32 $0xFFFFFFFF;
	p2 =	slt.u32 s8, $0xFFFFF086  }
0x1c: {  	p1 =	slt.u32 s9, $0xF7A;
	s5 =	simm.s32 @!p2 $0x0  }
0x1d: {  	s5 =	simm.s32 @p1 $0x1;
	p0 =	seq.s32 s7, s2  }
0x1e: {  	s7 =	smul.u32 @!p0 $0xF7A, s2;
	p2 =	seq.s32 @!p0 s5, $0x0  }
0x1f: {  	s9 =	smul.u32 $0xF7A, s1;
	s8 =	simm.s32 @!p0 $0x1BF5;
	p2 =	por !p2, p0  }
0x20: {  	[sflag:s8] =	ssyncset.s32 @!p0 $0xFFFFF086;
	s6 =	sadd.s32 @!p0 s3, s7;
	s7 =	simm.s32 @!p0 $0x108  }
0x21: {  	s3 =	sadd.s32 s3, s9;
	s6 =	sadd.s32 @!p0 $0x88, s6;
	s7 =	simm.s32 @p2 $0x1082  }
0x22: {  	[simem:s7], [sflag:s8] =	dma.local @!p0 [hbm:s6], $0xF7A  }
0x23: {  	s9 =	sor.u32 $0xD0000000, s2;
	s6 =	simm.s32 $0x108;
	_ =	swait.ge @!p0 [sflag:s8], $0x0  }
0x24: {  	s3 =	sadd.s32 $0x88, s3;
	s6 =	simm.s32 @!p1 $0x1082;
	[sflag:s4] =	ssyncset.s32 $0xFFFFF086  }
0x25: {  	[simem:s6], [sflag:s4] =	dma.local [hbm:s3], $0xF7A  }
0x26: {  	[smem:$0x3F99] =	sst s1;
	(tag) =	ssettag s2;
	_ =	strace s9  }
0x27: {  	s1 =	sld [smem:$0x3FA9]  }
0x28: {  	s2 =	sld [smem:$0x3FAA]  }
0x29: {  	s4 =	sld [smem:$0x3FAC]  }
0x2a: {  	p0 =	seq.s32 s5, $0x0;
	s5 =	sld [smem:$0x3FAD]  }
0x2b: {  	s6 =	sld [smem:$0x3FAE]  }
0x2c: {  	s7 =	sld [smem:$0x3FAF]  }
0x2d: {  	s3 =	simm.s32 $0x108;
	s8 =	sld [smem:$0x3FB0]  }
0x2e: {  	s3 =	simm.s32 @!p0 $0x1082;
	s9 =	sld [smem:$0x3FB1]  }
0x2f: {  	lr =	sadd.s32 s0, s3;
	s0 =	sld [smem:$0x3FA8]  }
0x30: {  	s3 =	sld [smem:$0x3FAB]  }
0x31: {  	[smem:$0x3FB4] =	sst s10  }
0x32: {  	s10 =	sld [smem:$0x3FB2];
	_ =	sdelay $0x3  }
0x33: {  	p0 =	seq.s32 s10, $0x1;
	s10 =	sld [smem:$0x3FB4];
	_ =	sdelay $0x3  }
0x34: {  	[smem:$0x3FB4] =	sst s10  }
0x35: {  	s10 =	sld [smem:$0x3FB3];
	_ =	sdelay $0x3  }
0x36: {  	p1 =	seq.s32 s10, $0x1;
	s10 =	sld [smem:$0x3FB4];
	_ =	sdelay $0x3  }
0x37: {  	[smem:$0x3FB4] =	sst s10  }
0x38: {  	s10 =	sld [smem:$0x3FB5]  }
0x39: {  	_ = 	snop;
	(pc) =	sbr.ind lr, $3  }
0x3a: {  	_ = 	snop  }
0x3b: {  	_ = 	snop  }
0x3c: {  	p2 =	seq.s32 s10, $0x1;
	s10 =	sld [smem:$0x3FB4]  }
0x3d: {  	_ =	shalt  }
0x3e: {  	_ =	shalt  }
0x3f: {  	_ =	shalt  }
0x40: {  	_ =	shalt  }
0x41: {  	_ =	shalt  }
0x42: {  	_ =	shalt  }
0x43: {  	_ =	shalt  }
0x44: {  	_ =	shalt  }
0x45: {  	_ =	shalt  }
0x46: {  	_ =	shalt  }
0x47: {  	_ =	shalt  }
0x48: {  	_ =	shalt  }
0x49: {  	_ =	shalt  }
0x4a: {  	_ =	shalt  }
0x4b: {  	_ =	shalt  }
0x4c: {  	_ =	shalt  }
0x4d: {  	_ =	shalt  }
0x4e: {  	_ =	shalt  }
0x4f: {  	_ =	shalt  }
0x50: {  	_ =	shalt  }
0x51: {  	_ =	shalt  }
0x52: {  	_ =	shalt  }
0x53: {  	_ =	shalt  }
0x54: {  	_ =	shalt  }
0x55: {  	_ =	shalt  }
0x56: {  	_ =	shalt  }
0x57: {  	_ =	shalt  }
0x58: {  	_ =	shalt  }
0x59: {  	_ =	shalt  }
0x5a: {  	_ =	shalt  }
0x5b: {  	_ =	shalt  }
0x5c: {  	_ =	shalt  }
0x5d: {  	_ =	shalt  }
0x5e: {  	_ =	shalt  }
0x5f: {  	_ =	shalt  }
0x60: {  	_ =	shalt  }
0x61: {  	_ =	shalt  }
0x62: {  	_ =	shalt  }
0x63: {  	_ =	shalt  }
0x64: {  	_ =	shalt  }
0x65: {  	_ =	shalt  }
0x66: {  	_ =	shalt  }
0x67: {  	_ =	shalt  }
0x68: {  	_ =	shalt  }
0x69: {  	_ =	shalt  }
0x6a: {  	_ =	shalt  }
0x6b: {  	_ =	shalt  }
0x6c: {  	_ =	shalt  }
0x6d: {  	_ =	shalt  }
0x6e: {  	_ =	shalt  }
0x6f: {  	_ =	shalt  }
0x70: {  	_ =	shalt  }
0x71: {  	_ =	shalt  }
0x72: {  	_ =	shalt  }
0x73: {  	_ =	shalt  }
0x74: {  	_ =	shalt  }
0x75: {  	_ =	shalt  }
0x76: {  	_ =	shalt  }
0x77: {  	_ =	shalt  }
0x78: {  	_ =	shalt  }
0x79: {  	_ =	shalt  }
0x7a: {  	_ =	shalt  }
0x7b: {  	_ =	shalt  }
0x7c: {  	_ =	shalt  }
0x7d: {  	_ =	shalt  }
0x7e: {  	_ =	shalt  }
0x7f: {  	_ =	shalt  }
0x80: {  	_ =	shalt  }
0x81: {  	_ =	shalt  }
0x82: {  	_ =	shalt  }
0x83: {  	_ =	shalt  }
0x84: {  	_ =	shalt  }
0x85: {  	_ =	shalt  }
0x86: {  	_ =	shalt  }
0x87: {  	_ =	shalt  }
.Lfunc_end0:
.L_simem_size_0:
called_computation_lowered:
.L_overlay_start_0:
0x88: {  	s2 =	sld [smem:$0x3FD9]  }
0x89: {  	s3 =	sld [smem:$0x3FFE];
	_ =	sdelay $0x1  }
0x8a: {  	s1 =	srdreg.scid  }
0x8b: {  	s0 =	sand.u32 $0x1, s1  }
0x8c: {  	s17 =	sshll.u32 s0, $0xA;
	s2 =	sadd.s32 s3, s2  }
0x8d: {  	s2 =	sadd.s32 s2, s17  }
0x8e: {  	[smem:$0x3FC0] =	sst s2  }
0x8f: {  	_ = 	snop  }
0x90: {  	s2 =	sld [smem:$0x3FD0];
	(tm) =	ssettm $0x1  }
0x91: {  	s18 =	sld [smem:$0x3FFB];
	_ =	sdelay $0x3  }
0x92: {  	_ =	strace s18  }
0x93: {  	s3 =	sld [smem:$0x3FFC];
	_ =	sdelay $0x3  }
0x94: {  	_ =	strace s3  }
0x95: {  	s3 =	sld [smem:$0x3FFD];
	_ =	sdelay $0x3  }
0x96: {  	_ =	strace s3  }
0x97: {  	_ =	strace $0x8FFFFFFF  }
0x98: {  	s19 =	sld [smem:$0x3FDB];
	_ =	sdelay $0x1  }
0x99: {  	s4 =	simm.s32 $_scs_section_size  }
0x9a: {  	s5 =	simm.s32 $_size__tile_overlayer_lowered;
	s6 =	simm.s32 $_tile_overlayer_lowered  }
0x9b: {  	s22 =	simm.s32 $0x1BFF;
	s21 =	sshll.u32 s6, $0x1;
	s3 =	sadd.s32 s4, s19  }
0x9c: {  	s7 =	simm.s32 $0x0;
	s20 =	sshll.u32 s5, $0x1;
	s5 =	sadd.s32 s21, s3  }
0x9d: {  	[timem:s7], [sflag:s22] =	dma.local [hbm:s5], s20  }
0x9e: {  	_ =	swait.ge [sflag:s22], s20  }
0x9f: {  	s4 =	ssub.s32 $0x0, s20;
	[sflag:s22] =	ssyncset.done $0x0  }
0xa0: {  	[sflag:s22] =	ssyncadd.s32 s4;
	_ =	sdelay $0x1  }
0xa1: {  	s23 =	simm.s32 $0x1B8B  }
0xa2: {  	_ =	swait.ge [sflag:s23], $0x1  }
0xa3: {  	[sflag:s23] =	ssyncset.done $0x0  }
0xa4: {  	s25 =	simm.s32 $0x1B8E;
	s24 =	sld [smem:$0x3FFE];
	[sflag:s23] =	ssyncadd.s32 $0xFFFFFFFF  }
0xa5: {  	s26 =	simm.s32 $execute0_lowered;
	[smem:$0x3FD2] =	sst s25  }
0xa6: {  	s5 =	sshll.u32 s26, $0x1;
	_ =	strace $0x80000046;
	[dreg:$0x1] =	wrdreg $0xFFFFFFFF  }
0xa7: {  	s28 =	simm.s32 $_size_execute0_lowered;
	s3 =	sadd.s32 s3, s5;
	[dreg:$0x0] =	wrdreg $0x0  }
0xa8: {  	s5 =	sshll.u32 s28, $0x1;
	[dreg:$0x2] =	wrdreg s3  }
0xa9: {  	[dreg:$0x3] =	wrdreg s5  }
0xaa: {  	[dreg:$0x4] =	wrdreg $0xC0  }
0xab: {  	_ =	task [dreg:s7], $0x5FFFF  }
0xac: {  	[dreg:$0x1] =	wrdreg $0xFFFFFFFF  }
0xad: {  	[dreg:$0x0] =	wrdreg $0x60  }
0xae: {  	[dreg:$0x2] =	wrdreg s2  }
0xaf: {  	[dreg:$0x3] =	wrdreg s24  }
0xb0: {  	[dreg:$0x4] =	wrdreg $0x9  }
0xb1: {  	_ =	task.clear_ibuf [dreg:s7], $0x5FFFF;
	_ =	strace $0x90000046  }
0xb2: {  	s29 =	simm.s32 $0x9;
	_ =	strace $0x80000048  }
0xb3: {  	_ =	swait.ge [sflag:s29], $0x1  }
0xb4: {  	[sflag:s29] =	ssyncadd.s32 $0xFFFFFFFF  }
0xb5: {  	_ =	strace $0x90000048  }
0xb6: {  	_ =	sfence  }
0xb7: {  	s30 =	sld [smem:$0x0];
	_ =	sdelay $0x2  }
0xb8: {  	s31 =	sshll.u32 s1, $0xD;
	s1 =	sshrl.u32 s1, $0x2  }
0xb9: {  	s3 =	sand.u32 $0x4000, s31;
	s1 =	sadd.s32 s1, s30  }
0xba: {  	s0 =	sor.u32 s3, s0;
	s1 =	sshll.u32 s1, $0x11  }
0xbb: {  	s0 =	sor.u32 s1, s0  }
0xbc: {  	s0 =	sadd.s32 $0x8F2B, s0  }
0xbd: {  	[sflag:s0] =	ssyncadd.remote.s32 $0x1  }
0xbe: {  	_ =	sfence.sel $0xFFFF  }
0xbf: {  	[dreg:$0x0] =	wrdreg $0xFFFFFFFF;
	(pc) =	sbr.abs _section_cstart, $3  }
0xc0: {  	[dreg:$0x1] =	wrdreg $0xFFFFFFFF  }
0xc1: {  	_ =	task.clear_ibuf [dreg:s7], $0x2FFFF;
	_ =	strace $0x9FFFFFFF  }
0xc2: {  	(tm) =	ssettm $0x7FFFFFFF  }
0xc3: {  	_ =	shalt  }
tec
execute0_lowered:
.L_overlay_start_1:
0x0: {  	(tag) =	ssettag $0x1  }
0x1: {  	s6 =	rddreg [dreg:$0x0]  }
0x2: {  	s3 =	rddreg [dreg:$0x1]  }
0x3: {  	s0 =	rddreg [dreg:$0x2]  }
0x4: {  	s1 =	stileid.u32;
	s4 =	srdreg.scid  }
0x5: {  	s2 =	simm.s32 $0x0;
	s11 =	simm.s32 $0x2F80;
	s12 =	simm.s32 $0x3780  }
0x6: {  	s13 =	simm.s32 $0x3F80;
	s7 =	smul.u32 $0xA00, s1;
	s4 =	sand.u32 $0x1, s4  }
0x7: {  	s14 =	simm.s32 $0x0;
	[smem:$0x7FF] =	sst s2;
	s5 =	ssub.s32 $0x2, s4  }
0x8: {  	s8 =	smul.u32 $0x500, s4;
	_ =	strace $0x80000047;
	s30 =	sadd.s32 s7, s3  }
0x9: {  	s9 =	sshrl.u32 s5, $0x1;
	s3 =	sadd.s32 $0xA600, s3;
	s10 =	sadd.s32 s7, s6  }
0xa: {  	s5 =	ssub.s32 s5, s9;
	s31 =	sadd.s32 s8, s30;
	s8 =	sadd.s32 s8, s10  }
0xb: {  	s9 =	simm.s32 $0x1;
	s10 =	simm.s32 $0x2780;
	s4 =	smax.u32 s5, $0x1  }
0xc: {  	s5 =	sadd.s32 $0x14C00, s31;
	s6 =	sadd.s32 $0xAC00, s31;
	s7 =	sadd.s32 $0x600, s31  }
.LBB2_1:
0xd: {  	[tilespmem:s2], [sflag:$0x1] =	stream.linear.gather [hbm4b:s3+s2], $0x2780, $0x38;
	[tilespmem:$0x4780] =	vst v63  }
0xe: {  	_ =	swait.ge [sflag:s9], $0x2780  }
0xf: {  	[sflag:s9] =	ssyncset.done $0x0  }
0x10: {  	s15 =	simm.s32 $0x0;
	[sflag:s9] =	ssyncadd.s32 $0xFFFFD880  }
.LBB2_2:
0x11: {  	s16 =	sadd.s32 s15, s8  }
0x12: {  	[tilespmem:s10], [sflag:$0x1] =	stream.linear.gather [hbm4b:s16+s2], $0x800, $0x38;
	[tilespmem:$0x4780] =	vst v63  }
0x13: {  	_ =	swait.ge [sflag:s9], $0x800  }
0x14: {  	[sflag:s9] =	ssyncset.done $0x0  }
0x15: {  	s29 =	sadd.s32 s15, s7;
	[sflag:s9] =	ssyncadd.s32 $0xFFFFF800  }
0x16: {  	[tilespmem:s11], [sflag:$0x1] =	stream.linear.gather [hbm4b:s29+s2], $0x800, $0x38;
	[tilespmem:$0x4780] =	vst v63  }
0x17: {  	_ =	swait.ge [sflag:s9], $0x800  }
0x18: {  	[sflag:s9] =	ssyncset.done $0x0  }
0x19: {  	[sflag:s9] =	ssyncadd.s32 $0xFFFFF800  }
0x1a: {  	v0 =	vld [tilespmem:$0x2780];
	_ =	sdelay $0x5  }
0x1b: {  	v1 =	vld [tilespmem:$0x2F80]  }
0x1c: {  	v2 =	vld [tilespmem:$0x2790]  }
0x1d: {  	v0 =	vld.idx.msk [tilespmem:v0+s2+$0x0], $0xffff;
	_ =	sdelay $0x4  }
0x1e: {  	v1 =	vmul.f32 v1, v0  }
0x1f: {  	v58 =	vld [tilespmem:$0x2F90];
	[tilespmem:$0x3F80] =	vst v0  }
0x20: {  	v59 =	vld [tilespmem:$0x27A0];
	[tilespmem:$0x3780] =	vst v1  }
0x21: {  	v0 =	vld.idx.msk [tilespmem:v2+s2+$0x0], $0xffff;
	_ =	sdelay $0x4  }
0x22: {  	v1 =	vmul.f32 v58, v0  }
0x23: {  	v60 =	vld [tilespmem:$0x2FA0];
	[tilespmem:$0x3F90] =	vst v0  }
0x24: {  	v61 =	vld [tilespmem:$0x27B0];
	[tilespmem:$0x3790] =	vst v1  }
0x25: {  	v0 =	vld.idx.msk [tilespmem:v59+s2+$0x0], $0xffff;
	_ =	sdelay $0x4  }
0x26: {  	v1 =	vmul.f32 v60, v0  }
0x27: {  	v62 =	vld [tilespmem:$0x2FB0];
	[tilespmem:$0x3FA0] =	vst v0  }
0x28: {  	v63 =	vld [tilespmem:$0x27C0];
	[tilespmem:$0x37A0] =	vst v1  }
0x29: {  	v0 =	vld.idx.msk [tilespmem:v61+s2+$0x0], $0xffff;
	_ =	sdelay $0x4  }
0x2a: {  	v1 =	vmul.f32 v62, v0  }
0x2b: {  	v4 =	vld [tilespmem:$0x2FC0];
	[tilespmem:$0x3FB0] =	vst v0  }
0x2c: {  	v5 =	vld [tilespmem:$0x27D0];
	[tilespmem:$0x37B0] =	vst v1  }
0x2d: {  	v0 =	vld.idx.msk [tilespmem:v63+s2+$0x0], $0xffff;
	_ =	sdelay $0x4  }
0x2e: {  	v1 =	vmul.f32 v4, v0  }
0x2f: {  	v6 =	vld [tilespmem:$0x2FD0];
	[tilespmem:$0x3FC0] =	vst v0  }
0x30: {  	v7 =	vld [tilespmem:$0x27E0];
	[tilespmem:$0x37C0] =	vst v1  }
0x31: {  	v0 =	vld.idx.msk [tilespmem:v5+s2+$0x0], $0xffff;
	_ =	sdelay $0x4  }
0x32: {  	v1 =	vmul.f32 v6, v0  }
0x33: {  	v8 =	vld [tilespmem:$0x2FE0];
	[tilespmem:$0x3FD0] =	vst v0  }
0x34: {  	v9 =	vld [tilespmem:$0x27F0];
	[tilespmem:$0x37D0] =	vst v1  }
0x35: {  	v0 =	vld.idx.msk [tilespmem:v7+s2+$0x0], $0xffff;
	_ =	sdelay $0x4  }
0x36: {  	v1 =	vmul.f32 v8, v0  }
0x37: {  	v10 =	vld [tilespmem:$0x2FF0];
	[tilespmem:$0x3FE0] =	vst v0  }
0x38: {  	v11 =	vld [tilespmem:$0x2800];
	[tilespmem:$0x37E0] =	vst v1  }
0x39: {  	v0 =	vld.idx.msk [tilespmem:v9+s2+$0x0], $0xffff;
	_ =	sdelay $0x4  }
0x3a: {  	v1 =	vmul.f32 v10, v0  }
0x3b: {  	v12 =	vld [tilespmem:$0x3000];
	[tilespmem:$0x3FF0] =	vst v0  }
0x3c: {  	v13 =	vld [tilespmem:$0x2810];
	[tilespmem:$0x37F0] =	vst v1  }
0x3d: {  	v0 =	vld.idx.msk [tilespmem:v11+s2+$0x0], $0xffff;
	_ =	sdelay $0x4  }
0x3e: {  	v1 =	vmul.f32 v12, v0  }
0x3f: {  	v14 =	vld [tilespmem:$0x3010];
	[tilespmem:$0x4000] =	vst v0  }
0x40: {  	v15 =	vld [tilespmem:$0x2820];
	[tilespmem:$0x3800] =	vst v1  }
0x41: {  	v0 =	vld.idx.msk [tilespmem:v13+s2+$0x0], $0xffff;
	_ =	sdelay $0x4  }
0x42: {  	v1 =	vmul.f32 v14, v0  }
0x43: {  	v16 =	vld [tilespmem:$0x3020];
	[tilespmem:$0x4010] =	vst v0  }
0x44: {  	v17 =	vld [tilespmem:$0x2830];
	[tilespmem:$0x3810] =	vst v1  }
0x45: {  	v0 =	vld.idx.msk [tilespmem:v15+s2+$0x0], $0xffff;
	_ =	sdelay $0x4  }
0x46: {  	v1 =	vmul.f32 v16, v0  }
0x47: {  	v18 =	vld [tilespmem:$0x3030];
	[tilespmem:$0x4020] =	vst v0  }
0x48: {  	v19 =	vld [tilespmem:$0x2840];
	[tilespmem:$0x3820] =	vst v1  }
0x49: {  	v0 =	vld.idx.msk [tilespmem:v17+s2+$0x0], $0xffff;
	_ =	sdelay $0x4  }
0x4a: {  	v1 =	vmul.f32 v18, v0  }
0x4b: {  	v20 =	vld [tilespmem:$0x3040];
	[tilespmem:$0x4030] =	vst v0  }
0x4c: {  	v21 =	vld [tilespmem:$0x2850];
	[tilespmem:$0x3830] =	vst v1  }
0x4d: {  	v0 =	vld.idx.msk [tilespmem:v19+s2+$0x0], $0xffff;
	_ =	sdelay $0x4  }
0x4e: {  	v1 =	vmul.f32 v20, v0  }
0x4f: {  	v22 =	vld [tilespmem:$0x3050];
	[tilespmem:$0x4040] =	vst v0  }
0x50: {  	v23 =	vld [tilespmem:$0x2860];
	[tilespmem:$0x3840] =	vst v1  }
0x51: {  	v0 =	vld.idx.msk [tilespmem:v21+s2+$0x0], $0xffff;
	_ =	sdelay $0x4  }
0x52: {  	v1 =	vmul.f32 v22, v0  }
0x53: {  	v24 =	vld [tilespmem:$0x3060];
	[tilespmem:$0x4050] =	vst v0  }
0x54: {  	v25 =	vld [tilespmem:$0x2870];
	[tilespmem:$0x3850] =	vst v1  }
0x55: {  	v0 =	vld.idx.msk [tilespmem:v23+s2+$0x0], $0xffff;
	_ =	sdelay $0x4  }
0x56: {  	v1 =	vmul.f32 v24, v0  }
0x57: {  	v26 =	vld [tilespmem:$0x3070];
	[tilespmem:$0x4060] =	vst v0  }
0x58: {  	v27 =	vld [tilespmem:$0x2880];
	[tilespmem:$0x3860] =	vst v1  }
0x59: {  	v0 =	vld.idx.msk [tilespmem:v25+s2+$0x0], $0xffff;
	_ =	sdelay $0x4  }
0x5a: {  	v1 =	vmul.f32 v26, v0  }
0x5b: {  	v28 =	vld [tilespmem:$0x3080];
	[tilespmem:$0x4070] =	vst v0  }
0x5c: {  	v29 =	vld [tilespmem:$0x2890];
	[tilespmem:$0x3870] =	vst v1  }
0x5d: {  	v0 =	vld.idx.msk [tilespmem:v27+s2+$0x0], $0xffff;
	_ =	sdelay $0x4  }
0x5e: {  	v1 =	vmul.f32 v28, v0  }
0x5f: {  	v30 =	vld [tilespmem:$0x3090];
	[tilespmem:$0x4080] =	vst v0  }
0x60: {  	v31 =	vld [tilespmem:$0x28A0];
	[tilespmem:$0x3880] =	vst v1  }
0x61: {  	v0 =	vld.idx.msk [tilespmem:v29+s2+$0x0], $0xffff;
	_ =	sdelay $0x4  }
0x62: {  	v1 =	vmul.f32 v30, v0  }
0x63: {  	v32 =	vld [tilespmem:$0x30A0];
	[tilespmem:$0x4090] =	vst v0  }
0x64: {  	v33 =	vld [tilespmem:$0x28B0];
	[tilespmem:$0x3890] =	vst v1  }
0x65: {  	v0 =	vld.idx.msk [tilespmem:v31+s2+$0x0], $0xffff;
	_ =	sdelay $0x4  }
0x66: {  	v1 =	vmul.f32 v32, v0  }
0x67: {  	v34 =	vld [tilespmem:$0x30B0];
	[tilespmem:$0x40A0] =	vst v0  }
0x68: {  	v35 =	vld [tilespmem:$0x28C0];
	[tilespmem:$0x38A0] =	vst v1  }
0x69: {  	v0 =	vld.idx.msk [tilespmem:v33+s2+$0x0], $0xffff;
	_ =	sdelay $0x4  }
0x6a: {  	v1 =	vmul.f32 v34, v0  }
0x6b: {  	v36 =	vld [tilespmem:$0x30C0];
	[tilespmem:$0x40B0] =	vst v0  }
0x6c: {  	v37 =	vld [tilespmem:$0x28D0];
	[tilespmem:$0x38B0] =	vst v1  }
0x6d: {  	v0 =	vld.idx.msk [tilespmem:v35+s2+$0x0], $0xffff;
	_ =	sdelay $0x4  }
0x6e: {  	v1 =	vmul.f32 v36, v0  }
0x6f: {  	v38 =	vld [tilespmem:$0x30D0];
	[tilespmem:$0x40C0] =	vst v0  }
0x70: {  	v39 =	vld [tilespmem:$0x28E0];
	[tilespmem:$0x38C0] =	vst v1  }
0x71: {  	v0 =	vld.idx.msk [tilespmem:v37+s2+$0x0], $0xffff;
	_ =	sdelay $0x4  }
0x72: {  	v1 =	vmul.f32 v38, v0  }
0x73: {  	v40 =	vld [tilespmem:$0x30E0];
	[tilespmem:$0x40D0] =	vst v0  }
0x74: {  	v41 =	vld [tilespmem:$0x28F0];
	[tilespmem:$0x38D0] =	vst v1  }
0x75: {  	v0 =	vld.idx.msk [tilespmem:v39+s2+$0x0], $0xffff;
	_ =	sdelay $0x4  }
0x76: {  	v1 =	vmul.f32 v40, v0  }
0x77: {  	v42 =	vld [tilespmem:$0x30F0];
	[tilespmem:$0x40E0] =	vst v0  }
0x78: {  	v43 =	vld [tilespmem:$0x2900];
	[tilespmem:$0x38E0] =	vst v1  }
0x79: {  	v0 =	vld.idx.msk [tilespmem:v41+s2+$0x0], $0xffff;
	_ =	sdelay $0x4  }
0x7a: {  	v1 =	vmul.f32 v42, v0  }
0x7b: {  	v44 =	vld [tilespmem:$0x3100];
	[tilespmem:$0x40F0] =	vst v0  }
0x7c: {  	v45 =	vld [tilespmem:$0x2910];
	[tilespmem:$0x38F0] =	vst v1  }
0x7d: {  	v0 =	vld.idx.msk [tilespmem:v43+s2+$0x0], $0xffff;
	_ =	sdelay $0x4  }
0x7e: {  	v1 =	vmul.f32 v44, v0  }
0x7f: {  	v46 =	vld [tilespmem:$0x3110];
	[tilespmem:$0x4100] =	vst v0  }
0x80: {  	v47 =	vld [tilespmem:$0x2920];
	[tilespmem:$0x3900] =	vst v1  }
0x81: {  	v0 =	vld.idx.msk [tilespmem:v45+s2+$0x0], $0xffff;
	_ =	sdelay $0x4  }
0x82: {  	v1 =	vmul.f32 v46, v0  }
0x83: {  	[tilespmem:$0x4110] =	vst v0  }
0x84: {  	[tilespmem:$0x3910] =	vst v1  }
0x85: {  	v0 =	vld.idx.msk [tilespmem:v47+s2+$0x0], $0xffff  }
0x86: {  	v48 =	vld [tilespmem:$0x3120]  }
0x87: {  	v2 =	vld [tilespmem:$0x2930];
	_ =	sdelay $0x4  }
0x88: {  	v1 =	vmul.f32 v48, v0  }
0x89: {  	v49 =	vld [tilespmem:$0x3130];
	[tilespmem:$0x4120] =	vst v0  }
0x8a: {  	v50 =	vld [tilespmem:$0x2940];
	[tilespmem:$0x3920] =	vst v1  }
0x8b: {  	v0 =	vld.idx.msk [tilespmem:v2+s2+$0x0], $0xffff;
	_ =	sdelay $0x4  }
0x8c: {  	v1 =	vmul.f32 v49, v0  }
0x8d: {  	v51 =	vld [tilespmem:$0x3140];
	[tilespmem:$0x4130] =	vst v0  }
0x8e: {  	v52 =	vld [tilespmem:$0x2950];
	[tilespmem:$0x3930] =	vst v1  }
0x8f: {  	v0 =	vld.idx.msk [tilespmem:v50+s2+$0x0], $0xffff;
	_ =	sdelay $0x4  }
0x90: {  	v1 =	vmul.f32 v51, v0  }
0x91: {  	v53 =	vld [tilespmem:$0x3150];
	[tilespmem:$0x4140] =	vst v0  }
0x92: {  	v54 =	vld [tilespmem:$0x2960];
	[tilespmem:$0x3940] =	vst v1  }
0x93: {  	v0 =	vld.idx.msk [tilespmem:v52+s2+$0x0], $0xffff;
	_ =	sdelay $0x4  }
0x94: {  	v1 =	vmul.f32 v53, v0  }
0x95: {  	v55 =	vld [tilespmem:$0x3160];
	[tilespmem:$0x4150] =	vst v0  }
0x96: {  	v56 =	vld [tilespmem:$0x2970];
	[tilespmem:$0x3950] =	vst v1  }
0x97: {  	v0 =	vld.idx.msk [tilespmem:v54+s2+$0x0], $0xffff;
	_ =	sdelay $0x4  }
0x98: {  	v1 =	vmul.f32 v55, v0  }
0x99: {  	v57 =	vld [tilespmem:$0x3170];
	[tilespmem:$0x4160] =	vst v0  }
0x9a: {  	v58 =	vld [tilespmem:$0x2980];
	[tilespmem:$0x3960] =	vst v1  }
0x9b: {  	v0 =	vld.idx.msk [tilespmem:v56+s2+$0x0], $0xffff;
	_ =	sdelay $0x4  }
0x9c: {  	v1 =	vmul.f32 v57, v0  }
0x9d: {  	v59 =	vld [tilespmem:$0x3180];
	[tilespmem:$0x4170] =	vst v0  }
0x9e: {  	v60 =	vld [tilespmem:$0x2990];
	[tilespmem:$0x3970] =	vst v1  }
0x9f: {  	v0 =	vld.idx.msk [tilespmem:v58+s2+$0x0], $0xffff;
	_ =	sdelay $0x4  }
0xa0: {  	v1 =	vmul.f32 v59, v0  }
0xa1: {  	v61 =	vld [tilespmem:$0x3190];
	[tilespmem:$0x4180] =	vst v0  }
0xa2: {  	v62 =	vld [tilespmem:$0x29A0];
	[tilespmem:$0x3980] =	vst v1  }
0xa3: {  	v0 =	vld.idx.msk [tilespmem:v60+s2+$0x0], $0xffff;
	_ =	sdelay $0x4  }
0xa4: {  	v1 =	vmul.f32 v61, v0  }
0xa5: {  	v63 =	vld [tilespmem:$0x31A0];
	[tilespmem:$0x4190] =	vst v0  }
0xa6: {  	v4 =	vld [tilespmem:$0x29B0];
	[tilespmem:$0x3990] =	vst v1  }
0xa7: {  	v0 =	vld.idx.msk [tilespmem:v62+s2+$0x0], $0xffff;
	_ =	sdelay $0x4  }
0xa8: {  	v1 =	vmul.f32 v63, v0  }
0xa9: {  	v5 =	vld [tilespmem:$0x31B0];
	[tilespmem:$0x41A0] =	vst v0  }
0xaa: {  	v6 =	vld [tilespmem:$0x29C0];
	[tilespmem:$0x39A0] =	vst v1  }
0xab: {  	v0 =	vld.idx.msk [tilespmem:v4+s2+$0x0], $0xffff;
	_ =	sdelay $0x4  }
0xac: {  	v1 =	vmul.f32 v5, v0  }
0xad: {  	v7 =	vld [tilespmem:$0x31C0];
	[tilespmem:$0x41B0] =	vst v0  }
0xae: {  	v8 =	vld [tilespmem:$0x29D0];
	[tilespmem:$0x39B0] =	vst v1  }
0xaf: {  	v0 =	vld.idx.msk [tilespmem:v6+s2+$0x0], $0xffff;
	_ =	sdelay $0x4  }
0xb0: {  	v1 =	vmul.f32 v7, v0  }
0xb1: {  	v9 =	vld [tilespmem:$0x31D0];
	[tilespmem:$0x41C0] =	vst v0  }
0xb2: {  	v10 =	vld [tilespmem:$0x29E0];
	[tilespmem:$0x39C0] =	vst v1  }
0xb3: {  	v0 =	vld.idx.msk [tilespmem:v8+s2+$0x0], $0xffff;
	_ =	sdelay $0x4  }
0xb4: {  	v1 =	vmul.f32 v9, v0  }
0xb5: {  	v11 =	vld [tilespmem:$0x31E0];
	[tilespmem:$0x41D0] =	vst v0  }
0xb6: {  	v12 =	vld [tilespmem:$0x29F0];
	[tilespmem:$0x39D0] =	vst v1  }
0xb7: {  	v0 =	vld.idx.msk [tilespmem:v10+s2+$0x0], $0xffff;
	_ =	sdelay $0x4  }
0xb8: {  	v1 =	vmul.f32 v11, v0  }
0xb9: {  	v13 =	vld [tilespmem:$0x31F0];
	[tilespmem:$0x41E0] =	vst v0  }
0xba: {  	v14 =	vld [tilespmem:$0x2A00];
	[tilespmem:$0x39E0] =	vst v1  }
0xbb: {  	v0 =	vld.idx.msk [tilespmem:v12+s2+$0x0], $0xffff;
	_ =	sdelay $0x4  }
0xbc: {  	v1 =	vmul.f32 v13, v0  }
0xbd: {  	v15 =	vld [tilespmem:$0x3200];
	[tilespmem:$0x41F0] =	vst v0  }
0xbe: {  	v16 =	vld [tilespmem:$0x2A10];
	[tilespmem:$0x39F0] =	vst v1  }
0xbf: {  	v0 =	vld.idx.msk [tilespmem:v14+s2+$0x0], $0xffff;
	_ =	sdelay $0x4  }
0xc0: {  	v1 =	vmul.f32 v15, v0  }
0xc1: {  	v17 =	vld [tilespmem:$0x3210];
	[tilespmem:$0x4200] =	vst v0  }
0xc2: {  	v18 =	vld [tilespmem:$0x2A20];
	[tilespmem:$0x3A00] =	vst v1  }
0xc3: {  	v0 =	vld.idx.msk [tilespmem:v16+s2+$0x0], $0xffff;
	_ =	sdelay $0x4  }
0xc4: {  	v1 =	vmul.f32 v17, v0  }
0xc5: {  	v19 =	vld [tilespmem:$0x3220];
	[tilespmem:$0x4210] =	vst v0  }
0xc6: {  	v20 =	vld [tilespmem:$0x2A30];
	[tilespmem:$0x3A10] =	vst v1  }
0xc7: {  	v0 =	vld.idx.msk [tilespmem:v18+s2+$0x0], $0xffff;
	_ =	sdelay $0x4  }
0xc8: {  	v1 =	vmul.f32 v19, v0  }
0xc9: {  	v21 =	vld [tilespmem:$0x3230];
	[tilespmem:$0x4220] =	vst v0  }
0xca: {  	v22 =	vld [tilespmem:$0x2A40];
	[tilespmem:$0x3A20] =	vst v1  }
0xcb: {  	v0 =	vld.idx.msk [tilespmem:v20+s2+$0x0], $0xffff;
	_ =	sdelay $0x4  }
0xcc: {  	v1 =	vmul.f32 v21, v0  }
0xcd: {  	v23 =	vld [tilespmem:$0x3240];
	[tilespmem:$0x4230] =	vst v0  }
0xce: {  	v24 =	vld [tilespmem:$0x2A50];
	[tilespmem:$0x3A30] =	vst v1  }
0xcf: {  	v0 =	vld.idx.msk [tilespmem:v22+s2+$0x0], $0xffff;
	_ =	sdelay $0x4  }
0xd0: {  	v1 =	vmul.f32 v23, v0  }
0xd1: {  	v25 =	vld [tilespmem:$0x3250];
	[tilespmem:$0x4240] =	vst v0  }
0xd2: {  	v26 =	vld [tilespmem:$0x2A60];
	[tilespmem:$0x3A40] =	vst v1  }
0xd3: {  	v0 =	vld.idx.msk [tilespmem:v24+s2+$0x0], $0xffff;
	_ =	sdelay $0x4  }
0xd4: {  	v1 =	vmul.f32 v25, v0  }
0xd5: {  	v27 =	vld [tilespmem:$0x3260];
	[tilespmem:$0x4250] =	vst v0  }
0xd6: {  	v28 =	vld [tilespmem:$0x2A70];
	[tilespmem:$0x3A50] =	vst v1  }
0xd7: {  	v0 =	vld.idx.msk [tilespmem:v26+s2+$0x0], $0xffff;
	_ =	sdelay $0x4  }
0xd8: {  	v1 =	vmul.f32 v27, v0  }
0xd9: {  	v29 =	vld [tilespmem:$0x3270];
	[tilespmem:$0x4260] =	vst v0  }
0xda: {  	v30 =	vld [tilespmem:$0x2A80];
	[tilespmem:$0x3A60] =	vst v1  }
0xdb: {  	v0 =	vld.idx.msk [tilespmem:v28+s2+$0x0], $0xffff;
	_ =	sdelay $0x4  }
0xdc: {  	v1 =	vmul.f32 v29, v0  }
0xdd: {  	v31 =	vld [tilespmem:$0x3280];
	[tilespmem:$0x4270] =	vst v0  }
0xde: {  	v32 =	vld [tilespmem:$0x2A90];
	[tilespmem:$0x3A70] =	vst v1  }
0xdf: {  	v0 =	vld.idx.msk [tilespmem:v30+s2+$0x0], $0xffff;
	_ =	sdelay $0x4  }
0xe0: {  	v1 =	vmul.f32 v31, v0  }
0xe1: {  	v33 =	vld [tilespmem:$0x3290];
	[tilespmem:$0x4280] =	vst v0  }
0xe2: {  	v34 =	vld [tilespmem:$0x2AA0];
	[tilespmem:$0x3A80] =	vst v1  }
0xe3: {  	v0 =	vld.idx.msk [tilespmem:v32+s2+$0x0], $0xffff;
	_ =	sdelay $0x4  }
0xe4: {  	v1 =	vmul.f32 v33, v0  }
0xe5: {  	v35 =	vld [tilespmem:$0x32A0];
	[tilespmem:$0x4290] =	vst v0  }
0xe6: {  	v36 =	vld [tilespmem:$0x2AB0];
	[tilespmem:$0x3A90] =	vst v1  }
0xe7: {  	v0 =	vld.idx.msk [tilespmem:v34+s2+$0x0], $0xffff;
	_ =	sdelay $0x4  }
0xe8: {  	v1 =	vmul.f32 v35, v0  }
0xe9: {  	v37 =	vld [tilespmem:$0x32B0];
	[tilespmem:$0x42A0] =	vst v0  }
0xea: {  	v38 =	vld [tilespmem:$0x2AC0];
	[tilespmem:$0x3AA0] =	vst v1  }
0xeb: {  	v0 =	vld.idx.msk [tilespmem:v36+s2+$0x0], $0xffff;
	_ =	sdelay $0x4  }
0xec: {  	v1 =	vmul.f32 v37, v0  }
0xed: {  	v39 =	vld [tilespmem:$0x32C0];
	[tilespmem:$0x42B0] =	vst v0  }
0xee: {  	v40 =	vld [tilespmem:$0x2AD0];
	[tilespmem:$0x3AB0] =	vst v1  }
0xef: {  	v0 =	vld.idx.msk [tilespmem:v38+s2+$0x0], $0xffff;
	_ =	sdelay $0x4  }
0xf0: {  	v1 =	vmul.f32 v39, v0  }
0xf1: {  	v41 =	vld [tilespmem:$0x32D0];
	[tilespmem:$0x42C0] =	vst v0  }
0xf2: {  	v42 =	vld [tilespmem:$0x2AE0];
	[tilespmem:$0x3AC0] =	vst v1  }
0xf3: {  	v0 =	vld.idx.msk [tilespmem:v40+s2+$0x0], $0xffff;
	_ =	sdelay $0x4  }
0xf4: {  	v1 =	vmul.f32 v41, v0  }
0xf5: {  	v43 =	vld [tilespmem:$0x32E0];
	[tilespmem:$0x42D0] =	vst v0  }
0xf6: {  	v44 =	vld [tilespmem:$0x2AF0];
	[tilespmem:$0x3AD0] =	vst v1  }
0xf7: {  	v0 =	vld.idx.msk [tilespmem:v42+s2+$0x0], $0xffff;
	_ =	sdelay $0x4  }
0xf8: {  	v1 =	vmul.f32 v43, v0  }
0xf9: {  	v45 =	vld [tilespmem:$0x32F0];
	[tilespmem:$0x42E0] =	vst v0  }
0xfa: {  	v46 =	vld [tilespmem:$0x2B00];
	[tilespmem:$0x3AE0] =	vst v1  }
0xfb: {  	v0 =	vld.idx.msk [tilespmem:v44+s2+$0x0], $0xffff;
	_ =	sdelay $0x4  }
0xfc: {  	v1 =	vmul.f32 v45, v0  }
0xfd: {  	v47 =	vld [tilespmem:$0x3300];
	[tilespmem:$0x42F0] =	vst v0  }
0xfe: {  	v48 =	vld [tilespmem:$0x2B10];
	[tilespmem:$0x3AF0] =	vst v1  }
0xff: {  	v0 =	vld.idx.msk [tilespmem:v46+s2+$0x0], $0xffff;
	_ =	sdelay $0x4  }
0x100: {  	v1 =	vmul.f32 v47, v0  }
0x101: {  	v49 =	vld [tilespmem:$0x3310];
	[tilespmem:$0x4300] =	vst v0  }
0x102: {  	v50 =	vld [tilespmem:$0x2B20];
	[tilespmem:$0x3B00] =	vst v1  }
0x103: {  	v0 =	vld.idx.msk [tilespmem:v48+s2+$0x0], $0xffff;
	_ =	sdelay $0x4  }
0x104: {  	v1 =	vmul.f32 v49, v0  }
0x105: {  	v51 =	vld [tilespmem:$0x3320];
	[tilespmem:$0x4310] =	vst v0  }
0x106: {  	v52 =	vld [tilespmem:$0x2B30];
	[tilespmem:$0x3B10] =	vst v1  }
0x107: {  	v0 =	vld.idx.msk [tilespmem:v50+s2+$0x0], $0xffff;
	_ =	sdelay $0x4  }
0x108: {  	v1 =	vmul.f32 v51, v0  }
0x109: {  	v53 =	vld [tilespmem:$0x3330];
	[tilespmem:$0x4320] =	vst v0  }
0x10a: {  	v54 =	vld [tilespmem:$0x2B40];
	[tilespmem:$0x3B20] =	vst v1  }
0x10b: {  	v0 =	vld.idx.msk [tilespmem:v52+s2+$0x0], $0xffff;
	_ =	sdelay $0x4  }
0x10c: {  	v1 =	vmul.f32 v53, v0  }
0x10d: {  	v55 =	vld [tilespmem:$0x3340];
	[tilespmem:$0x4330] =	vst v0  }
0x10e: {  	v56 =	vld [tilespmem:$0x2B50];
	[tilespmem:$0x3B30] =	vst v1  }
0x10f: {  	v0 =	vld.idx.msk [tilespmem:v54+s2+$0x0], $0xffff;
	_ =	sdelay $0x4  }
0x110: {  	v1 =	vmul.f32 v55, v0  }
0x111: {  	v57 =	vld [tilespmem:$0x3350];
	[tilespmem:$0x4340] =	vst v0  }
0x112: {  	v58 =	vld [tilespmem:$0x2B60];
	[tilespmem:$0x3B40] =	vst v1  }
0x113: {  	v0 =	vld.idx.msk [tilespmem:v56+s2+$0x0], $0xffff;
	_ =	sdelay $0x4  }
0x114: {  	v1 =	vmul.f32 v57, v0  }
0x115: {  	v59 =	vld [tilespmem:$0x3360];
	[tilespmem:$0x4350] =	vst v0  }
0x116: {  	v60 =	vld [tilespmem:$0x2B70];
	[tilespmem:$0x3B50] =	vst v1  }
0x117: {  	v0 =	vld.idx.msk [tilespmem:v58+s2+$0x0], $0xffff;
	_ =	sdelay $0x4  }
0x118: {  	v1 =	vmul.f32 v59, v0  }
0x119: {  	v61 =	vld [tilespmem:$0x3370];
	[tilespmem:$0x4360] =	vst v0  }
0x11a: {  	v62 =	vld [tilespmem:$0x2B80];
	[tilespmem:$0x3B60] =	vst v1  }
0x11b: {  	v0 =	vld.idx.msk [tilespmem:v60+s2+$0x0], $0xffff;
	_ =	sdelay $0x4  }
0x11c: {  	v1 =	vmul.f32 v61, v0  }
0x11d: {  	v63 =	vld [tilespmem:$0x3380];
	[tilespmem:$0x4370] =	vst v0  }
0x11e: {  	v4 =	vld [tilespmem:$0x2B90];
	[tilespmem:$0x3B70] =	vst v1  }
0x11f: {  	v0 =	vld.idx.msk [tilespmem:v62+s2+$0x0], $0xffff;
	_ =	sdelay $0x4  }
0x120: {  	v1 =	vmul.f32 v63, v0  }
0x121: {  	v5 =	vld [tilespmem:$0x3390];
	[tilespmem:$0x4380] =	vst v0  }
0x122: {  	v6 =	vld [tilespmem:$0x2BA0];
	[tilespmem:$0x3B80] =	vst v1  }
0x123: {  	v0 =	vld.idx.msk [tilespmem:v4+s2+$0x0], $0xffff;
	_ =	sdelay $0x4  }
0x124: {  	v1 =	vmul.f32 v5, v0  }
0x125: {  	v7 =	vld [tilespmem:$0x33A0];
	[tilespmem:$0x4390] =	vst v0  }
0x126: {  	v8 =	vld [tilespmem:$0x2BB0];
	[tilespmem:$0x3B90] =	vst v1  }
0x127: {  	v0 =	vld.idx.msk [tilespmem:v6+s2+$0x0], $0xffff;
	_ =	sdelay $0x4  }
0x128: {  	v1 =	vmul.f32 v7, v0  }
0x129: {  	v9 =	vld [tilespmem:$0x33B0];
	[tilespmem:$0x43A0] =	vst v0  }
0x12a: {  	v10 =	vld [tilespmem:$0x2BC0];
	[tilespmem:$0x3BA0] =	vst v1  }
0x12b: {  	v0 =	vld.idx.msk [tilespmem:v8+s2+$0x0], $0xffff;
	_ =	sdelay $0x4  }
0x12c: {  	v1 =	vmul.f32 v9, v0  }
0x12d: {  	v11 =	vld [tilespmem:$0x33C0];
	[tilespmem:$0x43B0] =	vst v0  }
0x12e: {  	v12 =	vld [tilespmem:$0x2BD0];
	[tilespmem:$0x3BB0] =	vst v1  }
0x12f: {  	v0 =	vld.idx.msk [tilespmem:v10+s2+$0x0], $0xffff;
	_ =	sdelay $0x4  }
0x130: {  	v1 =	vmul.f32 v11, v0  }
0x131: {  	v13 =	vld [tilespmem:$0x33D0];
	[tilespmem:$0x43C0] =	vst v0  }
0x132: {  	v14 =	vld [tilespmem:$0x2BE0];
	[tilespmem:$0x3BC0] =	vst v1  }
0x133: {  	v0 =	vld.idx.msk [tilespmem:v12+s2+$0x0], $0xffff;
	_ =	sdelay $0x4  }
0x134: {  	v1 =	vmul.f32 v13, v0  }
0x135: {  	v15 =	vld [tilespmem:$0x33E0];
	[tilespmem:$0x43D0] =	vst v0  }
0x136: {  	v16 =	vld [tilespmem:$0x2BF0];
	[tilespmem:$0x3BD0] =	vst v1  }
0x137: {  	v0 =	vld.idx.msk [tilespmem:v14+s2+$0x0], $0xffff;
	_ =	sdelay $0x4  }
0x138: {  	v1 =	vmul.f32 v15, v0  }
0x139: {  	v17 =	vld [tilespmem:$0x33F0];
	[tilespmem:$0x43E0] =	vst v0  }
0x13a: {  	v18 =	vld [tilespmem:$0x2C00];
	[tilespmem:$0x3BE0] =	vst v1  }
0x13b: {  	v0 =	vld.idx.msk [tilespmem:v16+s2+$0x0], $0xffff;
	_ =	sdelay $0x4  }
0x13c: {  	v1 =	vmul.f32 v17, v0  }
0x13d: {  	v19 =	vld [tilespmem:$0x3400];
	[tilespmem:$0x43F0] =	vst v0  }
0x13e: {  	v20 =	vld [tilespmem:$0x2C10];
	[tilespmem:$0x3BF0] =	vst v1  }
0x13f: {  	v0 =	vld.idx.msk [tilespmem:v18+s2+$0x0], $0xffff;
	_ =	sdelay $0x4  }
0x140: {  	v1 =	vmul.f32 v19, v0  }
0x141: {  	v21 =	vld [tilespmem:$0x3410];
	[tilespmem:$0x4400] =	vst v0  }
0x142: {  	v22 =	vld [tilespmem:$0x2C20];
	[tilespmem:$0x3C00] =	vst v1  }
0x143: {  	v0 =	vld.idx.msk [tilespmem:v20+s2+$0x0], $0xffff;
	_ =	sdelay $0x4  }
0x144: {  	v1 =	vmul.f32 v21, v0  }
0x145: {  	v23 =	vld [tilespmem:$0x3420];
	[tilespmem:$0x4410] =	vst v0  }
0x146: {  	v24 =	vld [tilespmem:$0x2C30];
	[tilespmem:$0x3C10] =	vst v1  }
0x147: {  	v0 =	vld.idx.msk [tilespmem:v22+s2+$0x0], $0xffff;
	_ =	sdelay $0x4  }
0x148: {  	v1 =	vmul.f32 v23, v0  }
0x149: {  	v25 =	vld [tilespmem:$0x3430];
	[tilespmem:$0x4420] =	vst v0  }
0x14a: {  	v26 =	vld [tilespmem:$0x2C40];
	[tilespmem:$0x3C20] =	vst v1  }
0x14b: {  	v0 =	vld.idx.msk [tilespmem:v24+s2+$0x0], $0xffff;
	_ =	sdelay $0x4  }
0x14c: {  	v1 =	vmul.f32 v25, v0  }
0x14d: {  	v27 =	vld [tilespmem:$0x3440];
	[tilespmem:$0x4430] =	vst v0  }
0x14e: {  	v28 =	vld [tilespmem:$0x2C50];
	[tilespmem:$0x3C30] =	vst v1  }
0x14f: {  	v0 =	vld.idx.msk [tilespmem:v26+s2+$0x0], $0xffff;
	_ =	sdelay $0x4  }
0x150: {  	v1 =	vmul.f32 v27, v0  }
0x151: {  	v29 =	vld [tilespmem:$0x3450];
	[tilespmem:$0x4440] =	vst v0  }
0x152: {  	v30 =	vld [tilespmem:$0x2C60];
	[tilespmem:$0x3C40] =	vst v1  }
0x153: {  	v0 =	vld.idx.msk [tilespmem:v28+s2+$0x0], $0xffff;
	_ =	sdelay $0x4  }
0x154: {  	v1 =	vmul.f32 v29, v0  }
0x155: {  	v31 =	vld [tilespmem:$0x3460];
	[tilespmem:$0x4450] =	vst v0  }
0x156: {  	v32 =	vld [tilespmem:$0x2C70];
	[tilespmem:$0x3C50] =	vst v1  }
0x157: {  	v0 =	vld.idx.msk [tilespmem:v30+s2+$0x0], $0xffff;
	_ =	sdelay $0x4  }
0x158: {  	v1 =	vmul.f32 v31, v0  }
0x159: {  	v33 =	vld [tilespmem:$0x3470];
	[tilespmem:$0x4460] =	vst v0  }
0x15a: {  	v34 =	vld [tilespmem:$0x2C80];
	[tilespmem:$0x3C60] =	vst v1  }
0x15b: {  	v0 =	vld.idx.msk [tilespmem:v32+s2+$0x0], $0xffff;
	_ =	sdelay $0x4  }
0x15c: {  	v1 =	vmul.f32 v33, v0  }
0x15d: {  	v35 =	vld [tilespmem:$0x3480];
	[tilespmem:$0x4470] =	vst v0  }
0x15e: {  	v36 =	vld [tilespmem:$0x2C90];
	[tilespmem:$0x3C70] =	vst v1  }
0x15f: {  	v0 =	vld.idx.msk [tilespmem:v34+s2+$0x0], $0xffff;
	_ =	sdelay $0x4  }
0x160: {  	v1 =	vmul.f32 v35, v0  }
0x161: {  	v37 =	vld [tilespmem:$0x3490];
	[tilespmem:$0x4480] =	vst v0  }
0x162: {  	v38 =	vld [tilespmem:$0x2CA0];
	[tilespmem:$0x3C80] =	vst v1  }
0x163: {  	v0 =	vld.idx.msk [tilespmem:v36+s2+$0x0], $0xffff;
	_ =	sdelay $0x4  }
0x164: {  	v1 =	vmul.f32 v37, v0  }
0x165: {  	v39 =	vld [tilespmem:$0x34A0];
	[tilespmem:$0x4490] =	vst v0  }
0x166: {  	v40 =	vld [tilespmem:$0x2CB0];
	[tilespmem:$0x3C90] =	vst v1  }
0x167: {  	v0 =	vld.idx.msk [tilespmem:v38+s2+$0x0], $0xffff;
	_ =	sdelay $0x4  }
0x168: {  	v1 =	vmul.f32 v39, v0  }
0x169: {  	v41 =	vld [tilespmem:$0x34B0];
	[tilespmem:$0x44A0] =	vst v0  }
0x16a: {  	v42 =	vld [tilespmem:$0x2CC0];
	[tilespmem:$0x3CA0] =	vst v1  }
0x16b: {  	v0 =	vld.idx.msk [tilespmem:v40+s2+$0x0], $0xffff;
	_ =	sdelay $0x4  }
0x16c: {  	v1 =	vmul.f32 v41, v0  }
0x16d: {  	v43 =	vld [tilespmem:$0x34C0];
	[tilespmem:$0x44B0] =	vst v0  }
0x16e: {  	v44 =	vld [tilespmem:$0x2CD0];
	[tilespmem:$0x3CB0] =	vst v1  }
0x16f: {  	v0 =	vld.idx.msk [tilespmem:v42+s2+$0x0], $0xffff;
	_ =	sdelay $0x4  }
0x170: {  	v1 =	vmul.f32 v43, v0  }
0x171: {  	v45 =	vld [tilespmem:$0x34D0];
	[tilespmem:$0x44C0] =	vst v0  }
0x172: {  	v46 =	vld [tilespmem:$0x2CE0];
	[tilespmem:$0x3CC0] =	vst v1  }
0x173: {  	v0 =	vld.idx.msk [tilespmem:v44+s2+$0x0], $0xffff;
	_ =	sdelay $0x4  }
0x174: {  	v1 =	vmul.f32 v45, v0  }
0x175: {  	v47 =	vld [tilespmem:$0x34E0];
	[tilespmem:$0x44D0] =	vst v0  }
0x176: {  	v48 =	vld [tilespmem:$0x2CF0];
	[tilespmem:$0x3CD0] =	vst v1  }
0x177: {  	v0 =	vld.idx.msk [tilespmem:v46+s2+$0x0], $0xffff;
	_ =	sdelay $0x4  }
0x178: {  	v1 =	vmul.f32 v47, v0  }
0x179: {  	v49 =	vld [tilespmem:$0x34F0];
	[tilespmem:$0x44E0] =	vst v0  }
0x17a: {  	v50 =	vld [tilespmem:$0x2D00];
	[tilespmem:$0x3CE0] =	vst v1  }
0x17b: {  	v0 =	vld.idx.msk [tilespmem:v48+s2+$0x0], $0xffff;
	_ =	sdelay $0x4  }
0x17c: {  	v1 =	vmul.f32 v49, v0  }
0x17d: {  	v51 =	vld [tilespmem:$0x3500];
	[tilespmem:$0x44F0] =	vst v0  }
0x17e: {  	v52 =	vld [tilespmem:$0x2D10];
	[tilespmem:$0x3CF0] =	vst v1  }
0x17f: {  	v0 =	vld.idx.msk [tilespmem:v50+s2+$0x0], $0xffff;
	_ =	sdelay $0x4  }
0x180: {  	v1 =	vmul.f32 v51, v0  }
0x181: {  	v53 =	vld [tilespmem:$0x3510];
	[tilespmem:$0x4500] =	vst v0  }
0x182: {  	v54 =	vld [tilespmem:$0x2D20];
	[tilespmem:$0x3D00] =	vst v1  }
0x183: {  	v0 =	vld.idx.msk [tilespmem:v52+s2+$0x0], $0xffff;
	_ =	sdelay $0x4  }
0x184: {  	v1 =	vmul.f32 v53, v0  }
0x185: {  	v55 =	vld [tilespmem:$0x3520];
	[tilespmem:$0x4510] =	vst v0  }
0x186: {  	v56 =	vld [tilespmem:$0x2D30];
	[tilespmem:$0x3D10] =	vst v1  }
0x187: {  	v0 =	vld.idx.msk [tilespmem:v54+s2+$0x0], $0xffff;
	_ =	sdelay $0x4  }
0x188: {  	v1 =	vmul.f32 v55, v0  }
0x189: {  	v57 =	vld [tilespmem:$0x3530];
	[tilespmem:$0x4520] =	vst v0  }
0x18a: {  	v58 =	vld [tilespmem:$0x2D40];
	[tilespmem:$0x3D20] =	vst v1  }
0x18b: {  	v0 =	vld.idx.msk [tilespmem:v56+s2+$0x0], $0xffff;
	_ =	sdelay $0x4  }
0x18c: {  	v1 =	vmul.f32 v57, v0  }
0x18d: {  	v59 =	vld [tilespmem:$0x3540];
	[tilespmem:$0x4530] =	vst v0  }
0x18e: {  	v60 =	vld [tilespmem:$0x2D50];
	[tilespmem:$0x3D30] =	vst v1  }
0x18f: {  	v0 =	vld.idx.msk [tilespmem:v58+s2+$0x0], $0xffff;
	_ =	sdelay $0x4  }
0x190: {  	v1 =	vmul.f32 v59, v0  }
0x191: {  	v61 =	vld [tilespmem:$0x3550];
	[tilespmem:$0x4540] =	vst v0  }
0x192: {  	v62 =	vld [tilespmem:$0x2D60];
	[tilespmem:$0x3D40] =	vst v1  }
0x193: {  	v0 =	vld.idx.msk [tilespmem:v60+s2+$0x0], $0xffff;
	_ =	sdelay $0x4  }
0x194: {  	v1 =	vmul.f32 v61, v0  }
0x195: {  	v63 =	vld [tilespmem:$0x3560];
	[tilespmem:$0x4550] =	vst v0  }
0x196: {  	v4 =	vld [tilespmem:$0x2D70];
	[tilespmem:$0x3D50] =	vst v1  }
0x197: {  	v0 =	vld.idx.msk [tilespmem:v62+s2+$0x0], $0xffff;
	_ =	sdelay $0x4  }
0x198: {  	v1 =	vmul.f32 v63, v0  }
0x199: {  	v5 =	vld [tilespmem:$0x3570];
	[tilespmem:$0x4560] =	vst v0  }
0x19a: {  	v6 =	vld [tilespmem:$0x2D80];
	[tilespmem:$0x3D60] =	vst v1  }
0x19b: {  	v0 =	vld.idx.msk [tilespmem:v4+s2+$0x0], $0xffff;
	_ =	sdelay $0x4  }
0x19c: {  	v1 =	vmul.f32 v5, v0  }
0x19d: {  	v7 =	vld [tilespmem:$0x3580];
	[tilespmem:$0x4570] =	vst v0  }
0x19e: {  	v8 =	vld [tilespmem:$0x2D90];
	[tilespmem:$0x3D70] =	vst v1  }
0x19f: {  	v0 =	vld.idx.msk [tilespmem:v6+s2+$0x0], $0xffff;
	_ =	sdelay $0x4  }
0x1a0: {  	v1 =	vmul.f32 v7, v0  }
0x1a1: {  	v9 =	vld [tilespmem:$0x3590];
	[tilespmem:$0x4580] =	vst v0  }
0x1a2: {  	v10 =	vld [tilespmem:$0x2DA0];
	[tilespmem:$0x3D80] =	vst v1  }
0x1a3: {  	v0 =	vld.idx.msk [tilespmem:v8+s2+$0x0], $0xffff;
	_ =	sdelay $0x4  }
0x1a4: {  	v1 =	vmul.f32 v9, v0  }
0x1a5: {  	v11 =	vld [tilespmem:$0x35A0];
	[tilespmem:$0x4590] =	vst v0  }
0x1a6: {  	v12 =	vld [tilespmem:$0x2DB0];
	[tilespmem:$0x3D90] =	vst v1  }
0x1a7: {  	v0 =	vld.idx.msk [tilespmem:v10+s2+$0x0], $0xffff;
	_ =	sdelay $0x4  }
0x1a8: {  	v1 =	vmul.f32 v11, v0  }
0x1a9: {  	v13 =	vld [tilespmem:$0x35B0];
	[tilespmem:$0x45A0] =	vst v0  }
0x1aa: {  	v14 =	vld [tilespmem:$0x2DC0];
	[tilespmem:$0x3DA0] =	vst v1  }
0x1ab: {  	v0 =	vld.idx.msk [tilespmem:v12+s2+$0x0], $0xffff;
	_ =	sdelay $0x4  }
0x1ac: {  	v1 =	vmul.f32 v13, v0  }
0x1ad: {  	v15 =	vld [tilespmem:$0x35C0];
	[tilespmem:$0x45B0] =	vst v0  }
0x1ae: {  	v16 =	vld [tilespmem:$0x2DD0];
	[tilespmem:$0x3DB0] =	vst v1  }
0x1af: {  	v0 =	vld.idx.msk [tilespmem:v14+s2+$0x0], $0xffff;
	_ =	sdelay $0x4  }
0x1b0: {  	v1 =	vmul.f32 v15, v0  }
0x1b1: {  	v17 =	vld [tilespmem:$0x35D0];
	[tilespmem:$0x45C0] =	vst v0  }
0x1b2: {  	v18 =	vld [tilespmem:$0x2DE0];
	[tilespmem:$0x3DC0] =	vst v1  }
0x1b3: {  	v0 =	vld.idx.msk [tilespmem:v16+s2+$0x0], $0xffff;
	_ =	sdelay $0x4  }
0x1b4: {  	v1 =	vmul.f32 v17, v0  }
0x1b5: {  	v19 =	vld [tilespmem:$0x35E0];
	[tilespmem:$0x45D0] =	vst v0  }
0x1b6: {  	v20 =	vld [tilespmem:$0x2DF0];
	[tilespmem:$0x3DD0] =	vst v1  }
0x1b7: {  	v0 =	vld.idx.msk [tilespmem:v18+s2+$0x0], $0xffff;
	_ =	sdelay $0x4  }
0x1b8: {  	v1 =	vmul.f32 v19, v0  }
0x1b9: {  	v21 =	vld [tilespmem:$0x35F0];
	[tilespmem:$0x45E0] =	vst v0  }
0x1ba: {  	v22 =	vld [tilespmem:$0x2E00];
	[tilespmem:$0x3DE0] =	vst v1  }
0x1bb: {  	v0 =	vld.idx.msk [tilespmem:v20+s2+$0x0], $0xffff;
	_ =	sdelay $0x4  }
0x1bc: {  	v1 =	vmul.f32 v21, v0  }
0x1bd: {  	v23 =	vld [tilespmem:$0x3600];
	[tilespmem:$0x45F0] =	vst v0  }
0x1be: {  	v24 =	vld [tilespmem:$0x2E10];
	[tilespmem:$0x3DF0] =	vst v1  }
0x1bf: {  	v0 =	vld.idx.msk [tilespmem:v22+s2+$0x0], $0xffff;
	_ =	sdelay $0x4  }
0x1c0: {  	v1 =	vmul.f32 v23, v0  }
0x1c1: {  	v25 =	vld [tilespmem:$0x3610];
	[tilespmem:$0x4600] =	vst v0  }
0x1c2: {  	v26 =	vld [tilespmem:$0x2E20];
	[tilespmem:$0x3E00] =	vst v1  }
0x1c3: {  	v0 =	vld.idx.msk [tilespmem:v24+s2+$0x0], $0xffff;
	_ =	sdelay $0x4  }
0x1c4: {  	v1 =	vmul.f32 v25, v0  }
0x1c5: {  	v27 =	vld [tilespmem:$0x3620];
	[tilespmem:$0x4610] =	vst v0  }
0x1c6: {  	v28 =	vld [tilespmem:$0x2E30];
	[tilespmem:$0x3E10] =	vst v1  }
0x1c7: {  	v0 =	vld.idx.msk [tilespmem:v26+s2+$0x0], $0xffff;
	_ =	sdelay $0x4  }
0x1c8: {  	v1 =	vmul.f32 v27, v0  }
0x1c9: {  	v29 =	vld [tilespmem:$0x3630];
	[tilespmem:$0x4620] =	vst v0  }
0x1ca: {  	v30 =	vld [tilespmem:$0x2E40];
	[tilespmem:$0x3E20] =	vst v1  }
0x1cb: {  	v0 =	vld.idx.msk [tilespmem:v28+s2+$0x0], $0xffff;
	_ =	sdelay $0x4  }
0x1cc: {  	v1 =	vmul.f32 v29, v0  }
0x1cd: {  	v31 =	vld [tilespmem:$0x3640];
	[tilespmem:$0x4630] =	vst v0  }
0x1ce: {  	v32 =	vld [tilespmem:$0x2E50];
	[tilespmem:$0x3E30] =	vst v1  }
0x1cf: {  	v0 =	vld.idx.msk [tilespmem:v30+s2+$0x0], $0xffff;
	_ =	sdelay $0x4  }
0x1d0: {  	v1 =	vmul.f32 v31, v0  }
0x1d1: {  	v33 =	vld [tilespmem:$0x3650];
	[tilespmem:$0x4640] =	vst v0  }
0x1d2: {  	v34 =	vld [tilespmem:$0x2E60];
	[tilespmem:$0x3E40] =	vst v1  }
0x1d3: {  	v0 =	vld.idx.msk [tilespmem:v32+s2+$0x0], $0xffff;
	_ =	sdelay $0x4  }
0x1d4: {  	v1 =	vmul.f32 v33, v0  }
0x1d5: {  	v35 =	vld [tilespmem:$0x3660];
	[tilespmem:$0x4650] =	vst v0  }
0x1d6: {  	v36 =	vld [tilespmem:$0x2E70];
	[tilespmem:$0x3E50] =	vst v1  }
0x1d7: {  	v0 =	vld.idx.msk [tilespmem:v34+s2+$0x0], $0xffff;
	_ =	sdelay $0x4  }
0x1d8: {  	v1 =	vmul.f32 v35, v0  }
0x1d9: {  	v37 =	vld [tilespmem:$0x3670];
	[tilespmem:$0x4660] =	vst v0  }
0x1da: {  	v38 =	vld [tilespmem:$0x2E80];
	[tilespmem:$0x3E60] =	vst v1  }
0x1db: {  	v0 =	vld.idx.msk [tilespmem:v36+s2+$0x0], $0xffff;
	_ =	sdelay $0x4  }
0x1dc: {  	v1 =	vmul.f32 v37, v0  }
0x1dd: {  	v39 =	vld [tilespmem:$0x3680];
	[tilespmem:$0x4670] =	vst v0  }
0x1de: {  	v40 =	vld [tilespmem:$0x2E90];
	[tilespmem:$0x3E70] =	vst v1  }
0x1df: {  	v0 =	vld.idx.msk [tilespmem:v38+s2+$0x0], $0xffff;
	_ =	sdelay $0x4  }
0x1e0: {  	v1 =	vmul.f32 v39, v0  }
0x1e1: {  	v41 =	vld [tilespmem:$0x3690];
	[tilespmem:$0x4680] =	vst v0  }
0x1e2: {  	v42 =	vld [tilespmem:$0x2EA0];
	[tilespmem:$0x3E80] =	vst v1  }
0x1e3: {  	v0 =	vld.idx.msk [tilespmem:v40+s2+$0x0], $0xffff;
	_ =	sdelay $0x4  }
0x1e4: {  	v1 =	vmul.f32 v41, v0  }
0x1e5: {  	v43 =	vld [tilespmem:$0x36A0];
	[tilespmem:$0x4690] =	vst v0  }
0x1e6: {  	v44 =	vld [tilespmem:$0x2EB0];
	[tilespmem:$0x3E90] =	vst v1  }
0x1e7: {  	v0 =	vld.idx.msk [tilespmem:v42+s2+$0x0], $0xffff;
	_ =	sdelay $0x4  }
0x1e8: {  	v1 =	vmul.f32 v43, v0  }
0x1e9: {  	v45 =	vld [tilespmem:$0x36B0];
	[tilespmem:$0x46A0] =	vst v0  }
0x1ea: {  	v46 =	vld [tilespmem:$0x2EC0];
	[tilespmem:$0x3EA0] =	vst v1  }
0x1eb: {  	v0 =	vld.idx.msk [tilespmem:v44+s2+$0x0], $0xffff;
	_ =	sdelay $0x4  }
0x1ec: {  	v1 =	vmul.f32 v45, v0  }
0x1ed: {  	v47 =	vld [tilespmem:$0x36C0];
	[tilespmem:$0x46B0] =	vst v0  }
0x1ee: {  	v48 =	vld [tilespmem:$0x2ED0];
	[tilespmem:$0x3EB0] =	vst v1  }
0x1ef: {  	v0 =	vld.idx.msk [tilespmem:v46+s2+$0x0], $0xffff;
	_ =	sdelay $0x4  }
0x1f0: {  	v1 =	vmul.f32 v47, v0  }
0x1f1: {  	v49 =	vld [tilespmem:$0x36D0];
	[tilespmem:$0x46C0] =	vst v0  }
0x1f2: {  	v50 =	vld [tilespmem:$0x2EE0];
	[tilespmem:$0x3EC0] =	vst v1  }
0x1f3: {  	v0 =	vld.idx.msk [tilespmem:v48+s2+$0x0], $0xffff;
	_ =	sdelay $0x4  }
0x1f4: {  	v1 =	vmul.f32 v49, v0  }
0x1f5: {  	v51 =	vld [tilespmem:$0x36E0];
	[tilespmem:$0x46D0] =	vst v0  }
0x1f6: {  	v52 =	vld [tilespmem:$0x2EF0];
	[tilespmem:$0x3ED0] =	vst v1  }
0x1f7: {  	v0 =	vld.idx.msk [tilespmem:v50+s2+$0x0], $0xffff;
	_ =	sdelay $0x4  }
0x1f8: {  	v1 =	vmul.f32 v51, v0  }
0x1f9: {  	v53 =	vld [tilespmem:$0x36F0];
	[tilespmem:$0x46E0] =	vst v0  }
0x1fa: {  	v54 =	vld [tilespmem:$0x2F00];
	[tilespmem:$0x3EE0] =	vst v1  }
0x1fb: {  	v0 =	vld.idx.msk [tilespmem:v52+s2+$0x0], $0xffff;
	_ =	sdelay $0x4  }
0x1fc: {  	v1 =	vmul.f32 v53, v0  }
0x1fd: {  	v55 =	vld [tilespmem:$0x3700];
	[tilespmem:$0x46F0] =	vst v0  }
0x1fe: {  	v56 =	vld [tilespmem:$0x2F10];
	[tilespmem:$0x3EF0] =	vst v1  }
0x1ff: {  	v0 =	vld.idx.msk [tilespmem:v54+s2+$0x0], $0xffff;
	_ =	sdelay $0x4  }
0x200: {  	v1 =	vmul.f32 v55, v0  }
0x201: {  	v57 =	vld [tilespmem:$0x3710];
	[tilespmem:$0x4700] =	vst v0  }
0x202: {  	v58 =	vld [tilespmem:$0x2F20];
	[tilespmem:$0x3F00] =	vst v1  }
0x203: {  	v0 =	vld.idx.msk [tilespmem:v56+s2+$0x0], $0xffff;
	_ =	sdelay $0x4  }
0x204: {  	v1 =	vmul.f32 v57, v0  }
0x205: {  	v59 =	vld [tilespmem:$0x3720];
	[tilespmem:$0x4710] =	vst v0  }
0x206: {  	v60 =	vld [tilespmem:$0x2F30];
	[tilespmem:$0x3F10] =	vst v1  }
0x207: {  	v0 =	vld.idx.msk [tilespmem:v58+s2+$0x0], $0xffff;
	_ =	sdelay $0x4  }
0x208: {  	v1 =	vmul.f32 v59, v0  }
0x209: {  	v61 =	vld [tilespmem:$0x3730];
	[tilespmem:$0x4720] =	vst v0  }
0x20a: {  	v62 =	vld [tilespmem:$0x2F40];
	[tilespmem:$0x3F20] =	vst v1  }
0x20b: {  	v0 =	vld.idx.msk [tilespmem:v60+s2+$0x0], $0xffff;
	_ =	sdelay $0x4  }
0x20c: {  	v1 =	vmul.f32 v61, v0  }
0x20d: {  	[tilespmem:$0x4730] =	vst v0  }
0x20e: {  	v63 =	vld [tilespmem:$0x3740];
	[tilespmem:$0x3F30] =	vst v1  }
0x20f: {  	v0 =	vld.idx.msk [tilespmem:v62+s2+$0x0], $0xffff;
	_ =	sdelay $0x4  }
0x210: {  	v1 =	vmul.f32 v63, v0  }
0x211: {  	[tilespmem:$0x4740] =	vst v0  }
0x212: {  	s30 =	sadd.s32 s15, s6;
	[tilespmem:$0x3F40] =	vst v1  }
0x213: {  	[hbm4b:s30+s2] =	stream.linear.scatter [tilespmem:s12], [sflag:$0x1], $0x800, $0x38;
	[tilespmem:$0x4780] =	vst v63  }
0x214: {  	_ =	swait.ge [sflag:s9], $0x800  }
0x215: {  	p0 =	sne.s32 s15, $0x400;
	[sflag:s9] =	ssyncset.done $0x0  }
.Ltmp0:
0x216: {  	s31 =	sadd.s32 s15, s5;
	[sflag:s9] =	ssyncadd.s32 $0xFFFFF800;
	(pc) =	sbr.rel @p0 .LBB2_2-.Ltmp0, $4  }
0x217: {  	[hbm4b:s31+s2] =	stream.linear.scatter [tilespmem:s13], [sflag:$0x1], $0x800, $0x38;
	[tilespmem:$0x4780] =	vst v63  }
0x218: {  	_ =	swait.ge [sflag:s9], $0x800  }
0x219: {  	[sflag:s9] =	ssyncset.done $0x0  }
0x21a: {  	s15 =	sadd.s32 $0x100, s15;
	[sflag:s9] =	ssyncadd.s32 $0xFFFFF800  }
0x21b: {  	s14 =	sadd.s32 $0x1, s14  }
0x21c: {  	p0 =	sne.s32 s14, s4  }
.Ltmp1:
0x21d: {  	_ = 	snop;
	(pc) =	sbr.rel @p0 .LBB2_1-.Ltmp1, $1  }
0x21e: {  	_ =	sdelay $0x3  }
0x21f: {  	_ =	sfence.sel $0x180000  }
0x220: {  	[bflag:$0x0] =	sbarrier.arrive $0xFFFF  }
0x221: {  	p0 =	sne.s32 s1, $0x0;
	_ =	strace $0x90000047  }
0x222: {  	s0 =	sadd.s32 @!p0 $0x100000, s0;
	[bflag:$0x2] =	sbarrier.arrive $0xFFFF  }
0x223: {  	[sflag:s0] =	ssyncadd.tile.s32 @!p0 $0x1;
	_ =	shalt  }
.Lfunc_end2:
_tile_overlayer_lowered:
.L_overlay_start_2:
0x224: {  	(tag) =	ssettag $0x2  }
0x225: {  	s0 =	rddreg [dreg:$0x0];
	s2 =	stileid.u32  }
0x226: {  	s1 =	rddreg [dreg:$0x1];
	p0 =	sne.s32 s2, $0x0  }
0x227: {  	s3 =	rddreg [dreg:$0x2];
	[bflag:$0x3] =	sbarrier.arrive $0xFFFF;
	s2 =	simm.s32 @!p0 $0x1C01  }
0x228: {  	[timem:s3], [sflag:s2] =	dma.local @!p0 [hbm:s0], s1  }
0x229: {  	s0 =	simm.s32 @!p0 $0x1  }
0x22a: {  	_ =	swait.ge @!p0 [sflag:s0], s1  }
0x22b: {  	s1 =	ssub.s32 @!p0 $0x0, s1;
	[sflag:s0] =	ssyncset.done @!p0 $0x0  }
0x22c: {  	[sflag:s0] =	ssyncadd.s32 @!p0 s1  }
0x22d: {  	[bflag:$0x3] =	sbarrier.arrive $0xFFFF  }
0x22e: {  	_ =	shalt  }

// kernel: kernel.9.cloned.1.call-start
scs
__scs_entry_jumppad:
0x0: {  	(pc) =	sbr.rel $0x88, $3  }
0x1: {  	(tag) =	ssettag $0x0;
	lr =	simm.s32 $0x1  }
0x2: {  	[smem:$0x3F99] =	sst lr;
	_ =	strace $0xD0000000  }
0x3: {  	_ = 	snop  }
0x4: {  	_ = 	snop  }
0x5: {  	_ = 	snop  }
0x6: {  	_ = 	snop  }
0x7: {  	_ = 	snop  }
__scs_overlays_trampoline_lowered:
0x8: {  	[smem:$0x3FA8] =	sst s0  }
0x9: {  	[smem:$0x3FA9] =	sst s1  }
0xa: {  	[smem:$0x3FAA] =	sst s2  }
0xb: {  	[smem:$0x3FAB] =	sst s3  }
0xc: {  	[smem:$0x3FAC] =	sst s4  }
0xd: {  	[smem:$0x3FAD] =	sst s5  }
0xe: {  	[smem:$0x3FAE] =	sst s6  }
0xf: {  	[smem:$0x3FAF] =	sst s7  }
0x10: {  	[smem:$0x3FB0] =	sst s8  }
0x11: {  	[smem:$0x3FB1] =	sst s9;
	s0 =	simm.s32 @!p0 $0x0  }
0x12: {  	s1 =	sld [smem:$0x3F97];
	s0 =	simm.s32 @p0 $0x1  }
0x13: {  	[smem:$0x3FB2] =	sst s0;
	s0 =	simm.s32 @!p1 $0x0  }
0x14: {  	s2 =	sld [smem:$0x3F96];
	s0 =	simm.s32 @p1 $0x1  }
0x15: {  	[smem:$0x3FB3] =	sst s0;
	s0 =	simm.s32 @!p2 $0x0  }
0x16: {  	s3 =	sld [smem:$0x3FDB];
	s0 =	simm.s32 @p2 $0x1  }
0x17: {  	s4 =	simm.s32 $0x1BF5;
	[smem:$0x3FB5] =	sst s0  }
0x18: {  	s0 =	sld [smem:$0x3F98];
	_ =	swait.ge [sflag:s4], $0x0  }
0x19: {  	s7 =	sld [smem:$0x3F99]  }
0x1a: {  	s8 =	sadd.s32 $0xFFFFE003, lr  }
0x1b: {  	s9 =	sadd.s32 $0xFFFFFEF7, lr;
	s5 =	simm.s32 $0xFFFFFFFF;
	p2 =	slt.u32 s8, $0xFFFFF086  }
0x1c: {  	p1 =	slt.u32 s9, $0xF7A;
	s5 =	simm.s32 @!p2 $0x0  }
0x1d: {  	s5 =	simm.s32 @p1 $0x1;
	p0 =	seq.s32 s7, s2  }
0x1e: {  	s7 =	smul.u32 @!p0 $0xF7A, s2;
	p2 =	seq.s32 @!p0 s5, $0x0  }
0x1f: {  	s9 =	smul.u32 $0xF7A, s1;
	s8 =	simm.s32 @!p0 $0x1BF5;
	p2 =	por !p2, p0  }
0x20: {  	[sflag:s8] =	ssyncset.s32 @!p0 $0xFFFFF086;
	s6 =	sadd.s32 @!p0 s3, s7;
	s7 =	simm.s32 @!p0 $0x108  }
0x21: {  	s3 =	sadd.s32 s3, s9;
	s6 =	sadd.s32 @!p0 $0x88, s6;
	s7 =	simm.s32 @p2 $0x1082  }
0x22: {  	[simem:s7], [sflag:s8] =	dma.local @!p0 [hbm:s6], $0xF7A  }
0x23: {  	s9 =	sor.u32 $0xD0000000, s2;
	s6 =	simm.s32 $0x108;
	_ =	swait.ge @!p0 [sflag:s8], $0x0  }
0x24: {  	s3 =	sadd.s32 $0x88, s3;
	s6 =	simm.s32 @!p1 $0x1082;
	[sflag:s4] =	ssyncset.s32 $0xFFFFF086  }
0x25: {  	[simem:s6], [sflag:s4] =	dma.local [hbm:s3], $0xF7A  }
0x26: {  	[smem:$0x3F99] =	sst s1;
	(tag) =	ssettag s2;
	_ =	strace s9  }
0x27: {  	s1 =	sld [smem:$0x3FA9]  }
0x28: {  	s2 =	sld [smem:$0x3FAA]  }
0x29: {  	s4 =	sld [smem:$0x3FAC]  }
0x2a: {  	p0 =	seq.s32 s5, $0x0;
	s5 =	sld [smem:$0x3FAD]  }
0x2b: {  	s6 =	sld [smem:$0x3FAE]  }
0x2c: {  	s7 =	sld [smem:$0x3FAF]  }
0x2d: {  	s3 =	simm.s32 $0x108;
	s8 =	sld [smem:$0x3FB0]  }
0x2e: {  	s3 =	simm.s32 @!p0 $0x1082;
	s9 =	sld [smem:$0x3FB1]  }
0x2f: {  	lr =	sadd.s32 s0, s3;
	s0 =	sld [smem:$0x3FA8]  }
0x30: {  	s3 =	sld [smem:$0x3FAB]  }
0x31: {  	[smem:$0x3FB4] =	sst s10  }
0x32: {  	s10 =	sld [smem:$0x3FB2];
	_ =	sdelay $0x3  }
0x33: {  	p0 =	seq.s32 s10, $0x1;
	s10 =	sld [smem:$0x3FB4];
	_ =	sdelay $0x3  }
0x34: {  	[smem:$0x3FB4] =	sst s10  }
0x35: {  	s10 =	sld [smem:$0x3FB3];
	_ =	sdelay $0x3  }
0x36: {  	p1 =	seq.s32 s10, $0x1;
	s10 =	sld [smem:$0x3FB4];
	_ =	sdelay $0x3  }
0x37: {  	[smem:$0x3FB4] =	sst s10  }
0x38: {  	s10 =	sld [smem:$0x3FB5]  }
0x39: {  	_ = 	snop;
	(pc) =	sbr.ind lr, $3  }
0x3a: {  	_ = 	snop  }
0x3b: {  	_ = 	snop  }
0x3c: {  	p2 =	seq.s32 s10, $0x1;
	s10 =	sld [smem:$0x3FB4]  }
0x3d: {  	_ =	shalt  }
0x3e: {  	_ =	shalt  }
0x3f: {  	_ =	shalt  }
0x40: {  	_ =	shalt  }
0x41: {  	_ =	shalt  }
0x42: {  	_ =	shalt  }
0x43: {  	_ =	shalt  }
0x44: {  	_ =	shalt  }
0x45: {  	_ =	shalt  }
0x46: {  	_ =	shalt  }
0x47: {  	_ =	shalt  }
0x48: {  	_ =	shalt  }
0x49: {  	_ =	shalt  }
0x4a: {  	_ =	shalt  }
0x4b: {  	_ =	shalt  }
0x4c: {  	_ =	shalt  }
0x4d: {  	_ =	shalt  }
0x4e: {  	_ =	shalt  }
0x4f: {  	_ =	shalt  }
0x50: {  	_ =	shalt  }
0x51: {  	_ =	shalt  }
0x52: {  	_ =	shalt  }
0x53: {  	_ =	shalt  }
0x54: {  	_ =	shalt  }
0x55: {  	_ =	shalt  }
0x56: {  	_ =	shalt  }
0x57: {  	_ =	shalt  }
0x58: {  	_ =	shalt  }
0x59: {  	_ =	shalt  }
0x5a: {  	_ =	shalt  }
0x5b: {  	_ =	shalt  }
0x5c: {  	_ =	shalt  }
0x5d: {  	_ =	shalt  }
0x5e: {  	_ =	shalt  }
0x5f: {  	_ =	shalt  }
0x60: {  	_ =	shalt  }
0x61: {  	_ =	shalt  }
0x62: {  	_ =	shalt  }
0x63: {  	_ =	shalt  }
0x64: {  	_ =	shalt  }
0x65: {  	_ =	shalt  }
0x66: {  	_ =	shalt  }
0x67: {  	_ =	shalt  }
0x68: {  	_ =	shalt  }
0x69: {  	_ =	shalt  }
0x6a: {  	_ =	shalt  }
0x6b: {  	_ =	shalt  }
0x6c: {  	_ =	shalt  }
0x6d: {  	_ =	shalt  }
0x6e: {  	_ =	shalt  }
0x6f: {  	_ =	shalt  }
0x70: {  	_ =	shalt  }
0x71: {  	_ =	shalt  }
0x72: {  	_ =	shalt  }
0x73: {  	_ =	shalt  }
0x74: {  	_ =	shalt  }
0x75: {  	_ =	shalt  }
0x76: {  	_ =	shalt  }
0x77: {  	_ =	shalt  }
0x78: {  	_ =	shalt  }
0x79: {  	_ =	shalt  }
0x7a: {  	_ =	shalt  }
0x7b: {  	_ =	shalt  }
0x7c: {  	_ =	shalt  }
0x7d: {  	_ =	shalt  }
0x7e: {  	_ =	shalt  }
0x7f: {  	_ =	shalt  }
0x80: {  	_ =	shalt  }
0x81: {  	_ =	shalt  }
0x82: {  	_ =	shalt  }
0x83: {  	_ =	shalt  }
0x84: {  	_ =	shalt  }
0x85: {  	_ =	shalt  }
0x86: {  	_ =	shalt  }
0x87: {  	_ =	shalt  }
.Lfunc_end0:
.L_simem_size_0:
called_computation.1_lowered:
.L_overlay_start_0:
0x88: {  	s2 =	sld [smem:$0x3FD9]  }
0x89: {  	s3 =	sld [smem:$0x3FFE];
	_ =	sdelay $0x1  }
0x8a: {  	s1 =	srdreg.scid  }
0x8b: {  	s0 =	sand.u32 $0x1, s1  }
0x8c: {  	s17 =	sshll.u32 s0, $0xA;
	s2 =	sadd.s32 s3, s2  }
0x8d: {  	s2 =	sadd.s32 s2, s17  }
0x8e: {  	[smem:$0x3FC0] =	sst s2  }
0x8f: {  	_ = 	snop  }
0x90: {  	s2 =	sld [smem:$0x3FC5]  }
0x91: {  	s18 =	sld [smem:$0x3FD0];
	(tm) =	ssettm $0x1  }
0x92: {  	s4 =	sld [smem:$0x3FFB];
	_ =	sdelay $0x3  }
0x93: {  	_ =	strace s4  }
0x94: {  	s4 =	sld [smem:$0x3FFC];
	_ =	sdelay $0x3  }
0x95: {  	_ =	strace s4  }
0x96: {  	s4 =	sld [smem:$0x3FFD];
	_ =	sdelay $0x3  }
0x97: {  	_ =	strace s4  }
0x98: {  	_ =	strace $0x8FFFFFFF  }
0x99: {  	s19 =	sld [smem:$0x3FDB];
	_ =	sdelay $0x1  }
0x9a: {  	s5 =	simm.s32 $_scs_section_size  }
0x9b: {  	s6 =	simm.s32 $_size__tile_overlayer_lowered;
	s7 =	simm.s32 $_tile_overlayer_lowered  }
0x9c: {  	s22 =	simm.s32 $0x1BFF;
	s21 =	sshll.u32 s7, $0x1;
	s4 =	sadd.s32 s5, s19  }
0x9d: {  	s8 =	simm.s32 $0x0;
	s20 =	sshll.u32 s6, $0x1;
	s6 =	sadd.s32 s21, s4  }
0x9e: {  	[timem:s8], [sflag:s22] =	dma.local [hbm:s6], s20  }
0x9f: {  	_ =	swait.ge [sflag:s22], s20  }
0xa0: {  	s5 =	ssub.s32 $0x0, s20;
	[sflag:s22] =	ssyncset.done $0x0  }
0xa1: {  	[sflag:s22] =	ssyncadd.s32 s5;
	_ =	sdelay $0x1  }
0xa2: {  	s23 =	simm.s32 $0x1B8B  }
0xa3: {  	_ =	swait.ge [sflag:s23], $0x1  }
0xa4: {  	[sflag:s23] =	ssyncset.done $0x0  }
0xa5: {  	s25 =	simm.s32 $0x1B8E;
	s24 =	sld [smem:$0x3FFE];
	[sflag:s23] =	ssyncadd.s32 $0xFFFFFFFF  }
0xa6: {  	s26 =	simm.s32 $execute0_lowered;
	[smem:$0x3FD2] =	sst s25  }
0xa7: {  	s6 =	sshll.u32 s26, $0x1;
	_ =	strace $0x80000049;
	[dreg:$0x1] =	wrdreg $0xFFFFFFFF  }
0xa8: {  	s28 =	simm.s32 $_size_execute0_lowered;
	s4 =	sadd.s32 s4, s6;
	[dreg:$0x0] =	wrdreg $0x0  }
0xa9: {  	s6 =	sshll.u32 s28, $0x1;
	[dreg:$0x2] =	wrdreg s4  }
0xaa: {  	[dreg:$0x3] =	wrdreg s6  }
0xab: {  	[dreg:$0x4] =	wrdreg $0xC0  }
0xac: {  	_ =	task [dreg:s8], $0x5FFFF  }
0xad: {  	[dreg:$0x1] =	wrdreg $0xFFFFFFFF  }
0xae: {  	[dreg:$0x0] =	wrdreg $0x60  }
0xaf: {  	[dreg:$0x2] =	wrdreg s18  }
0xb0: {  	[dreg:$0x3] =	wrdreg s24  }
0xb1: {  	[dreg:$0x4] =	wrdreg s2  }
0xb2: {  	[dreg:$0x5] =	wrdreg $0xC2000  }
0xb3: {  	[dreg:$0x6] =	wrdreg $0x9  }
0xb4: {  	_ =	task.clear_ibuf [dreg:s8], $0x7FFFF;
	_ =	strace $0x90000049  }
0xb5: {  	s29 =	simm.s32 $0x9;
	_ =	strace $0x8000004B  }
0xb6: {  	_ =	swait.ge [sflag:s29], $0x1  }
0xb7: {  	[sflag:s29] =	ssyncadd.s32 $0xFFFFFFFF  }
0xb8: {  	_ =	strace $0x9000004B  }
0xb9: {  	_ =	sfence  }
0xba: {  	s30 =	sld [smem:$0x0];
	_ =	sdelay $0x2  }
0xbb: {  	s31 =	sshll.u32 s1, $0xD;
	s1 =	sshrl.u32 s1, $0x2  }
0xbc: {  	s3 =	sand.u32 $0x4000, s31;
	s1 =	sadd.s32 s1, s30  }
0xbd: {  	s0 =	sor.u32 s3, s0;
	s1 =	sshll.u32 s1, $0x11  }
0xbe: {  	s0 =	sor.u32 s1, s0  }
0xbf: {  	s0 =	sadd.s32 $0x8F2B, s0  }
0xc0: {  	[sflag:s0] =	ssyncadd.remote.s32 $0x1  }
0xc1: {  	_ =	sfence.sel $0xFFFF  }
0xc2: {  	[dreg:$0x0] =	wrdreg $0xFFFFFFFF;
	(pc) =	sbr.abs _section_cstart, $3  }
0xc3: {  	[dreg:$0x1] =	wrdreg $0xFFFFFFFF  }
0xc4: {  	_ =	task.clear_ibuf [dreg:s8], $0x2FFFF;
	_ =	strace $0x9FFFFFFF  }
0xc5: {  	(tm) =	ssettm $0x7FFFFFFF  }
tec
execute0_lowered:
.L_overlay_start_1:
0x0: {  	(tag) =	ssettag $0x1  }
0x1: {  	s0 =	rddreg [dreg:$0x1]  }
0x2: {  	s2 =	rddreg [dreg:$0x2]  }
0x3: {  	s3 =	rddreg [dreg:$0x3]  }
0x4: {  	s4 =	simm.s32 $0x0;
	s20 =	srdreg.scid;
	s7 =	stileid.u32  }
0x5: {  	s12 =	simm.s32 $0x8;
	s16 =	simm.s32 $0x2200;
	s17 =	simm.s32 $0x1  }
0x6: {  	s19 =	simm.s32 $0x1000;
	s28 =	simm.s32 $0x2100;
	s29 =	simm.s32 $0x2  }
0x7: {  	s30 =	simm.s32 $0x2180;
	s31 =	simm.s32 $0x3;
	[smem:$0x7FF] =	sst s4  }
0x8: {  	s1 =	sadd.s32 $0x1EC00, s0;
	s5 =	sadd.s32 $0xAC00, s0;
	s21 =	sadd.s32 $0x14C00, s0  }
0x9: {  	s9 =	sadd.s32 $0x4E2600, s0;
	s10 =	sadd.s32 $0x28C00, s0;
	s6 =	sshll.u32 s7, $0x1  }
0xa: {  	s25 =	smul.u32 $0xA000, s7;
	_ =	strace $0x8000004A;
	[dreg:$0x5] =	wrdreg s1  }
0xb: {  	p0 =	slt.u32 s7, $0xD;
	s7 =	smul.u32 $0x2800, s7;
	[dreg:$0x6] =	wrdreg s5  }
0xc: {  	[dreg:$0x7] =	wrdreg s21;
	s1 =	sand.u32 $0x1, s20;
	s12 =	simm.s32 @!p0 $0x7  }
0xd: {  	s20 =	simm.s32 $0x1800;
	s21 =	simm.s32 $0x7200;
	s22 =	ssub.s32 $0x2, s1  }
0xe: {  	s24 =	sor.u32 s1, s6;
	s1 =	smul.u32 $0x138800, s1;
	s6 =	sshrl.u32 s25, $0x2  }
0xf: {  	s25 =	simm.s32 $0x4A00;
	[dreg:$0x8] =	wrdreg s12;
	s23 =	sshrl.u32 s22, $0x1  }
0x10: {  	s5 =	smul.u32 $0x5, s24;
	s13 =	sadd.s32 s6, s3;
	s24 =	simm.s32 $0x2080  }
0x11: {  	s0 =	ssub.s32 s22, s23;
	s26 =	sadd.s32 s7, s1;
	[dreg:$0xb] =	wrdreg s13  }
0x12: {  	s22 =	simm.s32 $0x2000;
	s23 =	simm.s32 $0x9A00;
	[dreg:$0x9] =	wrdreg s5  }
0x13: {  	s0 =	smax.u32 s0, $0x1;
	[dreg:$0xc] =	wrdreg s26;
	s26 =	simm.s32 $0x50  }
0x14: {  	v0 =	vimm.f32 $0.0e+00;
	s5 =	simm.s32 $0x0;
	[dreg:$0xa] =	wrdreg s0;
	s0 =	simm.s32 $0x4  }
.LBB2_1:
0x15: {  	[dreg:$0xd] =	wrdreg s5;
	s1 =	simm.s32 $0x0;
	s5 =	simm.s32 $0x200  }
.LBB2_2:
0x16: {  	p0 =	sne.s32 s5, $0x9E00;
	[tilespmem:s1+$0x2270] =	vst v0  }
0x17: {  	[tilespmem:s1+$0x2200] =	vst v0  }
0x18: {  	[tilespmem:s1+$0x2210] =	vst v0  }
.Ltmp0:
0x19: {  	[tilespmem:s1+$0x2220] =	vst v0;
	(pc) =	sbr.rel @p0 .LBB2_2-.Ltmp0, $4  }
0x1a: {  	[tilespmem:s1+$0x2230] =	vst v0  }
0x1b: {  	[tilespmem:s1+$0x2240] =	vst v0  }
0x1c: {  	[tilespmem:s1+$0x2250] =	vst v0  }
0x1d: {  	[tilespmem:s1+$0x2260] =	vst v0;
	s1 =	sshra.s32 s5, $0x2;
	s5 =	sadd.s32 $0x200, s5  }
0x1e: {  	[tilespmem:s1+$0x2270] =	vst v0  }
0x1f: {  	[tilespmem:s1+$0x2200] =	vst v0  }
0x20: {  	[tilespmem:s1+$0x2210] =	vst v0  }
0x21: {  	[tilespmem:s1+$0x2220] =	vst v0;
	p0 =	sne.s32 s12, $0x1  }
.Ltmp1:
0x22: {  	[tilespmem:s1+$0x2230] =	vst v0;
	(pc) =	sbr.rel @!p0 .LBB2_5-.Ltmp1, $4  }
0x23: {  	[tilespmem:s1+$0x2240] =	vst v0  }
0x24: {  	[tilespmem:s1+$0x2250] =	vst v0  }
0x25: {  	[tilespmem:s1+$0x2260] =	vst v0;
	s1 =	sadd.s32 $0xFFFFFFFF, s12;
	s5 =	smov.u32 s13  }
0x26: {  	[spmem:s13] =	stream.linear.scatter [tilespmem:s16], [sflag:$0x1], $0x2800, $0x38;
	[tilespmem:$0x1FA80] =	vst v63  }
.LBB2_4:
0x27: {  	p1 =	sne.s32 s1, $0x1  }
.Ltmp2:
0x28: {  	_ = 	snop;
	(pc) =	sbr.rel @p1 .LBB2_4-.Ltmp2, $3  }
0x29: {  	_ = 	snop  }
0x2a: {  	s1 =	sadd.s32 $0xFFFFFFFF, s1;
	s5 =	sadd.s32 $0x28000, s5;
	_ =	sdelay $0x1  }
0x2b: {  	[spmem:s5] =	stream.linear.scatter [tilespmem:s16], [sflag:$0x1], $0x2800, $0x38;
	[tilespmem:$0x1FA80] =	vst v63  }
.LBB2_5:
.Ltmp3:
0x2c: {  	(pc) =	sbr.rel @!p0 .LBB2_7-.Ltmp3, $3  }
0x2d: {  	_ =	sdelay $0x1  }
0x2e: {  	_ =	swait.ge [sflag:s17], $0x2800  }
0x2f: {  	s1 =	sadd.s32 $0xFFFFFFFF, s12;
	[sflag:s17] =	ssyncset.done $0x0  }
.LBB2_6:
0x30: {  	p1 =	sne.s32 s1, $0x1;
	s1 =	sadd.s32 $0xFFFFFFFF, s1;
	[sflag:s17] =	ssyncadd.s32 $0xFFFFD800  }
.Ltmp4:
0x31: {  	(pc) =	sbr.rel @p1 .LBB2_6-.Ltmp4, $3  }
0x32: {  	_ =	sdelay $0x1  }
0x33: {  	_ =	swait.ge [sflag:s17], $0x2800  }
0x34: {  	[sflag:s17] =	ssyncset.done $0x0  }
.LBB2_7:
0x35: {  	[sflag:s17] =	ssyncadd.s32 $0xFFFFD800  }
0x36: {  	s13 =	simm.s32 $0x0;
	s15 =	simm.s32 $0x0;
	[bflag:$0x0] =	sbarrier.arrive $0xFFFF  }
.LBB2_8:
0x37: {  	s1 =	rddreg [dreg:$0x9]  }
0x38: {  	s1 =	sadd.s32 s1, s15  }
0x39: {  	s6 =	rddreg [dreg:$0x0];
	s5 =	sshll.u32 s1, $0x8  }
0x3a: {  	s8 =	rddreg [dreg:$0x5];
	s6 =	sadd.s32 s6, s5  }
0x3b: {  	[tilespmem:s13], [sflag:$0x1] =	stream.linear.gather [hbm4b:s6+s13], $0x800, $0x38;
	[tilespmem:$0x1FA80] =	vst v63  }
0x3c: {  	s7 =	simm.s32 $0x800;
	s11 =	rddreg [dreg:$0x6];
	s6 =	sadd.s32 s8, s5  }
0x3d: {  	[tilespmem:s7], [sflag:$0x1] =	stream.linear.gather [hbm4b:s6+s13], $0x800, $0x38;
	[tilespmem:$0x1FA80] =	vst v63  }
0x3e: {  	s12 =	rddreg [dreg:$0x7];
	s6 =	sadd.s32 s11, s5  }
0x3f: {  	[tilespmem:s19], [sflag:$0x1] =	stream.linear.gather [hbm4b:s6+s13], $0x800, $0x38;
	[tilespmem:$0x1FA80] =	vst v63  }
0x40: {  	s5 =	sadd.s32 s12, s5  }
0x41: {  	[tilespmem:s20], [sflag:$0x1] =	stream.linear.gather [hbm4b:s5+s13], $0x800, $0x38;
	[tilespmem:$0x1FA80] =	vst v63  }
0x42: {  	_ =	swait.ge [sflag:s17], $0x800  }
0x43: {  	[sflag:s17] =	ssyncset.done $0x0  }
0x44: {  	[sflag:s17] =	ssyncadd.s32 $0xFFFFF800  }
0x45: {  	_ =	swait.ge [sflag:s17], $0x800  }
0x46: {  	[sflag:s17] =	ssyncset.done $0x0  }
0x47: {  	[sflag:s17] =	ssyncadd.s32 $0xFFFFF800  }
0x48: {  	_ =	swait.ge [sflag:s17], $0x800  }
0x49: {  	[sflag:s17] =	ssyncset.done $0x0  }
0x4a: {  	[sflag:s17] =	ssyncadd.s32 $0xFFFFF800  }
0x4b: {  	_ =	swait.ge [sflag:s17], $0x800  }
0x4c: {  	[sflag:s17] =	ssyncset.done $0x0  }
0x4d: {  	[sflag:s17] =	ssyncadd.s32 $0xFFFFF800  }
0x4e: {  	v1 =	vld [tilespmem:$0x0]  }
0x4f: {  	v2 =	vld [tilespmem:$0x10]  }
0x50: {  	v3 =	vld [tilespmem:$0x20]  }
0x51: {  	v4 =	vld [tilespmem:$0x30]  }
0x52: {  	v5 =	vld [tilespmem:$0x40]  }
0x53: {  	[tilespmem:$0x2000] =	vst v1  }
0x54: {  	[tilespmem:$0x2010] =	vst v2  }
0x55: {  	s14 =	smul.u32 $0x7D00, s1;
	[tilespmem:$0x2020] =	vst v3  }
0x56: {  	[tilespmem:$0x2030] =	vst v4  }
0x57: {  	s5 =	sadd.s32 s9, s14;
	[tilespmem:$0x2040] =	vst v5  }
0x58: {  	[tilespmem:s21], [sflag:$0x1] =	stream.linear.gather [hbm4b:s5+s13], $0x2800, $0x38;
	[tilespmem:$0x1FA80] =	vst v63  }
0x59: {  	s14 =	simm.s32 $0x50  }
0x5a: {  	[tilespmem:s16], [sflag:$0x1] =	stream.indirect.gather [hbm4b:s2+s14], $0x80, s22, s14, $0xb8;
	[tilespmem:$0x1FA80] =	vst v63  }
0x5b: {  	v1 =	vld [tilespmem:$0x50]  }
0x5c: {  	v2 =	vld [tilespmem:$0x60]  }
0x5d: {  	v3 =	vld [tilespmem:$0x70]  }
0x5e: {  	v62 =	vld [tilespmem:$0x80]  }
0x5f: {  	v63 =	vld [tilespmem:$0x90]  }
0x60: {  	s18 =	smul.u32 $0x3E800, s1;
	[tilespmem:$0x2080] =	vst v1  }
0x61: {  	[tilespmem:$0x2090] =	vst v2  }
0x62: {  	s5 =	sshrl.u32 s18, $0x3;
	[tilespmem:$0x20A0] =	vst v3  }
0x63: {  	s5 =	sadd.s32 s9, s5;
	[tilespmem:$0x20B0] =	vst v62  }
0x64: {  	s5 =	sadd.s32 $0x500, s5;
	[tilespmem:$0x20C0] =	vst v63  }
0x65: {  	[tilespmem:s23], [sflag:$0x2] =	stream.linear.gather [hbm4b:s5+s13], $0x2800, $0x38;
	[tilespmem:$0x1FA80] =	vst v63  }
0x66: {  	s11 =	smul.u32 $0x7D0, s1;
	s1 =	simm.s32 $0x0;
	s6 =	simm.s32 $0x0  }
0x67: {  	[tilespmem:s25], [sflag:$0x2] =	stream.indirect.gather [hbm4b:s2+s14], $0x80, s24, s14, $0xb8;
	[tilespmem:$0x1FA80] =	vst v63  }
.LBB2_9:
0x68: {  	_ =	swait.ge [sflag:s17], $0x2800  }
0x69: {  	[sflag:s17] =	ssyncset.done $0x0  }
0x6a: {  	[sflag:s17] =	ssyncadd.s32 $0xFFFFD800  }
0x6b: {  	_ =	swait.ge [sflag:s17], $0x2800  }
0x6c: {  	s18 =	smul.u32 $0xA0, s1;
	[sflag:s17] =	ssyncset.done $0x0  }
0x6d: {  	[sflag:s17] =	ssyncadd.s32 $0xFFFFD800  }
0x6e: {  	v1 =	vld [tilespmem:s18+$0x800];
	_ =	sdelay $0x4  }
0x6f: {  	[tilespmem:$0x2100] =	vst v1  }
0x70: {  	v1 =	vld [tilespmem:s18+$0x810];
	_ =	sdelay $0x4  }
0x71: {  	[tilespmem:$0x2110] =	vst v1  }
0x72: {  	v1 =	vld [tilespmem:s18+$0x820];
	_ =	sdelay $0x4  }
0x73: {  	[tilespmem:$0x2120] =	vst v1  }
0x74: {  	v1 =	vld [tilespmem:s18+$0x830];
	_ =	sdelay $0x4  }
0x75: {  	[tilespmem:$0x2130] =	vst v1  }
0x76: {  	v1 =	vld [tilespmem:s18+$0x840];
	_ =	sdelay $0x4  }
0x77: {  	s5 =	simm.s32 $0x0;
	[tilespmem:$0x2140] =	vst v1  }
0x78: {  	v1 =	vld [tilespmem:s5+$0x7210]  }
0x79: {  	v2 =	vld [tilespmem:s5+$0x7220]  }
0x7a: {  	v4 =	vmov s6;
	v3 =	vld [tilespmem:s5+$0x7230]  }
0x7b: {  	v5 =	vld [tilespmem:s5+$0x7240]  }
0x7c: {  	v6 =	vld [tilespmem:s5+$0x7250]  }
0x7d: {  	v7 =	vld [tilespmem:s5+$0x7260]  }
0x7e: {  	v8 =	vld [tilespmem:s5+$0x2230]  }
0x7f: {  	v10 =	vld.idx.msk [tilespmem:v4+s19+$0x0], $0xffff  }
0x80: {  	v11 =	vld.idx.msk [tilespmem:v4+s20+$0x0], $0xffff  }
0x81: {  	v4 =	vld [tilespmem:s5+$0x2220]  }
0x82: {  	v9 =	vld [tilespmem:s5+$0x2210]  }
0x83: {  	v13 =	vld [tilespmem:s5+$0x2240]  }
0x84: {  	v12 =	vld [tilespmem:s5+$0x7270]  }
0x85: {  	v14 =	vld [tilespmem:s5+$0x2250]  }
0x86: {  	v15 =	vld [tilespmem:s5+$0x2260];
	v4 =	vmul.f32 v4, v10  }
0x87: {  	v16 =	vld [tilespmem:s5+$0x2270];
	v2 =	vmul.f32 v2, v11;
	v9 =	vmul.f32 v9, v10  }
0x88: {  	v17 =	vld [tilespmem:s5+$0x2200];
	v18 =	vmul.f32 v1, v11;
	v13 =	vmul.f32 v13, v10  }
0x89: {  	v19 =	vld [tilespmem:s5+$0x7200];
	v2 =	vadd.f32 v2, v4;
	v4 =	vmul.f32 v8, v10;
	v8 =	vmul.f32 v3, v11  }
0x8a: {  	s7 =	simm.s32 $0x80;
	v5 =	vmul.f32 v5, v11;
	v6 =	vmul.f32 v6, v11;
	v9 =	vadd.f32 v18, v9  }
0x8b: {  	v1 =	vld [tilespmem:s7+$0x7210];
	v60 =	vmul.f32 v15, v10;
	[tilespmem:s5+$0x2220] =	vst v2;
	v4 =	vadd.f32 v8, v4;
	v8 =	vmul.f32 v14, v10  }
0x8c: {  	v61 =	vmul.f32 v7, v11;
	v62 =	vmul.f32 v16, v10;
	v3 =	vld [tilespmem:s7+$0x7220];
	[tilespmem:s5+$0x2210] =	vst v9;
	v9 =	vadd.f32 v5, v13  }
0x8d: {  	s8 =	sadd.s32 $0x1, s6;
	v12 =	vmul.f32 v12, v11;
	v7 =	vmul.f32 v17, v10;
	v2 =	vld [tilespmem:s7+$0x7230];
	[tilespmem:s5+$0x2230] =	vst v4;
	v63 =	vadd.f32 v6, v8  }
0x8e: {  	v6 =	vmov s8;
	v8 =	vmul.f32 v19, v11;
	v5 =	vld [tilespmem:s7+$0x7240];
	[tilespmem:s5+$0x2240] =	vst v9;
	v9 =	vadd.f32 v61, v60  }
0x8f: {  	s12 =	simm.s32 $0x400;
	v10 =	vadd.f32 v12, v62;
	v4 =	vld [tilespmem:s7+$0x7250];
	[tilespmem:s5+$0x2250] =	vst v63  }
.LBB2_10:
0x90: {  	p1 =	sne.s32 s12, $0x9E00;
	v11 =	vld [tilespmem:s7+$0x7260];
	v7 =	vadd.f32 v8, v7;
	[tilespmem:s5+$0x2260] =	vst v9  }
0x91: {  	v8 =	vld [tilespmem:s7+$0x2230];
	[tilespmem:s5+$0x2270] =	vst v10  }
0x92: {  	v9 =	vld [tilespmem:s7+$0x2210];
	[tilespmem:s5+$0x2200] =	vst v7;
	s5 =	smov.u32 s7  }
0x93: {  	v7 =	vld.idx.msk [tilespmem:v6+s19+$0x0], $0xffff  }
0x94: {  	v10 =	vld.idx.msk [tilespmem:v6+s20+$0x0], $0xffff  }
0x95: {  	v6 =	vld [tilespmem:s5+$0x2220]  }
0x96: {  	v12 =	vld [tilespmem:s5+$0x7270]  }
0x97: {  	v13 =	vld [tilespmem:s5+$0x2240]  }
0x98: {  	v14 =	vld [tilespmem:s5+$0x2250]  }
0x99: {  	v9 =	vmul.f32 v9, v7;
	v8 =	vmul.f32 v8, v7;
	v15 =	vld [tilespmem:s5+$0x2260]  }
0x9a: {  	v3 =	vmul.f32 v3, v10;
	v6 =	vmul.f32 v6, v7;
	v16 =	vld [tilespmem:s5+$0x2270]  }
0x9b: {  	v1 =	vmul.f32 v1, v10;
	v2 =	vmul.f32 v2, v10;
	v17 =	vld [tilespmem:s5+$0x2200]  }
0x9c: {  	v5 =	vmul.f32 v5, v10;
	v18 =	vld [tilespmem:s5+$0x7200];
	v3 =	vadd.f32 v3, v6;
	v6 =	vmul.f32 v13, v7  }
0x9d: {  	s7 =	sshra.s32 s12, $0x2;
	v9 =	vadd.f32 v1, v9;
	v8 =	vadd.f32 v2, v8;
	v13 =	vmul.f32 v14, v7  }
.Ltmp5:
0x9e: {  	v4 =	vmul.f32 v4, v10;
	v1 =	vld [tilespmem:s7+$0x7210];
	[tilespmem:s5+$0x2220] =	vst v3;
	v14 =	vadd.f32 v5, v6;
	v15 =	vmul.f32 v15, v7;
	(pc) =	sbr.rel @p1 .LBB2_10-.Ltmp5, $4  }
0x9f: {  	v3 =	vld [tilespmem:s7+$0x7220];
	[tilespmem:s5+$0x2210] =	vst v9;
	v9 =	vmul.f32 v11, v10;
	v11 =	vmul.f32 v16, v7  }
0xa0: {  	s8 =	sadd.s32 $0x1, s8;
	v12 =	vmul.f32 v12, v10;
	v13 =	vadd.f32 v4, v13;
	v2 =	vld [tilespmem:s7+$0x7230];
	v7 =	vmul.f32 v17, v7;
	[tilespmem:s5+$0x2230] =	vst v8  }
0xa1: {  	v6 =	vmov s8;
	v5 =	vld [tilespmem:s7+$0x7240];
	v8 =	vmul.f32 v18, v10;
	[tilespmem:s5+$0x2240] =	vst v14;
	v9 =	vadd.f32 v9, v15  }
0xa2: {  	s12 =	sadd.s32 $0x200, s12;
	v10 =	vadd.f32 v12, v11;
	v4 =	vld [tilespmem:s7+$0x7250];
	[tilespmem:s5+$0x2250] =	vst v13  }
0xa3: {  	_ = 	snop  }
0xa4: {  	v11 =	vld [tilespmem:s7+$0x7260];
	[tilespmem:s5+$0x2260] =	vst v9;
	v7 =	vadd.f32 v8, v7  }
0xa5: {  	v9 =	vld [tilespmem:s7+$0x2230];
	[tilespmem:s5+$0x2270] =	vst v10  }
0xa6: {  	v8 =	vld [tilespmem:s7+$0x2210];
	[tilespmem:s5+$0x2200] =	vst v7  }
0xa7: {  	v7 =	vld.idx.msk [tilespmem:v6+s19+$0x0], $0xffff  }
0xa8: {  	v6 =	vld.idx.msk [tilespmem:v6+s20+$0x0], $0xffff  }
0xa9: {  	v10 =	vld [tilespmem:s7+$0x2220]  }
0xaa: {  	v12 =	vld [tilespmem:s7+$0x7270]  }
0xab: {  	v13 =	vld [tilespmem:s7+$0x2240]  }
0xac: {  	v14 =	vld [tilespmem:s7+$0x2250]  }
0xad: {  	v15 =	vld [tilespmem:s7+$0x2260]  }
0xae: {  	v16 =	vld [tilespmem:s7+$0x2270];
	v10 =	vmul.f32 v10, v7;
	v3 =	vmul.f32 v3, v6  }
0xaf: {  	v17 =	vld [tilespmem:s7+$0x2200];
	v8 =	vmul.f32 v8, v7;
	v1 =	vmul.f32 v1, v6  }
0xb0: {  	v18 =	vld [tilespmem:s7+$0x7200];
	v9 =	vmul.f32 v9, v7;
	v2 =	vmul.f32 v2, v6;
	v3 =	vadd.f32 v3, v10  }
0xb1: {  	v5 =	vmul.f32 v5, v6;
	v10 =	vmul.f32 v13, v7;
	v1 =	vadd.f32 v1, v8  }
0xb2: {  	v2 =	vadd.f32 v2, v9;
	v8 =	vmul.f32 v14, v7;
	[tilespmem:s7+$0x2220] =	vst v3;
	v3 =	vmul.f32 v4, v6  }
0xb3: {  	v4 =	vadd.f32 v5, v10;
	v5 =	vmul.f32 v15, v7;
	[tilespmem:s7+$0x2210] =	vst v1;
	v1 =	vmul.f32 v11, v6  }
0xb4: {  	v9 =	vmul.f32 v16, v7;
	[tilespmem:s7+$0x2230] =	vst v2;
	v2 =	vadd.f32 v3, v8;
	v3 =	vmul.f32 v12, v6  }
0xb5: {  	v7 =	vmul.f32 v17, v7;
	v6 =	vmul.f32 v18, v6;
	[tilespmem:s7+$0x2240] =	vst v4;
	v1 =	vadd.f32 v1, v5  }
0xb6: {  	[tilespmem:s7+$0x2250] =	vst v2;
	v2 =	vadd.f32 v3, v9  }
0xb7: {  	v3 =	vadd.f32 v6, v7;
	[tilespmem:s7+$0x2260] =	vst v1  }
0xb8: {  	[tilespmem:s7+$0x2270] =	vst v2  }
0xb9: {  	[tilespmem:s7+$0x2200] =	vst v3  }
0xba: {  	[spmem:s3] =	stream.indirect.scatter.add.f32 [tilespmem:s16], [sflag:$0x3], $0x80, s28, s26, $0xb8;
	[tilespmem:$0x1FA80] =	vst v63  }
0xbb: {  	_ =	swait.ge [sflag:s29], $0x2800  }
0xbc: {  	[sflag:s29] =	ssyncset.done $0x0  }
0xbd: {  	[sflag:s29] =	ssyncadd.s32 $0xFFFFD800  }
0xbe: {  	_ =	swait.ge [sflag:s29], $0x2800  }
0xbf: {  	[sflag:s29] =	ssyncset.done $0x0  }
0xc0: {  	[sflag:s29] =	ssyncadd.s32 $0xFFFFD800  }
0xc1: {  	v1 =	vld [tilespmem:s18+$0x850];
	_ =	sdelay $0x4  }
0xc2: {  	[tilespmem:$0x2180] =	vst v1  }
0xc3: {  	v1 =	vld [tilespmem:s18+$0x860];
	_ =	sdelay $0x4  }
0xc4: {  	[tilespmem:$0x2190] =	vst v1  }
0xc5: {  	v1 =	vld [tilespmem:s18+$0x870];
	_ =	sdelay $0x4  }
0xc6: {  	s12 =	sand.u32 $0xFE0, s18;
	[tilespmem:$0x21A0] =	vst v1  }
0xc7: {  	v1 =	vld [tilespmem:s12+$0x880];
	_ =	sdelay $0x4  }
0xc8: {  	[tilespmem:$0x21B0] =	vst v1  }
0xc9: {  	v1 =	vld [tilespmem:s18+$0x890];
	_ =	sdelay $0x4  }
0xca: {  	s5 =	simm.s32 $0x0;
	[tilespmem:$0x21C0] =	vst v1  }
0xcb: {  	v1 =	vld [tilespmem:s5+$0x9A10]  }
0xcc: {  	v2 =	vld [tilespmem:s5+$0x9A20]  }
0xcd: {  	v4 =	vmov s14;
	v3 =	vld [tilespmem:s5+$0x9A30]  }
0xce: {  	v5 =	vld [tilespmem:s5+$0x9A40]  }
0xcf: {  	v6 =	vld [tilespmem:s5+$0x9A50]  }
0xd0: {  	v7 =	vld [tilespmem:s5+$0x9A60]  }
0xd1: {  	v8 =	vld [tilespmem:s5+$0x4A30]  }
0xd2: {  	v10 =	vld.idx.msk [tilespmem:v4+s19+$0x0], $0xffff  }
0xd3: {  	v11 =	vld.idx.msk [tilespmem:v4+s20+$0x0], $0xffff  }
0xd4: {  	v4 =	vld [tilespmem:s5+$0x4A20]  }
0xd5: {  	v9 =	vld [tilespmem:s5+$0x4A10]  }
0xd6: {  	v54 =	vld [tilespmem:s5+$0x4A40]  }
0xd7: {  	v53 =	vld [tilespmem:s5+$0x9A70]  }
0xd8: {  	v55 =	vld [tilespmem:s5+$0x4A50]  }
0xd9: {  	v56 =	vld [tilespmem:s5+$0x4A60];
	v4 =	vmul.f32 v4, v10  }
0xda: {  	v57 =	vld [tilespmem:s5+$0x4A70];
	v2 =	vmul.f32 v2, v11;
	v9 =	vmul.f32 v9, v10  }
0xdb: {  	v58 =	vld [tilespmem:s5+$0x4A00];
	v59 =	vmul.f32 v1, v11;
	v13 =	vmul.f32 v54, v10  }
0xdc: {  	v19 =	vld [tilespmem:s5+$0x9A00];
	v2 =	vadd.f32 v2, v4;
	v4 =	vmul.f32 v8, v10;
	v8 =	vmul.f32 v3, v11  }
0xdd: {  	s7 =	simm.s32 $0x80;
	v5 =	vmul.f32 v5, v11;
	v6 =	vmul.f32 v6, v11;
	v9 =	vadd.f32 v59, v9  }
0xde: {  	v1 =	vld [tilespmem:s7+$0x9A10];
	v60 =	vmul.f32 v56, v10;
	[tilespmem:s5+$0x4A20] =	vst v2;
	v4 =	vadd.f32 v8, v4;
	v8 =	vmul.f32 v55, v10  }
0xdf: {  	v61 =	vmul.f32 v7, v11;
	v62 =	vmul.f32 v57, v10;
	v3 =	vld [tilespmem:s7+$0x9A20];
	[tilespmem:s5+$0x4A10] =	vst v9;
	v9 =	vadd.f32 v5, v13  }
0xe0: {  	s8 =	sadd.s32 $0x1, s14;
	v12 =	vmul.f32 v53, v11;
	v7 =	vmul.f32 v58, v10;
	v2 =	vld [tilespmem:s7+$0x9A30];
	[tilespmem:s5+$0x4A30] =	vst v4;
	v63 =	vadd.f32 v6, v8  }
0xe1: {  	v6 =	vmov s8;
	v8 =	vmul.f32 v19, v11;
	v5 =	vld [tilespmem:s7+$0x9A40];
	[tilespmem:s5+$0x4A40] =	vst v9;
	v9 =	vadd.f32 v61, v60  }
0xe2: {  	s12 =	simm.s32 $0x400;
	v10 =	vadd.f32 v12, v62;
	v4 =	vld [tilespmem:s7+$0x9A50];
	[tilespmem:s5+$0x4A50] =	vst v63  }
.LBB2_12:
0xe3: {  	p1 =	sne.s32 s12, $0x9E00;
	v11 =	vld [tilespmem:s7+$0x9A60];
	v7 =	vadd.f32 v8, v7;
	[tilespmem:s5+$0x4A60] =	vst v9  }
0xe4: {  	v8 =	vld [tilespmem:s7+$0x4A30];
	[tilespmem:s5+$0x4A70] =	vst v10  }
0xe5: {  	v9 =	vld [tilespmem:s7+$0x4A10];
	[tilespmem:s5+$0x4A00] =	vst v7;
	s5 =	smov.u32 s7  }
0xe6: {  	v7 =	vld.idx.msk [tilespmem:v6+s19+$0x0], $0xffff  }
0xe7: {  	v10 =	vld.idx.msk [tilespmem:v6+s20+$0x0], $0xffff  }
0xe8: {  	v6 =	vld [tilespmem:s5+$0x4A20]  }
0xe9: {  	v12 =	vld [tilespmem:s5+$0x9A70]  }
0xea: {  	v13 =	vld [tilespmem:s5+$0x4A40]  }
0xeb: {  	v14 =	vld [tilespmem:s5+$0x4A50]  }
0xec: {  	v9 =	vmul.f32 v9, v7;
	v8 =	vmul.f32 v8, v7;
	v15 =	vld [tilespmem:s5+$0x4A60]  }
0xed: {  	v3 =	vmul.f32 v3, v10;
	v6 =	vmul.f32 v6, v7;
	v16 =	vld [tilespmem:s5+$0x4A70]  }
0xee: {  	v1 =	vmul.f32 v1, v10;
	v2 =	vmul.f32 v2, v10;
	v17 =	vld [tilespmem:s5+$0x4A00]  }
0xef: {  	v5 =	vmul.f32 v5, v10;
	v18 =	vld [tilespmem:s5+$0x9A00];
	v3 =	vadd.f32 v3, v6;
	v6 =	vmul.f32 v13, v7  }
0xf0: {  	s7 =	sshra.s32 s12, $0x2;
	v9 =	vadd.f32 v1, v9;
	v8 =	vadd.f32 v2, v8;
	v13 =	vmul.f32 v14, v7  }
.Ltmp6:
0xf1: {  	v4 =	vmul.f32 v4, v10;
	v1 =	vld [tilespmem:s7+$0x9A10];
	[tilespmem:s5+$0x4A20] =	vst v3;
	v14 =	vadd.f32 v5, v6;
	v15 =	vmul.f32 v15, v7;
	(pc) =	sbr.rel @p1 .LBB2_12-.Ltmp6, $4  }
0xf2: {  	v3 =	vld [tilespmem:s7+$0x9A20];
	[tilespmem:s5+$0x4A10] =	vst v9;
	v9 =	vmul.f32 v11, v10;
	v11 =	vmul.f32 v16, v7  }
0xf3: {  	s8 =	sadd.s32 $0x1, s8;
	v12 =	vmul.f32 v12, v10;
	v13 =	vadd.f32 v4, v13;
	v2 =	vld [tilespmem:s7+$0x9A30];
	v7 =	vmul.f32 v17, v7;
	[tilespmem:s5+$0x4A30] =	vst v8  }
0xf4: {  	v6 =	vmov s8;
	v5 =	vld [tilespmem:s7+$0x9A40];
	v8 =	vmul.f32 v18, v10;
	[tilespmem:s5+$0x4A40] =	vst v14;
	v9 =	vadd.f32 v9, v15  }
0xf5: {  	s12 =	sadd.s32 $0x200, s12;
	v10 =	vadd.f32 v12, v11;
	v4 =	vld [tilespmem:s7+$0x9A50];
	[tilespmem:s5+$0x4A50] =	vst v13  }
0xf6: {  	_ = 	snop  }
0xf7: {  	v11 =	vld [tilespmem:s7+$0x9A60];
	[tilespmem:s5+$0x4A60] =	vst v9;
	v7 =	vadd.f32 v8, v7  }
0xf8: {  	v9 =	vld [tilespmem:s7+$0x4A30];
	[tilespmem:s5+$0x4A70] =	vst v10  }
0xf9: {  	v57 =	vld [tilespmem:s7+$0x4A10];
	[tilespmem:s5+$0x4A00] =	vst v7  }
0xfa: {  	v7 =	vld.idx.msk [tilespmem:v6+s19+$0x0], $0xffff  }
0xfb: {  	v58 =	vld.idx.msk [tilespmem:v6+s20+$0x0], $0xffff  }
0xfc: {  	v10 =	vld [tilespmem:s7+$0x4A20]  }
0xfd: {  	v12 =	vld [tilespmem:s7+$0x9A70]  }
0xfe: {  	v13 =	vld [tilespmem:s7+$0x4A40]  }
0xff: {  	v14 =	vld [tilespmem:s7+$0x4A50]  }
0x100: {  	v15 =	vld [tilespmem:s7+$0x4A60]  }
0x101: {  	v16 =	vld [tilespmem:s7+$0x4A70];
	v10 =	vmul.f32 v10, v7;
	v3 =	vmul.f32 v3, v58  }
0x102: {  	v17 =	vld [tilespmem:s7+$0x4A00];
	v8 =	vmul.f32 v57, v7;
	v1 =	vmul.f32 v1, v58  }
0x103: {  	v18 =	vld [tilespmem:s7+$0x9A00];
	v9 =	vmul.f32 v9, v7;
	v2 =	vmul.f32 v2, v58;
	v3 =	vadd.f32 v3, v10  }
0x104: {  	v59 =	vmul.f32 v13, v7;
	v5 =	vmul.f32 v5, v58;
	v1 =	vadd.f32 v1, v8  }
0x105: {  	v60 =	vmul.f32 v14, v7;
	v2 =	vadd.f32 v2, v9;
	[tilespmem:s7+$0x4A20] =	vst v3;
	v3 =	vmul.f32 v4, v58  }
0x106: {  	v62 =	vmul.f32 v15, v7;
	v61 =	vadd.f32 v5, v59;
	[tilespmem:s7+$0x4A10] =	vst v1;
	v1 =	vmul.f32 v11, v58  }
0x107: {  	v63 =	vmul.f32 v16, v7;
	[tilespmem:s7+$0x4A30] =	vst v2;
	v2 =	vadd.f32 v3, v60;
	v3 =	vmul.f32 v12, v58  }
0x108: {  	v7 =	vmul.f32 v17, v7;
	v6 =	vmul.f32 v18, v58;
	[tilespmem:s7+$0x4A40] =	vst v61;
	v1 =	vadd.f32 v1, v62  }
0x109: {  	[tilespmem:s7+$0x4A50] =	vst v2;
	v2 =	vadd.f32 v3, v63  }
0x10a: {  	v3 =	vadd.f32 v6, v7;
	[tilespmem:s7+$0x4A60] =	vst v1  }
0x10b: {  	[tilespmem:s7+$0x4A70] =	vst v2  }
0x10c: {  	[tilespmem:s7+$0x4A00] =	vst v3  }
0x10d: {  	[spmem:s3] =	stream.indirect.scatter.add.f32 [tilespmem:s25], [sflag:$0x4], $0x80, s30, s26, $0xb8;
	[tilespmem:$0x1FA80] =	vst v63  }
0x10e: {  	_ =	swait.ge [sflag:s31], $0x2800  }
0x10f: {  	[sflag:s31] =	ssyncset.done $0x0  }
0x110: {  	[sflag:s31] =	ssyncadd.s32 $0xFFFFD800  }
0x111: {  	v1 =	vld [tilespmem:s18+$0xA0];
	_ =	sdelay $0x4  }
0x112: {  	[tilespmem:$0x2000] =	vst v1  }
0x113: {  	v1 =	vld [tilespmem:s18+$0xB0];
	_ =	sdelay $0x4  }
0x114: {  	[tilespmem:$0x2010] =	vst v1  }
0x115: {  	v1 =	vld [tilespmem:s18+$0xC0];
	_ =	sdelay $0x4  }
0x116: {  	[tilespmem:$0x2020] =	vst v1  }
0x117: {  	v1 =	vld [tilespmem:s18+$0xD0];
	_ =	sdelay $0x4  }
0x118: {  	[tilespmem:$0x2030] =	vst v1  }
0x119: {  	v1 =	vld [tilespmem:s18+$0xE0];
	_ =	sdelay $0x1  }
0x11a: {  	s12 =	sadd.s32 $0xA0, s18  }
0x11b: {  	s5 =	sadd.s32 s11, s12  }
0x11c: {  	s5 =	sshll.u32 s5, $0x4  }
0x11d: {  	p1 =	seq.s32 s1, $0xB;
	s5 =	sadd.s32 s9, s5;
	[tilespmem:$0x2040] =	vst v1  }
0x11e: {  	[tilespmem:s21], [sflag:$0x1] =	stream.linear.gather [hbm4b:s5+s4], $0x2800, $0x38;
	[tilespmem:$0x1FA80] =	vst v63  }
.Ltmp7:
0x11f: {  	_ = 	snop;
	(pc) =	sbr.rel @p1 .LBB2_15-.Ltmp7, $4  }
0x120: {  	[tilespmem:s16], [sflag:$0x1] =	stream.indirect.gather [hbm4b:s2+s26], $0x80, s22, s26, $0xb8;
	[tilespmem:$0x1FA80] =	vst v63  }
0x121: {  	_ =	swait.ge [sflag:s0], $0x2800  }
0x122: {  	[sflag:s0] =	ssyncset.done $0x0  }
0x123: {  	[sflag:s0] =	ssyncadd.s32 $0xFFFFD800  }
0x124: {  	v1 =	vld [tilespmem:s18+$0xF0];
	_ =	sdelay $0x4  }
0x125: {  	[tilespmem:$0x2080] =	vst v1  }
0x126: {  	v1 =	vld [tilespmem:s18+$0x100];
	_ =	sdelay $0x4  }
0x127: {  	[tilespmem:$0x2090] =	vst v1  }
0x128: {  	v1 =	vld [tilespmem:s18+$0x110];
	_ =	sdelay $0x4  }
0x129: {  	[tilespmem:$0x20A0] =	vst v1  }
0x12a: {  	v1 =	vld [tilespmem:s18+$0x120];
	_ =	sdelay $0x4  }
0x12b: {  	[tilespmem:$0x20B0] =	vst v1  }
0x12c: {  	v1 =	vld [tilespmem:s18+$0x130];
	_ =	sdelay $0x1  }
0x12d: {  	s5 =	sadd.s32 $0xF0, s18  }
0x12e: {  	s5 =	sadd.s32 s11, s5  }
.Ltmp8:
0x12f: {  	s5 =	sshll.u32 s5, $0x4;
	(pc) =	sbr.rel .LBB2_9-.Ltmp8, $4  }
0x130: {  	s5 =	sadd.s32 s9, s5;
	[tilespmem:$0x20C0] =	vst v1  }
0x131: {  	[tilespmem:s23], [sflag:$0x2] =	stream.linear.gather [hbm4b:s5+s4], $0x2800, $0x38;
	[tilespmem:$0x1FA80] =	vst v63  }
0x132: {  	s1 =	sadd.s32 $0x1, s1;
	s6 =	sadd.s32 $0xA0, s6;
	s14 =	sadd.s32 $0xA0, s14  }
0x133: {  	[tilespmem:s25], [sflag:$0x2] =	stream.indirect.gather [hbm4b:s2+s26], $0x80, s24, s26, $0xb8;
	[tilespmem:$0x1FA80] =	vst v63  }
.LBB2_15:
0x134: {  	_ =	swait.ge [sflag:s17], $0x2800  }
0x135: {  	[sflag:s17] =	ssyncset.done $0x0  }
0x136: {  	[sflag:s17] =	ssyncadd.s32 $0xFFFFD800  }
0x137: {  	_ =	swait.ge [sflag:s17], $0x2800  }
0x138: {  	[sflag:s17] =	ssyncset.done $0x0  }
0x139: {  	[sflag:s17] =	ssyncadd.s32 $0xFFFFD800  }
0x13a: {  	v1 =	vld [tilespmem:$0xF80]  }
0x13b: {  	v2 =	vld [tilespmem:$0xF90]  }
0x13c: {  	v3 =	vld [tilespmem:$0xFA0]  }
0x13d: {  	v4 =	vld [tilespmem:$0xFB0]  }
0x13e: {  	v5 =	vld [tilespmem:$0xFC0]  }
0x13f: {  	s1 =	simm.s32 $0x780;
	[tilespmem:$0x2100] =	vst v1  }
0x140: {  	[tilespmem:$0x2110] =	vst v2;
	v1 =	vmov s1  }
0x141: {  	[tilespmem:$0x2120] =	vst v3  }
0x142: {  	[tilespmem:$0x2130] =	vst v4  }
0x143: {  	s6 =	simm.s32 $0x2240;
	[tilespmem:$0x2140] =	vst v5  }
0x144: {  	v2 =	vld [tilespmem:s6+$0xFFFFFFC0]  }
0x145: {  	v3 =	vld.idx.msk [tilespmem:v1+s19+$0x0], $0xffff  }
0x146: {  	s1 =	simm.s32 $0x7240;
	v4 =	vld.idx.msk [tilespmem:v1+s20+$0x0], $0xffff  }
0x147: {  	v1 =	vld [tilespmem:s1+$0xFFFFFFC0];
	_ =	sdelay $0x4  }
0x148: {  	v2 =	vmul.f32 v2, v3;
	v1 =	vmul.f32 v1, v4;
	_ =	sdelay $0x1  }
0x149: {  	v1 =	vadd.f32 v1, v2;
	_ =	sdelay $0x1  }
0x14a: {  	[tilespmem:s6+$0xFFFFFFC0] =	vst v1;
	v1 =	vld [tilespmem:s6+$0xFFFFFFD0]  }
0x14b: {  	v2 =	vld [tilespmem:s1+$0xFFFFFFD0];
	_ =	sdelay $0x4  }
0x14c: {  	v1 =	vmul.f32 v1, v3;
	v2 =	vmul.f32 v2, v4;
	_ =	sdelay $0x1  }
0x14d: {  	v1 =	vadd.f32 v2, v1;
	_ =	sdelay $0x1  }
0x14e: {  	[tilespmem:s6+$0xFFFFFFD0] =	vst v1;
	v1 =	vld [tilespmem:s6+$0xFFFFFFE0]  }
0x14f: {  	v2 =	vld [tilespmem:s1+$0xFFFFFFE0];
	_ =	sdelay $0x4  }
0x150: {  	v1 =	vmul.f32 v1, v3;
	v2 =	vmul.f32 v2, v4;
	_ =	sdelay $0x1  }
0x151: {  	v1 =	vadd.f32 v2, v1;
	_ =	sdelay $0x1  }
0x152: {  	[tilespmem:s6+$0xFFFFFFE0] =	vst v1;
	v1 =	vld [tilespmem:s6+$0xFFFFFFF0]  }
0x153: {  	v2 =	vld [tilespmem:s1+$0xFFFFFFF0];
	_ =	sdelay $0x4  }
0x154: {  	v1 =	vmul.f32 v1, v3;
	v2 =	vmul.f32 v2, v4;
	_ =	sdelay $0x1  }
0x155: {  	v1 =	vadd.f32 v2, v1;
	_ =	sdelay $0x1  }
0x156: {  	[tilespmem:s6+$0xFFFFFFF0] =	vst v1;
	v1 =	vld [tilespmem:s6+$0x0]  }
0x157: {  	v2 =	vld [tilespmem:s1+$0x0];
	_ =	sdelay $0x4  }
0x158: {  	v1 =	vmul.f32 v1, v3;
	v2 =	vmul.f32 v2, v4;
	_ =	sdelay $0x1  }
0x159: {  	v1 =	vadd.f32 v2, v1;
	_ =	sdelay $0x1  }
0x15a: {  	[tilespmem:s6+$0x0] =	vst v1;
	v1 =	vld [tilespmem:s6+$0x10]  }
0x15b: {  	v2 =	vld [tilespmem:s1+$0x10];
	_ =	sdelay $0x4  }
0x15c: {  	v1 =	vmul.f32 v1, v3;
	v2 =	vmul.f32 v2, v4;
	_ =	sdelay $0x1  }
0x15d: {  	v1 =	vadd.f32 v2, v1;
	_ =	sdelay $0x1  }
0x15e: {  	[tilespmem:s6+$0x10] =	vst v1;
	v1 =	vld [tilespmem:s6+$0x20]  }
0x15f: {  	v2 =	vld [tilespmem:s1+$0x20];
	_ =	sdelay $0x4  }
0x160: {  	v1 =	vmul.f32 v1, v3;
	v2 =	vmul.f32 v2, v4;
	_ =	sdelay $0x1  }
0x161: {  	v1 =	vadd.f32 v2, v1;
	_ =	sdelay $0x1  }
0x162: {  	v2 =	vld [tilespmem:s6+$0x30];
	[tilespmem:s6+$0x20] =	vst v1  }
0x163: {  	v5 =	vld [tilespmem:s1+$0x30];
	_ =	sdelay $0x3  }
0x164: {  	s5 =	simm.s32 $0x781  }
0x165: {  	s7 =	simm.s32 $0x782;
	s11 =	simm.s32 $0x2240;
	v1 =	vmov s5;
	v2 =	vmul.f32 v2, v3;
	v3 =	vmul.f32 v5, v4  }
.LBB2_16:
0x166: {  	s1 =	sadd.s32 $0x80, s1  }
0x167: {  	s6 =	sadd.s32 $0x80, s6;
	s14 =	smov.u32 s7;
	s5 =	sadd.s32 $0x1, s7;
	v2 =	vadd.f32 v3, v2  }
0x168: {  	p1 =	sne.s32 s7, $0x7CF  }
0x169: {  	v3 =	vld [tilespmem:s6+$0xFFFFFFC0];
	[tilespmem:s11+$0x30] =	vst v2;
	s11 =	smov.u32 s6  }
0x16a: {  	v2 =	vld.idx.msk [tilespmem:v1+s19+$0x0], $0xffff  }
0x16b: {  	v4 =	vld.idx.msk [tilespmem:v1+s20+$0x0], $0xffff  }
0x16c: {  	v1 =	vld [tilespmem:s1+$0xFFFFFFC0];
	_ =	sdelay $0x3  }
0x16d: {  	v3 =	vmul.f32 v3, v2  }
0x16e: {  	v1 =	vmul.f32 v1, v4;
	_ =	sdelay $0x1  }
0x16f: {  	v1 =	vadd.f32 v1, v3;
	_ =	sdelay $0x1  }
0x170: {  	[tilespmem:s6+$0xFFFFFFC0] =	vst v1;
	v1 =	vld [tilespmem:s6+$0xFFFFFFD0]  }
0x171: {  	v3 =	vld [tilespmem:s1+$0xFFFFFFD0];
	_ =	sdelay $0x3  }
0x172: {  	v1 =	vmul.f32 v1, v2  }
0x173: {  	v3 =	vmul.f32 v3, v4;
	_ =	sdelay $0x1  }
0x174: {  	v1 =	vadd.f32 v3, v1;
	_ =	sdelay $0x1  }
0x175: {  	[tilespmem:s6+$0xFFFFFFD0] =	vst v1;
	v1 =	vld [tilespmem:s6+$0xFFFFFFE0]  }
0x176: {  	v3 =	vld [tilespmem:s1+$0xFFFFFFE0];
	_ =	sdelay $0x3  }
0x177: {  	v1 =	vmul.f32 v1, v2  }
0x178: {  	v3 =	vmul.f32 v3, v4;
	_ =	sdelay $0x1  }
0x179: {  	v1 =	vadd.f32 v3, v1;
	_ =	sdelay $0x1  }
0x17a: {  	[tilespmem:s6+$0xFFFFFFE0] =	vst v1;
	v1 =	vld [tilespmem:s6+$0xFFFFFFF0]  }
0x17b: {  	v3 =	vld [tilespmem:s1+$0xFFFFFFF0];
	_ =	sdelay $0x3  }
0x17c: {  	v1 =	vmul.f32 v1, v2  }
0x17d: {  	v3 =	vmul.f32 v3, v4;
	_ =	sdelay $0x1  }
0x17e: {  	v1 =	vadd.f32 v3, v1;
	_ =	sdelay $0x1  }
0x17f: {  	[tilespmem:s6+$0xFFFFFFF0] =	vst v1;
	v1 =	vld [tilespmem:s6+$0x0]  }
0x180: {  	v3 =	vld [tilespmem:s1+$0x0];
	_ =	sdelay $0x3  }
0x181: {  	v1 =	vmul.f32 v1, v2  }
0x182: {  	v3 =	vmul.f32 v3, v4;
	_ =	sdelay $0x1  }
0x183: {  	v1 =	vadd.f32 v3, v1;
	_ =	sdelay $0x1  }
0x184: {  	[tilespmem:s6+$0x0] =	vst v1;
	v1 =	vld [tilespmem:s6+$0x10]  }
0x185: {  	v3 =	vld [tilespmem:s1+$0x10];
	_ =	sdelay $0x3  }
0x186: {  	v1 =	vmul.f32 v1, v2  }
0x187: {  	v3 =	vmul.f32 v3, v4;
	_ =	sdelay $0x1  }
0x188: {  	v1 =	vadd.f32 v3, v1;
	_ =	sdelay $0x1  }
0x189: {  	[tilespmem:s6+$0x10] =	vst v1;
	v1 =	vld [tilespmem:s6+$0x20]  }
0x18a: {  	v3 =	vld [tilespmem:s1+$0x20];
	_ =	sdelay $0x3  }
0x18b: {  	v1 =	vmul.f32 v1, v2  }
0x18c: {  	v3 =	vmul.f32 v3, v4;
	_ =	sdelay $0x1  }
0x18d: {  	v1 =	vadd.f32 v3, v1;
	_ =	sdelay $0x1  }
0x18e: {  	[tilespmem:s6+$0x20] =	vst v1;
	v3 =	vld [tilespmem:s6+$0x30]  }
0x18f: {  	v5 =	vld [tilespmem:s1+$0x30]  }
.Ltmp9:
0x190: {  	(pc) =	sbr.rel @p1 .LBB2_16-.Ltmp9, $3  }
0x191: {  	_ =	sdelay $0x1  }
0x192: {  	v1 =	vmov s14;
	v2 =	vmul.f32 v3, v2  }
0x193: {  	s7 =	smov.u32 s5;
	v3 =	vmul.f32 v5, v4  }
0x194: {  	_ = 	snop  }
0x195: {  	v2 =	vadd.f32 v3, v2  }
0x196: {  	s5 =	sadd.s32 $0x80, s6  }
0x197: {  	v3 =	vld [tilespmem:s5+$0xFFFFFFC0];
	[tilespmem:s11+$0x30] =	vst v2  }
0x198: {  	v2 =	vld.idx.msk [tilespmem:v1+s19+$0x0], $0xffff  }
0x199: {  	s1 =	sadd.s32 $0x80, s1;
	v1 =	vld.idx.msk [tilespmem:v1+s20+$0x0], $0xffff  }
0x19a: {  	v4 =	vld [tilespmem:s1+$0xFFFFFFC0];
	_ =	sdelay $0x4  }
0x19b: {  	v3 =	vmul.f32 v3, v2;
	v4 =	vmul.f32 v4, v1;
	_ =	sdelay $0x1  }
0x19c: {  	v3 =	vadd.f32 v4, v3;
	_ =	sdelay $0x1  }
0x19d: {  	[tilespmem:s5+$0xFFFFFFC0] =	vst v3;
	v3 =	vld [tilespmem:s5+$0xFFFFFFD0]  }
0x19e: {  	v57 =	vld [tilespmem:s1+$0xFFFFFFD0];
	_ =	sdelay $0x4  }
0x19f: {  	v3 =	vmul.f32 v3, v2;
	v4 =	vmul.f32 v57, v1;
	_ =	sdelay $0x1  }
0x1a0: {  	v3 =	vadd.f32 v4, v3;
	_ =	sdelay $0x1  }
0x1a1: {  	[tilespmem:s5+$0xFFFFFFD0] =	vst v3;
	v3 =	vld [tilespmem:s5+$0xFFFFFFE0]  }
0x1a2: {  	v58 =	vld [tilespmem:s1+$0xFFFFFFE0];
	_ =	sdelay $0x4  }
0x1a3: {  	v3 =	vmul.f32 v3, v2;
	v4 =	vmul.f32 v58, v1;
	_ =	sdelay $0x1  }
0x1a4: {  	v3 =	vadd.f32 v4, v3;
	_ =	sdelay $0x1  }
0x1a5: {  	[tilespmem:s5+$0xFFFFFFE0] =	vst v3;
	v3 =	vld [tilespmem:s5+$0xFFFFFFF0]  }
0x1a6: {  	v59 =	vld [tilespmem:s1+$0xFFFFFFF0];
	_ =	sdelay $0x4  }
0x1a7: {  	v3 =	vmul.f32 v3, v2;
	v4 =	vmul.f32 v59, v1;
	_ =	sdelay $0x1  }
0x1a8: {  	v3 =	vadd.f32 v4, v3;
	_ =	sdelay $0x1  }
0x1a9: {  	[tilespmem:s5+$0xFFFFFFF0] =	vst v3;
	v3 =	vld [tilespmem:s5+$0x0]  }
0x1aa: {  	v60 =	vld [tilespmem:s1+$0x0];
	_ =	sdelay $0x4  }
0x1ab: {  	v3 =	vmul.f32 v3, v2;
	v4 =	vmul.f32 v60, v1;
	_ =	sdelay $0x1  }
0x1ac: {  	v3 =	vadd.f32 v4, v3;
	_ =	sdelay $0x1  }
0x1ad: {  	[tilespmem:s5+$0x0] =	vst v3;
	v3 =	vld [tilespmem:s5+$0x10]  }
0x1ae: {  	v61 =	vld [tilespmem:s1+$0x10];
	_ =	sdelay $0x4  }
0x1af: {  	v3 =	vmul.f32 v3, v2;
	v4 =	vmul.f32 v61, v1;
	_ =	sdelay $0x1  }
0x1b0: {  	v3 =	vadd.f32 v4, v3;
	_ =	sdelay $0x1  }
0x1b1: {  	[tilespmem:s5+$0x10] =	vst v3;
	v3 =	vld [tilespmem:s5+$0x20]  }
0x1b2: {  	v62 =	vld [tilespmem:s1+$0x20];
	_ =	sdelay $0x4  }
0x1b3: {  	v3 =	vmul.f32 v3, v2;
	v4 =	vmul.f32 v62, v1;
	_ =	sdelay $0x1  }
0x1b4: {  	v3 =	vadd.f32 v4, v3;
	_ =	sdelay $0x1  }
0x1b5: {  	[tilespmem:s5+$0x20] =	vst v3;
	v3 =	vld [tilespmem:s5+$0x30]  }
0x1b6: {  	v63 =	vld [tilespmem:s1+$0x30];
	_ =	sdelay $0x4  }
0x1b7: {  	v2 =	vmul.f32 v3, v2;
	v1 =	vmul.f32 v63, v1;
	_ =	sdelay $0x1  }
0x1b8: {  	s15 =	sadd.s32 $0x1, s15;
	v1 =	vadd.f32 v1, v2  }
0x1b9: {  	p1 =	sne.s32 s15, $0x5  }
.Ltmp10:
0x1ba: {  	[tilespmem:s5+$0x30] =	vst v1;
	(pc) =	sbr.rel @p1 .LBB2_8-.Ltmp10, $4  }
0x1bb: {  	[spmem:s3] =	stream.indirect.scatter.add.f32 [tilespmem:s16], [sflag:$0x3], $0x80, s28, s26, $0xb8;
	[tilespmem:$0x1FA80] =	vst v63  }
0x1bc: {  	_ =	swait.ge [sflag:s31], $0x2800  }
0x1bd: {  	[sflag:s31] =	ssyncset.done $0x0  }
0x1be: {  	[sflag:s31] =	ssyncadd.s32 $0xFFFFD800  }
0x1bf: {  	[bflag:$0x0] =	sbarrier.arrive $0xFFFF;
	s1 =	stileid.u32  }
0x1c0: {  	s1 =	sshll.u32 s1, $0x6;
	s7 =	rddreg [dreg:$0xc]  }
.Ltmp11:
0x1c1: {  	s13 =	rddreg [dreg:$0xb];
	s5 =	sshrl.u32 s7, $0x3;
	(pc) =	sbr.rel @!p0 .LBB2_20-.Ltmp11, $4  }
0x1c2: {  	s1 =	sor.u32 $0x1C01, s1;
	s6 =	sshrl.u32 s13, $0x3;
	s5 =	sadd.s32 s10, s5  }
0x1c3: {  	[hbm:s5], [sflag:s1] =	dma.local [spmem:s6], $0x500  }
0x1c4: {  	s12 =	rddreg [dreg:$0x8]  }
0x1c5: {  	s6 =	smov.u32 s7;
	s7 =	smov.u32 s13;
	s5 =	sadd.s32 $0xFFFFFFFF, s12  }
.LBB2_19:
0x1c6: {  	p1 =	sne.s32 s5, $0x1  }
.Ltmp12:
0x1c7: {  	_ = 	snop;
	(pc) =	sbr.rel @p1 .LBB2_19-.Ltmp12, $4  }
0x1c8: {  	s6 =	sadd.s32 $0x28000, s6  }
0x1c9: {  	s7 =	sadd.s32 $0x28000, s7;
	s8 =	sshrl.u32 s6, $0x3  }
0x1ca: {  	s5 =	sadd.s32 $0xFFFFFFFF, s5;
	s11 =	sshrl.u32 s7, $0x3;
	s8 =	sadd.s32 s10, s8  }
0x1cb: {  	[hbm:s8], [sflag:s1] =	dma.local [spmem:s11], $0x500  }
.LBB2_20:
.Ltmp13:
0x1cc: {  	(pc) =	sbr.rel @!p0 .LBB2_22-.Ltmp13, $3  }
0x1cd: {  	_ =	sdelay $0x1  }
0x1ce: {  	_ =	swait.ge [sflag:s17], $0x500  }
0x1cf: {  	s1 =	sadd.s32 $0xFFFFFFFF, s12;
	[sflag:s17] =	ssyncset.done $0x0  }
.LBB2_21:
0x1d0: {  	p0 =	sne.s32 s1, $0x1;
	s1 =	sadd.s32 $0xFFFFFFFF, s1;
	[sflag:s17] =	ssyncadd.s32 $0xFFFFFB00  }
.Ltmp14:
0x1d1: {  	(pc) =	sbr.rel @p0 .LBB2_21-.Ltmp14, $3  }
0x1d2: {  	_ =	sdelay $0x1  }
0x1d3: {  	_ =	swait.ge [sflag:s17], $0x500  }
0x1d4: {  	[sflag:s17] =	ssyncset.done $0x0  }
.LBB2_22:
0x1d5: {  	s5 =	rddreg [dreg:$0xd]  }
0x1d6: {  	s1 =	rddreg [dreg:$0xa];
	s5 =	sadd.s32 $0x1, s5  }
0x1d7: {  	p0 =	sne.s32 s5, s1  }
.Ltmp15:
0x1d8: {  	_ = 	snop;
	(pc) =	sbr.rel @p0 .LBB2_1-.Ltmp15, $2  }
0x1d9: {  	_ =	sdelay $0x2  }
0x1da: {  	[sflag:s17] =	ssyncadd.s32 $0xFFFFFB00  }
0x1db: {  	_ =	sfence.sel $0x180000  }
0x1dc: {  	[bflag:$0x0] =	sbarrier.arrive $0xFFFF  }
0x1dd: {  	_ =	strace $0x9000004A  }
0x1de: {  	s0 =	stileid.u32;
	[bflag:$0x2] =	sbarrier.arrive $0xFFFF  }
0x1df: {  	p0 =	sne.s32 s0, $0x0;
	s0 =	rddreg [dreg:$0x4]  }
0x1e0: {  	s0 =	sadd.s32 @!p0 $0x100000, s0  }
0x1e1: {  	[sflag:s0] =	ssyncadd.tile.s32 @!p0 $0x1;
	_ =	shalt  }
.Lfunc_end2:
_tile_overlayer_lowered:
.L_overlay_start_2:
0x1e2: {  	(tag) =	ssettag $0x2  }
0x1e3: {  	s0 =	rddreg [dreg:$0x0];
	s2 =	stileid.u32  }
0x1e4: {  	s1 =	rddreg [dreg:$0x1];
	p0 =	sne.s32 s2, $0x0  }
0x1e5: {  	s3 =	rddreg [dreg:$0x2];
	[bflag:$0x3] =	sbarrier.arrive $0xFFFF;
	s2 =	simm.s32 @!p0 $0x1C05  }
0x1e6: {  	[timem:s3], [sflag:s2] =	dma.local @!p0 [hbm:s0], s1  }
0x1e7: {  	s0 =	simm.s32 @!p0 $0x5  }
0x1e8: {  	_ =	swait.ge @!p0 [sflag:s0], s1  }
0x1e9: {  	s1 =	ssub.s32 @!p0 $0x0, s1;
	[sflag:s0] =	ssyncset.done @!p0 $0x0  }
0x1ea: {  	[sflag:s0] =	ssyncadd.s32 @!p0 s1  }
0x1eb: {  	[bflag:$0x3] =	sbarrier.arrive $0xFFFF  }
0x1ec: {  	_ =	shalt  }

</sc_bundles>
